<compile_context>
chip_gen: v7x
topology: tpu7x:2x2x1
jax: 0.10.2.dev20260603
libtpu: 0.0.44.dev20260713+nightly
codegen_flags: <defaults>
</compile_context>

<pallas_src>
import functools

import jax
import jax.numpy as jnp
from jax import lax
from jax.experimental import pallas as pl
from jax.experimental.pallas import tpu as pltpu
from jax.experimental.pallas import tpu_sc as plsc

N_NODES = 10000
D_FEAT = 256
HALF = 128
N_EDGES = 160000
N_TILES = 16
BLK = 80
E_PAD = 163840
E_PER_TILE = E_PAD // N_TILES
N_BLOCKS = E_PER_TILE // BLK
CH_BLKS = 16
N_CH = N_BLOCKS // CH_BLKS
PAIRS = CH_BLKS // 2
ROWS_PER_TILE = 640
LANES = 16


def _sc_segment_sum(nodes2, src3, dst3, ew3):
  mesh = plsc.VectorSubcoreMesh(core_axis_name="c", subcore_axis_name="s")

  @functools.partial(
      pl.kernel,
      out_type=jax.ShapeDtypeStruct((2, N_NODES, HALF), jnp.float32),
      mesh=mesh,
      scratch_types=[
          pltpu.VMEM((CH_BLKS, BLK), jnp.int32),
          pltpu.VMEM((CH_BLKS, BLK), jnp.int32),
          pltpu.VMEM((CH_BLKS, BLK), jnp.float32),
          pltpu.VMEM((BLK, HALF), jnp.float32),
          pltpu.VMEM((BLK, HALF), jnp.float32),
          pltpu.SemaphoreType.DMA,
          pltpu.SemaphoreType.DMA,
          pltpu.SemaphoreType.DMA,
          pltpu.SemaphoreType.DMA,
          pltpu.VMEM_SHARED((N_NODES, HALF), jnp.float32),
      ],
  )
  def seg_sum(nodes_hbm, src_hbm, dst_hbm, ew_hbm, out_hbm,
              src_v, dst_v, ew_v, rows0, rows1, semg0, semg1, sems0, sems1, acc):
    c = lax.axis_index("c")
    s = lax.axis_index("s")
    off = c * N_NODES
    row0 = s * ROWS_PER_TILE
    n_wb = jnp.where(s == N_TILES - 1, 5, 8)

    def zrow(i, carry):
      for j in range(HALF // LANES):
        rows0[i, pl.ds(LANES * j, LANES)] = jnp.zeros((LANES,), jnp.float32)
      return carry
    lax.fori_loop(0, BLK, zrow, 0)

    def zcp(k, carry):
      pltpu.sync_copy(rows0, acc.at[pl.ds(row0 + k * BLK, BLK)])
      return carry
    lax.fori_loop(0, n_wb, zcp, 0)

    plsc.subcore_barrier()

    def scale(buf, b):
      def grp(g, c2):
        e0 = LANES * g
        wv = ew_v[b, pl.ds(e0, LANES)]
        for lane in range(LANES):
          w = wv[lane]
          for j in range(HALF // LANES):
            sl = pl.ds(LANES * j, LANES)
            buf[e0 + lane, sl] = buf[e0 + lane, sl] * w
        return c2
      lax.fori_loop(0, BLK // LANES, grp, 0)

    def gather(b, buf, sem):
      return pltpu.make_async_copy(nodes_hbm.at[src_v.at[b]], buf, sem)

    def scatter(b, buf, sem):
      return pltpu.make_async_copy(buf, acc.at[dst_v.at[b]], sem)

    def chunk_body(ch, carry):
      chunk = s * N_CH + ch
      pltpu.sync_copy(src_hbm.at[chunk], src_v)
      pltpu.sync_copy(dst_hbm.at[chunk], dst_v)
      pltpu.sync_copy(ew_hbm.at[chunk], ew_v)

      def adj(i, c2):
        for j in range(BLK // LANES):
          sl = pl.ds(LANES * j, LANES)
          src_v[i, sl] = src_v[i, sl] + off
        return c2
      lax.fori_loop(0, CH_BLKS, adj, 0)

      gather(0, rows0, semg0).start()

      def pair(i, c2):
        b0 = 2 * i
        b1 = 2 * i + 1
        gather(b0, rows0, semg0).wait()

        @pl.when(i > 0)
        def _():
          scatter(b1 - 2, rows1, sems1).wait()
        gather(b1, rows1, semg1).start()

        scale(rows0, b0)
        pltpu.async_copy(rows0, acc.at[dst_v.at[b0]], sems0, add=True)

        gather(b1, rows1, semg1).wait()
        scale(rows1, b1)
        scatter(b0, rows0, sems0).wait()

        @pl.when(i < PAIRS - 1)
        def _():
          gather(b0 + 2, rows0, semg0).start()
        pltpu.async_copy(rows1, acc.at[dst_v.at[b1]], sems1, add=True)
        return c2
      lax.fori_loop(0, PAIRS, pair, 0)

      scatter(CH_BLKS - 1, rows1, sems1).wait()
      return carry
    lax.fori_loop(0, N_CH, chunk_body, 0)

    plsc.subcore_barrier()

    def wb(k, carry):
      rr = row0 + k * BLK
      pltpu.sync_copy(acc.at[pl.ds(rr, BLK)], rows0)
      pltpu.sync_copy(rows0, out_hbm.at[c, pl.ds(rr, BLK)])
      return carry
    lax.fori_loop(0, n_wb, wb, 0)

  return seg_sum(nodes2, src3, dst3, ew3)


ROW_BLK = 1000


def _tc_combine(agg2, skip, wn2, ws, alpha):
  def body(alpha_ref, agg_ref, skip_ref, wn_ref, ws_ref, o_ref):
    a = (jnp.dot(agg_ref[0], wn_ref[0], preferred_element_type=jnp.float32) +
         jnp.dot(agg_ref[1], wn_ref[1], preferred_element_type=jnp.float32))
    b = jnp.dot(skip_ref[...], ws_ref[...], preferred_element_type=jnp.float32)
    g = jax.nn.sigmoid(alpha_ref[...])
    o_ref[...] = jnp.maximum(b + g * (a - b), 0.0)

  return pl.pallas_call(
      body,
      grid=(N_NODES // ROW_BLK,),
      in_specs=[
          pl.BlockSpec((1, 1), lambda i: (0, 0)),
          pl.BlockSpec((2, ROW_BLK, HALF), lambda i: (0, i, 0)),
          pl.BlockSpec((ROW_BLK, D_FEAT), lambda i: (i, 0)),
          pl.BlockSpec((2, HALF, D_FEAT), lambda i: (0, 0, 0)),
          pl.BlockSpec((D_FEAT, D_FEAT), lambda i: (0, 0)),
      ],
      out_specs=pl.BlockSpec((ROW_BLK, D_FEAT), lambda i: (i, 0)),
      out_shape=jax.ShapeDtypeStruct((N_NODES, D_FEAT), jnp.float32),
  )(alpha.reshape(1, 1), agg2, skip, wn2, ws)


def kernel(edge_index, edge_weight, nodes, skip_input, kernel_nodes, kernel_skip, alpha):
  npad = E_PAD - N_EDGES
  pad_idx = jnp.arange(npad, dtype=jnp.int32) % N_NODES
  dst = jnp.concatenate([edge_index[0].astype(jnp.int32), pad_idx])
  src = jnp.concatenate([edge_index[1].astype(jnp.int32), pad_idx])
  ew = jnp.pad(edge_weight, (0, npad))
  shape3 = (N_TILES * N_CH, CH_BLKS, BLK)
  nodes2 = nodes.reshape(N_NODES, 2, HALF).transpose(1, 0, 2).reshape(2 * N_NODES, HALF)
  agg2 = _sc_segment_sum(nodes2, src.reshape(shape3), dst.reshape(shape3),
                         ew.reshape(shape3))
  wn2 = kernel_nodes.reshape(2, HALF, D_FEAT)
  return _tc_combine(agg2, skip_input, wn2, kernel_skip, alpha)

# --- scband reference (transcript-rebuilt; emitter-appended) ---
"""Pipeline reference for scband-gcnskip-layer-47605417509445 (READ-ONLY COPY).

The authoritative reference and input builder live on the scoring server;
editing this copy changes nothing except your own understanding.
"""

import jax, jax.numpy as jnp
import numpy as np

N_NODES = 10000
N_EDGES = 160000
D_FEAT = 256
UNITS = 256


def setup_inputs(seed: int = 0) -> dict:
    key = jax.random.key(seed)
    k1, k2, k3, k4, k5, k6 = jax.random.split(key, 6)
    edge_index = jax.random.randint(k1, (2, N_EDGES), 0, N_NODES, dtype=jnp.int64) if jax.config.read('jax_enable_x64') else jax.random.randint(k1, (2, N_EDGES), 0, N_NODES, dtype=jnp.int32)
    edge_weight = jax.random.uniform(k2, (N_EDGES,), dtype=jnp.float32)
    nodes = jax.random.normal(k3, (N_NODES, D_FEAT), dtype=jnp.float32)
    skip_input = jax.random.normal(k4, (N_NODES, D_FEAT), dtype=jnp.float32)
    # glorot_uniform init for kernels
    limit_n = np.sqrt(6.0 / (D_FEAT + UNITS))
    kernel_nodes = jax.random.uniform(k5, (D_FEAT, UNITS), minval=-limit_n, maxval=limit_n, dtype=jnp.float32)
    kernel_skip = jax.random.uniform(k6, (D_FEAT, UNITS), minval=-limit_n, maxval=limit_n, dtype=jnp.float32)
    alpha = jnp.full((1,), 0.5, dtype=jnp.float32)
    return {
        'edge_index': edge_index,
        'edge_weight': edge_weight,
        'nodes': nodes,
        'skip_input': skip_input,
        'kernel_nodes': kernel_nodes,
        'kernel_skip': kernel_skip,
        'alpha': alpha,
    }


def reference(edge_index, edge_weight, nodes, skip_input, kernel_nodes, kernel_skip, alpha):
    # tf.sparse.sparse_dense_matmul(adj, nodes) with adj given as COO (edge_index rows=[dst_row, src_col], values=edge_weight)
    dst = edge_index[0]
    src = edge_index[1]
    msgs = jnp.take(nodes, src, axis=0) * edge_weight[:, None]
    agg = jax.ops.segment_sum(msgs, dst, num_segments=nodes.shape[0])
    kernel_branch = agg @ kernel_nodes
    skip_branch = skip_input @ kernel_skip
    gate = jax.nn.sigmoid(alpha)
    combined = gate * kernel_branch + (1.0 - gate) * skip_branch
    return jax.nn.relu(combined)

if __name__ == "__main__":
    import jax
    _d = setup_inputs()
    print(jax.jit(kernel)(*tuple(_d.values())))

</pallas_src>

<mosaic_0001>
#map = affine_map<(d0, d1) -> (0, 0)>
#map1 = affine_map<(d0, d1) -> (0, 0, 0)>
module attributes {stable_mosaic.version = 14 : i64} {
  func.func @seg_sum(%arg0: i32, %arg1: i32, %arg2: memref<20000x128xf32, #tpu.memory_space<hbm>>, %arg3: memref<128x16x80xi32, #tpu.memory_space<hbm>>, %arg4: memref<128x16x80xi32, #tpu.memory_space<hbm>>, %arg5: memref<128x16x80xf32, #tpu.memory_space<hbm>>, %arg6: memref<2x10000x128xf32, #tpu.memory_space<hbm>>, %arg7: memref<16x80xi32, #tpu.memory_space<vmem>>, %arg8: memref<16x80xi32, #tpu.memory_space<vmem>>, %arg9: memref<16x80xf32, #tpu.memory_space<vmem>>, %arg10: memref<80x128xf32, #tpu.memory_space<vmem>>, %arg11: memref<80x128xf32, #tpu.memory_space<vmem>>, %arg12: memref<!tpu.dma_semaphore, #tpu.memory_space<semaphore_mem>>, %arg13: memref<!tpu.dma_semaphore, #tpu.memory_space<semaphore_mem>>, %arg14: memref<!tpu.dma_semaphore, #tpu.memory_space<semaphore_mem>>, %arg15: memref<!tpu.dma_semaphore, #tpu.memory_space<semaphore_mem>>, %arg16: memref<10000x128xf32, #tpu.memory_space<vmem_shared>>) attributes {dimension_semantics = [#tpu.dimension_semantics<core_parallel>, #tpu.dimension_semantics<subcore_parallel>], iteration_bounds = array<i64: 2, 16>, scalar_prefetch = 0 : i64, scratch_operands = 10 : i64, tpu.core_type = #tpu.core_type<sc_vector_subcore>, window_params = [{transform_indices = #map}, {transform_indices = #map1}, {transform_indices = #map1}, {transform_indices = #map1}, {transform_indices = #map1}]} {
    %mul3A = arith.constant 10000 : i32
    %mul3A_0 = arith.muli %arg0, %mul3A : i32
    %mul3A_1 = arith.constant 640 : i32
    %mul3A_2 = arith.muli %arg1, %mul3A_1 : i32
    %eq3A = arith.constant 15 : i32
    %eq3A_3 = arith.cmpi eq, %arg1, %eq3A : i32
    %jit3A = arith.constant 5 : i32
    %jit3A_4 = arith.constant 8 : i32
    %select_n3A = arith.select %eq3A_3, %jit3A, %jit3A_4 : i32
    %scan3A = arith.constant 0 : i32
    %scan3A_5 = arith.constant 0 : i32
    %scan3A_6 = arith.constant 80 : i32
    %scan3A_7 = arith.addi %scan3A_5, %scan3A_6 : i32
    %scan3A_8 = arith.constant 1 : i32
    scf.for %scan3A_36 = %scan3A_5 to %scan3A_7 step %scan3A_8  : i32 {
      %broadcast_in_dim3A = arith.constant 0.000000e+00 : f32
      %broadcast_in_dim3A_37 = vector.broadcast %broadcast_in_dim3A : f32 to vector<16xf32>
      %swap3A = arith.index_cast %scan3A_36 : i32 to index
      %swap3A_38 = arith.constant 0 : index
      %swap3A_39 = tpu.vector_load %arg10[%swap3A, %swap3A_38] {strides = array<i32>} : memref<80x128xf32, #tpu.memory_space<vmem>>, vector<1x16xf32>,
      %swap3A_40 = vector.shape_cast %swap3A_39 : vector<1x16xf32> to vector<16xf32>
      %swap3A_41 = vector.shape_cast %broadcast_in_dim3A_37 : vector<16xf32> to vector<1x16xf32>
      tpu.vector_store %arg10[%swap3A, %swap3A_38], %swap3A_41 {strides = array<i32>} : memref<80x128xf32, #tpu.memory_space<vmem>>, vector<1x16xf32>,
      %broadcast_in_dim3A_42 = arith.constant 0.000000e+00 : f32
      %broadcast_in_dim3A_43 = vector.broadcast %broadcast_in_dim3A_42 : f32 to vector<16xf32>
      %swap3A_44 = arith.index_cast %scan3A_36 : i32 to index
      %swap3A_45 = arith.constant 16 : index
      %swap3A_46 = tpu.vector_load %arg10[%swap3A_44, %swap3A_45] {strides = array<i32>} : memref<80x128xf32, #tpu.memory_space<vmem>>, vector<1x16xf32>,
      %swap3A_47 = vector.shape_cast %swap3A_46 : vector<1x16xf32> to vector<16xf32>
      %swap3A_48 = vector.shape_cast %broadcast_in_dim3A_43 : vector<16xf32> to vector<1x16xf32>
      tpu.vector_store %arg10[%swap3A_44, %swap3A_45], %swap3A_48 {strides = array<i32>} : memref<80x128xf32, #tpu.memory_space<vmem>>, vector<1x16xf32>,
      %broadcast_in_dim3A_49 = arith.constant 0.000000e+00 : f32
      %broadcast_in_dim3A_50 = vector.broadcast %broadcast_in_dim3A_49 : f32 to vector<16xf32>
      %swap3A_51 = arith.index_cast %scan3A_36 : i32 to index
      %swap3A_52 = arith.constant 32 : index
      %swap3A_53 = tpu.vector_load %arg10[%swap3A_51, %swap3A_52] {strides = array<i32>} : memref<80x128xf32, #tpu.memory_space<vmem>>, vector<1x16xf32>,
      %swap3A_54 = vector.shape_cast %swap3A_53 : vector<1x16xf32> to vector<16xf32>
      %swap3A_55 = vector.shape_cast %broadcast_in_dim3A_50 : vector<16xf32> to vector<1x16xf32>
      tpu.vector_store %arg10[%swap3A_51, %swap3A_52], %swap3A_55 {strides = array<i32>} : memref<80x128xf32, #tpu.memory_space<vmem>>, vector<1x16xf32>,
      %broadcast_in_dim3A_56 = arith.constant 0.000000e+00 : f32
      %broadcast_in_dim3A_57 = vector.broadcast %broadcast_in_dim3A_56 : f32 to vector<16xf32>
      %swap3A_58 = arith.index_cast %scan3A_36 : i32 to index
      %swap3A_59 = arith.constant 48 : index
      %swap3A_60 = tpu.vector_load %arg10[%swap3A_58, %swap3A_59] {strides = array<i32>} : memref<80x128xf32, #tpu.memory_space<vmem>>, vector<1x16xf32>,
      %swap3A_61 = vector.shape_cast %swap3A_60 : vector<1x16xf32> to vector<16xf32>
      %swap3A_62 = vector.shape_cast %broadcast_in_dim3A_57 : vector<16xf32> to vector<1x16xf32>
      tpu.vector_store %arg10[%swap3A_58, %swap3A_59], %swap3A_62 {strides = array<i32>} : memref<80x128xf32, #tpu.memory_space<vmem>>, vector<1x16xf32>,
      %broadcast_in_dim3A_63 = arith.constant 0.000000e+00 : f32
      %broadcast_in_dim3A_64 = vector.broadcast %broadcast_in_dim3A_63 : f32 to vector<16xf32>
      %swap3A_65 = arith.index_cast %scan3A_36 : i32 to index
      %swap3A_66 = arith.constant 64 : index
      %swap3A_67 = tpu.vector_load %arg10[%swap3A_65, %swap3A_66] {strides = array<i32>} : memref<80x128xf32, #tpu.memory_space<vmem>>, vector<1x16xf32>,
      %swap3A_68 = vector.shape_cast %swap3A_67 : vector<1x16xf32> to vector<16xf32>
      %swap3A_69 = vector.shape_cast %broadcast_in_dim3A_64 : vector<16xf32> to vector<1x16xf32>
      tpu.vector_store %arg10[%swap3A_65, %swap3A_66], %swap3A_69 {strides = array<i32>} : memref<80x128xf32, #tpu.memory_space<vmem>>, vector<1x16xf32>,
      %broadcast_in_dim3A_70 = arith.constant 0.000000e+00 : f32
      %broadcast_in_dim3A_71 = vector.broadcast %broadcast_in_dim3A_70 : f32 to vector<16xf32>
      %swap3A_72 = arith.index_cast %scan3A_36 : i32 to index
      %swap3A_73 = arith.constant 80 : index
      %swap3A_74 = tpu.vector_load %arg10[%swap3A_72, %swap3A_73] {strides = array<i32>} : memref<80x128xf32, #tpu.memory_space<vmem>>, vector<1x16xf32>,
      %swap3A_75 = vector.shape_cast %swap3A_74 : vector<1x16xf32> to vector<16xf32>
      %swap3A_76 = vector.shape_cast %broadcast_in_dim3A_71 : vector<16xf32> to vector<1x16xf32>
      tpu.vector_store %arg10[%swap3A_72, %swap3A_73], %swap3A_76 {strides = array<i32>} : memref<80x128xf32, #tpu.memory_space<vmem>>, vector<1x16xf32>,
      %broadcast_in_dim3A_77 = arith.constant 0.000000e+00 : f32
      %broadcast_in_dim3A_78 = vector.broadcast %broadcast_in_dim3A_77 : f32 to vector<16xf32>
      %swap3A_79 = arith.index_cast %scan3A_36 : i32 to index
      %swap3A_80 = arith.constant 96 : index
      %swap3A_81 = tpu.vector_load %arg10[%swap3A_79, %swap3A_80] {strides = array<i32>} : memref<80x128xf32, #tpu.memory_space<vmem>>, vector<1x16xf32>,
      %swap3A_82 = vector.shape_cast %swap3A_81 : vector<1x16xf32> to vector<16xf32>
      %swap3A_83 = vector.shape_cast %broadcast_in_dim3A_78 : vector<16xf32> to vector<1x16xf32>
      tpu.vector_store %arg10[%swap3A_79, %swap3A_80], %swap3A_83 {strides = array<i32>} : memref<80x128xf32, #tpu.memory_space<vmem>>, vector<1x16xf32>,
      %broadcast_in_dim3A_84 = arith.constant 0.000000e+00 : f32
      %broadcast_in_dim3A_85 = vector.broadcast %broadcast_in_dim3A_84 : f32 to vector<16xf32>
      %swap3A_86 = arith.index_cast %scan3A_36 : i32 to index
      %swap3A_87 = arith.constant 112 : index
      %swap3A_88 = tpu.vector_load %arg10[%swap3A_86, %swap3A_87] {strides = array<i32>} : memref<80x128xf32, #tpu.memory_space<vmem>>, vector<1x16xf32>,
      %swap3A_89 = vector.shape_cast %swap3A_88 : vector<1x16xf32> to vector<16xf32>
      %swap3A_90 = vector.shape_cast %broadcast_in_dim3A_85 : vector<16xf32> to vector<1x16xf32>
      tpu.vector_store %arg10[%swap3A_86, %swap3A_87], %swap3A_90 {strides = array<i32>} : memref<80x128xf32, #tpu.memory_space<vmem>>, vector<1x16xf32>,
    }
    %scan3A_9 = arith.constant 80 : i32
    %while3A = arith.constant 0 : i32
    %while3A_10 = arith.constant 0 : i32
    %while3A_11 = arith.subi %select_n3A, %while3A_10 : i32
    %while3A_12 = arith.addi %while3A_10, %while3A_11 : i32
    %while3A_13 = arith.constant 1 : i32
    %while3A_14 = arith.divsi %while3A_11, %while3A_13 : i32
    %while3A_15 = arith.muli %while3A_14, %while3A_13 : i32
    %while3A_16 = arith.addi %while3A_10, %while3A_15 : i32
    %while3A_17 = arith.constant 1 : i32
    scf.for %while3A_36 = %while3A_10 to %while3A_16 step %while3A_17  : i32 {
      %mul3A_37 = arith.constant 80 : i32
      %mul3A_38 = arith.muli %while3A_36, %mul3A_37 : i32
      %add3A = arith.addi %mul3A_2, %mul3A_38 : i32
      "tpu.region"() ({
        %run_scoped3A = tpu.sem_alloc : memref<!tpu.dma_semaphore, #tpu.memory_space<semaphore_mem>>
        %dma_start3A = arith.constant 0 : i32
        %dma_start3A_39 = tpu.memref_slice %arg16[%add3A, %dma_start3A] : memref<10000x128xf32, #tpu.memory_space<vmem_shared>> -> memref<80x128xf32, #tpu.memory_space<vmem_shared>>
        %dma_start3A_40 = arith.constant 0 : i32
        %dma_start3A_41 = tpu.memref_slice %arg16[%add3A, %dma_start3A_40] : memref<10000x128xf32, #tpu.memory_space<vmem_shared>> -> memref<80x128xf32, #tpu.memory_space<vmem_shared>>
        tpu.enqueue_dma source(%arg10 : memref<80x128xf32, #tpu.memory_space<vmem>>) target(%dma_start3A_41 : memref<80x128xf32, #tpu.memory_space<vmem_shared>>) target_semaphore(%run_scoped3A : memref<!tpu.dma_semaphore, #tpu.memory_space<semaphore_mem>>)
        %dma_wait3A = arith.constant 0 : i32
        %dma_wait3A_42 = tpu.memref_slice %arg16[%add3A, %dma_wait3A] : memref<10000x128xf32, #tpu.memory_space<vmem_shared>> -> memref<80x128xf32, #tpu.memory_space<vmem_shared>>
        %dma_wait3A_43 = arith.constant 0 : i32
        %dma_wait3A_44 = tpu.memref_slice %arg16[%add3A, %dma_wait3A_43] : memref<10000x128xf32, #tpu.memory_space<vmem_shared>> -> memref<80x128xf32, #tpu.memory_space<vmem_shared>>
        tpu.wait_dma2 semaphore(%run_scoped3A : memref<!tpu.dma_semaphore, #tpu.memory_space<semaphore_mem>>) src(%arg10 : memref<80x128xf32, #tpu.memory_space<vmem>>) dst(%dma_wait3A_44 : memref<80x128xf32, #tpu.memory_space<vmem_shared>>)
        tpu.yield
      }) : () -> ()
    }
    %while3A_18 = arith.constant 1 : i32
    scf.for %while3A_36 = %while3A_16 to %while3A_12 step %while3A_18  : i32 {
      %mul3A_37 = arith.constant 80 : i32
      %mul3A_38 = arith.muli %while3A_36, %mul3A_37 : i32
      %add3A = arith.addi %mul3A_2, %mul3A_38 : i32
      "tpu.region"() ({
        %run_scoped3A = tpu.sem_alloc : memref<!tpu.dma_semaphore, #tpu.memory_space<semaphore_mem>>
        %dma_start3A = arith.constant 0 : i32
        %dma_start3A_39 = tpu.memref_slice %arg16[%add3A, %dma_start3A] : memref<10000x128xf32, #tpu.memory_space<vmem_shared>> -> memref<80x128xf32, #tpu.memory_space<vmem_shared>>
        %dma_start3A_40 = arith.constant 0 : i32
        %dma_start3A_41 = tpu.memref_slice %arg16[%add3A, %dma_start3A_40] : memref<10000x128xf32, #tpu.memory_space<vmem_shared>> -> memref<80x128xf32, #tpu.memory_space<vmem_shared>>
        tpu.enqueue_dma source(%arg10 : memref<80x128xf32, #tpu.memory_space<vmem>>) target(%dma_start3A_41 : memref<80x128xf32, #tpu.memory_space<vmem_shared>>) target_semaphore(%run_scoped3A : memref<!tpu.dma_semaphore, #tpu.memory_space<semaphore_mem>>)
        %dma_wait3A = arith.constant 0 : i32
        %dma_wait3A_42 = tpu.memref_slice %arg16[%add3A, %dma_wait3A] : memref<10000x128xf32, #tpu.memory_space<vmem_shared>> -> memref<80x128xf32, #tpu.memory_space<vmem_shared>>
        %dma_wait3A_43 = arith.constant 0 : i32
        %dma_wait3A_44 = tpu.memref_slice %arg16[%add3A, %dma_wait3A_43] : memref<10000x128xf32, #tpu.memory_space<vmem_shared>> -> memref<80x128xf32, #tpu.memory_space<vmem_shared>>
        tpu.wait_dma2 semaphore(%run_scoped3A : memref<!tpu.dma_semaphore, #tpu.memory_space<semaphore_mem>>) src(%arg10 : memref<80x128xf32, #tpu.memory_space<vmem>>) dst(%dma_wait3A_44 : memref<80x128xf32, #tpu.memory_space<vmem_shared>>)
        tpu.yield
      }) : () -> ()
    }
    %barrier3A = arith.constant 0 : index
    tpu.barrier barrier_id(%barrier3A)
    %scan3A_19 = arith.constant 0 : i32
    %scan3A_20 = arith.constant 0 : i32
    %scan3A_21 = arith.constant 8 : i32
    %scan3A_22 = arith.addi %scan3A_20, %scan3A_21 : i32
    %scan3A_23 = arith.constant 1 : i32
    scf.for %scan3A_36 = %scan3A_20 to %scan3A_22 step %scan3A_23  : i32 {
      %mul3A_37 = arith.constant 8 : i32
      %mul3A_38 = arith.muli %arg1, %mul3A_37 : i32
      %add3A = arith.addi %mul3A_38, %scan3A_36 : i32
      "tpu.region"() ({
        %run_scoped3A = tpu.sem_alloc : memref<!tpu.dma_semaphore, #tpu.memory_space<semaphore_mem>>
        %dma_start3A_63 = arith.constant 0 : i32
        %dma_start3A_64 = arith.constant 0 : i32
        %dma_start3A_65 = tpu.memref_slice %arg3[%add3A, %dma_start3A_63, %dma_start3A_64] : memref<128x16x80xi32, #tpu.memory_space<hbm>> -> memref<1x16x80xi32, #tpu.memory_space<hbm>>
        %dma_start3A_66 = tpu.memref_squeeze %dma_start3A_65 : memref<1x16x80xi32, #tpu.memory_space<hbm>> -> memref<16x80xi32, #tpu.memory_space<hbm>>
        %dma_start3A_67 = arith.constant 0 : i32
        %dma_start3A_68 = arith.constant 0 : i32
        %dma_start3A_69 = tpu.memref_slice %arg3[%add3A, %dma_start3A_67, %dma_start3A_68] : memref<128x16x80xi32, #tpu.memory_space<hbm>> -> memref<1x16x80xi32, #tpu.memory_space<hbm>>
        %dma_start3A_70 = tpu.memref_squeeze %dma_start3A_69 : memref<1x16x80xi32, #tpu.memory_space<hbm>> -> memref<16x80xi32, #tpu.memory_space<hbm>>
        tpu.enqueue_dma source(%dma_start3A_70 : memref<16x80xi32, #tpu.memory_space<hbm>>) target(%arg7 : memref<16x80xi32, #tpu.memory_space<vmem>>) target_semaphore(%run_scoped3A : memref<!tpu.dma_semaphore, #tpu.memory_space<semaphore_mem>>)
        %dma_wait3A_71 = arith.constant 0 : i32
        %dma_wait3A_72 = arith.constant 0 : i32
        %dma_wait3A_73 = tpu.memref_slice %arg3[%add3A, %dma_wait3A_71, %dma_wait3A_72] : memref<128x16x80xi32, #tpu.memory_space<hbm>> -> memref<1x16x80xi32, #tpu.memory_space<hbm>>
        %dma_wait3A_74 = tpu.memref_squeeze %dma_wait3A_73 : memref<1x16x80xi32, #tpu.memory_space<hbm>> -> memref<16x80xi32, #tpu.memory_space<hbm>>
        %dma_wait3A_75 = arith.constant 0 : i32
        %dma_wait3A_76 = arith.constant 0 : i32
        %dma_wait3A_77 = tpu.memref_slice %arg3[%add3A, %dma_wait3A_75, %dma_wait3A_76] : memref<128x16x80xi32, #tpu.memory_space<hbm>> -> memref<1x16x80xi32, #tpu.memory_space<hbm>>
        %dma_wait3A_78 = tpu.memref_squeeze %dma_wait3A_77 : memref<1x16x80xi32, #tpu.memory_space<hbm>> -> memref<16x80xi32, #tpu.memory_space<hbm>>
        tpu.wait_dma2 semaphore(%run_scoped3A : memref<!tpu.dma_semaphore, #tpu.memory_space<semaphore_mem>>) src(%dma_wait3A_78 : memref<16x80xi32, #tpu.memory_space<hbm>>) dst(%arg7 : memref<16x80xi32, #tpu.memory_space<vmem>>)
        tpu.yield
      }) : () -> ()
      "tpu.region"() ({
        %run_scoped3A = tpu.sem_alloc : memref<!tpu.dma_semaphore, #tpu.memory_space<semaphore_mem>>
        %dma_start3A_63 = arith.constant 0 : i32
        %dma_start3A_64 = arith.constant 0 : i32
        %dma_start3A_65 = tpu.memref_slice %arg4[%add3A, %dma_start3A_63, %dma_start3A_64] : memref<128x16x80xi32, #tpu.memory_space<hbm>> -> memref<1x16x80xi32, #tpu.memory_space<hbm>>
        %dma_start3A_66 = tpu.memref_squeeze %dma_start3A_65 : memref<1x16x80xi32, #tpu.memory_space<hbm>> -> memref<16x80xi32, #tpu.memory_space<hbm>>
        %dma_start3A_67 = arith.constant 0 : i32
        %dma_start3A_68 = arith.constant 0 : i32
        %dma_start3A_69 = tpu.memref_slice %arg4[%add3A, %dma_start3A_67, %dma_start3A_68] : memref<128x16x80xi32, #tpu.memory_space<hbm>> -> memref<1x16x80xi32, #tpu.memory_space<hbm>>
        %dma_start3A_70 = tpu.memref_squeeze %dma_start3A_69 : memref<1x16x80xi32, #tpu.memory_space<hbm>> -> memref<16x80xi32, #tpu.memory_space<hbm>>
        tpu.enqueue_dma source(%dma_start3A_70 : memref<16x80xi32, #tpu.memory_space<hbm>>) target(%arg8 : memref<16x80xi32, #tpu.memory_space<vmem>>) target_semaphore(%run_scoped3A : memref<!tpu.dma_semaphore, #tpu.memory_space<semaphore_mem>>)
        %dma_wait3A_71 = arith.constant 0 : i32
        %dma_wait3A_72 = arith.constant 0 : i32
        %dma_wait3A_73 = tpu.memref_slice %arg4[%add3A, %dma_wait3A_71, %dma_wait3A_72] : memref<128x16x80xi32, #tpu.memory_space<hbm>> -> memref<1x16x80xi32, #tpu.memory_space<hbm>>
        %dma_wait3A_74 = tpu.memref_squeeze %dma_wait3A_73 : memref<1x16x80xi32, #tpu.memory_space<hbm>> -> memref<16x80xi32, #tpu.memory_space<hbm>>
        %dma_wait3A_75 = arith.constant 0 : i32
        %dma_wait3A_76 = arith.constant 0 : i32
        %dma_wait3A_77 = tpu.memref_slice %arg4[%add3A, %dma_wait3A_75, %dma_wait3A_76] : memref<128x16x80xi32, #tpu.memory_space<hbm>> -> memref<1x16x80xi32, #tpu.memory_space<hbm>>
        %dma_wait3A_78 = tpu.memref_squeeze %dma_wait3A_77 : memref<1x16x80xi32, #tpu.memory_space<hbm>> -> memref<16x80xi32, #tpu.memory_space<hbm>>
        tpu.wait_dma2 semaphore(%run_scoped3A : memref<!tpu.dma_semaphore, #tpu.memory_space<semaphore_mem>>) src(%dma_wait3A_78 : memref<16x80xi32, #tpu.memory_space<hbm>>) dst(%arg8 : memref<16x80xi32, #tpu.memory_space<vmem>>)
        tpu.yield
      }) : () -> ()
      "tpu.region"() ({
        %run_scoped3A = tpu.sem_alloc : memref<!tpu.dma_semaphore, #tpu.memory_space<semaphore_mem>>
        %dma_start3A_63 = arith.constant 0 : i32
        %dma_start3A_64 = arith.constant 0 : i32
        %dma_start3A_65 = tpu.memref_slice %arg5[%add3A, %dma_start3A_63, %dma_start3A_64] : memref<128x16x80xf32, #tpu.memory_space<hbm>> -> memref<1x16x80xf32, #tpu.memory_space<hbm>>
        %dma_start3A_66 = tpu.memref_squeeze %dma_start3A_65 : memref<1x16x80xf32, #tpu.memory_space<hbm>> -> memref<16x80xf32, #tpu.memory_space<hbm>>
        %dma_start3A_67 = arith.constant 0 : i32
        %dma_start3A_68 = arith.constant 0 : i32
        %dma_start3A_69 = tpu.memref_slice %arg5[%add3A, %dma_start3A_67, %dma_start3A_68] : memref<128x16x80xf32, #tpu.memory_space<hbm>> -> memref<1x16x80xf32, #tpu.memory_space<hbm>>
        %dma_start3A_70 = tpu.memref_squeeze %dma_start3A_69 : memref<1x16x80xf32, #tpu.memory_space<hbm>> -> memref<16x80xf32, #tpu.memory_space<hbm>>
        tpu.enqueue_dma source(%dma_start3A_70 : memref<16x80xf32, #tpu.memory_space<hbm>>) target(%arg9 : memref<16x80xf32, #tpu.memory_space<vmem>>) target_semaphore(%run_scoped3A : memref<!tpu.dma_semaphore, #tpu.memory_space<semaphore_mem>>)
        %dma_wait3A_71 = arith.constant 0 : i32
        %dma_wait3A_72 = arith.constant 0 : i32
        %dma_wait3A_73 = tpu.memref_slice %arg5[%add3A, %dma_wait3A_71, %dma_wait3A_72] : memref<128x16x80xf32, #tpu.memory_space<hbm>> -> memref<1x16x80xf32, #tpu.memory_space<hbm>>
        %dma_wait3A_74 = tpu.memref_squeeze %dma_wait3A_73 : memref<1x16x80xf32, #tpu.memory_space<hbm>> -> memref<16x80xf32, #tpu.memory_space<hbm>>
        %dma_wait3A_75 = arith.constant 0 : i32
        %dma_wait3A_76 = arith.constant 0 : i32
        %dma_wait3A_77 = tpu.memref_slice %arg5[%add3A, %dma_wait3A_75, %dma_wait3A_76] : memref<128x16x80xf32, #tpu.memory_space<hbm>> -> memref<1x16x80xf32, #tpu.memory_space<hbm>>
        %dma_wait3A_78 = tpu.memref_squeeze %dma_wait3A_77 : memref<1x16x80xf32, #tpu.memory_space<hbm>> -> memref<16x80xf32, #tpu.memory_space<hbm>>
        tpu.wait_dma2 semaphore(%run_scoped3A : memref<!tpu.dma_semaphore, #tpu.memory_space<semaphore_mem>>) src(%dma_wait3A_78 : memref<16x80xf32, #tpu.memory_space<hbm>>) dst(%arg9 : memref<16x80xf32, #tpu.memory_space<vmem>>)
        tpu.yield
      }) : () -> ()
      %scan3A_39 = arith.constant 0 : i32
      %scan3A_40 = arith.constant 0 : i32
      %scan3A_41 = arith.constant 16 : i32
      %scan3A_42 = arith.addi %scan3A_40, %scan3A_41 : i32
      %scan3A_43 = arith.constant 1 : i32
      scf.for %scan3A_63 = %scan3A_40 to %scan3A_42 step %scan3A_43  : i32 {
        %get3A = arith.index_cast %scan3A_63 : i32 to index
        %get3A_64 = arith.constant 0 : index
        %get3A_65 = tpu.vector_load %arg7[%get3A, %get3A_64] {strides = array<i32>} : memref<16x80xi32, #tpu.memory_space<vmem>>, vector<1x16xi32>,
        %get3A_66 = vector.shape_cast %get3A_65 : vector<1x16xi32> to vector<16xi32>
        %add3A_67 = vector.broadcast %mul3A_0 : i32 to vector<16xi32>
        %add3A_68 = arith.addi %get3A_66, %add3A_67 : vector<16xi32>
        %swap3A = arith.index_cast %scan3A_63 : i32 to index
        %swap3A_69 = arith.constant 0 : index
        %swap3A_70 = tpu.vector_load %arg7[%swap3A, %swap3A_69] {strides = array<i32>} : memref<16x80xi32, #tpu.memory_space<vmem>>, vector<1x16xi32>,
        %swap3A_71 = vector.shape_cast %swap3A_70 : vector<1x16xi32> to vector<16xi32>
        %swap3A_72 = vector.shape_cast %add3A_68 : vector<16xi32> to vector<1x16xi32>
        tpu.vector_store %arg7[%swap3A, %swap3A_69], %swap3A_72 {strides = array<i32>} : memref<16x80xi32, #tpu.memory_space<vmem>>, vector<1x16xi32>,
        %get3A_73 = arith.index_cast %scan3A_63 : i32 to index
        %get3A_74 = arith.constant 16 : index
        %get3A_75 = tpu.vector_load %arg7[%get3A_73, %get3A_74] {strides = array<i32>} : memref<16x80xi32, #tpu.memory_space<vmem>>, vector<1x16xi32>,
        %get3A_76 = vector.shape_cast %get3A_75 : vector<1x16xi32> to vector<16xi32>
        %add3A_77 = vector.broadcast %mul3A_0 : i32 to vector<16xi32>
        %add3A_78 = arith.addi %get3A_76, %add3A_77 : vector<16xi32>
        %swap3A_79 = arith.index_cast %scan3A_63 : i32 to index
        %swap3A_80 = arith.constant 16 : index
        %swap3A_81 = tpu.vector_load %arg7[%swap3A_79, %swap3A_80] {strides = array<i32>} : memref<16x80xi32, #tpu.memory_space<vmem>>, vector<1x16xi32>,
        %swap3A_82 = vector.shape_cast %swap3A_81 : vector<1x16xi32> to vector<16xi32>
        %swap3A_83 = vector.shape_cast %add3A_78 : vector<16xi32> to vector<1x16xi32>
        tpu.vector_store %arg7[%swap3A_79, %swap3A_80], %swap3A_83 {strides = array<i32>} : memref<16x80xi32, #tpu.memory_space<vmem>>, vector<1x16xi32>,
        %get3A_84 = arith.index_cast %scan3A_63 : i32 to index
        %get3A_85 = arith.constant 32 : index
        %get3A_86 = tpu.vector_load %arg7[%get3A_84, %get3A_85] {strides = array<i32>} : memref<16x80xi32, #tpu.memory_space<vmem>>, vector<1x16xi32>,
        %get3A_87 = vector.shape_cast %get3A_86 : vector<1x16xi32> to vector<16xi32>
        %add3A_88 = vector.broadcast %mul3A_0 : i32 to vector<16xi32>
        %add3A_89 = arith.addi %get3A_87, %add3A_88 : vector<16xi32>
        %swap3A_90 = arith.index_cast %scan3A_63 : i32 to index
        %swap3A_91 = arith.constant 32 : index
        %swap3A_92 = tpu.vector_load %arg7[%swap3A_90, %swap3A_91] {strides = array<i32>} : memref<16x80xi32, #tpu.memory_space<vmem>>, vector<1x16xi32>,
        %swap3A_93 = vector.shape_cast %swap3A_92 : vector<1x16xi32> to vector<16xi32>
        %swap3A_94 = vector.shape_cast %add3A_89 : vector<16xi32> to vector<1x16xi32>
        tpu.vector_store %arg7[%swap3A_90, %swap3A_91], %swap3A_94 {strides = array<i32>} : memref<16x80xi32, #tpu.memory_space<vmem>>, vector<1x16xi32>,
        %get3A_95 = arith.index_cast %scan3A_63 : i32 to index
        %get3A_96 = arith.constant 48 : index
        %get3A_97 = tpu.vector_load %arg7[%get3A_95, %get3A_96] {strides = array<i32>} : memref<16x80xi32, #tpu.memory_space<vmem>>, vector<1x16xi32>,
        %get3A_98 = vector.shape_cast %get3A_97 : vector<1x16xi32> to vector<16xi32>
        %add3A_99 = vector.broadcast %mul3A_0 : i32 to vector<16xi32>
        %add3A_100 = arith.addi %get3A_98, %add3A_99 : vector<16xi32>
        %swap3A_101 = arith.index_cast %scan3A_63 : i32 to index
        %swap3A_102 = arith.constant 48 : index
        %swap3A_103 = tpu.vector_load %arg7[%swap3A_101, %swap3A_102] {strides = array<i32>} : memref<16x80xi32, #tpu.memory_space<vmem>>, vector<1x16xi32>,
        %swap3A_104 = vector.shape_cast %swap3A_103 : vector<1x16xi32> to vector<16xi32>
        %swap3A_105 = vector.shape_cast %add3A_100 : vector<16xi32> to vector<1x16xi32>
        tpu.vector_store %arg7[%swap3A_101, %swap3A_102], %swap3A_105 {strides = array<i32>} : memref<16x80xi32, #tpu.memory_space<vmem>>, vector<1x16xi32>,
        %get3A_106 = arith.index_cast %scan3A_63 : i32 to index
        %get3A_107 = arith.constant 64 : index
        %get3A_108 = tpu.vector_load %arg7[%get3A_106, %get3A_107] {strides = array<i32>} : memref<16x80xi32, #tpu.memory_space<vmem>>, vector<1x16xi32>,
        %get3A_109 = vector.shape_cast %get3A_108 : vector<1x16xi32> to vector<16xi32>
        %add3A_110 = vector.broadcast %mul3A_0 : i32 to vector<16xi32>
        %add3A_111 = arith.addi %get3A_109, %add3A_110 : vector<16xi32>
        %swap3A_112 = arith.index_cast %scan3A_63 : i32 to index
        %swap3A_113 = arith.constant 64 : index
        %swap3A_114 = tpu.vector_load %arg7[%swap3A_112, %swap3A_113] {strides = array<i32>} : memref<16x80xi32, #tpu.memory_space<vmem>>, vector<1x16xi32>,
        %swap3A_115 = vector.shape_cast %swap3A_114 : vector<1x16xi32> to vector<16xi32>
        %swap3A_116 = vector.shape_cast %add3A_111 : vector<16xi32> to vector<1x16xi32>
        tpu.vector_store %arg7[%swap3A_112, %swap3A_113], %swap3A_116 {strides = array<i32>} : memref<16x80xi32, #tpu.memory_space<vmem>>, vector<1x16xi32>,
      }
      %scan3A_44 = arith.constant 16 : i32
      %dma_start3A = arith.constant 0 : i32
      %dma_start3A_45 = arith.constant 0 : i32
      %dma_start3A_46 = tpu.memref_slice %arg7[%dma_start3A, %dma_start3A_45] : memref<16x80xi32, #tpu.memory_space<vmem>> -> memref<1x80xi32, #tpu.memory_space<vmem>>
      %dma_start3A_47 = tpu.memref_squeeze %dma_start3A_46 : memref<1x80xi32, #tpu.memory_space<vmem>> -> memref<80xi32, #tpu.memory_space<vmem>>
      %dma_start3A_48 = arith.constant 0 : i32
      %dma_start3A_49 = arith.constant 0 : i32
      %dma_start3A_50 = tpu.memref_slice %arg2[%dma_start3A_48, %dma_start3A_49] : memref<20000x128xf32, #tpu.memory_space<hbm>> -> memref<20000x128xf32, #tpu.memory_space<hbm>>
      tpu.enqueue_indirect_dma source(%dma_start3A_50 : memref<20000x128xf32, #tpu.memory_space<hbm>>) target(%arg10 : memref<80x128xf32, #tpu.memory_space<vmem>>) offsets(%dma_start3A_47 : memref<80xi32, #tpu.memory_space<vmem>>) semaphore(%arg12 : memref<!tpu.dma_semaphore, #tpu.memory_space<semaphore_mem>>)
      %scan3A_51 = arith.constant 0 : i32
      %scan3A_52 = arith.constant 0 : i32
      %scan3A_53 = arith.constant 8 : i32
      %scan3A_54 = arith.addi %scan3A_52, %scan3A_53 : i32
      %scan3A_55 = arith.constant 1 : i32
      scf.for %scan3A_63 = %scan3A_52 to %scan3A_54 step %scan3A_55  : i32 {
        %mul3A_64 = arith.constant 2 : i32
        %mul3A_65 = arith.muli %mul3A_64, %scan3A_63 : i32
        %mul3A_66 = arith.constant 2 : i32
        %mul3A_67 = arith.muli %mul3A_66, %scan3A_63 : i32
        %add3A_68 = arith.constant 1 : i32
        %add3A_69 = arith.addi %mul3A_67, %add3A_68 : i32
        %dma_wait3A_70 = arith.constant 0 : i32
        %dma_wait3A_71 = tpu.memref_slice %arg7[%mul3A_65, %dma_wait3A_70] : memref<16x80xi32, #tpu.memory_space<vmem>> -> memref<1x80xi32, #tpu.memory_space<vmem>>
        %dma_wait3A_72 = tpu.memref_squeeze %dma_wait3A_71 : memref<1x80xi32, #tpu.memory_space<vmem>> -> memref<80xi32, #tpu.memory_space<vmem>>
        %dma_wait3A_73 = arith.constant 0 : i32
        %dma_wait3A_74 = arith.constant 0 : i32
        %dma_wait3A_75 = tpu.memref_slice %arg2[%dma_wait3A_73, %dma_wait3A_74] : memref<20000x128xf32, #tpu.memory_space<hbm>> -> memref<20000x128xf32, #tpu.memory_space<hbm>>
        tpu.wait_indirect_dma semaphore(%arg12 : memref<!tpu.dma_semaphore, #tpu.memory_space<semaphore_mem>>) src(%dma_wait3A_75 : memref<20000x128xf32, #tpu.memory_space<hbm>>) dst(%arg10 : memref<80x128xf32, #tpu.memory_space<vmem>>)
        %gt3A = arith.constant 0 : i32
        %gt3A_76 = arith.cmpi sgt, %scan3A_63, %gt3A : i32
        %convert_element_type3A = arith.extui %gt3A_76 : i1 to i32
        %cond3A = arith.constant 0 : i32
        %cond3A_77 = arith.cmpi ne, %convert_element_type3A, %cond3A : i32
        scf.if %cond3A_77 {
          %sub3A = arith.constant 2 : i32
          %sub3A_124 = arith.subi %add3A_69, %sub3A : i32
          %dma_wait3A_125 = arith.constant 0 : i32
          %dma_wait3A_126 = tpu.memref_slice %arg8[%sub3A_124, %dma_wait3A_125] : memref<16x80xi32, #tpu.memory_space<vmem>> -> memref<1x80xi32, #tpu.memory_space<vmem>>
          %dma_wait3A_127 = tpu.memref_squeeze %dma_wait3A_126 : memref<1x80xi32, #tpu.memory_space<vmem>> -> memref<80xi32, #tpu.memory_space<vmem>>
          %dma_wait3A_128 = arith.constant 0 : i32
          %dma_wait3A_129 = arith.constant 0 : i32
          %dma_wait3A_130 = tpu.memref_slice %arg16[%dma_wait3A_128, %dma_wait3A_129] : memref<10000x128xf32, #tpu.memory_space<vmem_shared>> -> memref<10000x128xf32, #tpu.memory_space<vmem_shared>>
          tpu.wait_indirect_dma semaphore(%arg15 : memref<!tpu.dma_semaphore, #tpu.memory_space<semaphore_mem>>) src(%arg11 : memref<80x128xf32, #tpu.memory_space<vmem>>) dst(%dma_wait3A_130 : memref<10000x128xf32, #tpu.memory_space<vmem_shared>>)
        } else {
        }
        %dma_start3A_78 = arith.constant 0 : i32
        %dma_start3A_79 = tpu.memref_slice %arg7[%add3A_69, %dma_start3A_78] : memref<16x80xi32, #tpu.memory_space<vmem>> -> memref<1x80xi32, #tpu.memory_space<vmem>>
        %dma_start3A_80 = tpu.memref_squeeze %dma_start3A_79 : memref<1x80xi32, #tpu.memory_space<vmem>> -> memref<80xi32, #tpu.memory_space<vmem>>
        %dma_start3A_81 = arith.constant 0 : i32
        %dma_start3A_82 = arith.constant 0 : i32
        %dma_start3A_83 = tpu.memref_slice %arg2[%dma_start3A_81, %dma_start3A_82] : memref<20000x128xf32, #tpu.memory_space<hbm>> -> memref<20000x128xf32, #tpu.memory_space<hbm>>
        tpu.enqueue_indirect_dma source(%dma_start3A_83 : memref<20000x128xf32, #tpu.memory_space<hbm>>) target(%arg11 : memref<80x128xf32, #tpu.memory_space<vmem>>) offsets(%dma_start3A_80 : memref<80xi32, #tpu.memory_space<vmem>>) semaphore(%arg13 : memref<!tpu.dma_semaphore, #tpu.memory_space<semaphore_mem>>)
        %scan3A_84 = arith.constant 0 : i32
        %scan3A_85 = arith.constant 0 : i32
        %scan3A_86 = arith.constant 5 : i32
        %scan3A_87 = arith.addi %scan3A_85, %scan3A_86 : i32
        %scan3A_88 = arith.constant 1 : i32
        scf.for %scan3A_124 = %scan3A_85 to %scan3A_87 step %scan3A_88  : i32 {
          %mul3A_125 = arith.constant 16 : i32
          %mul3A_126 = arith.muli %mul3A_125, %scan3A_124 : i32
          %get3A = arith.index_cast %mul3A_65 : i32 to index
          %get3A_127 = arith.index_cast %mul3A_126 : i32 to index
          %get3A_128 = tpu.vector_load %arg9[%get3A, %get3A_127] {strides = array<i32>} : memref<16x80xf32, #tpu.memory_space<vmem>>, vector<1x16xf32>,
          %get3A_129 = vector.shape_cast %get3A_128 : vector<1x16xf32> to vector<16xf32>
          %slice3A = vector.extract_strided_slice %get3A_129 {offsets = [0], sizes = [1], strides = [1]} : vector<16xf32> to vector<1xf32>
          %squeeze3A = vector.extract %slice3A[0] : f32 from vector<1xf32>
          %add3A_130 = arith.constant 0 : i32
          %add3A_131 = arith.addi %mul3A_126, %add3A_130 : i32
          %get3A_132 = arith.index_cast %add3A_131 : i32 to index
          %get3A_133 = arith.constant 0 : index
          %get3A_134 = tpu.vector_load %arg10[%get3A_132, %get3A_133] {strides = array<i32>} : memref<80x128xf32, #tpu.memory_space<vmem>>, vector<1x16xf32>,
          %get3A_135 = vector.shape_cast %get3A_134 : vector<1x16xf32> to vector<16xf32>
          %mul3A_136 = vector.broadcast %squeeze3A : f32 to vector<16xf32>
          %mul3A_137 = arith.mulf %get3A_135, %mul3A_136 : vector<16xf32>
          %add3A_138 = arith.constant 0 : i32
          %add3A_139 = arith.addi %mul3A_126, %add3A_138 : i32
          %swap3A = arith.index_cast %add3A_139 : i32 to index
          %swap3A_140 = arith.constant 0 : index
          %swap3A_141 = tpu.vector_load %arg10[%swap3A, %swap3A_140] {strides = array<i32>} : memref<80x128xf32, #tpu.memory_space<vmem>>, vector<1x16xf32>,
          %swap3A_142 = vector.shape_cast %swap3A_141 : vector<1x16xf32> to vector<16xf32>
          %swap3A_143 = vector.shape_cast %mul3A_137 : vector<16xf32> to vector<1x16xf32>
          tpu.vector_store %arg10[%swap3A, %swap3A_140], %swap3A_143 {strides = array<i32>} : memref<80x128xf32, #tpu.memory_space<vmem>>, vector<1x16xf32>,
          %add3A_144 = arith.constant 0 : i32
          %add3A_145 = arith.addi %mul3A_126, %add3A_144 : i32
          %get3A_146 = arith.index_cast %add3A_145 : i32 to index
          %get3A_147 = arith.constant 16 : index
          %get3A_148 = tpu.vector_load %arg10[%get3A_146, %get3A_147] {strides = array<i32>} : memref<80x128xf32, #tpu.memory_space<vmem>>, vector<1x16xf32>,
          %get3A_149 = vector.shape_cast %get3A_148 : vector<1x16xf32> to vector<16xf32>
          %mul3A_150 = vector.broadcast %squeeze3A : f32 to vector<16xf32>
          %mul3A_151 = arith.mulf %get3A_149, %mul3A_150 : vector<16xf32>
          %add3A_152 = arith.constant 0 : i32
          %add3A_153 = arith.addi %mul3A_126, %add3A_152 : i32
          %swap3A_154 = arith.index_cast %add3A_153 : i32 to index
          %swap3A_155 = arith.constant 16 : index
          %swap3A_156 = tpu.vector_load %arg10[%swap3A_154, %swap3A_155] {strides = array<i32>} : memref<80x128xf32, #tpu.memory_space<vmem>>, vector<1x16xf32>,
          %swap3A_157 = vector.shape_cast %swap3A_156 : vector<1x16xf32> to vector<16xf32>
          %swap3A_158 = vector.shape_cast %mul3A_151 : vector<16xf32> to vector<1x16xf32>
          tpu.vector_store %arg10[%swap3A_154, %swap3A_155], %swap3A_158 {strides = array<i32>} : memref<80x128xf32, #tpu.memory_space<vmem>>, vector<1x16xf32>,
          %add3A_159 = arith.constant 0 : i32
          %add3A_160 = arith.addi %mul3A_126, %add3A_159 : i32
          %get3A_161 = arith.index_cast %add3A_160 : i32 to index
          %get3A_162 = arith.constant 32 : index
          %get3A_163 = tpu.vector_load %arg10[%get3A_161, %get3A_162] {strides = array<i32>} : memref<80x128xf32, #tpu.memory_space<vmem>>, vector<1x16xf32>,
          %get3A_164 = vector.shape_cast %get3A_163 : vector<1x16xf32> to vector<16xf32>
          %mul3A_165 = vector.broadcast %squeeze3A : f32 to vector<16xf32>
          %mul3A_166 = arith.mulf %get3A_164, %mul3A_165 : vector<16xf32>
          %add3A_167 = arith.constant 0 : i32
          %add3A_168 = arith.addi %mul3A_126, %add3A_167 : i32
          %swap3A_169 = arith.index_cast %add3A_168 : i32 to index
          %swap3A_170 = arith.constant 32 : index
          %swap3A_171 = tpu.vector_load %arg10[%swap3A_169, %swap3A_170] {strides = array<i32>} : memref<80x128xf32, #tpu.memory_space<vmem>>, vector<1x16xf32>,
          %swap3A_172 = vector.shape_cast %swap3A_171 : vector<1x16xf32> to vector<16xf32>
          %swap3A_173 = vector.shape_cast %mul3A_166 : vector<16xf32> to vector<1x16xf32>
          tpu.vector_store %arg10[%swap3A_169, %swap3A_170], %swap3A_173 {strides = array<i32>} : memref<80x128xf32, #tpu.memory_space<vmem>>, vector<1x16xf32>,
          %add3A_174 = arith.constant 0 : i32
          %add3A_175 = arith.addi %mul3A_126, %add3A_174 : i32
          %get3A_176 = arith.index_cast %add3A_175 : i32 to index
          %get3A_177 = arith.constant 48 : index
          %get3A_178 = tpu.vector_load %arg10[%get3A_176, %get3A_177] {strides = array<i32>} : memref<80x128xf32, #tpu.memory_space<vmem>>, vector<1x16xf32>,
          %get3A_179 = vector.shape_cast %get3A_178 : vector<1x16xf32> to vector<16xf32>
          %mul3A_180 = vector.broadcast %squeeze3A : f32 to vector<16xf32>
          %mul3A_181 = arith.mulf %get3A_179, %mul3A_180 : vector<16xf32>
          %add3A_182 = arith.constant 0 : i32
          %add3A_183 = arith.addi %mul3A_126, %add3A_182 : i32
          %swap3A_184 = arith.index_cast %add3A_183 : i32 to index
          %swap3A_185 = arith.constant 48 : index
          %swap3A_186 = tpu.vector_load %arg10[%swap3A_184, %swap3A_185] {strides = array<i32>} : memref<80x128xf32, #tpu.memory_space<vmem>>, vector<1x16xf32>,
          %swap3A_187 = vector.shape_cast %swap3A_186 : vector<1x16xf32> to vector<16xf32>
          %swap3A_188 = vector.shape_cast %mul3A_181 : vector<16xf32> to vector<1x16xf32>
          tpu.vector_store %arg10[%swap3A_184, %swap3A_185], %swap3A_188 {strides = array<i32>} : memref<80x128xf32, #tpu.memory_space<vmem>>, vector<1x16xf32>,
          %add3A_189 = arith.constant 0 : i32
          %add3A_190 = arith.addi %mul3A_126, %add3A_189 : i32
          %get3A_191 = arith.index_cast %add3A_190 : i32 to index
          %get3A_192 = arith.constant 64 : index
          %get3A_193 = tpu.vector_load %arg10[%get3A_191, %get3A_192] {strides = array<i32>} : memref<80x128xf32, #tpu.memory_space<vmem>>, vector<1x16xf32>,
          %get3A_194 = vector.shape_cast %get3A_193 : vector<1x16xf32> to vector<16xf32>
          %mul3A_195 = vector.broadcast %squeeze3A : f32 to vector<16xf32>
          %mul3A_196 = arith.mulf %get3A_194, %mul3A_195 : vector<16xf32>
          %add3A_197 = arith.constant 0 : i32
          %add3A_198 = arith.addi %mul3A_126, %add3A_197 : i32
          %swap3A_199 = arith.index_cast %add3A_198 : i32 to index
          %swap3A_200 = arith.constant 64 : index
          %swap3A_201 = tpu.vector_load %arg10[%swap3A_199, %swap3A_200] {strides = array<i32>} : memref<80x128xf32, #tpu.memory_space<vmem>>, vector<1x16xf32>,
          %swap3A_202 = vector.shape_cast %swap3A_201 : vector<1x16xf32> to vector<16xf32>
          %swap3A_203 = vector.shape_cast %mul3A_196 : vector<16xf32> to vector<1x16xf32>
          tpu.vector_store %arg10[%swap3A_199, %swap3A_200], %swap3A_203 {strides = array<i32>} : memref<80x128xf32, #tpu.memory_space<vmem>>, vector<1x16xf32>,
          %add3A_204 = arith.constant 0 : i32
          %add3A_205 = arith.addi %mul3A_126, %add3A_204 : i32
          %get3A_206 = arith.index_cast %add3A_205 : i32 to index
          %get3A_207 = arith.constant 80 : index
          %get3A_208 = tpu.vector_load %arg10[%get3A_206, %get3A_207] {strides = array<i32>} : memref<80x128xf32, #tpu.memory_space<vmem>>, vector<1x16xf32>,
          %get3A_209 = vector.shape_cast %get3A_208 : vector<1x16xf32> to vector<16xf32>
          %mul3A_210 = vector.broadcast %squeeze3A : f32 to vector<16xf32>
          %mul3A_211 = arith.mulf %get3A_209, %mul3A_210 : vector<16xf32>
          %add3A_212 = arith.constant 0 : i32
          %add3A_213 = arith.addi %mul3A_126, %add3A_212 : i32
          %swap3A_214 = arith.index_cast %add3A_213 : i32 to index
          %swap3A_215 = arith.constant 80 : index
          %swap3A_216 = tpu.vector_load %arg10[%swap3A_214, %swap3A_215] {strides = array<i32>} : memref<80x128xf32, #tpu.memory_space<vmem>>, vector<1x16xf32>,
          %swap3A_217 = vector.shape_cast %swap3A_216 : vector<1x16xf32> to vector<16xf32>
          %swap3A_218 = vector.shape_cast %mul3A_211 : vector<16xf32> to vector<1x16xf32>
          tpu.vector_store %arg10[%swap3A_214, %swap3A_215], %swap3A_218 {strides = array<i32>} : memref<80x128xf32, #tpu.memory_space<vmem>>, vector<1x16xf32>,
          %add3A_219 = arith.constant 0 : i32
          %add3A_220 = arith.addi %mul3A_126, %add3A_219 : i32
          %get3A_221 = arith.index_cast %add3A_220 : i32 to index
          %get3A_222 = arith.constant 96 : index
          %get3A_223 = tpu.vector_load %arg10[%get3A_221, %get3A_222] {strides = array<i32>} : memref<80x128xf32, #tpu.memory_space<vmem>>, vector<1x16xf32>,
          %get3A_224 = vector.shape_cast %get3A_223 : vector<1x16xf32> to vector<16xf32>
          %mul3A_225 = vector.broadcast %squeeze3A : f32 to vector<16xf32>
          %mul3A_226 = arith.mulf %get3A_224, %mul3A_225 : vector<16xf32>
          %add3A_227 = arith.constant 0 : i32
          %add3A_228 = arith.addi %mul3A_126, %add3A_227 : i32
          %swap3A_229 = arith.index_cast %add3A_228 : i32 to index
          %swap3A_230 = arith.constant 96 : index
          %swap3A_231 = tpu.vector_load %arg10[%swap3A_229, %swap3A_230] {strides = array<i32>} : memref<80x128xf32, #tpu.memory_space<vmem>>, vector<1x16xf32>,
          %swap3A_232 = vector.shape_cast %swap3A_231 : vector<1x16xf32> to vector<16xf32>
          %swap3A_233 = vector.shape_cast %mul3A_226 : vector<16xf32> to vector<1x16xf32>
          tpu.vector_store %arg10[%swap3A_229, %swap3A_230], %swap3A_233 {strides = array<i32>} : memref<80x128xf32, #tpu.memory_space<vmem>>, vector<1x16xf32>,
          %add3A_234 = arith.constant 0 : i32
          %add3A_235 = arith.addi %mul3A_126, %add3A_234 : i32
          %get3A_236 = arith.index_cast %add3A_235 : i32 to index
          %get3A_237 = arith.constant 112 : index
          %get3A_238 = tpu.vector_load %arg10[%get3A_236, %get3A_237] {strides = array<i32>} : memref<80x128xf32, #tpu.memory_space<vmem>>, vector<1x16xf32>,
          %get3A_239 = vector.shape_cast %get3A_238 : vector<1x16xf32> to vector<16xf32>
          %mul3A_240 = vector.broadcast %squeeze3A : f32 to vector<16xf32>
          %mul3A_241 = arith.mulf %get3A_239, %mul3A_240 : vector<16xf32>
          %add3A_242 = arith.constant 0 : i32
          %add3A_243 = arith.addi %mul3A_126, %add3A_242 : i32
          %swap3A_244 = arith.index_cast %add3A_243 : i32 to index
          %swap3A_245 = arith.constant 112 : index
          %swap3A_246 = tpu.vector_load %arg10[%swap3A_244, %swap3A_245] {strides = array<i32>} : memref<80x128xf32, #tpu.memory_space<vmem>>, vector<1x16xf32>,
          %swap3A_247 = vector.shape_cast %swap3A_246 : vector<1x16xf32> to vector<16xf32>
          %swap3A_248 = vector.shape_cast %mul3A_241 : vector<16xf32> to vector<1x16xf32>
          tpu.vector_store %arg10[%swap3A_244, %swap3A_245], %swap3A_248 {strides = array<i32>} : memref<80x128xf32, #tpu.memory_space<vmem>>, vector<1x16xf32>,
          %slice3A_249 = vector.extract_strided_slice %get3A_129 {offsets = [1], sizes = [1], strides = [1]} : vector<16xf32> to vector<1xf32>
          %squeeze3A_250 = vector.extract %slice3A_249[0] : f32 from vector<1xf32>
          %add3A_251 = arith.constant 1 : i32
          %add3A_252 = arith.addi %mul3A_126, %add3A_251 : i32
          %get3A_253 = arith.index_cast %add3A_252 : i32 to index
          %get3A_254 = arith.constant 0 : index
          %get3A_255 = tpu.vector_load %arg10[%get3A_253, %get3A_254] {strides = array<i32>} : memref<80x128xf32, #tpu.memory_space<vmem>>, vector<1x16xf32>,
          %get3A_256 = vector.shape_cast %get3A_255 : vector<1x16xf32> to vector<16xf32>
          %mul3A_257 = vector.broadcast %squeeze3A_250 : f32 to vector<16xf32>
          %mul3A_258 = arith.mulf %get3A_256, %mul3A_257 : vector<16xf32>
          %add3A_259 = arith.constant 1 : i32
          %add3A_260 = arith.addi %mul3A_126, %add3A_259 : i32
          %swap3A_261 = arith.index_cast %add3A_260 : i32 to index
          %swap3A_262 = arith.constant 0 : index
          %swap3A_263 = tpu.vector_load %arg10[%swap3A_261, %swap3A_262] {strides = array<i32>} : memref<80x128xf32, #tpu.memory_space<vmem>>, vector<1x16xf32>,
          %swap3A_264 = vector.shape_cast %swap3A_263 : vector<1x16xf32> to vector<16xf32>
          %swap3A_265 = vector.shape_cast %mul3A_258 : vector<16xf32> to vector<1x16xf32>
          tpu.vector_store %arg10[%swap3A_261, %swap3A_262], %swap3A_265 {strides = array<i32>} : memref<80x128xf32, #tpu.memory_space<vmem>>, vector<1x16xf32>,
          %add3A_266 = arith.constant 1 : i32
          %add3A_267 = arith.addi %mul3A_126, %add3A_266 : i32
          %get3A_268 = arith.index_cast %add3A_267 : i32 to index
          %get3A_269 = arith.constant 16 : index
          %get3A_270 = tpu.vector_load %arg10[%get3A_268, %get3A_269] {strides = array<i32>} : memref<80x128xf32, #tpu.memory_space<vmem>>, vector<1x16xf32>,
          %get3A_271 = vector.shape_cast %get3A_270 : vector<1x16xf32> to vector<16xf32>
          %mul3A_272 = vector.broadcast %squeeze3A_250 : f32 to vector<16xf32>
          %mul3A_273 = arith.mulf %get3A_271, %mul3A_272 : vector<16xf32>
          %add3A_274 = arith.constant 1 : i32
          %add3A_275 = arith.addi %mul3A_126, %add3A_274 : i32
          %swap3A_276 = arith.index_cast %add3A_275 : i32 to index
          %swap3A_277 = arith.constant 16 : index
          %swap3A_278 = tpu.vector_load %arg10[%swap3A_276, %swap3A_277] {strides = array<i32>} : memref<80x128xf32, #tpu.memory_space<vmem>>, vector<1x16xf32>,
          %swap3A_279 = vector.shape_cast %swap3A_278 : vector<1x16xf32> to vector<16xf32>
          %swap3A_280 = vector.shape_cast %mul3A_273 : vector<16xf32> to vector<1x16xf32>
          tpu.vector_store %arg10[%swap3A_276, %swap3A_277], %swap3A_280 {strides = array<i32>} : memref<80x128xf32, #tpu.memory_space<vmem>>, vector<1x16xf32>,
          %add3A_281 = arith.constant 1 : i32
          %add3A_282 = arith.addi %mul3A_126, %add3A_281 : i32
          %get3A_283 = arith.index_cast %add3A_282 : i32 to index
          %get3A_284 = arith.constant 32 : index
          %get3A_285 = tpu.vector_load %arg10[%get3A_283, %get3A_284] {strides = array<i32>} : memref<80x128xf32, #tpu.memory_space<vmem>>, vector<1x16xf32>,
          %get3A_286 = vector.shape_cast %get3A_285 : vector<1x16xf32> to vector<16xf32>
          %mul3A_287 = vector.broadcast %squeeze3A_250 : f32 to vector<16xf32>
          %mul3A_288 = arith.mulf %get3A_286, %mul3A_287 : vector<16xf32>
          %add3A_289 = arith.constant 1 : i32
          %add3A_290 = arith.addi %mul3A_126, %add3A_289 : i32
          %swap3A_291 = arith.index_cast %add3A_290 : i32 to index
          %swap3A_292 = arith.constant 32 : index
          %swap3A_293 = tpu.vector_load %arg10[%swap3A_291, %swap3A_292] {strides = array<i32>} : memref<80x128xf32, #tpu.memory_space<vmem>>, vector<1x16xf32>,
          %swap3A_294 = vector.shape_cast %swap3A_293 : vector<1x16xf32> to vector<16xf32>
          %swap3A_295 = vector.shape_cast %mul3A_288 : vector<16xf32> to vector<1x16xf32>
          tpu.vector_store %arg10[%swap3A_291, %swap3A_292], %swap3A_295 {strides = array<i32>} : memref<80x128xf32, #tpu.memory_space<vmem>>, vector<1x16xf32>,
          %add3A_296 = arith.constant 1 : i32
          %add3A_297 = arith.addi %mul3A_126, %add3A_296 : i32
          %get3A_298 = arith.index_cast %add3A_297 : i32 to index
          %get3A_299 = arith.constant 48 : index
          %get3A_300 = tpu.vector_load %arg10[%get3A_298, %get3A_299] {strides = array<i32>} : memref<80x128xf32, #tpu.memory_space<vmem>>, vector<1x16xf32>,
          %get3A_301 = vector.shape_cast %get3A_300 : vector<1x16xf32> to vector<16xf32>
          %mul3A_302 = vector.broadcast %squeeze3A_250 : f32 to vector<16xf32>
          %mul3A_303 = arith.mulf %get3A_301, %mul3A_302 : vector<16xf32>
          %add3A_304 = arith.constant 1 : i32
          %add3A_305 = arith.addi %mul3A_126, %add3A_304 : i32
          %swap3A_306 = arith.index_cast %add3A_305 : i32 to index
          %swap3A_307 = arith.constant 48 : index
          %swap3A_308 = tpu.vector_load %arg10[%swap3A_306, %swap3A_307] {strides = array<i32>} : memref<80x128xf32, #tpu.memory_space<vmem>>, vector<1x16xf32>,
          %swap3A_309 = vector.shape_cast %swap3A_308 : vector<1x16xf32> to vector<16xf32>
          %swap3A_310 = vector.shape_cast %mul3A_303 : vector<16xf32> to vector<1x16xf32>
          tpu.vector_store %arg10[%swap3A_306, %swap3A_307], %swap3A_310 {strides = array<i32>} : memref<80x128xf32, #tpu.memory_space<vmem>>, vector<1x16xf32>,
          %add3A_311 = arith.constant 1 : i32
          %add3A_312 = arith.addi %mul3A_126, %add3A_311 : i32
          %get3A_313 = arith.index_cast %add3A_312 : i32 to index
          %get3A_314 = arith.constant 64 : index
          %get3A_315 = tpu.vector_load %arg10[%get3A_313, %get3A_314] {strides = array<i32>} : memref<80x128xf32, #tpu.memory_space<vmem>>, vector<1x16xf32>,
          %get3A_316 = vector.shape_cast %get3A_315 : vector<1x16xf32> to vector<16xf32>
          %mul3A_317 = vector.broadcast %squeeze3A_250 : f32 to vector<16xf32>
          %mul3A_318 = arith.mulf %get3A_316, %mul3A_317 : vector<16xf32>
          %add3A_319 = arith.constant 1 : i32
          %add3A_320 = arith.addi %mul3A_126, %add3A_319 : i32
          %swap3A_321 = arith.index_cast %add3A_320 : i32 to index
          %swap3A_322 = arith.constant 64 : index
          %swap3A_323 = tpu.vector_load %arg10[%swap3A_321, %swap3A_322] {strides = array<i32>} : memref<80x128xf32, #tpu.memory_space<vmem>>, vector<1x16xf32>,
          %swap3A_324 = vector.shape_cast %swap3A_323 : vector<1x16xf32> to vector<16xf32>
          %swap3A_325 = vector.shape_cast %mul3A_318 : vector<16xf32> to vector<1x16xf32>
          tpu.vector_store %arg10[%swap3A_321, %swap3A_322], %swap3A_325 {strides = array<i32>} : memref<80x128xf32, #tpu.memory_space<vmem>>, vector<1x16xf32>,
          %add3A_326 = arith.constant 1 : i32
          %add3A_327 = arith.addi %mul3A_126, %add3A_326 : i32
          %get3A_328 = arith.index_cast %add3A_327 : i32 to index
          %get3A_329 = arith.constant 80 : index
          %get3A_330 = tpu.vector_load %arg10[%get3A_328, %get3A_329] {strides = array<i32>} : memref<80x128xf32, #tpu.memory_space<vmem>>, vector<1x16xf32>,
          %get3A_331 = vector.shape_cast %get3A_330 : vector<1x16xf32> to vector<16xf32>
          %mul3A_332 = vector.broadcast %squeeze3A_250 : f32 to vector<16xf32>
          %mul3A_333 = arith.mulf %get3A_331, %mul3A_332 : vector<16xf32>
          %add3A_334 = arith.constant 1 : i32
          %add3A_335 = arith.addi %mul3A_126, %add3A_334 : i32
          %swap3A_336 = arith.index_cast %add3A_335 : i32 to index
          %swap3A_337 = arith.constant 80 : index
          %swap3A_338 = tpu.vector_load %arg10[%swap3A_336, %swap3A_337] {strides = array<i32>} : memref<80x128xf32, #tpu.memory_space<vmem>>, vector<1x16xf32>,
          %swap3A_339 = vector.shape_cast %swap3A_338 : vector<1x16xf32> to vector<16xf32>
          %swap3A_340 = vector.shape_cast %mul3A_333 : vector<16xf32> to vector<1x16xf32>
          tpu.vector_store %arg10[%swap3A_336, %swap3A_337], %swap3A_340 {strides = array<i32>} : memref<80x128xf32, #tpu.memory_space<vmem>>, vector<1x16xf32>,
          %add3A_341 = arith.constant 1 : i32
          %add3A_342 = arith.addi %mul3A_126, %add3A_341 : i32
          %get3A_343 = arith.index_cast %add3A_342 : i32 to index
          %get3A_344 = arith.constant 96 : index
          %get3A_345 = tpu.vector_load %arg10[%get3A_343, %get3A_344] {strides = array<i32>} : memref<80x128xf32, #tpu.memory_space<vmem>>, vector<1x16xf32>,
          %get3A_346 = vector.shape_cast %get3A_345 : vector<1x16xf32> to vector<16xf32>
          %mul3A_347 = vector.broadcast %squeeze3A_250 : f32 to vector<16xf32>
          %mul3A_348 = arith.mulf %get3A_346, %mul3A_347 : vector<16xf32>
          %add3A_349 = arith.constant 1 : i32
          %add3A_350 = arith.addi %mul3A_126, %add3A_349 : i32
          %swap3A_351 = arith.index_cast %add3A_350 : i32 to index
          %swap3A_352 = arith.constant 96 : index
          %swap3A_353 = tpu.vector_load %arg10[%swap3A_351, %swap3A_352] {strides = array<i32>} : memref<80x128xf32, #tpu.memory_space<vmem>>, vector<1x16xf32>,
          %swap3A_354 = vector.shape_cast %swap3A_353 : vector<1x16xf32> to vector<16xf32>
          %swap3A_355 = vector.shape_cast %mul3A_348 : vector<16xf32> to vector<1x16xf32>
          tpu.vector_store %arg10[%swap3A_351, %swap3A_352], %swap3A_355 {strides = array<i32>} : memref<80x128xf32, #tpu.memory_space<vmem>>, vector<1x16xf32>,
          %add3A_356 = arith.constant 1 : i32
          %add3A_357 = arith.addi %mul3A_126, %add3A_356 : i32
          %get3A_358 = arith.index_cast %add3A_357 : i32 to index
          %get3A_359 = arith.constant 112 : index
          %get3A_360 = tpu.vector_load %arg10[%get3A_358, %get3A_359] {strides = array<i32>} : memref<80x128xf32, #tpu.memory_space<vmem>>, vector<1x16xf32>,
          %get3A_361 = vector.shape_cast %get3A_360 : vector<1x16xf32> to vector<16xf32>
          %mul3A_362 = vector.broadcast %squeeze3A_250 : f32 to vector<16xf32>
          %mul3A_363 = arith.mulf %get3A_361, %mul3A_362 : vector<16xf32>
          %add3A_364 = arith.constant 1 : i32
          %add3A_365 = arith.addi %mul3A_126, %add3A_364 : i32
          %swap3A_366 = arith.index_cast %add3A_365 : i32 to index
          %swap3A_367 = arith.constant 112 : index
          %swap3A_368 = tpu.vector_load %arg10[%swap3A_366, %swap3A_367] {strides = array<i32>} : memref<80x128xf32, #tpu.memory_space<vmem>>, vector<1x16xf32>,
          %swap3A_369 = vector.shape_cast %swap3A_368 : vector<1x16xf32> to vector<16xf32>
          %swap3A_370 = vector.shape_cast %mul3A_363 : vector<16xf32> to vector<1x16xf32>
          tpu.vector_store %arg10[%swap3A_366, %swap3A_367], %swap3A_370 {strides = array<i32>} : memref<80x128xf32, #tpu.memory_space<vmem>>, vector<1x16xf32>,
          %slice3A_371 = vector.extract_strided_slice %get3A_129 {offsets = [2], sizes = [1], strides = [1]} : vector<16xf32> to vector<1xf32>
          %squeeze3A_372 = vector.extract %slice3A_371[0] : f32 from vector<1xf32>
          %add3A_373 = arith.constant 2 : i32
          %add3A_374 = arith.addi %mul3A_126, %add3A_373 : i32
          %get3A_375 = arith.index_cast %add3A_374 : i32 to index
          %get3A_376 = arith.constant 0 : index
          %get3A_377 = tpu.vector_load %arg10[%get3A_375, %get3A_376] {strides = array<i32>} : memref<80x128xf32, #tpu.memory_space<vmem>>, vector<1x16xf32>,
          %get3A_378 = vector.shape_cast %get3A_377 : vector<1x16xf32> to vector<16xf32>
          %mul3A_379 = vector.broadcast %squeeze3A_372 : f32 to vector<16xf32>
          %mul3A_380 = arith.mulf %get3A_378, %mul3A_379 : vector<16xf32>
          %add3A_381 = arith.constant 2 : i32
          %add3A_382 = arith.addi %mul3A_126, %add3A_381 : i32
          %swap3A_383 = arith.index_cast %add3A_382 : i32 to index
          %swap3A_384 = arith.constant 0 : index
          %swap3A_385 = tpu.vector_load %arg10[%swap3A_383, %swap3A_384] {strides = array<i32>} : memref<80x128xf32, #tpu.memory_space<vmem>>, vector<1x16xf32>,
          %swap3A_386 = vector.shape_cast %swap3A_385 : vector<1x16xf32> to vector<16xf32>
          %swap3A_387 = vector.shape_cast %mul3A_380 : vector<16xf32> to vector<1x16xf32>
          tpu.vector_store %arg10[%swap3A_383, %swap3A_384], %swap3A_387 {strides = array<i32>} : memref<80x128xf32, #tpu.memory_space<vmem>>, vector<1x16xf32>,
          %add3A_388 = arith.constant 2 : i32
          %add3A_389 = arith.addi %mul3A_126, %add3A_388 : i32
          %get3A_390 = arith.index_cast %add3A_389 : i32 to index
          %get3A_391 = arith.constant 16 : index
          %get3A_392 = tpu.vector_load %arg10[%get3A_390, %get3A_391] {strides = array<i32>} : memref<80x128xf32, #tpu.memory_space<vmem>>, vector<1x16xf32>,
          %get3A_393 = vector.shape_cast %get3A_392 : vector<1x16xf32> to vector<16xf32>
          %mul3A_394 = vector.broadcast %squeeze3A_372 : f32 to vector<16xf32>
          %mul3A_395 = arith.mulf %get3A_393, %mul3A_394 : vector<16xf32>
          %add3A_396 = arith.constant 2 : i32
          %add3A_397 = arith.addi %mul3A_126, %add3A_396 : i32
          %swap3A_398 = arith.index_cast %add3A_397 : i32 to index
          %swap3A_399 = arith.constant 16 : index
          %swap3A_400 = tpu.vector_load %arg10[%swap3A_398, %swap3A_399] {strides = array<i32>} : memref<80x128xf32, #tpu.memory_space<vmem>>, vector<1x16xf32>,
          %swap3A_401 = vector.shape_cast %swap3A_400 : vector<1x16xf32> to vector<16xf32>
          %swap3A_402 = vector.shape_cast %mul3A_395 : vector<16xf32> to vector<1x16xf32>
          tpu.vector_store %arg10[%swap3A_398, %swap3A_399], %swap3A_402 {strides = array<i32>} : memref<80x128xf32, #tpu.memory_space<vmem>>, vector<1x16xf32>,
          %add3A_403 = arith.constant 2 : i32
          %add3A_404 = arith.addi %mul3A_126, %add3A_403 : i32
          %get3A_405 = arith.index_cast %add3A_404 : i32 to index
          %get3A_406 = arith.constant 32 : index
          %get3A_407 = tpu.vector_load %arg10[%get3A_405, %get3A_406] {strides = array<i32>} : memref<80x128xf32, #tpu.memory_space<vmem>>, vector<1x16xf32>,
          %get3A_408 = vector.shape_cast %get3A_407 : vector<1x16xf32> to vector<16xf32>
          %mul3A_409 = vector.broadcast %squeeze3A_372 : f32 to vector<16xf32>
          %mul3A_410 = arith.mulf %get3A_408, %mul3A_409 : vector<16xf32>
          %add3A_411 = arith.constant 2 : i32
          %add3A_412 = arith.addi %mul3A_126, %add3A_411 : i32
          %swap3A_413 = arith.index_cast %add3A_412 : i32 to index
          %swap3A_414 = arith.constant 32 : index
          %swap3A_415 = tpu.vector_load %arg10[%swap3A_413, %swap3A_414] {strides = array<i32>} : memref<80x128xf32, #tpu.memory_space<vmem>>, vector<1x16xf32>,
          %swap3A_416 = vector.shape_cast %swap3A_415 : vector<1x16xf32> to vector<16xf32>
          %swap3A_417 = vector.shape_cast %mul3A_410 : vector<16xf32> to vector<1x16xf32>
          tpu.vector_store %arg10[%swap3A_413, %swap3A_414], %swap3A_417 {strides = array<i32>} : memref<80x128xf32, #tpu.memory_space<vmem>>, vector<1x16xf32>,
          %add3A_418 = arith.constant 2 : i32
          %add3A_419 = arith.addi %mul3A_126, %add3A_418 : i32
          %get3A_420 = arith.index_cast %add3A_419 : i32 to index
          %get3A_421 = arith.constant 48 : index
          %get3A_422 = tpu.vector_load %arg10[%get3A_420, %get3A_421] {strides = array<i32>} : memref<80x128xf32, #tpu.memory_space<vmem>>, vector<1x16xf32>,
          %get3A_423 = vector.shape_cast %get3A_422 : vector<1x16xf32> to vector<16xf32>
          %mul3A_424 = vector.broadcast %squeeze3A_372 : f32 to vector<16xf32>
          %mul3A_425 = arith.mulf %get3A_423, %mul3A_424 : vector<16xf32>
          %add3A_426 = arith.constant 2 : i32
          %add3A_427 = arith.addi %mul3A_126, %add3A_426 : i32
          %swap3A_428 = arith.index_cast %add3A_427 : i32 to index
          %swap3A_429 = arith.constant 48 : index
          %swap3A_430 = tpu.vector_load %arg10[%swap3A_428, %swap3A_429] {strides = array<i32>} : memref<80x128xf32, #tpu.memory_space<vmem>>, vector<1x16xf32>,
          %swap3A_431 = vector.shape_cast %swap3A_430 : vector<1x16xf32> to vector<16xf32>
          %swap3A_432 = vector.shape_cast %mul3A_425 : vector<16xf32> to vector<1x16xf32>
          tpu.vector_store %arg10[%swap3A_428, %swap3A_429], %swap3A_432 {strides = array<i32>} : memref<80x128xf32, #tpu.memory_space<vmem>>, vector<1x16xf32>,
          %add3A_433 = arith.constant 2 : i32
          %add3A_434 = arith.addi %mul3A_126, %add3A_433 : i32
          %get3A_435 = arith.index_cast %add3A_434 : i32 to index
          %get3A_436 = arith.constant 64 : index
          %get3A_437 = tpu.vector_load %arg10[%get3A_435, %get3A_436] {strides = array<i32>} : memref<80x128xf32, #tpu.memory_space<vmem>>, vector<1x16xf32>,
          %get3A_438 = vector.shape_cast %get3A_437 : vector<1x16xf32> to vector<16xf32>
          %mul3A_439 = vector.broadcast %squeeze3A_372 : f32 to vector<16xf32>
          %mul3A_440 = arith.mulf %get3A_438, %mul3A_439 : vector<16xf32>
          %add3A_441 = arith.constant 2 : i32
          %add3A_442 = arith.addi %mul3A_126, %add3A_441 : i32
          %swap3A_443 = arith.index_cast %add3A_442 : i32 to index
          %swap3A_444 = arith.constant 64 : index
          %swap3A_445 = tpu.vector_load %arg10[%swap3A_443, %swap3A_444] {strides = array<i32>} : memref<80x128xf32, #tpu.memory_space<vmem>>, vector<1x16xf32>,
          %swap3A_446 = vector.shape_cast %swap3A_445 : vector<1x16xf32> to vector<16xf32>
          %swap3A_447 = vector.shape_cast %mul3A_440 : vector<16xf32> to vector<1x16xf32>
          tpu.vector_store %arg10[%swap3A_443, %swap3A_444], %swap3A_447 {strides = array<i32>} : memref<80x128xf32, #tpu.memory_space<vmem>>, vector<1x16xf32>,
          %add3A_448 = arith.constant 2 : i32
          %add3A_449 = arith.addi %mul3A_126, %add3A_448 : i32
          %get3A_450 = arith.index_cast %add3A_449 : i32 to index
          %get3A_451 = arith.constant 80 : index
          %get3A_452 = tpu.vector_load %arg10[%get3A_450, %get3A_451] {strides = array<i32>} : memref<80x128xf32, #tpu.memory_space<vmem>>, vector<1x16xf32>,
          %get3A_453 = vector.shape_cast %get3A_452 : vector<1x16xf32> to vector<16xf32>
          %mul3A_454 = vector.broadcast %squeeze3A_372 : f32 to vector<16xf32>
          %mul3A_455 = arith.mulf %get3A_453, %mul3A_454 : vector<16xf32>
          %add3A_456 = arith.constant 2 : i32
          %add3A_457 = arith.addi %mul3A_126, %add3A_456 : i32
          %swap3A_458 = arith.index_cast %add3A_457 : i32 to index
          %swap3A_459 = arith.constant 80 : index
          %swap3A_460 = tpu.vector_load %arg10[%swap3A_458, %swap3A_459] {strides = array<i32>} : memref<80x128xf32, #tpu.memory_space<vmem>>, vector<1x16xf32>,
          %swap3A_461 = vector.shape_cast %swap3A_460 : vector<1x16xf32> to vector<16xf32>
          %swap3A_462 = vector.shape_cast %mul3A_455 : vector<16xf32> to vector<1x16xf32>
          tpu.vector_store %arg10[%swap3A_458, %swap3A_459], %swap3A_462 {strides = array<i32>} : memref<80x128xf32, #tpu.memory_space<vmem>>, vector<1x16xf32>,
          %add3A_463 = arith.constant 2 : i32
          %add3A_464 = arith.addi %mul3A_126, %add3A_463 : i32
          %get3A_465 = arith.index_cast %add3A_464 : i32 to index
          %get3A_466 = arith.constant 96 : index
          %get3A_467 = tpu.vector_load %arg10[%get3A_465, %get3A_466] {strides = array<i32>} : memref<80x128xf32, #tpu.memory_space<vmem>>, vector<1x16xf32>,
          %get3A_468 = vector.shape_cast %get3A_467 : vector<1x16xf32> to vector<16xf32>
          %mul3A_469 = vector.broadcast %squeeze3A_372 : f32 to vector<16xf32>
          %mul3A_470 = arith.mulf %get3A_468, %mul3A_469 : vector<16xf32>
          %add3A_471 = arith.constant 2 : i32
          %add3A_472 = arith.addi %mul3A_126, %add3A_471 : i32
          %swap3A_473 = arith.index_cast %add3A_472 : i32 to index
          %swap3A_474 = arith.constant 96 : index
          %swap3A_475 = tpu.vector_load %arg10[%swap3A_473, %swap3A_474] {strides = array<i32>} : memref<80x128xf32, #tpu.memory_space<vmem>>, vector<1x16xf32>,
          %swap3A_476 = vector.shape_cast %swap3A_475 : vector<1x16xf32> to vector<16xf32>
          %swap3A_477 = vector.shape_cast %mul3A_470 : vector<16xf32> to vector<1x16xf32>
          tpu.vector_store %arg10[%swap3A_473, %swap3A_474], %swap3A_477 {strides = array<i32>} : memref<80x128xf32, #tpu.memory_space<vmem>>, vector<1x16xf32>,
          %add3A_478 = arith.constant 2 : i32
          %add3A_479 = arith.addi %mul3A_126, %add3A_478 : i32
          %get3A_480 = arith.index_cast %add3A_479 : i32 to index
          %get3A_481 = arith.constant 112 : index
          %get3A_482 = tpu.vector_load %arg10[%get3A_480, %get3A_481] {strides = array<i32>} : memref<80x128xf32, #tpu.memory_space<vmem>>, vector<1x16xf32>,
          %get3A_483 = vector.shape_cast %get3A_482 : vector<1x16xf32> to vector<16xf32>
          %mul3A_484 = vector.broadcast %squeeze3A_372 : f32 to vector<16xf32>
          %mul3A_485 = arith.mulf %get3A_483, %mul3A_484 : vector<16xf32>
          %add3A_486 = arith.constant 2 : i32
          %add3A_487 = arith.addi %mul3A_126, %add3A_486 : i32
          %swap3A_488 = arith.index_cast %add3A_487 : i32 to index
          %swap3A_489 = arith.constant 112 : index
          %swap3A_490 = tpu.vector_load %arg10[%swap3A_488, %swap3A_489] {strides = array<i32>} : memref<80x128xf32, #tpu.memory_space<vmem>>, vector<1x16xf32>,
          %swap3A_491 = vector.shape_cast %swap3A_490 : vector<1x16xf32> to vector<16xf32>
          %swap3A_492 = vector.shape_cast %mul3A_485 : vector<16xf32> to vector<1x16xf32>
          tpu.vector_store %arg10[%swap3A_488, %swap3A_489], %swap3A_492 {strides = array<i32>} : memref<80x128xf32, #tpu.memory_space<vmem>>, vector<1x16xf32>,
          %slice3A_493 = vector.extract_strided_slice %get3A_129 {offsets = [3], sizes = [1], strides = [1]} : vector<16xf32> to vector<1xf32>
          %squeeze3A_494 = vector.extract %slice3A_493[0] : f32 from vector<1xf32>
          %add3A_495 = arith.constant 3 : i32
          %add3A_496 = arith.addi %mul3A_126, %add3A_495 : i32
          %get3A_497 = arith.index_cast %add3A_496 : i32 to index
          %get3A_498 = arith.constant 0 : index
          %get3A_499 = tpu.vector_load %arg10[%get3A_497, %get3A_498] {strides = array<i32>} : memref<80x128xf32, #tpu.memory_space<vmem>>, vector<1x16xf32>,
          %get3A_500 = vector.shape_cast %get3A_499 : vector<1x16xf32> to vector<16xf32>
          %mul3A_501 = vector.broadcast %squeeze3A_494 : f32 to vector<16xf32>
          %mul3A_502 = arith.mulf %get3A_500, %mul3A_501 : vector<16xf32>
          %add3A_503 = arith.constant 3 : i32
          %add3A_504 = arith.addi %mul3A_126, %add3A_503 : i32
          %swap3A_505 = arith.index_cast %add3A_504 : i32 to index
          %swap3A_506 = arith.constant 0 : index
          %swap3A_507 = tpu.vector_load %arg10[%swap3A_505, %swap3A_506] {strides = array<i32>} : memref<80x128xf32, #tpu.memory_space<vmem>>, vector<1x16xf32>,
          %swap3A_508 = vector.shape_cast %swap3A_507 : vector<1x16xf32> to vector<16xf32>
          %swap3A_509 = vector.shape_cast %mul3A_502 : vector<16xf32> to vector<1x16xf32>
          tpu.vector_store %arg10[%swap3A_505, %swap3A_506], %swap3A_509 {strides = array<i32>} : memref<80x128xf32, #tpu.memory_space<vmem>>, vector<1x16xf32>,
          %add3A_510 = arith.constant 3 : i32
          %add3A_511 = arith.addi %mul3A_126, %add3A_510 : i32
          %get3A_512 = arith.index_cast %add3A_511 : i32 to index
          %get3A_513 = arith.constant 16 : index
          %get3A_514 = tpu.vector_load %arg10[%get3A_512, %get3A_513] {strides = array<i32>} : memref<80x128xf32, #tpu.memory_space<vmem>>, vector<1x16xf32>,
          %get3A_515 = vector.shape_cast %get3A_514 : vector<1x16xf32> to vector<16xf32>
          %mul3A_516 = vector.broadcast %squeeze3A_494 : f32 to vector<16xf32>
          %mul3A_517 = arith.mulf %get3A_515, %mul3A_516 : vector<16xf32>
          %add3A_518 = arith.constant 3 : i32
          %add3A_519 = arith.addi %mul3A_126, %add3A_518 : i32
          %swap3A_520 = arith.index_cast %add3A_519 : i32 to index
          %swap3A_521 = arith.constant 16 : index
          %swap3A_522 = tpu.vector_load %arg10[%swap3A_520, %swap3A_521] {strides = array<i32>} : memref<80x128xf32, #tpu.memory_space<vmem>>, vector<1x16xf32>,
          %swap3A_523 = vector.shape_cast %swap3A_522 : vector<1x16xf32> to vector<16xf32>
          %swap3A_524 = vector.shape_cast %mul3A_517 : vector<16xf32> to vector<1x16xf32>
          tpu.vector_store %arg10[%swap3A_520, %swap3A_521], %swap3A_524 {strides = array<i32>} : memref<80x128xf32, #tpu.memory_space<vmem>>, vector<1x16xf32>,
          %add3A_525 = arith.constant 3 : i32
          %add3A_526 = arith.addi %mul3A_126, %add3A_525 : i32
          %get3A_527 = arith.index_cast %add3A_526 : i32 to index
          %get3A_528 = arith.constant 32 : index
          %get3A_529 = tpu.vector_load %arg10[%get3A_527, %get3A_528] {strides = array<i32>} : memref<80x128xf32, #tpu.memory_space<vmem>>, vector<1x16xf32>,
          %get3A_530 = vector.shape_cast %get3A_529 : vector<1x16xf32> to vector<16xf32>
          %mul3A_531 = vector.broadcast %squeeze3A_494 : f32 to vector<16xf32>
          %mul3A_532 = arith.mulf %get3A_530, %mul3A_531 : vector<16xf32>
          %add3A_533 = arith.constant 3 : i32
          %add3A_534 = arith.addi %mul3A_126, %add3A_533 : i32
          %swap3A_535 = arith.index_cast %add3A_534 : i32 to index
          %swap3A_536 = arith.constant 32 : index
          %swap3A_537 = tpu.vector_load %arg10[%swap3A_535, %swap3A_536] {strides = array<i32>} : memref<80x128xf32, #tpu.memory_space<vmem>>, vector<1x16xf32>,
          %swap3A_538 = vector.shape_cast %swap3A_537 : vector<1x16xf32> to vector<16xf32>
          %swap3A_539 = vector.shape_cast %mul3A_532 : vector<16xf32> to vector<1x16xf32>
          tpu.vector_store %arg10[%swap3A_535, %swap3A_536], %swap3A_539 {strides = array<i32>} : memref<80x128xf32, #tpu.memory_space<vmem>>, vector<1x16xf32>,
          %add3A_540 = arith.constant 3 : i32
          %add3A_541 = arith.addi %mul3A_126, %add3A_540 : i32
          %get3A_542 = arith.index_cast %add3A_541 : i32 to index
          %get3A_543 = arith.constant 48 : index
          %get3A_544 = tpu.vector_load %arg10[%get3A_542, %get3A_543] {strides = array<i32>} : memref<80x128xf32, #tpu.memory_space<vmem>>, vector<1x16xf32>,
          %get3A_545 = vector.shape_cast %get3A_544 : vector<1x16xf32> to vector<16xf32>
          %mul3A_546 = vector.broadcast %squeeze3A_494 : f32 to vector<16xf32>
          %mul3A_547 = arith.mulf %get3A_545, %mul3A_546 : vector<16xf32>
          %add3A_548 = arith.constant 3 : i32
          %add3A_549 = arith.addi %mul3A_126, %add3A_548 : i32
          %swap3A_550 = arith.index_cast %add3A_549 : i32 to index
          %swap3A_551 = arith.constant 48 : index
          %swap3A_552 = tpu.vector_load %arg10[%swap3A_550, %swap3A_551] {strides = array<i32>} : memref<80x128xf32, #tpu.memory_space<vmem>>, vector<1x16xf32>,
          %swap3A_553 = vector.shape_cast %swap3A_552 : vector<1x16xf32> to vector<16xf32>
          %swap3A_554 = vector.shape_cast %mul3A_547 : vector<16xf32> to vector<1x16xf32>
          tpu.vector_store %arg10[%swap3A_550, %swap3A_551], %swap3A_554 {strides = array<i32>} : memref<80x128xf32, #tpu.memory_space<vmem>>, vector<1x16xf32>,
          %add3A_555 = arith.constant 3 : i32
          %add3A_556 = arith.addi %mul3A_126, %add3A_555 : i32
          %get3A_557 = arith.index_cast %add3A_556 : i32 to index
          %get3A_558 = arith.constant 64 : index
          %get3A_559 = tpu.vector_load %arg10[%get3A_557, %get3A_558] {strides = array<i32>} : memref<80x128xf32, #tpu.memory_space<vmem>>, vector<1x16xf32>,
          %get3A_560 = vector.shape_cast %get3A_559 : vector<1x16xf32> to vector<16xf32>
          %mul3A_561 = vector.broadcast %squeeze3A_494 : f32 to vector<16xf32>
          %mul3A_562 = arith.mulf %get3A_560, %mul3A_561 : vector<16xf32>
          %add3A_563 = arith.constant 3 : i32
          %add3A_564 = arith.addi %mul3A_126, %add3A_563 : i32
          %swap3A_565 = arith.index_cast %add3A_564 : i32 to index
          %swap3A_566 = arith.constant 64 : index
          %swap3A_567 = tpu.vector_load %arg10[%swap3A_565, %swap3A_566] {strides = array<i32>} : memref<80x128xf32, #tpu.memory_space<vmem>>, vector<1x16xf32>,
          %swap3A_568 = vector.shape_cast %swap3A_567 : vector<1x16xf32> to vector<16xf32>
          %swap3A_569 = vector.shape_cast %mul3A_562 : vector<16xf32> to vector<1x16xf32>
          tpu.vector_store %arg10[%swap3A_565, %swap3A_566], %swap3A_569 {strides = array<i32>} : memref<80x128xf32, #tpu.memory_space<vmem>>, vector<1x16xf32>,
          %add3A_570 = arith.constant 3 : i32
          %add3A_571 = arith.addi %mul3A_126, %add3A_570 : i32
          %get3A_572 = arith.index_cast %add3A_571 : i32 to index
          %get3A_573 = arith.constant 80 : index
          %get3A_574 = tpu.vector_load %arg10[%get3A_572, %get3A_573] {strides = array<i32>} : memref<80x128xf32, #tpu.memory_space<vmem>>, vector<1x16xf32>,
          %get3A_575 = vector.shape_cast %get3A_574 : vector<1x16xf32> to vector<16xf32>
          %mul3A_576 = vector.broadcast %squeeze3A_494 : f32 to vector<16xf32>
          %mul3A_577 = arith.mulf %get3A_575, %mul3A_576 : vector<16xf32>
          %add3A_578 = arith.constant 3 : i32
          %add3A_579 = arith.addi %mul3A_126, %add3A_578 : i32
          %swap3A_580 = arith.index_cast %add3A_579 : i32 to index
          %swap3A_581 = arith.constant 80 : index
          %swap3A_582 = tpu.vector_load %arg10[%swap3A_580, %swap3A_581] {strides = array<i32>} : memref<80x128xf32, #tpu.memory_space<vmem>>, vector<1x16xf32>,
          %swap3A_583 = vector.shape_cast %swap3A_582 : vector<1x16xf32> to vector<16xf32>
          %swap3A_584 = vector.shape_cast %mul3A_577 : vector<16xf32> to vector<1x16xf32>
          tpu.vector_store %arg10[%swap3A_580, %swap3A_581], %swap3A_584 {strides = array<i32>} : memref<80x128xf32, #tpu.memory_space<vmem>>, vector<1x16xf32>,
          %add3A_585 = arith.constant 3 : i32
          %add3A_586 = arith.addi %mul3A_126, %add3A_585 : i32
          %get3A_587 = arith.index_cast %add3A_586 : i32 to index
          %get3A_588 = arith.constant 96 : index
          %get3A_589 = tpu.vector_load %arg10[%get3A_587, %get3A_588] {strides = array<i32>} : memref<80x128xf32, #tpu.memory_space<vmem>>, vector<1x16xf32>,
          %get3A_590 = vector.shape_cast %get3A_589 : vector<1x16xf32> to vector<16xf32>
          %mul3A_591 = vector.broadcast %squeeze3A_494 : f32 to vector<16xf32>
          %mul3A_592 = arith.mulf %get3A_590, %mul3A_591 : vector<16xf32>
          %add3A_593 = arith.constant 3 : i32
          %add3A_594 = arith.addi %mul3A_126, %add3A_593 : i32
          %swap3A_595 = arith.index_cast %add3A_594 : i32 to index
          %swap3A_596 = arith.constant 96 : index
          %swap3A_597 = tpu.vector_load %arg10[%swap3A_595, %swap3A_596] {strides = array<i32>} : memref<80x128xf32, #tpu.memory_space<vmem>>, vector<1x16xf32>,
          %swap3A_598 = vector.shape_cast %swap3A_597 : vector<1x16xf32> to vector<16xf32>
          %swap3A_599 = vector.shape_cast %mul3A_592 : vector<16xf32> to vector<1x16xf32>
          tpu.vector_store %arg10[%swap3A_595, %swap3A_596], %swap3A_599 {strides = array<i32>} : memref<80x128xf32, #tpu.memory_space<vmem>>, vector<1x16xf32>,
          %add3A_600 = arith.constant 3 : i32
          %add3A_601 = arith.addi %mul3A_126, %add3A_600 : i32
          %get3A_602 = arith.index_cast %add3A_601 : i32 to index
          %get3A_603 = arith.constant 112 : index
          %get3A_604 = tpu.vector_load %arg10[%get3A_602, %get3A_603] {strides = array<i32>} : memref<80x128xf32, #tpu.memory_space<vmem>>, vector<1x16xf32>,
          %get3A_605 = vector.shape_cast %get3A_604 : vector<1x16xf32> to vector<16xf32>
          %mul3A_606 = vector.broadcast %squeeze3A_494 : f32 to vector<16xf32>
          %mul3A_607 = arith.mulf %get3A_605, %mul3A_606 : vector<16xf32>
          %add3A_608 = arith.constant 3 : i32
          %add3A_609 = arith.addi %mul3A_126, %add3A_608 : i32
          %swap3A_610 = arith.index_cast %add3A_609 : i32 to index
          %swap3A_611 = arith.constant 112 : index
          %swap3A_612 = tpu.vector_load %arg10[%swap3A_610, %swap3A_611] {strides = array<i32>} : memref<80x128xf32, #tpu.memory_space<vmem>>, vector<1x16xf32>,
          %swap3A_613 = vector.shape_cast %swap3A_612 : vector<1x16xf32> to vector<16xf32>
          %swap3A_614 = vector.shape_cast %mul3A_607 : vector<16xf32> to vector<1x16xf32>
          tpu.vector_store %arg10[%swap3A_610, %swap3A_611], %swap3A_614 {strides = array<i32>} : memref<80x128xf32, #tpu.memory_space<vmem>>, vector<1x16xf32>,
          %slice3A_615 = vector.extract_strided_slice %get3A_129 {offsets = [4], sizes = [1], strides = [1]} : vector<16xf32> to vector<1xf32>
          %squeeze3A_616 = vector.extract %slice3A_615[0] : f32 from vector<1xf32>
          %add3A_617 = arith.constant 4 : i32
          %add3A_618 = arith.addi %mul3A_126, %add3A_617 : i32
          %get3A_619 = arith.index_cast %add3A_618 : i32 to index
          %get3A_620 = arith.constant 0 : index
          %get3A_621 = tpu.vector_load %arg10[%get3A_619, %get3A_620] {strides = array<i32>} : memref<80x128xf32, #tpu.memory_space<vmem>>, vector<1x16xf32>,
          %get3A_622 = vector.shape_cast %get3A_621 : vector<1x16xf32> to vector<16xf32>
          %mul3A_623 = vector.broadcast %squeeze3A_616 : f32 to vector<16xf32>
          %mul3A_624 = arith.mulf %get3A_622, %mul3A_623 : vector<16xf32>
          %add3A_625 = arith.constant 4 : i32
          %add3A_626 = arith.addi %mul3A_126, %add3A_625 : i32
          %swap3A_627 = arith.index_cast %add3A_626 : i32 to index
          %swap3A_628 = arith.constant 0 : index
          %swap3A_629 = tpu.vector_load %arg10[%swap3A_627, %swap3A_628] {strides = array<i32>} : memref<80x128xf32, #tpu.memory_space<vmem>>, vector<1x16xf32>,
          %swap3A_630 = vector.shape_cast %swap3A_629 : vector<1x16xf32> to vector<16xf32>
          %swap3A_631 = vector.shape_cast %mul3A_624 : vector<16xf32> to vector<1x16xf32>
          tpu.vector_store %arg10[%swap3A_627, %swap3A_628], %swap3A_631 {strides = array<i32>} : memref<80x128xf32, #tpu.memory_space<vmem>>, vector<1x16xf32>,
          %add3A_632 = arith.constant 4 : i32
          %add3A_633 = arith.addi %mul3A_126, %add3A_632 : i32
          %get3A_634 = arith.index_cast %add3A_633 : i32 to index
          %get3A_635 = arith.constant 16 : index
          %get3A_636 = tpu.vector_load %arg10[%get3A_634, %get3A_635] {strides = array<i32>} : memref<80x128xf32, #tpu.memory_space<vmem>>, vector<1x16xf32>,
          %get3A_637 = vector.shape_cast %get3A_636 : vector<1x16xf32> to vector<16xf32>
          %mul3A_638 = vector.broadcast %squeeze3A_616 : f32 to vector<16xf32>
          %mul3A_639 = arith.mulf %get3A_637, %mul3A_638 : vector<16xf32>
          %add3A_640 = arith.constant 4 : i32
          %add3A_641 = arith.addi %mul3A_126, %add3A_640 : i32
          %swap3A_642 = arith.index_cast %add3A_641 : i32 to index
          %swap3A_643 = arith.constant 16 : index
          %swap3A_644 = tpu.vector_load %arg10[%swap3A_642, %swap3A_643] {strides = array<i32>} : memref<80x128xf32, #tpu.memory_space<vmem>>, vector<1x16xf32>,
          %swap3A_645 = vector.shape_cast %swap3A_644 : vector<1x16xf32> to vector<16xf32>
          %swap3A_646 = vector.shape_cast %mul3A_639 : vector<16xf32> to vector<1x16xf32>
          tpu.vector_store %arg10[%swap3A_642, %swap3A_643], %swap3A_646 {strides = array<i32>} : memref<80x128xf32, #tpu.memory_space<vmem>>, vector<1x16xf32>,
          %add3A_647 = arith.constant 4 : i32
          %add3A_648 = arith.addi %mul3A_126, %add3A_647 : i32
          %get3A_649 = arith.index_cast %add3A_648 : i32 to index
          %get3A_650 = arith.constant 32 : index
          %get3A_651 = tpu.vector_load %arg10[%get3A_649, %get3A_650] {strides = array<i32>} : memref<80x128xf32, #tpu.memory_space<vmem>>, vector<1x16xf32>,
          %get3A_652 = vector.shape_cast %get3A_651 : vector<1x16xf32> to vector<16xf32>
          %mul3A_653 = vector.broadcast %squeeze3A_616 : f32 to vector<16xf32>
          %mul3A_654 = arith.mulf %get3A_652, %mul3A_653 : vector<16xf32>
          %add3A_655 = arith.constant 4 : i32
          %add3A_656 = arith.addi %mul3A_126, %add3A_655 : i32
          %swap3A_657 = arith.index_cast %add3A_656 : i32 to index
          %swap3A_658 = arith.constant 32 : index
          %swap3A_659 = tpu.vector_load %arg10[%swap3A_657, %swap3A_658] {strides = array<i32>} : memref<80x128xf32, #tpu.memory_space<vmem>>, vector<1x16xf32>,
          %swap3A_660 = vector.shape_cast %swap3A_659 : vector<1x16xf32> to vector<16xf32>
          %swap3A_661 = vector.shape_cast %mul3A_654 : vector<16xf32> to vector<1x16xf32>
          tpu.vector_store %arg10[%swap3A_657, %swap3A_658], %swap3A_661 {strides = array<i32>} : memref<80x128xf32, #tpu.memory_space<vmem>>, vector<1x16xf32>,
          %add3A_662 = arith.constant 4 : i32
          %add3A_663 = arith.addi %mul3A_126, %add3A_662 : i32
          %get3A_664 = arith.index_cast %add3A_663 : i32 to index
          %get3A_665 = arith.constant 48 : index
          %get3A_666 = tpu.vector_load %arg10[%get3A_664, %get3A_665] {strides = array<i32>} : memref<80x128xf32, #tpu.memory_space<vmem>>, vector<1x16xf32>,
          %get3A_667 = vector.shape_cast %get3A_666 : vector<1x16xf32> to vector<16xf32>
          %mul3A_668 = vector.broadcast %squeeze3A_616 : f32 to vector<16xf32>
          %mul3A_669 = arith.mulf %get3A_667, %mul3A_668 : vector<16xf32>
          %add3A_670 = arith.constant 4 : i32
          %add3A_671 = arith.addi %mul3A_126, %add3A_670 : i32
          %swap3A_672 = arith.index_cast %add3A_671 : i32 to index
          %swap3A_673 = arith.constant 48 : index
          %swap3A_674 = tpu.vector_load %arg10[%swap3A_672, %swap3A_673] {strides = array<i32>} : memref<80x128xf32, #tpu.memory_space<vmem>>, vector<1x16xf32>,
          %swap3A_675 = vector.shape_cast %swap3A_674 : vector<1x16xf32> to vector<16xf32>
          %swap3A_676 = vector.shape_cast %mul3A_669 : vector<16xf32> to vector<1x16xf32>
          tpu.vector_store %arg10[%swap3A_672, %swap3A_673], %swap3A_676 {strides = array<i32>} : memref<80x128xf32, #tpu.memory_space<vmem>>, vector<1x16xf32>,
          %add3A_677 = arith.constant 4 : i32
          %add3A_678 = arith.addi %mul3A_126, %add3A_677 : i32
          %get3A_679 = arith.index_cast %add3A_678 : i32 to index
          %get3A_680 = arith.constant 64 : index
          %get3A_681 = tpu.vector_load %arg10[%get3A_679, %get3A_680] {strides = array<i32>} : memref<80x128xf32, #tpu.memory_space<vmem>>, vector<1x16xf32>,
          %get3A_682 = vector.shape_cast %get3A_681 : vector<1x16xf32> to vector<16xf32>
          %mul3A_683 = vector.broadcast %squeeze3A_616 : f32 to vector<16xf32>
          %mul3A_684 = arith.mulf %get3A_682, %mul3A_683 : vector<16xf32>
          %add3A_685 = arith.constant 4 : i32
          %add3A_686 = arith.addi %mul3A_126, %add3A_685 : i32
          %swap3A_687 = arith.index_cast %add3A_686 : i32 to index
          %swap3A_688 = arith.constant 64 : index
          %swap3A_689 = tpu.vector_load %arg10[%swap3A_687, %swap3A_688] {strides = array<i32>} : memref<80x128xf32, #tpu.memory_space<vmem>>, vector<1x16xf32>,
          %swap3A_690 = vector.shape_cast %swap3A_689 : vector<1x16xf32> to vector<16xf32>
          %swap3A_691 = vector.shape_cast %mul3A_684 : vector<16xf32> to vector<1x16xf32>
          tpu.vector_store %arg10[%swap3A_687, %swap3A_688], %swap3A_691 {strides = array<i32>} : memref<80x128xf32, #tpu.memory_space<vmem>>, vector<1x16xf32>,
          %add3A_692 = arith.constant 4 : i32
          %add3A_693 = arith.addi %mul3A_126, %add3A_692 : i32
          %get3A_694 = arith.index_cast %add3A_693 : i32 to index
          %get3A_695 = arith.constant 80 : index
          %get3A_696 = tpu.vector_load %arg10[%get3A_694, %get3A_695] {strides = array<i32>} : memref<80x128xf32, #tpu.memory_space<vmem>>, vector<1x16xf32>,
          %get3A_697 = vector.shape_cast %get3A_696 : vector<1x16xf32> to vector<16xf32>
          %mul3A_698 = vector.broadcast %squeeze3A_616 : f32 to vector<16xf32>
          %mul3A_699 = arith.mulf %get3A_697, %mul3A_698 : vector<16xf32>
          %add3A_700 = arith.constant 4 : i32
          %add3A_701 = arith.addi %mul3A_126, %add3A_700 : i32
          %swap3A_702 = arith.index_cast %add3A_701 : i32 to index
          %swap3A_703 = arith.constant 80 : index
          %swap3A_704 = tpu.vector_load %arg10[%swap3A_702, %swap3A_703] {strides = array<i32>} : memref<80x128xf32, #tpu.memory_space<vmem>>, vector<1x16xf32>,
          %swap3A_705 = vector.shape_cast %swap3A_704 : vector<1x16xf32> to vector<16xf32>
          %swap3A_706 = vector.shape_cast %mul3A_699 : vector<16xf32> to vector<1x16xf32>
          tpu.vector_store %arg10[%swap3A_702, %swap3A_703], %swap3A_706 {strides = array<i32>} : memref<80x128xf32, #tpu.memory_space<vmem>>, vector<1x16xf32>,
          %add3A_707 = arith.constant 4 : i32
          %add3A_708 = arith.addi %mul3A_126, %add3A_707 : i32
          %get3A_709 = arith.index_cast %add3A_708 : i32 to index
          %get3A_710 = arith.constant 96 : index
          %get3A_711 = tpu.vector_load %arg10[%get3A_709, %get3A_710] {strides = array<i32>} : memref<80x128xf32, #tpu.memory_space<vmem>>, vector<1x16xf32>,
          %get3A_712 = vector.shape_cast %get3A_711 : vector<1x16xf32> to vector<16xf32>
          %mul3A_713 = vector.broadcast %squeeze3A_616 : f32 to vector<16xf32>
          %mul3A_714 = arith.mulf %get3A_712, %mul3A_713 : vector<16xf32>
          %add3A_715 = arith.constant 4 : i32
          %add3A_716 = arith.addi %mul3A_126, %add3A_715 : i32
          %swap3A_717 = arith.index_cast %add3A_716 : i32 to index
          %swap3A_718 = arith.constant 96 : index
          %swap3A_719 = tpu.vector_load %arg10[%swap3A_717, %swap3A_718] {strides = array<i32>} : memref<80x128xf32, #tpu.memory_space<vmem>>, vector<1x16xf32>,
          %swap3A_720 = vector.shape_cast %swap3A_719 : vector<1x16xf32> to vector<16xf32>
          %swap3A_721 = vector.shape_cast %mul3A_714 : vector<16xf32> to vector<1x16xf32>
          tpu.vector_store %arg10[%swap3A_717, %swap3A_718], %swap3A_721 {strides = array<i32>} : memref<80x128xf32, #tpu.memory_space<vmem>>, vector<1x16xf32>,
          %add3A_722 = arith.constant 4 : i32
          %add3A_723 = arith.addi %mul3A_126, %add3A_722 : i32
          %get3A_724 = arith.index_cast %add3A_723 : i32 to index
          %get3A_725 = arith.constant 112 : index
          %get3A_726 = tpu.vector_load %arg10[%get3A_724, %get3A_725] {strides = array<i32>} : memref<80x128xf32, #tpu.memory_space<vmem>>, vector<1x16xf32>,
          %get3A_727 = vector.shape_cast %get3A_726 : vector<1x16xf32> to vector<16xf32>
          %mul3A_728 = vector.broadcast %squeeze3A_616 : f32 to vector<16xf32>
          %mul3A_729 = arith.mulf %get3A_727, %mul3A_728 : vector<16xf32>
          %add3A_730 = arith.constant 4 : i32
          %add3A_731 = arith.addi %mul3A_126, %add3A_730 : i32
          %swap3A_732 = arith.index_cast %add3A_731 : i32 to index
          %swap3A_733 = arith.constant 112 : index
          %swap3A_734 = tpu.vector_load %arg10[%swap3A_732, %swap3A_733] {strides = array<i32>} : memref<80x128xf32, #tpu.memory_space<vmem>>, vector<1x16xf32>,
          %swap3A_735 = vector.shape_cast %swap3A_734 : vector<1x16xf32> to vector<16xf32>
          %swap3A_736 = vector.shape_cast %mul3A_729 : vector<16xf32> to vector<1x16xf32>
          tpu.vector_store %arg10[%swap3A_732, %swap3A_733], %swap3A_736 {strides = array<i32>} : memref<80x128xf32, #tpu.memory_space<vmem>>, vector<1x16xf32>,
          %slice3A_737 = vector.extract_strided_slice %get3A_129 {offsets = [5], sizes = [1], strides = [1]} : vector<16xf32> to vector<1xf32>
          %squeeze3A_738 = vector.extract %slice3A_737[0] : f32 from vector<1xf32>
          %add3A_739 = arith.constant 5 : i32
          %add3A_740 = arith.addi %mul3A_126, %add3A_739 : i32
          %get3A_741 = arith.index_cast %add3A_740 : i32 to index
          %get3A_742 = arith.constant 0 : index
          %get3A_743 = tpu.vector_load %arg10[%get3A_741, %get3A_742] {strides = array<i32>} : memref<80x128xf32, #tpu.memory_space<vmem>>, vector<1x16xf32>,
          %get3A_744 = vector.shape_cast %get3A_743 : vector<1x16xf32> to vector<16xf32>
          %mul3A_745 = vector.broadcast %squeeze3A_738 : f32 to vector<16xf32>
          %mul3A_746 = arith.mulf %get3A_744, %mul3A_745 : vector<16xf32>
          %add3A_747 = arith.constant 5 : i32
          %add3A_748 = arith.addi %mul3A_126, %add3A_747 : i32
          %swap3A_749 = arith.index_cast %add3A_748 : i32 to index
          %swap3A_750 = arith.constant 0 : index
          %swap3A_751 = tpu.vector_load %arg10[%swap3A_749, %swap3A_750] {strides = array<i32>} : memref<80x128xf32, #tpu.memory_space<vmem>>, vector<1x16xf32>,
          %swap3A_752 = vector.shape_cast %swap3A_751 : vector<1x16xf32> to vector<16xf32>
          %swap3A_753 = vector.shape_cast %mul3A_746 : vector<16xf32> to vector<1x16xf32>
          tpu.vector_store %arg10[%swap3A_749, %swap3A_750], %swap3A_753 {strides = array<i32>} : memref<80x128xf32, #tpu.memory_space<vmem>>, vector<1x16xf32>,
          %add3A_754 = arith.constant 5 : i32
          %add3A_755 = arith.addi %mul3A_126, %add3A_754 : i32
          %get3A_756 = arith.index_cast %add3A_755 : i32 to index
          %get3A_757 = arith.constant 16 : index
          %get3A_758 = tpu.vector_load %arg10[%get3A_756, %get3A_757] {strides = array<i32>} : memref<80x128xf32, #tpu.memory_space<vmem>>, vector<1x16xf32>,
          %get3A_759 = vector.shape_cast %get3A_758 : vector<1x16xf32> to vector<16xf32>
          %mul3A_760 = vector.broadcast %squeeze3A_738 : f32 to vector<16xf32>
          %mul3A_761 = arith.mulf %get3A_759, %mul3A_760 : vector<16xf32>
          %add3A_762 = arith.constant 5 : i32
          %add3A_763 = arith.addi %mul3A_126, %add3A_762 : i32
          %swap3A_764 = arith.index_cast %add3A_763 : i32 to index
          %swap3A_765 = arith.constant 16 : index
          %swap3A_766 = tpu.vector_load %arg10[%swap3A_764, %swap3A_765] {strides = array<i32>} : memref<80x128xf32, #tpu.memory_space<vmem>>, vector<1x16xf32>,
          %swap3A_767 = vector.shape_cast %swap3A_766 : vector<1x16xf32> to vector<16xf32>
          %swap3A_768 = vector.shape_cast %mul3A_761 : vector<16xf32> to vector<1x16xf32>
          tpu.vector_store %arg10[%swap3A_764, %swap3A_765], %swap3A_768 {strides = array<i32>} : memref<80x128xf32, #tpu.memory_space<vmem>>, vector<1x16xf32>,
          %add3A_769 = arith.constant 5 : i32
          %add3A_770 = arith.addi %mul3A_126, %add3A_769 : i32
          %get3A_771 = arith.index_cast %add3A_770 : i32 to index
          %get3A_772 = arith.constant 32 : index
          %get3A_773 = tpu.vector_load %arg10[%get3A_771, %get3A_772] {strides = array<i32>} : memref<80x128xf32, #tpu.memory_space<vmem>>, vector<1x16xf32>,
          %get3A_774 = vector.shape_cast %get3A_773 : vector<1x16xf32> to vector<16xf32>
          %mul3A_775 = vector.broadcast %squeeze3A_738 : f32 to vector<16xf32>
          %mul3A_776 = arith.mulf %get3A_774, %mul3A_775 : vector<16xf32>
          %add3A_777 = arith.constant 5 : i32
          %add3A_778 = arith.addi %mul3A_126, %add3A_777 : i32
          %swap3A_779 = arith.index_cast %add3A_778 : i32 to index
          %swap3A_780 = arith.constant 32 : index
          %swap3A_781 = tpu.vector_load %arg10[%swap3A_779, %swap3A_780] {strides = array<i32>} : memref<80x128xf32, #tpu.memory_space<vmem>>, vector<1x16xf32>,
          %swap3A_782 = vector.shape_cast %swap3A_781 : vector<1x16xf32> to vector<16xf32>
          %swap3A_783 = vector.shape_cast %mul3A_776 : vector<16xf32> to vector<1x16xf32>
          tpu.vector_store %arg10[%swap3A_779, %swap3A_780], %swap3A_783 {strides = array<i32>} : memref<80x128xf32, #tpu.memory_space<vmem>>, vector<1x16xf32>,
          %add3A_784 = arith.constant 5 : i32
          %add3A_785 = arith.addi %mul3A_126, %add3A_784 : i32
          %get3A_786 = arith.index_cast %add3A_785 : i32 to index
          %get3A_787 = arith.constant 48 : index
          %get3A_788 = tpu.vector_load %arg10[%get3A_786, %get3A_787] {strides = array<i32>} : memref<80x128xf32, #tpu.memory_space<vmem>>, vector<1x16xf32>,
          %get3A_789 = vector.shape_cast %get3A_788 : vector<1x16xf32> to vector<16xf32>
          %mul3A_790 = vector.broadcast %squeeze3A_738 : f32 to vector<16xf32>
          %mul3A_791 = arith.mulf %get3A_789, %mul3A_790 : vector<16xf32>
          %add3A_792 = arith.constant 5 : i32
          %add3A_793 = arith.addi %mul3A_126, %add3A_792 : i32
          %swap3A_794 = arith.index_cast %add3A_793 : i32 to index
          %swap3A_795 = arith.constant 48 : index
          %swap3A_796 = tpu.vector_load %arg10[%swap3A_794, %swap3A_795] {strides = array<i32>} : memref<80x128xf32, #tpu.memory_space<vmem>>, vector<1x16xf32>,
          %swap3A_797 = vector.shape_cast %swap3A_796 : vector<1x16xf32> to vector<16xf32>
          %swap3A_798 = vector.shape_cast %mul3A_791 : vector<16xf32> to vector<1x16xf32>
          tpu.vector_store %arg10[%swap3A_794, %swap3A_795], %swap3A_798 {strides = array<i32>} : memref<80x128xf32, #tpu.memory_space<vmem>>, vector<1x16xf32>,
          %add3A_799 = arith.constant 5 : i32
          %add3A_800 = arith.addi %mul3A_126, %add3A_799 : i32
          %get3A_801 = arith.index_cast %add3A_800 : i32 to index
          %get3A_802 = arith.constant 64 : index
          %get3A_803 = tpu.vector_load %arg10[%get3A_801, %get3A_802] {strides = array<i32>} : memref<80x128xf32, #tpu.memory_space<vmem>>, vector<1x16xf32>,
          %get3A_804 = vector.shape_cast %get3A_803 : vector<1x16xf32> to vector<16xf32>
          %mul3A_805 = vector.broadcast %squeeze3A_738 : f32 to vector<16xf32>
          %mul3A_806 = arith.mulf %get3A_804, %mul3A_805 : vector<16xf32>
          %add3A_807 = arith.constant 5 : i32
          %add3A_808 = arith.addi %mul3A_126, %add3A_807 : i32
          %swap3A_809 = arith.index_cast %add3A_808 : i32 to index
          %swap3A_810 = arith.constant 64 : index
          %swap3A_811 = tpu.vector_load %arg10[%swap3A_809, %swap3A_810] {strides = array<i32>} : memref<80x128xf32, #tpu.memory_space<vmem>>, vector<1x16xf32>,
          %swap3A_812 = vector.shape_cast %swap3A_811 : vector<1x16xf32> to vector<16xf32>
          %swap3A_813 = vector.shape_cast %mul3A_806 : vector<16xf32> to vector<1x16xf32>
          tpu.vector_store %arg10[%swap3A_809, %swap3A_810], %swap3A_813 {strides = array<i32>} : memref<80x128xf32, #tpu.memory_space<vmem>>, vector<1x16xf32>,
          %add3A_814 = arith.constant 5 : i32
          %add3A_815 = arith.addi %mul3A_126, %add3A_814 : i32
          %get3A_816 = arith.index_cast %add3A_815 : i32 to index
          %get3A_817 = arith.constant 80 : index
          %get3A_818 = tpu.vector_load %arg10[%get3A_816, %get3A_817] {strides = array<i32>} : memref<80x128xf32, #tpu.memory_space<vmem>>, vector<1x16xf32>,
          %get3A_819 = vector.shape_cast %get3A_818 : vector<1x16xf32> to vector<16xf32>
          %mul3A_820 = vector.broadcast %squeeze3A_738 : f32 to vector<16xf32>
          %mul3A_821 = arith.mulf %get3A_819, %mul3A_820 : vector<16xf32>
          %add3A_822 = arith.constant 5 : i32
          %add3A_823 = arith.addi %mul3A_126, %add3A_822 : i32
          %swap3A_824 = arith.index_cast %add3A_823 : i32 to index
          %swap3A_825 = arith.constant 80 : index
          %swap3A_826 = tpu.vector_load %arg10[%swap3A_824, %swap3A_825] {strides = array<i32>} : memref<80x128xf32, #tpu.memory_space<vmem>>, vector<1x16xf32>,
          %swap3A_827 = vector.shape_cast %swap3A_826 : vector<1x16xf32> to vector<16xf32>
          %swap3A_828 = vector.shape_cast %mul3A_821 : vector<16xf32> to vector<1x16xf32>
          tpu.vector_store %arg10[%swap3A_824, %swap3A_825], %swap3A_828 {strides = array<i32>} : memref<80x128xf32, #tpu.memory_space<vmem>>, vector<1x16xf32>,
          %add3A_829 = arith.constant 5 : i32
          %add3A_830 = arith.addi %mul3A_126, %add3A_829 : i32
          %get3A_831 = arith.index_cast %add3A_830 : i32 to index
          %get3A_832 = arith.constant 96 : index
          %get3A_833 = tpu.vector_load %arg10[%get3A_831, %get3A_832] {strides = array<i32>} : memref<80x128xf32, #tpu.memory_space<vmem>>, vector<1x16xf32>,
          %get3A_834 = vector.shape_cast %get3A_833 : vector<1x16xf32> to vector<16xf32>
          %mul3A_835 = vector.broadcast %squeeze3A_738 : f32 to vector<16xf32>
          %mul3A_836 = arith.mulf %get3A_834, %mul3A_835 : vector<16xf32>
          %add3A_837 = arith.constant 5 : i32
          %add3A_838 = arith.addi %mul3A_126, %add3A_837 : i32
          %swap3A_839 = arith.index_cast %add3A_838 : i32 to index
          %swap3A_840 = arith.constant 96 : index
          %swap3A_841 = tpu.vector_load %arg10[%swap3A_839, %swap3A_840] {strides = array<i32>} : memref<80x128xf32, #tpu.memory_space<vmem>>, vector<1x16xf32>,
          %swap3A_842 = vector.shape_cast %swap3A_841 : vector<1x16xf32> to vector<16xf32>
          %swap3A_843 = vector.shape_cast %mul3A_836 : vector<16xf32> to vector<1x16xf32>
          tpu.vector_store %arg10[%swap3A_839, %swap3A_840], %swap3A_843 {strides = array<i32>} : memref<80x128xf32, #tpu.memory_space<vmem>>, vector<1x16xf32>,
          %add3A_844 = arith.constant 5 : i32
          %add3A_845 = arith.addi %mul3A_126, %add3A_844 : i32
          %get3A_846 = arith.index_cast %add3A_845 : i32 to index
          %get3A_847 = arith.constant 112 : index
          %get3A_848 = tpu.vector_load %arg10[%get3A_846, %get3A_847] {strides = array<i32>} : memref<80x128xf32, #tpu.memory_space<vmem>>, vector<1x16xf32>,
          %get3A_849 = vector.shape_cast %get3A_848 : vector<1x16xf32> to vector<16xf32>
          %mul3A_850 = vector.broadcast %squeeze3A_738 : f32 to vector<16xf32>
          %mul3A_851 = arith.mulf %get3A_849, %mul3A_850 : vector<16xf32>
          %add3A_852 = arith.constant 5 : i32
          %add3A_853 = arith.addi %mul3A_126, %add3A_852 : i32
          %swap3A_854 = arith.index_cast %add3A_853 : i32 to index
          %swap3A_855 = arith.constant 112 : index
          %swap3A_856 = tpu.vector_load %arg10[%swap3A_854, %swap3A_855] {strides = array<i32>} : memref<80x128xf32, #tpu.memory_space<vmem>>, vector<1x16xf32>,
          %swap3A_857 = vector.shape_cast %swap3A_856 : vector<1x16xf32> to vector<16xf32>
          %swap3A_858 = vector.shape_cast %mul3A_851 : vector<16xf32> to vector<1x16xf32>
          tpu.vector_store %arg10[%swap3A_854, %swap3A_855], %swap3A_858 {strides = array<i32>} : memref<80x128xf32, #tpu.memory_space<vmem>>, vector<1x16xf32>,
          %slice3A_859 = vector.extract_strided_slice %get3A_129 {offsets = [6], sizes = [1], strides = [1]} : vector<16xf32> to vector<1xf32>
          %squeeze3A_860 = vector.extract %slice3A_859[0] : f32 from vector<1xf32>
          %add3A_861 = arith.constant 6 : i32
          %add3A_862 = arith.addi %mul3A_126, %add3A_861 : i32
          %get3A_863 = arith.index_cast %add3A_862 : i32 to index
          %get3A_864 = arith.constant 0 : index
          %get3A_865 = tpu.vector_load %arg10[%get3A_863, %get3A_864] {strides = array<i32>} : memref<80x128xf32, #tpu.memory_space<vmem>>, vector<1x16xf32>,
          %get3A_866 = vector.shape_cast %get3A_865 : vector<1x16xf32> to vector<16xf32>
          %mul3A_867 = vector.broadcast %squeeze3A_860 : f32 to vector<16xf32>
          %mul3A_868 = arith.mulf %get3A_866, %mul3A_867 : vector<16xf32>
          %add3A_869 = arith.constant 6 : i32
          %add3A_870 = arith.addi %mul3A_126, %add3A_869 : i32
          %swap3A_871 = arith.index_cast %add3A_870 : i32 to index
          %swap3A_872 = arith.constant 0 : index
          %swap3A_873 = tpu.vector_load %arg10[%swap3A_871, %swap3A_872] {strides = array<i32>} : memref<80x128xf32, #tpu.memory_space<vmem>>, vector<1x16xf32>,
          %swap3A_874 = vector.shape_cast %swap3A_873 : vector<1x16xf32> to vector<16xf32>
          %swap3A_875 = vector.shape_cast %mul3A_868 : vector<16xf32> to vector<1x16xf32>
          tpu.vector_store %arg10[%swap3A_871, %swap3A_872], %swap3A_875 {strides = array<i32>} : memref<80x128xf32, #tpu.memory_space<vmem>>, vector<1x16xf32>,
          %add3A_876 = arith.constant 6 : i32
          %add3A_877 = arith.addi %mul3A_126, %add3A_876 : i32
          %get3A_878 = arith.index_cast %add3A_877 : i32 to index
          %get3A_879 = arith.constant 16 : index
          %get3A_880 = tpu.vector_load %arg10[%get3A_878, %get3A_879] {strides = array<i32>} : memref<80x128xf32, #tpu.memory_space<vmem>>, vector<1x16xf32>,
          %get3A_881 = vector.shape_cast %get3A_880 : vector<1x16xf32> to vector<16xf32>
          %mul3A_882 = vector.broadcast %squeeze3A_860 : f32 to vector<16xf32>
          %mul3A_883 = arith.mulf %get3A_881, %mul3A_882 : vector<16xf32>
          %add3A_884 = arith.constant 6 : i32
          %add3A_885 = arith.addi %mul3A_126, %add3A_884 : i32
          %swap3A_886 = arith.index_cast %add3A_885 : i32 to index
          %swap3A_887 = arith.constant 16 : index
          %swap3A_888 = tpu.vector_load %arg10[%swap3A_886, %swap3A_887] {strides = array<i32>} : memref<80x128xf32, #tpu.memory_space<vmem>>, vector<1x16xf32>,
          %swap3A_889 = vector.shape_cast %swap3A_888 : vector<1x16xf32> to vector<16xf32>
          %swap3A_890 = vector.shape_cast %mul3A_883 : vector<16xf32> to vector<1x16xf32>
          tpu.vector_store %arg10[%swap3A_886, %swap3A_887], %swap3A_890 {strides = array<i32>} : memref<80x128xf32, #tpu.memory_space<vmem>>, vector<1x16xf32>,
          %add3A_891 = arith.constant 6 : i32
          %add3A_892 = arith.addi %mul3A_126, %add3A_891 : i32
          %get3A_893 = arith.index_cast %add3A_892 : i32 to index
          %get3A_894 = arith.constant 32 : index
          %get3A_895 = tpu.vector_load %arg10[%get3A_893, %get3A_894] {strides = array<i32>} : memref<80x128xf32, #tpu.memory_space<vmem>>, vector<1x16xf32>,
          %get3A_896 = vector.shape_cast %get3A_895 : vector<1x16xf32> to vector<16xf32>
          %mul3A_897 = vector.broadcast %squeeze3A_860 : f32 to vector<16xf32>
          %mul3A_898 = arith.mulf %get3A_896, %mul3A_897 : vector<16xf32>
          %add3A_899 = arith.constant 6 : i32
          %add3A_900 = arith.addi %mul3A_126, %add3A_899 : i32
          %swap3A_901 = arith.index_cast %add3A_900 : i32 to index
          %swap3A_902 = arith.constant 32 : index
          %swap3A_903 = tpu.vector_load %arg10[%swap3A_901, %swap3A_902] {strides = array<i32>} : memref<80x128xf32, #tpu.memory_space<vmem>>, vector<1x16xf32>,
          %swap3A_904 = vector.shape_cast %swap3A_903 : vector<1x16xf32> to vector<16xf32>
          %swap3A_905 = vector.shape_cast %mul3A_898 : vector<16xf32> to vector<1x16xf32>
          tpu.vector_store %arg10[%swap3A_901, %swap3A_902], %swap3A_905 {strides = array<i32>} : memref<80x128xf32, #tpu.memory_space<vmem>>, vector<1x16xf32>,
          %add3A_906 = arith.constant 6 : i32
          %add3A_907 = arith.addi %mul3A_126, %add3A_906 : i32
          %get3A_908 = arith.index_cast %add3A_907 : i32 to index
          %get3A_909 = arith.constant 48 : index
          %get3A_910 = tpu.vector_load %arg10[%get3A_908, %get3A_909] {strides = array<i32>} : memref<80x128xf32, #tpu.memory_space<vmem>>, vector<1x16xf32>,
          %get3A_911 = vector.shape_cast %get3A_910 : vector<1x16xf32> to vector<16xf32>
          %mul3A_912 = vector.broadcast %squeeze3A_860 : f32 to vector<16xf32>
          %mul3A_913 = arith.mulf %get3A_911, %mul3A_912 : vector<16xf32>
          %add3A_914 = arith.constant 6 : i32
          %add3A_915 = arith.addi %mul3A_126, %add3A_914 : i32
          %swap3A_916 = arith.index_cast %add3A_915 : i32 to index
          %swap3A_917 = arith.constant 48 : index
          %swap3A_918 = tpu.vector_load %arg10[%swap3A_916, %swap3A_917] {strides = array<i32>} : memref<80x128xf32, #tpu.memory_space<vmem>>, vector<1x16xf32>,
          %swap3A_919 = vector.shape_cast %swap3A_918 : vector<1x16xf32> to vector<16xf32>
          %swap3A_920 = vector.shape_cast %mul3A_913 : vector<16xf32> to vector<1x16xf32>
          tpu.vector_store %arg10[%swap3A_916, %swap3A_917], %swap3A_920 {strides = array<i32>} : memref<80x128xf32, #tpu.memory_space<vmem>>, vector<1x16xf32>,
          %add3A_921 = arith.constant 6 : i32
          %add3A_922 = arith.addi %mul3A_126, %add3A_921 : i32
          %get3A_923 = arith.index_cast %add3A_922 : i32 to index
          %get3A_924 = arith.constant 64 : index
          %get3A_925 = tpu.vector_load %arg10[%get3A_923, %get3A_924] {strides = array<i32>} : memref<80x128xf32, #tpu.memory_space<vmem>>, vector<1x16xf32>,
          %get3A_926 = vector.shape_cast %get3A_925 : vector<1x16xf32> to vector<16xf32>
          %mul3A_927 = vector.broadcast %squeeze3A_860 : f32 to vector<16xf32>
          %mul3A_928 = arith.mulf %get3A_926, %mul3A_927 : vector<16xf32>
          %add3A_929 = arith.constant 6 : i32
          %add3A_930 = arith.addi %mul3A_126, %add3A_929 : i32
          %swap3A_931 = arith.index_cast %add3A_930 : i32 to index
          %swap3A_932 = arith.constant 64 : index
          %swap3A_933 = tpu.vector_load %arg10[%swap3A_931, %swap3A_932] {strides = array<i32>} : memref<80x128xf32, #tpu.memory_space<vmem>>, vector<1x16xf32>,
          %swap3A_934 = vector.shape_cast %swap3A_933 : vector<1x16xf32> to vector<16xf32>
          %swap3A_935 = vector.shape_cast %mul3A_928 : vector<16xf32> to vector<1x16xf32>
          tpu.vector_store %arg10[%swap3A_931, %swap3A_932], %swap3A_935 {strides = array<i32>} : memref<80x128xf32, #tpu.memory_space<vmem>>, vector<1x16xf32>,
          %add3A_936 = arith.constant 6 : i32
          %add3A_937 = arith.addi %mul3A_126, %add3A_936 : i32
          %get3A_938 = arith.index_cast %add3A_937 : i32 to index
          %get3A_939 = arith.constant 80 : index
          %get3A_940 = tpu.vector_load %arg10[%get3A_938, %get3A_939] {strides = array<i32>} : memref<80x128xf32, #tpu.memory_space<vmem>>, vector<1x16xf32>,
          %get3A_941 = vector.shape_cast %get3A_940 : vector<1x16xf32> to vector<16xf32>
          %mul3A_942 = vector.broadcast %squeeze3A_860 : f32 to vector<16xf32>
          %mul3A_943 = arith.mulf %get3A_941, %mul3A_942 : vector<16xf32>
          %add3A_944 = arith.constant 6 : i32
          %add3A_945 = arith.addi %mul3A_126, %add3A_944 : i32
          %swap3A_946 = arith.index_cast %add3A_945 : i32 to index
          %swap3A_947 = arith.constant 80 : index
          %swap3A_948 = tpu.vector_load %arg10[%swap3A_946, %swap3A_947] {strides = array<i32>} : memref<80x128xf32, #tpu.memory_space<vmem>>, vector<1x16xf32>,
          %swap3A_949 = vector.shape_cast %swap3A_948 : vector<1x16xf32> to vector<16xf32>
          %swap3A_950 = vector.shape_cast %mul3A_943 : vector<16xf32> to vector<1x16xf32>
          tpu.vector_store %arg10[%swap3A_946, %swap3A_947], %swap3A_950 {strides = array<i32>} : memref<80x128xf32, #tpu.memory_space<vmem>>, vector<1x16xf32>,
          %add3A_951 = arith.constant 6 : i32
          %add3A_952 = arith.addi %mul3A_126, %add3A_951 : i32
          %get3A_953 = arith.index_cast %add3A_952 : i32 to index
          %get3A_954 = arith.constant 96 : index
          %get3A_955 = tpu.vector_load %arg10[%get3A_953, %get3A_954] {strides = array<i32>} : memref<80x128xf32, #tpu.memory_space<vmem>>, vector<1x16xf32>,
          %get3A_956 = vector.shape_cast %get3A_955 : vector<1x16xf32> to vector<16xf32>
          %mul3A_957 = vector.broadcast %squeeze3A_860 : f32 to vector<16xf32>
          %mul3A_958 = arith.mulf %get3A_956, %mul3A_957 : vector<16xf32>
          %add3A_959 = arith.constant 6 : i32
          %add3A_960 = arith.addi %mul3A_126, %add3A_959 : i32
          %swap3A_961 = arith.index_cast %add3A_960 : i32 to index
          %swap3A_962 = arith.constant 96 : index
          %swap3A_963 = tpu.vector_load %arg10[%swap3A_961, %swap3A_962] {strides = array<i32>} : memref<80x128xf32, #tpu.memory_space<vmem>>, vector<1x16xf32>,
          %swap3A_964 = vector.shape_cast %swap3A_963 : vector<1x16xf32> to vector<16xf32>
          %swap3A_965 = vector.shape_cast %mul3A_958 : vector<16xf32> to vector<1x16xf32>
          tpu.vector_store %arg10[%swap3A_961, %swap3A_962], %swap3A_965 {strides = array<i32>} : memref<80x128xf32, #tpu.memory_space<vmem>>, vector<1x16xf32>,
          %add3A_966 = arith.constant 6 : i32
          %add3A_967 = arith.addi %mul3A_126, %add3A_966 : i32
          %get3A_968 = arith.index_cast %add3A_967 : i32 to index
          %get3A_969 = arith.constant 112 : index
          %get3A_970 = tpu.vector_load %arg10[%get3A_968, %get3A_969] {strides = array<i32>} : memref<80x128xf32, #tpu.memory_space<vmem>>, vector<1x16xf32>,
          %get3A_971 = vector.shape_cast %get3A_970 : vector<1x16xf32> to vector<16xf32>
          %mul3A_972 = vector.broadcast %squeeze3A_860 : f32 to vector<16xf32>
          %mul3A_973 = arith.mulf %get3A_971, %mul3A_972 : vector<16xf32>
          %add3A_974 = arith.constant 6 : i32
          %add3A_975 = arith.addi %mul3A_126, %add3A_974 : i32
          %swap3A_976 = arith.index_cast %add3A_975 : i32 to index
          %swap3A_977 = arith.constant 112 : index
          %swap3A_978 = tpu.vector_load %arg10[%swap3A_976, %swap3A_977] {strides = array<i32>} : memref<80x128xf32, #tpu.memory_space<vmem>>, vector<1x16xf32>,
          %swap3A_979 = vector.shape_cast %swap3A_978 : vector<1x16xf32> to vector<16xf32>
          %swap3A_980 = vector.shape_cast %mul3A_973 : vector<16xf32> to vector<1x16xf32>
          tpu.vector_store %arg10[%swap3A_976, %swap3A_977], %swap3A_980 {strides = array<i32>} : memref<80x128xf32, #tpu.memory_space<vmem>>, vector<1x16xf32>,
          %slice3A_981 = vector.extract_strided_slice %get3A_129 {offsets = [7], sizes = [1], strides = [1]} : vector<16xf32> to vector<1xf32>
          %squeeze3A_982 = vector.extract %slice3A_981[0] : f32 from vector<1xf32>
          %add3A_983 = arith.constant 7 : i32
          %add3A_984 = arith.addi %mul3A_126, %add3A_983 : i32
          %get3A_985 = arith.index_cast %add3A_984 : i32 to index
          %get3A_986 = arith.constant 0 : index
          %get3A_987 = tpu.vector_load %arg10[%get3A_985, %get3A_986] {strides = array<i32>} : memref<80x128xf32, #tpu.memory_space<vmem>>, vector<1x16xf32>,
          %get3A_988 = vector.shape_cast %get3A_987 : vector<1x16xf32> to vector<16xf32>
          %mul3A_989 = vector.broadcast %squeeze3A_982 : f32 to vector<16xf32>
          %mul3A_990 = arith.mulf %get3A_988, %mul3A_989 : vector<16xf32>
          %add3A_991 = arith.constant 7 : i32
          %add3A_992 = arith.addi %mul3A_126, %add3A_991 : i32
          %swap3A_993 = arith.index_cast %add3A_992 : i32 to index
          %swap3A_994 = arith.constant 0 : index
          %swap3A_995 = tpu.vector_load %arg10[%swap3A_993, %swap3A_994] {strides = array<i32>} : memref<80x128xf32, #tpu.memory_space<vmem>>, vector<1x16xf32>,
          %swap3A_996 = vector.shape_cast %swap3A_995 : vector<1x16xf32> to vector<16xf32>
          %swap3A_997 = vector.shape_cast %mul3A_990 : vector<16xf32> to vector<1x16xf32>
          tpu.vector_store %arg10[%swap3A_993, %swap3A_994], %swap3A_997 {strides = array<i32>} : memref<80x128xf32, #tpu.memory_space<vmem>>, vector<1x16xf32>,
          %add3A_998 = arith.constant 7 : i32
          %add3A_999 = arith.addi %mul3A_126, %add3A_998 : i32
          %get3A_1000 = arith.index_cast %add3A_999 : i32 to index
          %get3A_1001 = arith.constant 16 : index
          %get3A_1002 = tpu.vector_load %arg10[%get3A_1000, %get3A_1001] {strides = array<i32>} : memref<80x128xf32, #tpu.memory_space<vmem>>, vector<1x16xf32>,
          %get3A_1003 = vector.shape_cast %get3A_1002 : vector<1x16xf32> to vector<16xf32>
          %mul3A_1004 = vector.broadcast %squeeze3A_982 : f32 to vector<16xf32>
          %mul3A_1005 = arith.mulf %get3A_1003, %mul3A_1004 : vector<16xf32>
          %add3A_1006 = arith.constant 7 : i32
          %add3A_1007 = arith.addi %mul3A_126, %add3A_1006 : i32
          %swap3A_1008 = arith.index_cast %add3A_1007 : i32 to index
          %swap3A_1009 = arith.constant 16 : index
          %swap3A_1010 = tpu.vector_load %arg10[%swap3A_1008, %swap3A_1009] {strides = array<i32>} : memref<80x128xf32, #tpu.memory_space<vmem>>, vector<1x16xf32>,
          %swap3A_1011 = vector.shape_cast %swap3A_1010 : vector<1x16xf32> to vector<16xf32>
          %swap3A_1012 = vector.shape_cast %mul3A_1005 : vector<16xf32> to vector<1x16xf32>
          tpu.vector_store %arg10[%swap3A_1008, %swap3A_1009], %swap3A_1012 {strides = array<i32>} : memref<80x128xf32, #tpu.memory_space<vmem>>, vector<1x16xf32>,
          %add3A_1013 = arith.constant 7 : i32
          %add3A_1014 = arith.addi %mul3A_126, %add3A_1013 : i32
          %get3A_1015 = arith.index_cast %add3A_1014 : i32 to index
          %get3A_1016 = arith.constant 32 : index
          %get3A_1017 = tpu.vector_load %arg10[%get3A_1015, %get3A_1016] {strides = array<i32>} : memref<80x128xf32, #tpu.memory_space<vmem>>, vector<1x16xf32>,
          %get3A_1018 = vector.shape_cast %get3A_1017 : vector<1x16xf32> to vector<16xf32>
          %mul3A_1019 = vector.broadcast %squeeze3A_982 : f32 to vector<16xf32>
          %mul3A_1020 = arith.mulf %get3A_1018, %mul3A_1019 : vector<16xf32>
          %add3A_1021 = arith.constant 7 : i32
          %add3A_1022 = arith.addi %mul3A_126, %add3A_1021 : i32
          %swap3A_1023 = arith.index_cast %add3A_1022 : i32 to index
          %swap3A_1024 = arith.constant 32 : index
          %swap3A_1025 = tpu.vector_load %arg10[%swap3A_1023, %swap3A_1024] {strides = array<i32>} : memref<80x128xf32, #tpu.memory_space<vmem>>, vector<1x16xf32>,
          %swap3A_1026 = vector.shape_cast %swap3A_1025 : vector<1x16xf32> to vector<16xf32>
          %swap3A_1027 = vector.shape_cast %mul3A_1020 : vector<16xf32> to vector<1x16xf32>
          tpu.vector_store %arg10[%swap3A_1023, %swap3A_1024], %swap3A_1027 {strides = array<i32>} : memref<80x128xf32, #tpu.memory_space<vmem>>, vector<1x16xf32>,
          %add3A_1028 = arith.constant 7 : i32
          %add3A_1029 = arith.addi %mul3A_126, %add3A_1028 : i32
          %get3A_1030 = arith.index_cast %add3A_1029 : i32 to index
          %get3A_1031 = arith.constant 48 : index
          %get3A_1032 = tpu.vector_load %arg10[%get3A_1030, %get3A_1031] {strides = array<i32>} : memref<80x128xf32, #tpu.memory_space<vmem>>, vector<1x16xf32>,
          %get3A_1033 = vector.shape_cast %get3A_1032 : vector<1x16xf32> to vector<16xf32>
          %mul3A_1034 = vector.broadcast %squeeze3A_982 : f32 to vector<16xf32>
          %mul3A_1035 = arith.mulf %get3A_1033, %mul3A_1034 : vector<16xf32>
          %add3A_1036 = arith.constant 7 : i32
          %add3A_1037 = arith.addi %mul3A_126, %add3A_1036 : i32
          %swap3A_1038 = arith.index_cast %add3A_1037 : i32 to index
          %swap3A_1039 = arith.constant 48 : index
          %swap3A_1040 = tpu.vector_load %arg10[%swap3A_1038, %swap3A_1039] {strides = array<i32>} : memref<80x128xf32, #tpu.memory_space<vmem>>, vector<1x16xf32>,
          %swap3A_1041 = vector.shape_cast %swap3A_1040 : vector<1x16xf32> to vector<16xf32>
          %swap3A_1042 = vector.shape_cast %mul3A_1035 : vector<16xf32> to vector<1x16xf32>
          tpu.vector_store %arg10[%swap3A_1038, %swap3A_1039], %swap3A_1042 {strides = array<i32>} : memref<80x128xf32, #tpu.memory_space<vmem>>, vector<1x16xf32>,
          %add3A_1043 = arith.constant 7 : i32
          %add3A_1044 = arith.addi %mul3A_126, %add3A_1043 : i32
          %get3A_1045 = arith.index_cast %add3A_1044 : i32 to index
          %get3A_1046 = arith.constant 64 : index
          %get3A_1047 = tpu.vector_load %arg10[%get3A_1045, %get3A_1046] {strides = array<i32>} : memref<80x128xf32, #tpu.memory_space<vmem>>, vector<1x16xf32>,
          %get3A_1048 = vector.shape_cast %get3A_1047 : vector<1x16xf32> to vector<16xf32>
          %mul3A_1049 = vector.broadcast %squeeze3A_982 : f32 to vector<16xf32>
          %mul3A_1050 = arith.mulf %get3A_1048, %mul3A_1049 : vector<16xf32>
          %add3A_1051 = arith.constant 7 : i32
          %add3A_1052 = arith.addi %mul3A_126, %add3A_1051 : i32
          %swap3A_1053 = arith.index_cast %add3A_1052 : i32 to index
          %swap3A_1054 = arith.constant 64 : index
          %swap3A_1055 = tpu.vector_load %arg10[%swap3A_1053, %swap3A_1054] {strides = array<i32>} : memref<80x128xf32, #tpu.memory_space<vmem>>, vector<1x16xf32>,
          %swap3A_1056 = vector.shape_cast %swap3A_1055 : vector<1x16xf32> to vector<16xf32>
          %swap3A_1057 = vector.shape_cast %mul3A_1050 : vector<16xf32> to vector<1x16xf32>
          tpu.vector_store %arg10[%swap3A_1053, %swap3A_1054], %swap3A_1057 {strides = array<i32>} : memref<80x128xf32, #tpu.memory_space<vmem>>, vector<1x16xf32>,
          %add3A_1058 = arith.constant 7 : i32
          %add3A_1059 = arith.addi %mul3A_126, %add3A_1058 : i32
          %get3A_1060 = arith.index_cast %add3A_1059 : i32 to index
          %get3A_1061 = arith.constant 80 : index
          %get3A_1062 = tpu.vector_load %arg10[%get3A_1060, %get3A_1061] {strides = array<i32>} : memref<80x128xf32, #tpu.memory_space<vmem>>, vector<1x16xf32>,
          %get3A_1063 = vector.shape_cast %get3A_1062 : vector<1x16xf32> to vector<16xf32>
          %mul3A_1064 = vector.broadcast %squeeze3A_982 : f32 to vector<16xf32>
          %mul3A_1065 = arith.mulf %get3A_1063, %mul3A_1064 : vector<16xf32>
          %add3A_1066 = arith.constant 7 : i32
          %add3A_1067 = arith.addi %mul3A_126, %add3A_1066 : i32
          %swap3A_1068 = arith.index_cast %add3A_1067 : i32 to index
          %swap3A_1069 = arith.constant 80 : index
          %swap3A_1070 = tpu.vector_load %arg10[%swap3A_1068, %swap3A_1069] {strides = array<i32>} : memref<80x128xf32, #tpu.memory_space<vmem>>, vector<1x16xf32>,
          %swap3A_1071 = vector.shape_cast %swap3A_1070 : vector<1x16xf32> to vector<16xf32>
          %swap3A_1072 = vector.shape_cast %mul3A_1065 : vector<16xf32> to vector<1x16xf32>
          tpu.vector_store %arg10[%swap3A_1068, %swap3A_1069], %swap3A_1072 {strides = array<i32>} : memref<80x128xf32, #tpu.memory_space<vmem>>, vector<1x16xf32>,
          %add3A_1073 = arith.constant 7 : i32
          %add3A_1074 = arith.addi %mul3A_126, %add3A_1073 : i32
          %get3A_1075 = arith.index_cast %add3A_1074 : i32 to index
          %get3A_1076 = arith.constant 96 : index
          %get3A_1077 = tpu.vector_load %arg10[%get3A_1075, %get3A_1076] {strides = array<i32>} : memref<80x128xf32, #tpu.memory_space<vmem>>, vector<1x16xf32>,
          %get3A_1078 = vector.shape_cast %get3A_1077 : vector<1x16xf32> to vector<16xf32>
          %mul3A_1079 = vector.broadcast %squeeze3A_982 : f32 to vector<16xf32>
          %mul3A_1080 = arith.mulf %get3A_1078, %mul3A_1079 : vector<16xf32>
          %add3A_1081 = arith.constant 7 : i32
          %add3A_1082 = arith.addi %mul3A_126, %add3A_1081 : i32
          %swap3A_1083 = arith.index_cast %add3A_1082 : i32 to index
          %swap3A_1084 = arith.constant 96 : index
          %swap3A_1085 = tpu.vector_load %arg10[%swap3A_1083, %swap3A_1084] {strides = array<i32>} : memref<80x128xf32, #tpu.memory_space<vmem>>, vector<1x16xf32>,
          %swap3A_1086 = vector.shape_cast %swap3A_1085 : vector<1x16xf32> to vector<16xf32>
          %swap3A_1087 = vector.shape_cast %mul3A_1080 : vector<16xf32> to vector<1x16xf32>
          tpu.vector_store %arg10[%swap3A_1083, %swap3A_1084], %swap3A_1087 {strides = array<i32>} : memref<80x128xf32, #tpu.memory_space<vmem>>, vector<1x16xf32>,
          %add3A_1088 = arith.constant 7 : i32
          %add3A_1089 = arith.addi %mul3A_126, %add3A_1088 : i32
          %get3A_1090 = arith.index_cast %add3A_1089 : i32 to index
          %get3A_1091 = arith.constant 112 : index
          %get3A_1092 = tpu.vector_load %arg10[%get3A_1090, %get3A_1091] {strides = array<i32>} : memref<80x128xf32, #tpu.memory_space<vmem>>, vector<1x16xf32>,
          %get3A_1093 = vector.shape_cast %get3A_1092 : vector<1x16xf32> to vector<16xf32>
          %mul3A_1094 = vector.broadcast %squeeze3A_982 : f32 to vector<16xf32>
          %mul3A_1095 = arith.mulf %get3A_1093, %mul3A_1094 : vector<16xf32>
          %add3A_1096 = arith.constant 7 : i32
          %add3A_1097 = arith.addi %mul3A_126, %add3A_1096 : i32
          %swap3A_1098 = arith.index_cast %add3A_1097 : i32 to index
          %swap3A_1099 = arith.constant 112 : index
          %swap3A_1100 = tpu.vector_load %arg10[%swap3A_1098, %swap3A_1099] {strides = array<i32>} : memref<80x128xf32, #tpu.memory_space<vmem>>, vector<1x16xf32>,
          %swap3A_1101 = vector.shape_cast %swap3A_1100 : vector<1x16xf32> to vector<16xf32>
          %swap3A_1102 = vector.shape_cast %mul3A_1095 : vector<16xf32> to vector<1x16xf32>
          tpu.vector_store %arg10[%swap3A_1098, %swap3A_1099], %swap3A_1102 {strides = array<i32>} : memref<80x128xf32, #tpu.memory_space<vmem>>, vector<1x16xf32>,
          %slice3A_1103 = vector.extract_strided_slice %get3A_129 {offsets = [8], sizes = [1], strides = [1]} : vector<16xf32> to vector<1xf32>
          %squeeze3A_1104 = vector.extract %slice3A_1103[0] : f32 from vector<1xf32>
          %add3A_1105 = arith.constant 8 : i32
          %add3A_1106 = arith.addi %mul3A_126, %add3A_1105 : i32
          %get3A_1107 = arith.index_cast %add3A_1106 : i32 to index
          %get3A_1108 = arith.constant 0 : index
          %get3A_1109 = tpu.vector_load %arg10[%get3A_1107, %get3A_1108] {strides = array<i32>} : memref<80x128xf32, #tpu.memory_space<vmem>>, vector<1x16xf32>,
          %get3A_1110 = vector.shape_cast %get3A_1109 : vector<1x16xf32> to vector<16xf32>
          %mul3A_1111 = vector.broadcast %squeeze3A_1104 : f32 to vector<16xf32>
          %mul3A_1112 = arith.mulf %get3A_1110, %mul3A_1111 : vector<16xf32>
          %add3A_1113 = arith.constant 8 : i32
          %add3A_1114 = arith.addi %mul3A_126, %add3A_1113 : i32
          %swap3A_1115 = arith.index_cast %add3A_1114 : i32 to index
          %swap3A_1116 = arith.constant 0 : index
          %swap3A_1117 = tpu.vector_load %arg10[%swap3A_1115, %swap3A_1116] {strides = array<i32>} : memref<80x128xf32, #tpu.memory_space<vmem>>, vector<1x16xf32>,
          %swap3A_1118 = vector.shape_cast %swap3A_1117 : vector<1x16xf32> to vector<16xf32>
          %swap3A_1119 = vector.shape_cast %mul3A_1112 : vector<16xf32> to vector<1x16xf32>
          tpu.vector_store %arg10[%swap3A_1115, %swap3A_1116], %swap3A_1119 {strides = array<i32>} : memref<80x128xf32, #tpu.memory_space<vmem>>, vector<1x16xf32>,
          %add3A_1120 = arith.constant 8 : i32
          %add3A_1121 = arith.addi %mul3A_126, %add3A_1120 : i32
          %get3A_1122 = arith.index_cast %add3A_1121 : i32 to index
          %get3A_1123 = arith.constant 16 : index
          %get3A_1124 = tpu.vector_load %arg10[%get3A_1122, %get3A_1123] {strides = array<i32>} : memref<80x128xf32, #tpu.memory_space<vmem>>, vector<1x16xf32>,
          %get3A_1125 = vector.shape_cast %get3A_1124 : vector<1x16xf32> to vector<16xf32>
          %mul3A_1126 = vector.broadcast %squeeze3A_1104 : f32 to vector<16xf32>
          %mul3A_1127 = arith.mulf %get3A_1125, %mul3A_1126 : vector<16xf32>
          %add3A_1128 = arith.constant 8 : i32
          %add3A_1129 = arith.addi %mul3A_126, %add3A_1128 : i32
          %swap3A_1130 = arith.index_cast %add3A_1129 : i32 to index
          %swap3A_1131 = arith.constant 16 : index
          %swap3A_1132 = tpu.vector_load %arg10[%swap3A_1130, %swap3A_1131] {strides = array<i32>} : memref<80x128xf32, #tpu.memory_space<vmem>>, vector<1x16xf32>,
          %swap3A_1133 = vector.shape_cast %swap3A_1132 : vector<1x16xf32> to vector<16xf32>
          %swap3A_1134 = vector.shape_cast %mul3A_1127 : vector<16xf32> to vector<1x16xf32>
          tpu.vector_store %arg10[%swap3A_1130, %swap3A_1131], %swap3A_1134 {strides = array<i32>} : memref<80x128xf32, #tpu.memory_space<vmem>>, vector<1x16xf32>,
          %add3A_1135 = arith.constant 8 : i32
          %add3A_1136 = arith.addi %mul3A_126, %add3A_1135 : i32
          %get3A_1137 = arith.index_cast %add3A_1136 : i32 to index
          %get3A_1138 = arith.constant 32 : index
          %get3A_1139 = tpu.vector_load %arg10[%get3A_1137, %get3A_1138] {strides = array<i32>} : memref<80x128xf32, #tpu.memory_space<vmem>>, vector<1x16xf32>,
          %get3A_1140 = vector.shape_cast %get3A_1139 : vector<1x16xf32> to vector<16xf32>
          %mul3A_1141 = vector.broadcast %squeeze3A_1104 : f32 to vector<16xf32>
          %mul3A_1142 = arith.mulf %get3A_1140, %mul3A_1141 : vector<16xf32>
          %add3A_1143 = arith.constant 8 : i32
          %add3A_1144 = arith.addi %mul3A_126, %add3A_1143 : i32
          %swap3A_1145 = arith.index_cast %add3A_1144 : i32 to index
          %swap3A_1146 = arith.constant 32 : index
          %swap3A_1147 = tpu.vector_load %arg10[%swap3A_1145, %swap3A_1146] {strides = array<i32>} : memref<80x128xf32, #tpu.memory_space<vmem>>, vector<1x16xf32>,
          %swap3A_1148 = vector.shape_cast %swap3A_1147 : vector<1x16xf32> to vector<16xf32>
          %swap3A_1149 = vector.shape_cast %mul3A_1142 : vector<16xf32> to vector<1x16xf32>
          tpu.vector_store %arg10[%swap3A_1145, %swap3A_1146], %swap3A_1149 {strides = array<i32>} : memref<80x128xf32, #tpu.memory_space<vmem>>, vector<1x16xf32>,
          %add3A_1150 = arith.constant 8 : i32
          %add3A_1151 = arith.addi %mul3A_126, %add3A_1150 : i32
          %get3A_1152 = arith.index_cast %add3A_1151 : i32 to index
          %get3A_1153 = arith.constant 48 : index
          %get3A_1154 = tpu.vector_load %arg10[%get3A_1152, %get3A_1153] {strides = array<i32>} : memref<80x128xf32, #tpu.memory_space<vmem>>, vector<1x16xf32>,
          %get3A_1155 = vector.shape_cast %get3A_1154 : vector<1x16xf32> to vector<16xf32>
          %mul3A_1156 = vector.broadcast %squeeze3A_1104 : f32 to vector<16xf32>
          %mul3A_1157 = arith.mulf %get3A_1155, %mul3A_1156 : vector<16xf32>
          %add3A_1158 = arith.constant 8 : i32
          %add3A_1159 = arith.addi %mul3A_126, %add3A_1158 : i32
          %swap3A_1160 = arith.index_cast %add3A_1159 : i32 to index
          %swap3A_1161 = arith.constant 48 : index
          %swap3A_1162 = tpu.vector_load %arg10[%swap3A_1160, %swap3A_1161] {strides = array<i32>} : memref<80x128xf32, #tpu.memory_space<vmem>>, vector<1x16xf32>,
          %swap3A_1163 = vector.shape_cast %swap3A_1162 : vector<1x16xf32> to vector<16xf32>
          %swap3A_1164 = vector.shape_cast %mul3A_1157 : vector<16xf32> to vector<1x16xf32>
          tpu.vector_store %arg10[%swap3A_1160, %swap3A_1161], %swap3A_1164 {strides = array<i32>} : memref<80x128xf32, #tpu.memory_space<vmem>>, vector<1x16xf32>,
          %add3A_1165 = arith.constant 8 : i32
          %add3A_1166 = arith.addi %mul3A_126, %add3A_1165 : i32
          %get3A_1167 = arith.index_cast %add3A_1166 : i32 to index
          %get3A_1168 = arith.constant 64 : index
          %get3A_1169 = tpu.vector_load %arg10[%get3A_1167, %get3A_1168] {strides = array<i32>} : memref<80x128xf32, #tpu.memory_space<vmem>>, vector<1x16xf32>,
          %get3A_1170 = vector.shape_cast %get3A_1169 : vector<1x16xf32> to vector<16xf32>
          %mul3A_1171 = vector.broadcast %squeeze3A_1104 : f32 to vector<16xf32>
          %mul3A_1172 = arith.mulf %get3A_1170, %mul3A_1171 : vector<16xf32>
          %add3A_1173 = arith.constant 8 : i32
          %add3A_1174 = arith.addi %mul3A_126, %add3A_1173 : i32
          %swap3A_1175 = arith.index_cast %add3A_1174 : i32 to index
          %swap3A_1176 = arith.constant 64 : index
          %swap3A_1177 = tpu.vector_load %arg10[%swap3A_1175, %swap3A_1176] {strides = array<i32>} : memref<80x128xf32, #tpu.memory_space<vmem>>, vector<1x16xf32>,
          %swap3A_1178 = vector.shape_cast %swap3A_1177 : vector<1x16xf32> to vector<16xf32>
          %swap3A_1179 = vector.shape_cast %mul3A_1172 : vector<16xf32> to vector<1x16xf32>
          tpu.vector_store %arg10[%swap3A_1175, %swap3A_1176], %swap3A_1179 {strides = array<i32>} : memref<80x128xf32, #tpu.memory_space<vmem>>, vector<1x16xf32>,
          %add3A_1180 = arith.constant 8 : i32
          %add3A_1181 = arith.addi %mul3A_126, %add3A_1180 : i32
          %get3A_1182 = arith.index_cast %add3A_1181 : i32 to index
          %get3A_1183 = arith.constant 80 : index
          %get3A_1184 = tpu.vector_load %arg10[%get3A_1182, %get3A_1183] {strides = array<i32>} : memref<80x128xf32, #tpu.memory_space<vmem>>, vector<1x16xf32>,
          %get3A_1185 = vector.shape_cast %get3A_1184 : vector<1x16xf32> to vector<16xf32>
          %mul3A_1186 = vector.broadcast %squeeze3A_1104 : f32 to vector<16xf32>
          %mul3A_1187 = arith.mulf %get3A_1185, %mul3A_1186 : vector<16xf32>
          %add3A_1188 = arith.constant 8 : i32
          %add3A_1189 = arith.addi %mul3A_126, %add3A_1188 : i32
          %swap3A_1190 = arith.index_cast %add3A_1189 : i32 to index
          %swap3A_1191 = arith.constant 80 : index
          %swap3A_1192 = tpu.vector_load %arg10[%swap3A_1190, %swap3A_1191] {strides = array<i32>} : memref<80x128xf32, #tpu.memory_space<vmem>>, vector<1x16xf32>,
          %swap3A_1193 = vector.shape_cast %swap3A_1192 : vector<1x16xf32> to vector<16xf32>
          %swap3A_1194 = vector.shape_cast %mul3A_1187 : vector<16xf32> to vector<1x16xf32>
          tpu.vector_store %arg10[%swap3A_1190, %swap3A_1191], %swap3A_1194 {strides = array<i32>} : memref<80x128xf32, #tpu.memory_space<vmem>>, vector<1x16xf32>,
          %add3A_1195 = arith.constant 8 : i32
          %add3A_1196 = arith.addi %mul3A_126, %add3A_1195 : i32
          %get3A_1197 = arith.index_cast %add3A_1196 : i32 to index
          %get3A_1198 = arith.constant 96 : index
          %get3A_1199 = tpu.vector_load %arg10[%get3A_1197, %get3A_1198] {strides = array<i32>} : memref<80x128xf32, #tpu.memory_space<vmem>>, vector<1x16xf32>,
          %get3A_1200 = vector.shape_cast %get3A_1199 : vector<1x16xf32> to vector<16xf32>
          %mul3A_1201 = vector.broadcast %squeeze3A_1104 : f32 to vector<16xf32>
          %mul3A_1202 = arith.mulf %get3A_1200, %mul3A_1201 : vector<16xf32>
          %add3A_1203 = arith.constant 8 : i32
          %add3A_1204 = arith.addi %mul3A_126, %add3A_1203 : i32
          %swap3A_1205 = arith.index_cast %add3A_1204 : i32 to index
          %swap3A_1206 = arith.constant 96 : index
          %swap3A_1207 = tpu.vector_load %arg10[%swap3A_1205, %swap3A_1206] {strides = array<i32>} : memref<80x128xf32, #tpu.memory_space<vmem>>, vector<1x16xf32>,
          %swap3A_1208 = vector.shape_cast %swap3A_1207 : vector<1x16xf32> to vector<16xf32>
          %swap3A_1209 = vector.shape_cast %mul3A_1202 : vector<16xf32> to vector<1x16xf32>
          tpu.vector_store %arg10[%swap3A_1205, %swap3A_1206], %swap3A_1209 {strides = array<i32>} : memref<80x128xf32, #tpu.memory_space<vmem>>, vector<1x16xf32>,
          %add3A_1210 = arith.constant 8 : i32
          %add3A_1211 = arith.addi %mul3A_126, %add3A_1210 : i32
          %get3A_1212 = arith.index_cast %add3A_1211 : i32 to index
          %get3A_1213 = arith.constant 112 : index
          %get3A_1214 = tpu.vector_load %arg10[%get3A_1212, %get3A_1213] {strides = array<i32>} : memref<80x128xf32, #tpu.memory_space<vmem>>, vector<1x16xf32>,
          %get3A_1215 = vector.shape_cast %get3A_1214 : vector<1x16xf32> to vector<16xf32>
          %mul3A_1216 = vector.broadcast %squeeze3A_1104 : f32 to vector<16xf32>
          %mul3A_1217 = arith.mulf %get3A_1215, %mul3A_1216 : vector<16xf32>
          %add3A_1218 = arith.constant 8 : i32
          %add3A_1219 = arith.addi %mul3A_126, %add3A_1218 : i32
          %swap3A_1220 = arith.index_cast %add3A_1219 : i32 to index
          %swap3A_1221 = arith.constant 112 : index
          %swap3A_1222 = tpu.vector_load %arg10[%swap3A_1220, %swap3A_1221] {strides = array<i32>} : memref<80x128xf32, #tpu.memory_space<vmem>>, vector<1x16xf32>,
          %swap3A_1223 = vector.shape_cast %swap3A_1222 : vector<1x16xf32> to vector<16xf32>
          %swap3A_1224 = vector.shape_cast %mul3A_1217 : vector<16xf32> to vector<1x16xf32>
          tpu.vector_store %arg10[%swap3A_1220, %swap3A_1221], %swap3A_1224 {strides = array<i32>} : memref<80x128xf32, #tpu.memory_space<vmem>>, vector<1x16xf32>,
          %slice3A_1225 = vector.extract_strided_slice %get3A_129 {offsets = [9], sizes = [1], strides = [1]} : vector<16xf32> to vector<1xf32>
          %squeeze3A_1226 = vector.extract %slice3A_1225[0] : f32 from vector<1xf32>
          %add3A_1227 = arith.constant 9 : i32
          %add3A_1228 = arith.addi %mul3A_126, %add3A_1227 : i32
          %get3A_1229 = arith.index_cast %add3A_1228 : i32 to index
          %get3A_1230 = arith.constant 0 : index
          %get3A_1231 = tpu.vector_load %arg10[%get3A_1229, %get3A_1230] {strides = array<i32>} : memref<80x128xf32, #tpu.memory_space<vmem>>, vector<1x16xf32>,
          %get3A_1232 = vector.shape_cast %get3A_1231 : vector<1x16xf32> to vector<16xf32>
          %mul3A_1233 = vector.broadcast %squeeze3A_1226 : f32 to vector<16xf32>
          %mul3A_1234 = arith.mulf %get3A_1232, %mul3A_1233 : vector<16xf32>
          %add3A_1235 = arith.constant 9 : i32
          %add3A_1236 = arith.addi %mul3A_126, %add3A_1235 : i32
          %swap3A_1237 = arith.index_cast %add3A_1236 : i32 to index
          %swap3A_1238 = arith.constant 0 : index
          %swap3A_1239 = tpu.vector_load %arg10[%swap3A_1237, %swap3A_1238] {strides = array<i32>} : memref<80x128xf32, #tpu.memory_space<vmem>>, vector<1x16xf32>,
          %swap3A_1240 = vector.shape_cast %swap3A_1239 : vector<1x16xf32> to vector<16xf32>
          %swap3A_1241 = vector.shape_cast %mul3A_1234 : vector<16xf32> to vector<1x16xf32>
          tpu.vector_store %arg10[%swap3A_1237, %swap3A_1238], %swap3A_1241 {strides = array<i32>} : memref<80x128xf32, #tpu.memory_space<vmem>>, vector<1x16xf32>,
          %add3A_1242 = arith.constant 9 : i32
          %add3A_1243 = arith.addi %mul3A_126, %add3A_1242 : i32
          %get3A_1244 = arith.index_cast %add3A_1243 : i32 to index
          %get3A_1245 = arith.constant 16 : index
          %get3A_1246 = tpu.vector_load %arg10[%get3A_1244, %get3A_1245] {strides = array<i32>} : memref<80x128xf32, #tpu.memory_space<vmem>>, vector<1x16xf32>,
          %get3A_1247 = vector.shape_cast %get3A_1246 : vector<1x16xf32> to vector<16xf32>
          %mul3A_1248 = vector.broadcast %squeeze3A_1226 : f32 to vector<16xf32>
          %mul3A_1249 = arith.mulf %get3A_1247, %mul3A_1248 : vector<16xf32>
          %add3A_1250 = arith.constant 9 : i32
          %add3A_1251 = arith.addi %mul3A_126, %add3A_1250 : i32
          %swap3A_1252 = arith.index_cast %add3A_1251 : i32 to index
          %swap3A_1253 = arith.constant 16 : index
          %swap3A_1254 = tpu.vector_load %arg10[%swap3A_1252, %swap3A_1253] {strides = array<i32>} : memref<80x128xf32, #tpu.memory_space<vmem>>, vector<1x16xf32>,
          %swap3A_1255 = vector.shape_cast %swap3A_1254 : vector<1x16xf32> to vector<16xf32>
          %swap3A_1256 = vector.shape_cast %mul3A_1249 : vector<16xf32> to vector<1x16xf32>
          tpu.vector_store %arg10[%swap3A_1252, %swap3A_1253], %swap3A_1256 {strides = array<i32>} : memref<80x128xf32, #tpu.memory_space<vmem>>, vector<1x16xf32>,
          %add3A_1257 = arith.constant 9 : i32
          %add3A_1258 = arith.addi %mul3A_126, %add3A_1257 : i32
          %get3A_1259 = arith.index_cast %add3A_1258 : i32 to index
          %get3A_1260 = arith.constant 32 : index
          %get3A_1261 = tpu.vector_load %arg10[%get3A_1259, %get3A_1260] {strides = array<i32>} : memref<80x128xf32, #tpu.memory_space<vmem>>, vector<1x16xf32>,
          %get3A_1262 = vector.shape_cast %get3A_1261 : vector<1x16xf32> to vector<16xf32>
          %mul3A_1263 = vector.broadcast %squeeze3A_1226 : f32 to vector<16xf32>
          %mul3A_1264 = arith.mulf %get3A_1262, %mul3A_1263 : vector<16xf32>
          %add3A_1265 = arith.constant 9 : i32
          %add3A_1266 = arith.addi %mul3A_126, %add3A_1265 : i32
          %swap3A_1267 = arith.index_cast %add3A_1266 : i32 to index
          %swap3A_1268 = arith.constant 32 : index
          %swap3A_1269 = tpu.vector_load %arg10[%swap3A_1267, %swap3A_1268] {strides = array<i32>} : memref<80x128xf32, #tpu.memory_space<vmem>>, vector<1x16xf32>,
          %swap3A_1270 = vector.shape_cast %swap3A_1269 : vector<1x16xf32> to vector<16xf32>
          %swap3A_1271 = vector.shape_cast %mul3A_1264 : vector<16xf32> to vector<1x16xf32>
          tpu.vector_store %arg10[%swap3A_1267, %swap3A_1268], %swap3A_1271 {strides = array<i32>} : memref<80x128xf32, #tpu.memory_space<vmem>>, vector<1x16xf32>,
          %add3A_1272 = arith.constant 9 : i32
          %add3A_1273 = arith.addi %mul3A_126, %add3A_1272 : i32
          %get3A_1274 = arith.index_cast %add3A_1273 : i32 to index
          %get3A_1275 = arith.constant 48 : index
          %get3A_1276 = tpu.vector_load %arg10[%get3A_1274, %get3A_1275] {strides = array<i32>} : memref<80x128xf32, #tpu.memory_space<vmem>>, vector<1x16xf32>,
          %get3A_1277 = vector.shape_cast %get3A_1276 : vector<1x16xf32> to vector<16xf32>
          %mul3A_1278 = vector.broadcast %squeeze3A_1226 : f32 to vector<16xf32>
          %mul3A_1279 = arith.mulf %get3A_1277, %mul3A_1278 : vector<16xf32>
          %add3A_1280 = arith.constant 9 : i32
          %add3A_1281 = arith.addi %mul3A_126, %add3A_1280 : i32
          %swap3A_1282 = arith.index_cast %add3A_1281 : i32 to index
          %swap3A_1283 = arith.constant 48 : index
          %swap3A_1284 = tpu.vector_load %arg10[%swap3A_1282, %swap3A_1283] {strides = array<i32>} : memref<80x128xf32, #tpu.memory_space<vmem>>, vector<1x16xf32>,
          %swap3A_1285 = vector.shape_cast %swap3A_1284 : vector<1x16xf32> to vector<16xf32>
          %swap3A_1286 = vector.shape_cast %mul3A_1279 : vector<16xf32> to vector<1x16xf32>
          tpu.vector_store %arg10[%swap3A_1282, %swap3A_1283], %swap3A_1286 {strides = array<i32>} : memref<80x128xf32, #tpu.memory_space<vmem>>, vector<1x16xf32>,
          %add3A_1287 = arith.constant 9 : i32
          %add3A_1288 = arith.addi %mul3A_126, %add3A_1287 : i32
          %get3A_1289 = arith.index_cast %add3A_1288 : i32 to index
          %get3A_1290 = arith.constant 64 : index
          %get3A_1291 = tpu.vector_load %arg10[%get3A_1289, %get3A_1290] {strides = array<i32>} : memref<80x128xf32, #tpu.memory_space<vmem>>, vector<1x16xf32>,
          %get3A_1292 = vector.shape_cast %get3A_1291 : vector<1x16xf32> to vector<16xf32>
          %mul3A_1293 = vector.broadcast %squeeze3A_1226 : f32 to vector<16xf32>
          %mul3A_1294 = arith.mulf %get3A_1292, %mul3A_1293 : vector<16xf32>
          %add3A_1295 = arith.constant 9 : i32
          %add3A_1296 = arith.addi %mul3A_126, %add3A_1295 : i32
          %swap3A_1297 = arith.index_cast %add3A_1296 : i32 to index
          %swap3A_1298 = arith.constant 64 : index
          %swap3A_1299 = tpu.vector_load %arg10[%swap3A_1297, %swap3A_1298] {strides = array<i32>} : memref<80x128xf32, #tpu.memory_space<vmem>>, vector<1x16xf32>,
          %swap3A_1300 = vector.shape_cast %swap3A_1299 : vector<1x16xf32> to vector<16xf32>
          %swap3A_1301 = vector.shape_cast %mul3A_1294 : vector<16xf32> to vector<1x16xf32>
          tpu.vector_store %arg10[%swap3A_1297, %swap3A_1298], %swap3A_1301 {strides = array<i32>} : memref<80x128xf32, #tpu.memory_space<vmem>>, vector<1x16xf32>,
          %add3A_1302 = arith.constant 9 : i32
          %add3A_1303 = arith.addi %mul3A_126, %add3A_1302 : i32
          %get3A_1304 = arith.index_cast %add3A_1303 : i32 to index
          %get3A_1305 = arith.constant 80 : index
          %get3A_1306 = tpu.vector_load %arg10[%get3A_1304, %get3A_1305] {strides = array<i32>} : memref<80x128xf32, #tpu.memory_space<vmem>>, vector<1x16xf32>,
          %get3A_1307 = vector.shape_cast %get3A_1306 : vector<1x16xf32> to vector<16xf32>
          %mul3A_1308 = vector.broadcast %squeeze3A_1226 : f32 to vector<16xf32>
          %mul3A_1309 = arith.mulf %get3A_1307, %mul3A_1308 : vector<16xf32>
          %add3A_1310 = arith.constant 9 : i32
          %add3A_1311 = arith.addi %mul3A_126, %add3A_1310 : i32
          %swap3A_1312 = arith.index_cast %add3A_1311 : i32 to index
          %swap3A_1313 = arith.constant 80 : index
          %swap3A_1314 = tpu.vector_load %arg10[%swap3A_1312, %swap3A_1313] {strides = array<i32>} : memref<80x128xf32, #tpu.memory_space<vmem>>, vector<1x16xf32>,
          %swap3A_1315 = vector.shape_cast %swap3A_1314 : vector<1x16xf32> to vector<16xf32>
          %swap3A_1316 = vector.shape_cast %mul3A_1309 : vector<16xf32> to vector<1x16xf32>
          tpu.vector_store %arg10[%swap3A_1312, %swap3A_1313], %swap3A_1316 {strides = array<i32>} : memref<80x128xf32, #tpu.memory_space<vmem>>, vector<1x16xf32>,
          %add3A_1317 = arith.constant 9 : i32
          %add3A_1318 = arith.addi %mul3A_126, %add3A_1317 : i32
          %get3A_1319 = arith.index_cast %add3A_1318 : i32 to index
          %get3A_1320 = arith.constant 96 : index
          %get3A_1321 = tpu.vector_load %arg10[%get3A_1319, %get3A_1320] {strides = array<i32>} : memref<80x128xf32, #tpu.memory_space<vmem>>, vector<1x16xf32>,
          %get3A_1322 = vector.shape_cast %get3A_1321 : vector<1x16xf32> to vector<16xf32>
          %mul3A_1323 = vector.broadcast %squeeze3A_1226 : f32 to vector<16xf32>
          %mul3A_1324 = arith.mulf %get3A_1322, %mul3A_1323 : vector<16xf32>
          %add3A_1325 = arith.constant 9 : i32
          %add3A_1326 = arith.addi %mul3A_126, %add3A_1325 : i32
          %swap3A_1327 = arith.index_cast %add3A_1326 : i32 to index
          %swap3A_1328 = arith.constant 96 : index
          %swap3A_1329 = tpu.vector_load %arg10[%swap3A_1327, %swap3A_1328] {strides = array<i32>} : memref<80x128xf32, #tpu.memory_space<vmem>>, vector<1x16xf32>,
          %swap3A_1330 = vector.shape_cast %swap3A_1329 : vector<1x16xf32> to vector<16xf32>
          %swap3A_1331 = vector.shape_cast %mul3A_1324 : vector<16xf32> to vector<1x16xf32>
          tpu.vector_store %arg10[%swap3A_1327, %swap3A_1328], %swap3A_1331 {strides = array<i32>} : memref<80x128xf32, #tpu.memory_space<vmem>>, vector<1x16xf32>,
          %add3A_1332 = arith.constant 9 : i32
          %add3A_1333 = arith.addi %mul3A_126, %add3A_1332 : i32
          %get3A_1334 = arith.index_cast %add3A_1333 : i32 to index
          %get3A_1335 = arith.constant 112 : index
          %get3A_1336 = tpu.vector_load %arg10[%get3A_1334, %get3A_1335] {strides = array<i32>} : memref<80x128xf32, #tpu.memory_space<vmem>>, vector<1x16xf32>,
          %get3A_1337 = vector.shape_cast %get3A_1336 : vector<1x16xf32> to vector<16xf32>
          %mul3A_1338 = vector.broadcast %squeeze3A_1226 : f32 to vector<16xf32>
          %mul3A_1339 = arith.mulf %get3A_1337, %mul3A_1338 : vector<16xf32>
          %add3A_1340 = arith.constant 9 : i32
          %add3A_1341 = arith.addi %mul3A_126, %add3A_1340 : i32
          %swap3A_1342 = arith.index_cast %add3A_1341 : i32 to index
          %swap3A_1343 = arith.constant 112 : index
          %swap3A_1344 = tpu.vector_load %arg10[%swap3A_1342, %swap3A_1343] {strides = array<i32>} : memref<80x128xf32, #tpu.memory_space<vmem>>, vector<1x16xf32>,
          %swap3A_1345 = vector.shape_cast %swap3A_1344 : vector<1x16xf32> to vector<16xf32>
          %swap3A_1346 = vector.shape_cast %mul3A_1339 : vector<16xf32> to vector<1x16xf32>
          tpu.vector_store %arg10[%swap3A_1342, %swap3A_1343], %swap3A_1346 {strides = array<i32>} : memref<80x128xf32, #tpu.memory_space<vmem>>, vector<1x16xf32>,
          %slice3A_1347 = vector.extract_strided_slice %get3A_129 {offsets = [10], sizes = [1], strides = [1]} : vector<16xf32> to vector<1xf32>
          %squeeze3A_1348 = vector.extract %slice3A_1347[0] : f32 from vector<1xf32>
          %add3A_1349 = arith.constant 10 : i32
          %add3A_1350 = arith.addi %mul3A_126, %add3A_1349 : i32
          %get3A_1351 = arith.index_cast %add3A_1350 : i32 to index
          %get3A_1352 = arith.constant 0 : index
          %get3A_1353 = tpu.vector_load %arg10[%get3A_1351, %get3A_1352] {strides = array<i32>} : memref<80x128xf32, #tpu.memory_space<vmem>>, vector<1x16xf32>,
          %get3A_1354 = vector.shape_cast %get3A_1353 : vector<1x16xf32> to vector<16xf32>
          %mul3A_1355 = vector.broadcast %squeeze3A_1348 : f32 to vector<16xf32>
          %mul3A_1356 = arith.mulf %get3A_1354, %mul3A_1355 : vector<16xf32>
          %add3A_1357 = arith.constant 10 : i32
          %add3A_1358 = arith.addi %mul3A_126, %add3A_1357 : i32
          %swap3A_1359 = arith.index_cast %add3A_1358 : i32 to index
          %swap3A_1360 = arith.constant 0 : index
          %swap3A_1361 = tpu.vector_load %arg10[%swap3A_1359, %swap3A_1360] {strides = array<i32>} : memref<80x128xf32, #tpu.memory_space<vmem>>, vector<1x16xf32>,
          %swap3A_1362 = vector.shape_cast %swap3A_1361 : vector<1x16xf32> to vector<16xf32>
          %swap3A_1363 = vector.shape_cast %mul3A_1356 : vector<16xf32> to vector<1x16xf32>
          tpu.vector_store %arg10[%swap3A_1359, %swap3A_1360], %swap3A_1363 {strides = array<i32>} : memref<80x128xf32, #tpu.memory_space<vmem>>, vector<1x16xf32>,
          %add3A_1364 = arith.constant 10 : i32
          %add3A_1365 = arith.addi %mul3A_126, %add3A_1364 : i32
          %get3A_1366 = arith.index_cast %add3A_1365 : i32 to index
          %get3A_1367 = arith.constant 16 : index
          %get3A_1368 = tpu.vector_load %arg10[%get3A_1366, %get3A_1367] {strides = array<i32>} : memref<80x128xf32, #tpu.memory_space<vmem>>, vector<1x16xf32>,
          %get3A_1369 = vector.shape_cast %get3A_1368 : vector<1x16xf32> to vector<16xf32>
          %mul3A_1370 = vector.broadcast %squeeze3A_1348 : f32 to vector<16xf32>
          %mul3A_1371 = arith.mulf %get3A_1369, %mul3A_1370 : vector<16xf32>
          %add3A_1372 = arith.constant 10 : i32
          %add3A_1373 = arith.addi %mul3A_126, %add3A_1372 : i32
          %swap3A_1374 = arith.index_cast %add3A_1373 : i32 to index
          %swap3A_1375 = arith.constant 16 : index
          %swap3A_1376 = tpu.vector_load %arg10[%swap3A_1374, %swap3A_1375] {strides = array<i32>} : memref<80x128xf32, #tpu.memory_space<vmem>>, vector<1x16xf32>,
          %swap3A_1377 = vector.shape_cast %swap3A_1376 : vector<1x16xf32> to vector<16xf32>
          %swap3A_1378 = vector.shape_cast %mul3A_1371 : vector<16xf32> to vector<1x16xf32>
          tpu.vector_store %arg10[%swap3A_1374, %swap3A_1375], %swap3A_1378 {strides = array<i32>} : memref<80x128xf32, #tpu.memory_space<vmem>>, vector<1x16xf32>,
          %add3A_1379 = arith.constant 10 : i32
          %add3A_1380 = arith.addi %mul3A_126, %add3A_1379 : i32
          %get3A_1381 = arith.index_cast %add3A_1380 : i32 to index
          %get3A_1382 = arith.constant 32 : index
          %get3A_1383 = tpu.vector_load %arg10[%get3A_1381, %get3A_1382] {strides = array<i32>} : memref<80x128xf32, #tpu.memory_space<vmem>>, vector<1x16xf32>,
          %get3A_1384 = vector.shape_cast %get3A_1383 : vector<1x16xf32> to vector<16xf32>
          %mul3A_1385 = vector.broadcast %squeeze3A_1348 : f32 to vector<16xf32>
          %mul3A_1386 = arith.mulf %get3A_1384, %mul3A_1385 : vector<16xf32>
          %add3A_1387 = arith.constant 10 : i32
          %add3A_1388 = arith.addi %mul3A_126, %add3A_1387 : i32
          %swap3A_1389 = arith.index_cast %add3A_1388 : i32 to index
          %swap3A_1390 = arith.constant 32 : index
          %swap3A_1391 = tpu.vector_load %arg10[%swap3A_1389, %swap3A_1390] {strides = array<i32>} : memref<80x128xf32, #tpu.memory_space<vmem>>, vector<1x16xf32>,
          %swap3A_1392 = vector.shape_cast %swap3A_1391 : vector<1x16xf32> to vector<16xf32>
          %swap3A_1393 = vector.shape_cast %mul3A_1386 : vector<16xf32> to vector<1x16xf32>
          tpu.vector_store %arg10[%swap3A_1389, %swap3A_1390], %swap3A_1393 {strides = array<i32>} : memref<80x128xf32, #tpu.memory_space<vmem>>, vector<1x16xf32>,
          %add3A_1394 = arith.constant 10 : i32
          %add3A_1395 = arith.addi %mul3A_126, %add3A_1394 : i32
          %get3A_1396 = arith.index_cast %add3A_1395 : i32 to index
          %get3A_1397 = arith.constant 48 : index
          %get3A_1398 = tpu.vector_load %arg10[%get3A_1396, %get3A_1397] {strides = array<i32>} : memref<80x128xf32, #tpu.memory_space<vmem>>, vector<1x16xf32>,
          %get3A_1399 = vector.shape_cast %get3A_1398 : vector<1x16xf32> to vector<16xf32>
          %mul3A_1400 = vector.broadcast %squeeze3A_1348 : f32 to vector<16xf32>
          %mul3A_1401 = arith.mulf %get3A_1399, %mul3A_1400 : vector<16xf32>
          %add3A_1402 = arith.constant 10 : i32
          %add3A_1403 = arith.addi %mul3A_126, %add3A_1402 : i32
          %swap3A_1404 = arith.index_cast %add3A_1403 : i32 to index
          %swap3A_1405 = arith.constant 48 : index
          %swap3A_1406 = tpu.vector_load %arg10[%swap3A_1404, %swap3A_1405] {strides = array<i32>} : memref<80x128xf32, #tpu.memory_space<vmem>>, vector<1x16xf32>,
          %swap3A_1407 = vector.shape_cast %swap3A_1406 : vector<1x16xf32> to vector<16xf32>
          %swap3A_1408 = vector.shape_cast %mul3A_1401 : vector<16xf32> to vector<1x16xf32>
          tpu.vector_store %arg10[%swap3A_1404, %swap3A_1405], %swap3A_1408 {strides = array<i32>} : memref<80x128xf32, #tpu.memory_space<vmem>>, vector<1x16xf32>,
          %add3A_1409 = arith.constant 10 : i32
          %add3A_1410 = arith.addi %mul3A_126, %add3A_1409 : i32
          %get3A_1411 = arith.index_cast %add3A_1410 : i32 to index
          %get3A_1412 = arith.constant 64 : index
          %get3A_1413 = tpu.vector_load %arg10[%get3A_1411, %get3A_1412] {strides = array<i32>} : memref<80x128xf32, #tpu.memory_space<vmem>>, vector<1x16xf32>,
          %get3A_1414 = vector.shape_cast %get3A_1413 : vector<1x16xf32> to vector<16xf32>
          %mul3A_1415 = vector.broadcast %squeeze3A_1348 : f32 to vector<16xf32>
          %mul3A_1416 = arith.mulf %get3A_1414, %mul3A_1415 : vector<16xf32>
          %add3A_1417 = arith.constant 10 : i32
          %add3A_1418 = arith.addi %mul3A_126, %add3A_1417 : i32
          %swap3A_1419 = arith.index_cast %add3A_1418 : i32 to index
          %swap3A_1420 = arith.constant 64 : index
          %swap3A_1421 = tpu.vector_load %arg10[%swap3A_1419, %swap3A_1420] {strides = array<i32>} : memref<80x128xf32, #tpu.memory_space<vmem>>, vector<1x16xf32>,
          %swap3A_1422 = vector.shape_cast %swap3A_1421 : vector<1x16xf32> to vector<16xf32>
          %swap3A_1423 = vector.shape_cast %mul3A_1416 : vector<16xf32> to vector<1x16xf32>
          tpu.vector_store %arg10[%swap3A_1419, %swap3A_1420], %swap3A_1423 {strides = array<i32>} : memref<80x128xf32, #tpu.memory_space<vmem>>, vector<1x16xf32>,
          %add3A_1424 = arith.constant 10 : i32
          %add3A_1425 = arith.addi %mul3A_126, %add3A_1424 : i32
          %get3A_1426 = arith.index_cast %add3A_1425 : i32 to index
          %get3A_1427 = arith.constant 80 : index
          %get3A_1428 = tpu.vector_load %arg10[%get3A_1426, %get3A_1427] {strides = array<i32>} : memref<80x128xf32, #tpu.memory_space<vmem>>, vector<1x16xf32>,
          %get3A_1429 = vector.shape_cast %get3A_1428 : vector<1x16xf32> to vector<16xf32>
          %mul3A_1430 = vector.broadcast %squeeze3A_1348 : f32 to vector<16xf32>
          %mul3A_1431 = arith.mulf %get3A_1429, %mul3A_1430 : vector<16xf32>
          %add3A_1432 = arith.constant 10 : i32
          %add3A_1433 = arith.addi %mul3A_126, %add3A_1432 : i32
          %swap3A_1434 = arith.index_cast %add3A_1433 : i32 to index
          %swap3A_1435 = arith.constant 80 : index
          %swap3A_1436 = tpu.vector_load %arg10[%swap3A_1434, %swap3A_1435] {strides = array<i32>} : memref<80x128xf32, #tpu.memory_space<vmem>>, vector<1x16xf32>,
          %swap3A_1437 = vector.shape_cast %swap3A_1436 : vector<1x16xf32> to vector<16xf32>
          %swap3A_1438 = vector.shape_cast %mul3A_1431 : vector<16xf32> to vector<1x16xf32>
          tpu.vector_store %arg10[%swap3A_1434, %swap3A_1435], %swap3A_1438 {strides = array<i32>} : memref<80x128xf32, #tpu.memory_space<vmem>>, vector<1x16xf32>,
          %add3A_1439 = arith.constant 10 : i32
          %add3A_1440 = arith.addi %mul3A_126, %add3A_1439 : i32
          %get3A_1441 = arith.index_cast %add3A_1440 : i32 to index
          %get3A_1442 = arith.constant 96 : index
          %get3A_1443 = tpu.vector_load %arg10[%get3A_1441, %get3A_1442] {strides = array<i32>} : memref<80x128xf32, #tpu.memory_space<vmem>>, vector<1x16xf32>,
          %get3A_1444 = vector.shape_cast %get3A_1443 : vector<1x16xf32> to vector<16xf32>
          %mul3A_1445 = vector.broadcast %squeeze3A_1348 : f32 to vector<16xf32>
          %mul3A_1446 = arith.mulf %get3A_1444, %mul3A_1445 : vector<16xf32>
          %add3A_1447 = arith.constant 10 : i32
          %add3A_1448 = arith.addi %mul3A_126, %add3A_1447 : i32
          %swap3A_1449 = arith.index_cast %add3A_1448 : i32 to index
          %swap3A_1450 = arith.constant 96 : index
          %swap3A_1451 = tpu.vector_load %arg10[%swap3A_1449, %swap3A_1450] {strides = array<i32>} : memref<80x128xf32, #tpu.memory_space<vmem>>, vector<1x16xf32>,
          %swap3A_1452 = vector.shape_cast %swap3A_1451 : vector<1x16xf32> to vector<16xf32>
          %swap3A_1453 = vector.shape_cast %mul3A_1446 : vector<16xf32> to vector<1x16xf32>
          tpu.vector_store %arg10[%swap3A_1449, %swap3A_1450], %swap3A_1453 {strides = array<i32>} : memref<80x128xf32, #tpu.memory_space<vmem>>, vector<1x16xf32>,
          %add3A_1454 = arith.constant 10 : i32
          %add3A_1455 = arith.addi %mul3A_126, %add3A_1454 : i32
          %get3A_1456 = arith.index_cast %add3A_1455 : i32 to index
          %get3A_1457 = arith.constant 112 : index
          %get3A_1458 = tpu.vector_load %arg10[%get3A_1456, %get3A_1457] {strides = array<i32>} : memref<80x128xf32, #tpu.memory_space<vmem>>, vector<1x16xf32>,
          %get3A_1459 = vector.shape_cast %get3A_1458 : vector<1x16xf32> to vector<16xf32>
          %mul3A_1460 = vector.broadcast %squeeze3A_1348 : f32 to vector<16xf32>
          %mul3A_1461 = arith.mulf %get3A_1459, %mul3A_1460 : vector<16xf32>
          %add3A_1462 = arith.constant 10 : i32
          %add3A_1463 = arith.addi %mul3A_126, %add3A_1462 : i32
          %swap3A_1464 = arith.index_cast %add3A_1463 : i32 to index
          %swap3A_1465 = arith.constant 112 : index
          %swap3A_1466 = tpu.vector_load %arg10[%swap3A_1464, %swap3A_1465] {strides = array<i32>} : memref<80x128xf32, #tpu.memory_space<vmem>>, vector<1x16xf32>,
          %swap3A_1467 = vector.shape_cast %swap3A_1466 : vector<1x16xf32> to vector<16xf32>
          %swap3A_1468 = vector.shape_cast %mul3A_1461 : vector<16xf32> to vector<1x16xf32>
          tpu.vector_store %arg10[%swap3A_1464, %swap3A_1465], %swap3A_1468 {strides = array<i32>} : memref<80x128xf32, #tpu.memory_space<vmem>>, vector<1x16xf32>,
          %slice3A_1469 = vector.extract_strided_slice %get3A_129 {offsets = [11], sizes = [1], strides = [1]} : vector<16xf32> to vector<1xf32>
          %squeeze3A_1470 = vector.extract %slice3A_1469[0] : f32 from vector<1xf32>
          %add3A_1471 = arith.constant 11 : i32
          %add3A_1472 = arith.addi %mul3A_126, %add3A_1471 : i32
          %get3A_1473 = arith.index_cast %add3A_1472 : i32 to index
          %get3A_1474 = arith.constant 0 : index
          %get3A_1475 = tpu.vector_load %arg10[%get3A_1473, %get3A_1474] {strides = array<i32>} : memref<80x128xf32, #tpu.memory_space<vmem>>, vector<1x16xf32>,
          %get3A_1476 = vector.shape_cast %get3A_1475 : vector<1x16xf32> to vector<16xf32>
          %mul3A_1477 = vector.broadcast %squeeze3A_1470 : f32 to vector<16xf32>
          %mul3A_1478 = arith.mulf %get3A_1476, %mul3A_1477 : vector<16xf32>
          %add3A_1479 = arith.constant 11 : i32
          %add3A_1480 = arith.addi %mul3A_126, %add3A_1479 : i32
          %swap3A_1481 = arith.index_cast %add3A_1480 : i32 to index
          %swap3A_1482 = arith.constant 0 : index
          %swap3A_1483 = tpu.vector_load %arg10[%swap3A_1481, %swap3A_1482] {strides = array<i32>} : memref<80x128xf32, #tpu.memory_space<vmem>>, vector<1x16xf32>,
          %swap3A_1484 = vector.shape_cast %swap3A_1483 : vector<1x16xf32> to vector<16xf32>
          %swap3A_1485 = vector.shape_cast %mul3A_1478 : vector<16xf32> to vector<1x16xf32>
          tpu.vector_store %arg10[%swap3A_1481, %swap3A_1482], %swap3A_1485 {strides = array<i32>} : memref<80x128xf32, #tpu.memory_space<vmem>>, vector<1x16xf32>,
          %add3A_1486 = arith.constant 11 : i32
          %add3A_1487 = arith.addi %mul3A_126, %add3A_1486 : i32
          %get3A_1488 = arith.index_cast %add3A_1487 : i32 to index
          %get3A_1489 = arith.constant 16 : index
          %get3A_1490 = tpu.vector_load %arg10[%get3A_1488, %get3A_1489] {strides = array<i32>} : memref<80x128xf32, #tpu.memory_space<vmem>>, vector<1x16xf32>,
          %get3A_1491 = vector.shape_cast %get3A_1490 : vector<1x16xf32> to vector<16xf32>
          %mul3A_1492 = vector.broadcast %squeeze3A_1470 : f32 to vector<16xf32>
          %mul3A_1493 = arith.mulf %get3A_1491, %mul3A_1492 : vector<16xf32>
          %add3A_1494 = arith.constant 11 : i32
          %add3A_1495 = arith.addi %mul3A_126, %add3A_1494 : i32
          %swap3A_1496 = arith.index_cast %add3A_1495 : i32 to index
          %swap3A_1497 = arith.constant 16 : index
          %swap3A_1498 = tpu.vector_load %arg10[%swap3A_1496, %swap3A_1497] {strides = array<i32>} : memref<80x128xf32, #tpu.memory_space<vmem>>, vector<1x16xf32>,
          %swap3A_1499 = vector.shape_cast %swap3A_1498 : vector<1x16xf32> to vector<16xf32>
          %swap3A_1500 = vector.shape_cast %mul3A_1493 : vector<16xf32> to vector<1x16xf32>
          tpu.vector_store %arg10[%swap3A_1496, %swap3A_1497], %swap3A_1500 {strides = array<i32>} : memref<80x128xf32, #tpu.memory_space<vmem>>, vector<1x16xf32>,
          %add3A_1501 = arith.constant 11 : i32
          %add3A_1502 = arith.addi %mul3A_126, %add3A_1501 : i32
          %get3A_1503 = arith.index_cast %add3A_1502 : i32 to index
          %get3A_1504 = arith.constant 32 : index
          %get3A_1505 = tpu.vector_load %arg10[%get3A_1503, %get3A_1504] {strides = array<i32>} : memref<80x128xf32, #tpu.memory_space<vmem>>, vector<1x16xf32>,
          %get3A_1506 = vector.shape_cast %get3A_1505 : vector<1x16xf32> to vector<16xf32>
          %mul3A_1507 = vector.broadcast %squeeze3A_1470 : f32 to vector<16xf32>
          %mul3A_1508 = arith.mulf %get3A_1506, %mul3A_1507 : vector<16xf32>
          %add3A_1509 = arith.constant 11 : i32
          %add3A_1510 = arith.addi %mul3A_126, %add3A_1509 : i32
          %swap3A_1511 = arith.index_cast %add3A_1510 : i32 to index
          %swap3A_1512 = arith.constant 32 : index
          %swap3A_1513 = tpu.vector_load %arg10[%swap3A_1511, %swap3A_1512] {strides = array<i32>} : memref<80x128xf32, #tpu.memory_space<vmem>>, vector<1x16xf32>,
          %swap3A_1514 = vector.shape_cast %swap3A_1513 : vector<1x16xf32> to vector<16xf32>
          %swap3A_1515 = vector.shape_cast %mul3A_1508 : vector<16xf32> to vector<1x16xf32>
          tpu.vector_store %arg10[%swap3A_1511, %swap3A_1512], %swap3A_1515 {strides = array<i32>} : memref<80x128xf32, #tpu.memory_space<vmem>>, vector<1x16xf32>,
          %add3A_1516 = arith.constant 11 : i32
          %add3A_1517 = arith.addi %mul3A_126, %add3A_1516 : i32
          %get3A_1518 = arith.index_cast %add3A_1517 : i32 to index
          %get3A_1519 = arith.constant 48 : index
          %get3A_1520 = tpu.vector_load %arg10[%get3A_1518, %get3A_1519] {strides = array<i32>} : memref<80x128xf32, #tpu.memory_space<vmem>>, vector<1x16xf32>,
          %get3A_1521 = vector.shape_cast %get3A_1520 : vector<1x16xf32> to vector<16xf32>
          %mul3A_1522 = vector.broadcast %squeeze3A_1470 : f32 to vector<16xf32>
          %mul3A_1523 = arith.mulf %get3A_1521, %mul3A_1522 : vector<16xf32>
          %add3A_1524 = arith.constant 11 : i32
          %add3A_1525 = arith.addi %mul3A_126, %add3A_1524 : i32
          %swap3A_1526 = arith.index_cast %add3A_1525 : i32 to index
          %swap3A_1527 = arith.constant 48 : index
          %swap3A_1528 = tpu.vector_load %arg10[%swap3A_1526, %swap3A_1527] {strides = array<i32>} : memref<80x128xf32, #tpu.memory_space<vmem>>, vector<1x16xf32>,
          %swap3A_1529 = vector.shape_cast %swap3A_1528 : vector<1x16xf32> to vector<16xf32>
          %swap3A_1530 = vector.shape_cast %mul3A_1523 : vector<16xf32> to vector<1x16xf32>
          tpu.vector_store %arg10[%swap3A_1526, %swap3A_1527], %swap3A_1530 {strides = array<i32>} : memref<80x128xf32, #tpu.memory_space<vmem>>, vector<1x16xf32>,
          %add3A_1531 = arith.constant 11 : i32
          %add3A_1532 = arith.addi %mul3A_126, %add3A_1531 : i32
          %get3A_1533 = arith.index_cast %add3A_1532 : i32 to index
          %get3A_1534 = arith.constant 64 : index
          %get3A_1535 = tpu.vector_load %arg10[%get3A_1533, %get3A_1534] {strides = array<i32>} : memref<80x128xf32, #tpu.memory_space<vmem>>, vector<1x16xf32>,
          %get3A_1536 = vector.shape_cast %get3A_1535 : vector<1x16xf32> to vector<16xf32>
          %mul3A_1537 = vector.broadcast %squeeze3A_1470 : f32 to vector<16xf32>
          %mul3A_1538 = arith.mulf %get3A_1536, %mul3A_1537 : vector<16xf32>
          %add3A_1539 = arith.constant 11 : i32
          %add3A_1540 = arith.addi %mul3A_126, %add3A_1539 : i32
          %swap3A_1541 = arith.index_cast %add3A_1540 : i32 to index
          %swap3A_1542 = arith.constant 64 : index
          %swap3A_1543 = tpu.vector_load %arg10[%swap3A_1541, %swap3A_1542] {strides = array<i32>} : memref<80x128xf32, #tpu.memory_space<vmem>>, vector<1x16xf32>,
          %swap3A_1544 = vector.shape_cast %swap3A_1543 : vector<1x16xf32> to vector<16xf32>
          %swap3A_1545 = vector.shape_cast %mul3A_1538 : vector<16xf32> to vector<1x16xf32>
          tpu.vector_store %arg10[%swap3A_1541, %swap3A_1542], %swap3A_1545 {strides = array<i32>} : memref<80x128xf32, #tpu.memory_space<vmem>>, vector<1x16xf32>,
          %add3A_1546 = arith.constant 11 : i32
          %add3A_1547 = arith.addi %mul3A_126, %add3A_1546 : i32
          %get3A_1548 = arith.index_cast %add3A_1547 : i32 to index
          %get3A_1549 = arith.constant 80 : index
          %get3A_1550 = tpu.vector_load %arg10[%get3A_1548, %get3A_1549] {strides = array<i32>} : memref<80x128xf32, #tpu.memory_space<vmem>>, vector<1x16xf32>,
          %get3A_1551 = vector.shape_cast %get3A_1550 : vector<1x16xf32> to vector<16xf32>
          %mul3A_1552 = vector.broadcast %squeeze3A_1470 : f32 to vector<16xf32>
          %mul3A_1553 = arith.mulf %get3A_1551, %mul3A_1552 : vector<16xf32>
          %add3A_1554 = arith.constant 11 : i32
          %add3A_1555 = arith.addi %mul3A_126, %add3A_1554 : i32
          %swap3A_1556 = arith.index_cast %add3A_1555 : i32 to index
          %swap3A_1557 = arith.constant 80 : index
          %swap3A_1558 = tpu.vector_load %arg10[%swap3A_1556, %swap3A_1557] {strides = array<i32>} : memref<80x128xf32, #tpu.memory_space<vmem>>, vector<1x16xf32>,
          %swap3A_1559 = vector.shape_cast %swap3A_1558 : vector<1x16xf32> to vector<16xf32>
          %swap3A_1560 = vector.shape_cast %mul3A_1553 : vector<16xf32> to vector<1x16xf32>
          tpu.vector_store %arg10[%swap3A_1556, %swap3A_1557], %swap3A_1560 {strides = array<i32>} : memref<80x128xf32, #tpu.memory_space<vmem>>, vector<1x16xf32>,
          %add3A_1561 = arith.constant 11 : i32
          %add3A_1562 = arith.addi %mul3A_126, %add3A_1561 : i32
          %get3A_1563 = arith.index_cast %add3A_1562 : i32 to index
          %get3A_1564 = arith.constant 96 : index
          %get3A_1565 = tpu.vector_load %arg10[%get3A_1563, %get3A_1564] {strides = array<i32>} : memref<80x128xf32, #tpu.memory_space<vmem>>, vector<1x16xf32>,
          %get3A_1566 = vector.shape_cast %get3A_1565 : vector<1x16xf32> to vector<16xf32>
          %mul3A_1567 = vector.broadcast %squeeze3A_1470 : f32 to vector<16xf32>
          %mul3A_1568 = arith.mulf %get3A_1566, %mul3A_1567 : vector<16xf32>
          %add3A_1569 = arith.constant 11 : i32
          %add3A_1570 = arith.addi %mul3A_126, %add3A_1569 : i32
          %swap3A_1571 = arith.index_cast %add3A_1570 : i32 to index
          %swap3A_1572 = arith.constant 96 : index
          %swap3A_1573 = tpu.vector_load %arg10[%swap3A_1571, %swap3A_1572] {strides = array<i32>} : memref<80x128xf32, #tpu.memory_space<vmem>>, vector<1x16xf32>,
          %swap3A_1574 = vector.shape_cast %swap3A_1573 : vector<1x16xf32> to vector<16xf32>
          %swap3A_1575 = vector.shape_cast %mul3A_1568 : vector<16xf32> to vector<1x16xf32>
          tpu.vector_store %arg10[%swap3A_1571, %swap3A_1572], %swap3A_1575 {strides = array<i32>} : memref<80x128xf32, #tpu.memory_space<vmem>>, vector<1x16xf32>,
          %add3A_1576 = arith.constant 11 : i32
          %add3A_1577 = arith.addi %mul3A_126, %add3A_1576 : i32
          %get3A_1578 = arith.index_cast %add3A_1577 : i32 to index
          %get3A_1579 = arith.constant 112 : index
          %get3A_1580 = tpu.vector_load %arg10[%get3A_1578, %get3A_1579] {strides = array<i32>} : memref<80x128xf32, #tpu.memory_space<vmem>>, vector<1x16xf32>,
          %get3A_1581 = vector.shape_cast %get3A_1580 : vector<1x16xf32> to vector<16xf32>
          %mul3A_1582 = vector.broadcast %squeeze3A_1470 : f32 to vector<16xf32>
          %mul3A_1583 = arith.mulf %get3A_1581, %mul3A_1582 : vector<16xf32>
          %add3A_1584 = arith.constant 11 : i32
          %add3A_1585 = arith.addi %mul3A_126, %add3A_1584 : i32
          %swap3A_1586 = arith.index_cast %add3A_1585 : i32 to index
          %swap3A_1587 = arith.constant 112 : index
          %swap3A_1588 = tpu.vector_load %arg10[%swap3A_1586, %swap3A_1587] {strides = array<i32>} : memref<80x128xf32, #tpu.memory_space<vmem>>, vector<1x16xf32>,
          %swap3A_1589 = vector.shape_cast %swap3A_1588 : vector<1x16xf32> to vector<16xf32>
          %swap3A_1590 = vector.shape_cast %mul3A_1583 : vector<16xf32> to vector<1x16xf32>
          tpu.vector_store %arg10[%swap3A_1586, %swap3A_1587], %swap3A_1590 {strides = array<i32>} : memref<80x128xf32, #tpu.memory_space<vmem>>, vector<1x16xf32>,
          %slice3A_1591 = vector.extract_strided_slice %get3A_129 {offsets = [12], sizes = [1], strides = [1]} : vector<16xf32> to vector<1xf32>
          %squeeze3A_1592 = vector.extract %slice3A_1591[0] : f32 from vector<1xf32>
          %add3A_1593 = arith.constant 12 : i32
          %add3A_1594 = arith.addi %mul3A_126, %add3A_1593 : i32
          %get3A_1595 = arith.index_cast %add3A_1594 : i32 to index
          %get3A_1596 = arith.constant 0 : index
          %get3A_1597 = tpu.vector_load %arg10[%get3A_1595, %get3A_1596] {strides = array<i32>} : memref<80x128xf32, #tpu.memory_space<vmem>>, vector<1x16xf32>,
          %get3A_1598 = vector.shape_cast %get3A_1597 : vector<1x16xf32> to vector<16xf32>
          %mul3A_1599 = vector.broadcast %squeeze3A_1592 : f32 to vector<16xf32>
          %mul3A_1600 = arith.mulf %get3A_1598, %mul3A_1599 : vector<16xf32>
          %add3A_1601 = arith.constant 12 : i32
          %add3A_1602 = arith.addi %mul3A_126, %add3A_1601 : i32
          %swap3A_1603 = arith.index_cast %add3A_1602 : i32 to index
          %swap3A_1604 = arith.constant 0 : index
          %swap3A_1605 = tpu.vector_load %arg10[%swap3A_1603, %swap3A_1604] {strides = array<i32>} : memref<80x128xf32, #tpu.memory_space<vmem>>, vector<1x16xf32>,
          %swap3A_1606 = vector.shape_cast %swap3A_1605 : vector<1x16xf32> to vector<16xf32>
          %swap3A_1607 = vector.shape_cast %mul3A_1600 : vector<16xf32> to vector<1x16xf32>
          tpu.vector_store %arg10[%swap3A_1603, %swap3A_1604], %swap3A_1607 {strides = array<i32>} : memref<80x128xf32, #tpu.memory_space<vmem>>, vector<1x16xf32>,
          %add3A_1608 = arith.constant 12 : i32
          %add3A_1609 = arith.addi %mul3A_126, %add3A_1608 : i32
          %get3A_1610 = arith.index_cast %add3A_1609 : i32 to index
          %get3A_1611 = arith.constant 16 : index
          %get3A_1612 = tpu.vector_load %arg10[%get3A_1610, %get3A_1611] {strides = array<i32>} : memref<80x128xf32, #tpu.memory_space<vmem>>, vector<1x16xf32>,
          %get3A_1613 = vector.shape_cast %get3A_1612 : vector<1x16xf32> to vector<16xf32>
          %mul3A_1614 = vector.broadcast %squeeze3A_1592 : f32 to vector<16xf32>
          %mul3A_1615 = arith.mulf %get3A_1613, %mul3A_1614 : vector<16xf32>
          %add3A_1616 = arith.constant 12 : i32
          %add3A_1617 = arith.addi %mul3A_126, %add3A_1616 : i32
          %swap3A_1618 = arith.index_cast %add3A_1617 : i32 to index
          %swap3A_1619 = arith.constant 16 : index
          %swap3A_1620 = tpu.vector_load %arg10[%swap3A_1618, %swap3A_1619] {strides = array<i32>} : memref<80x128xf32, #tpu.memory_space<vmem>>, vector<1x16xf32>,
          %swap3A_1621 = vector.shape_cast %swap3A_1620 : vector<1x16xf32> to vector<16xf32>
          %swap3A_1622 = vector.shape_cast %mul3A_1615 : vector<16xf32> to vector<1x16xf32>
          tpu.vector_store %arg10[%swap3A_1618, %swap3A_1619], %swap3A_1622 {strides = array<i32>} : memref<80x128xf32, #tpu.memory_space<vmem>>, vector<1x16xf32>,
          %add3A_1623 = arith.constant 12 : i32
          %add3A_1624 = arith.addi %mul3A_126, %add3A_1623 : i32
          %get3A_1625 = arith.index_cast %add3A_1624 : i32 to index
          %get3A_1626 = arith.constant 32 : index
          %get3A_1627 = tpu.vector_load %arg10[%get3A_1625, %get3A_1626] {strides = array<i32>} : memref<80x128xf32, #tpu.memory_space<vmem>>, vector<1x16xf32>,
          %get3A_1628 = vector.shape_cast %get3A_1627 : vector<1x16xf32> to vector<16xf32>
          %mul3A_1629 = vector.broadcast %squeeze3A_1592 : f32 to vector<16xf32>
          %mul3A_1630 = arith.mulf %get3A_1628, %mul3A_1629 : vector<16xf32>
          %add3A_1631 = arith.constant 12 : i32
          %add3A_1632 = arith.addi %mul3A_126, %add3A_1631 : i32
          %swap3A_1633 = arith.index_cast %add3A_1632 : i32 to index
          %swap3A_1634 = arith.constant 32 : index
          %swap3A_1635 = tpu.vector_load %arg10[%swap3A_1633, %swap3A_1634] {strides = array<i32>} : memref<80x128xf32, #tpu.memory_space<vmem>>, vector<1x16xf32>,
          %swap3A_1636 = vector.shape_cast %swap3A_1635 : vector<1x16xf32> to vector<16xf32>
          %swap3A_1637 = vector.shape_cast %mul3A_1630 : vector<16xf32> to vector<1x16xf32>
          tpu.vector_store %arg10[%swap3A_1633, %swap3A_1634], %swap3A_1637 {strides = array<i32>} : memref<80x128xf32, #tpu.memory_space<vmem>>, vector<1x16xf32>,
          %add3A_1638 = arith.constant 12 : i32
          %add3A_1639 = arith.addi %mul3A_126, %add3A_1638 : i32
          %get3A_1640 = arith.index_cast %add3A_1639 : i32 to index
          %get3A_1641 = arith.constant 48 : index
          %get3A_1642 = tpu.vector_load %arg10[%get3A_1640, %get3A_1641] {strides = array<i32>} : memref<80x128xf32, #tpu.memory_space<vmem>>, vector<1x16xf32>,
          %get3A_1643 = vector.shape_cast %get3A_1642 : vector<1x16xf32> to vector<16xf32>
          %mul3A_1644 = vector.broadcast %squeeze3A_1592 : f32 to vector<16xf32>
          %mul3A_1645 = arith.mulf %get3A_1643, %mul3A_1644 : vector<16xf32>
          %add3A_1646 = arith.constant 12 : i32
          %add3A_1647 = arith.addi %mul3A_126, %add3A_1646 : i32
          %swap3A_1648 = arith.index_cast %add3A_1647 : i32 to index
          %swap3A_1649 = arith.constant 48 : index
          %swap3A_1650 = tpu.vector_load %arg10[%swap3A_1648, %swap3A_1649] {strides = array<i32>} : memref<80x128xf32, #tpu.memory_space<vmem>>, vector<1x16xf32>,
          %swap3A_1651 = vector.shape_cast %swap3A_1650 : vector<1x16xf32> to vector<16xf32>
          %swap3A_1652 = vector.shape_cast %mul3A_1645 : vector<16xf32> to vector<1x16xf32>
          tpu.vector_store %arg10[%swap3A_1648, %swap3A_1649], %swap3A_1652 {strides = array<i32>} : memref<80x128xf32, #tpu.memory_space<vmem>>, vector<1x16xf32>,
          %add3A_1653 = arith.constant 12 : i32
          %add3A_1654 = arith.addi %mul3A_126, %add3A_1653 : i32
          %get3A_1655 = arith.index_cast %add3A_1654 : i32 to index
          %get3A_1656 = arith.constant 64 : index
          %get3A_1657 = tpu.vector_load %arg10[%get3A_1655, %get3A_1656] {strides = array<i32>} : memref<80x128xf32, #tpu.memory_space<vmem>>, vector<1x16xf32>,
          %get3A_1658 = vector.shape_cast %get3A_1657 : vector<1x16xf32> to vector<16xf32>
          %mul3A_1659 = vector.broadcast %squeeze3A_1592 : f32 to vector<16xf32>
          %mul3A_1660 = arith.mulf %get3A_1658, %mul3A_1659 : vector<16xf32>
          %add3A_1661 = arith.constant 12 : i32
          %add3A_1662 = arith.addi %mul3A_126, %add3A_1661 : i32
          %swap3A_1663 = arith.index_cast %add3A_1662 : i32 to index
          %swap3A_1664 = arith.constant 64 : index
          %swap3A_1665 = tpu.vector_load %arg10[%swap3A_1663, %swap3A_1664] {strides = array<i32>} : memref<80x128xf32, #tpu.memory_space<vmem>>, vector<1x16xf32>,
          %swap3A_1666 = vector.shape_cast %swap3A_1665 : vector<1x16xf32> to vector<16xf32>
          %swap3A_1667 = vector.shape_cast %mul3A_1660 : vector<16xf32> to vector<1x16xf32>
          tpu.vector_store %arg10[%swap3A_1663, %swap3A_1664], %swap3A_1667 {strides = array<i32>} : memref<80x128xf32, #tpu.memory_space<vmem>>, vector<1x16xf32>,
          %add3A_1668 = arith.constant 12 : i32
          %add3A_1669 = arith.addi %mul3A_126, %add3A_1668 : i32
          %get3A_1670 = arith.index_cast %add3A_1669 : i32 to index
          %get3A_1671 = arith.constant 80 : index
          %get3A_1672 = tpu.vector_load %arg10[%get3A_1670, %get3A_1671] {strides = array<i32>} : memref<80x128xf32, #tpu.memory_space<vmem>>, vector<1x16xf32>,
          %get3A_1673 = vector.shape_cast %get3A_1672 : vector<1x16xf32> to vector<16xf32>
          %mul3A_1674 = vector.broadcast %squeeze3A_1592 : f32 to vector<16xf32>
          %mul3A_1675 = arith.mulf %get3A_1673, %mul3A_1674 : vector<16xf32>
          %add3A_1676 = arith.constant 12 : i32
          %add3A_1677 = arith.addi %mul3A_126, %add3A_1676 : i32
          %swap3A_1678 = arith.index_cast %add3A_1677 : i32 to index
          %swap3A_1679 = arith.constant 80 : index
          %swap3A_1680 = tpu.vector_load %arg10[%swap3A_1678, %swap3A_1679] {strides = array<i32>} : memref<80x128xf32, #tpu.memory_space<vmem>>, vector<1x16xf32>,
          %swap3A_1681 = vector.shape_cast %swap3A_1680 : vector<1x16xf32> to vector<16xf32>
          %swap3A_1682 = vector.shape_cast %mul3A_1675 : vector<16xf32> to vector<1x16xf32>
          tpu.vector_store %arg10[%swap3A_1678, %swap3A_1679], %swap3A_1682 {strides = array<i32>} : memref<80x128xf32, #tpu.memory_space<vmem>>, vector<1x16xf32>,
          %add3A_1683 = arith.constant 12 : i32
          %add3A_1684 = arith.addi %mul3A_126, %add3A_1683 : i32
          %get3A_1685 = arith.index_cast %add3A_1684 : i32 to index
          %get3A_1686 = arith.constant 96 : index
          %get3A_1687 = tpu.vector_load %arg10[%get3A_1685, %get3A_1686] {strides = array<i32>} : memref<80x128xf32, #tpu.memory_space<vmem>>, vector<1x16xf32>,
          %get3A_1688 = vector.shape_cast %get3A_1687 : vector<1x16xf32> to vector<16xf32>
          %mul3A_1689 = vector.broadcast %squeeze3A_1592 : f32 to vector<16xf32>
          %mul3A_1690 = arith.mulf %get3A_1688, %mul3A_1689 : vector<16xf32>
          %add3A_1691 = arith.constant 12 : i32
          %add3A_1692 = arith.addi %mul3A_126, %add3A_1691 : i32
          %swap3A_1693 = arith.index_cast %add3A_1692 : i32 to index
          %swap3A_1694 = arith.constant 96 : index
          %swap3A_1695 = tpu.vector_load %arg10[%swap3A_1693, %swap3A_1694] {strides = array<i32>} : memref<80x128xf32, #tpu.memory_space<vmem>>, vector<1x16xf32>,
          %swap3A_1696 = vector.shape_cast %swap3A_1695 : vector<1x16xf32> to vector<16xf32>
          %swap3A_1697 = vector.shape_cast %mul3A_1690 : vector<16xf32> to vector<1x16xf32>
          tpu.vector_store %arg10[%swap3A_1693, %swap3A_1694], %swap3A_1697 {strides = array<i32>} : memref<80x128xf32, #tpu.memory_space<vmem>>, vector<1x16xf32>,
          %add3A_1698 = arith.constant 12 : i32
          %add3A_1699 = arith.addi %mul3A_126, %add3A_1698 : i32
          %get3A_1700 = arith.index_cast %add3A_1699 : i32 to index
          %get3A_1701 = arith.constant 112 : index
          %get3A_1702 = tpu.vector_load %arg10[%get3A_1700, %get3A_1701] {strides = array<i32>} : memref<80x128xf32, #tpu.memory_space<vmem>>, vector<1x16xf32>,
          %get3A_1703 = vector.shape_cast %get3A_1702 : vector<1x16xf32> to vector<16xf32>
          %mul3A_1704 = vector.broadcast %squeeze3A_1592 : f32 to vector<16xf32>
          %mul3A_1705 = arith.mulf %get3A_1703, %mul3A_1704 : vector<16xf32>
          %add3A_1706 = arith.constant 12 : i32
          %add3A_1707 = arith.addi %mul3A_126, %add3A_1706 : i32
          %swap3A_1708 = arith.index_cast %add3A_1707 : i32 to index
          %swap3A_1709 = arith.constant 112 : index
          %swap3A_1710 = tpu.vector_load %arg10[%swap3A_1708, %swap3A_1709] {strides = array<i32>} : memref<80x128xf32, #tpu.memory_space<vmem>>, vector<1x16xf32>,
          %swap3A_1711 = vector.shape_cast %swap3A_1710 : vector<1x16xf32> to vector<16xf32>
          %swap3A_1712 = vector.shape_cast %mul3A_1705 : vector<16xf32> to vector<1x16xf32>
          tpu.vector_store %arg10[%swap3A_1708, %swap3A_1709], %swap3A_1712 {strides = array<i32>} : memref<80x128xf32, #tpu.memory_space<vmem>>, vector<1x16xf32>,
          %slice3A_1713 = vector.extract_strided_slice %get3A_129 {offsets = [13], sizes = [1], strides = [1]} : vector<16xf32> to vector<1xf32>
          %squeeze3A_1714 = vector.extract %slice3A_1713[0] : f32 from vector<1xf32>
          %add3A_1715 = arith.constant 13 : i32
          %add3A_1716 = arith.addi %mul3A_126, %add3A_1715 : i32
          %get3A_1717 = arith.index_cast %add3A_1716 : i32 to index
          %get3A_1718 = arith.constant 0 : index
          %get3A_1719 = tpu.vector_load %arg10[%get3A_1717, %get3A_1718] {strides = array<i32>} : memref<80x128xf32, #tpu.memory_space<vmem>>, vector<1x16xf32>,
          %get3A_1720 = vector.shape_cast %get3A_1719 : vector<1x16xf32> to vector<16xf32>
          %mul3A_1721 = vector.broadcast %squeeze3A_1714 : f32 to vector<16xf32>
          %mul3A_1722 = arith.mulf %get3A_1720, %mul3A_1721 : vector<16xf32>
          %add3A_1723 = arith.constant 13 : i32
          %add3A_1724 = arith.addi %mul3A_126, %add3A_1723 : i32
          %swap3A_1725 = arith.index_cast %add3A_1724 : i32 to index
          %swap3A_1726 = arith.constant 0 : index
          %swap3A_1727 = tpu.vector_load %arg10[%swap3A_1725, %swap3A_1726] {strides = array<i32>} : memref<80x128xf32, #tpu.memory_space<vmem>>, vector<1x16xf32>,
          %swap3A_1728 = vector.shape_cast %swap3A_1727 : vector<1x16xf32> to vector<16xf32>
          %swap3A_1729 = vector.shape_cast %mul3A_1722 : vector<16xf32> to vector<1x16xf32>
          tpu.vector_store %arg10[%swap3A_1725, %swap3A_1726], %swap3A_1729 {strides = array<i32>} : memref<80x128xf32, #tpu.memory_space<vmem>>, vector<1x16xf32>,
          %add3A_1730 = arith.constant 13 : i32
          %add3A_1731 = arith.addi %mul3A_126, %add3A_1730 : i32
          %get3A_1732 = arith.index_cast %add3A_1731 : i32 to index
          %get3A_1733 = arith.constant 16 : index
          %get3A_1734 = tpu.vector_load %arg10[%get3A_1732, %get3A_1733] {strides = array<i32>} : memref<80x128xf32, #tpu.memory_space<vmem>>, vector<1x16xf32>,
          %get3A_1735 = vector.shape_cast %get3A_1734 : vector<1x16xf32> to vector<16xf32>
          %mul3A_1736 = vector.broadcast %squeeze3A_1714 : f32 to vector<16xf32>
          %mul3A_1737 = arith.mulf %get3A_1735, %mul3A_1736 : vector<16xf32>
          %add3A_1738 = arith.constant 13 : i32
          %add3A_1739 = arith.addi %mul3A_126, %add3A_1738 : i32
          %swap3A_1740 = arith.index_cast %add3A_1739 : i32 to index
          %swap3A_1741 = arith.constant 16 : index
          %swap3A_1742 = tpu.vector_load %arg10[%swap3A_1740, %swap3A_1741] {strides = array<i32>} : memref<80x128xf32, #tpu.memory_space<vmem>>, vector<1x16xf32>,
          %swap3A_1743 = vector.shape_cast %swap3A_1742 : vector<1x16xf32> to vector<16xf32>
          %swap3A_1744 = vector.shape_cast %mul3A_1737 : vector<16xf32> to vector<1x16xf32>
          tpu.vector_store %arg10[%swap3A_1740, %swap3A_1741], %swap3A_1744 {strides = array<i32>} : memref<80x128xf32, #tpu.memory_space<vmem>>, vector<1x16xf32>,
          %add3A_1745 = arith.constant 13 : i32
          %add3A_1746 = arith.addi %mul3A_126, %add3A_1745 : i32
          %get3A_1747 = arith.index_cast %add3A_1746 : i32 to index
          %get3A_1748 = arith.constant 32 : index
          %get3A_1749 = tpu.vector_load %arg10[%get3A_1747, %get3A_1748] {strides = array<i32>} : memref<80x128xf32, #tpu.memory_space<vmem>>, vector<1x16xf32>,
          %get3A_1750 = vector.shape_cast %get3A_1749 : vector<1x16xf32> to vector<16xf32>
          %mul3A_1751 = vector.broadcast %squeeze3A_1714 : f32 to vector<16xf32>
          %mul3A_1752 = arith.mulf %get3A_1750, %mul3A_1751 : vector<16xf32>
          %add3A_1753 = arith.constant 13 : i32
          %add3A_1754 = arith.addi %mul3A_126, %add3A_1753 : i32
          %swap3A_1755 = arith.index_cast %add3A_1754 : i32 to index
          %swap3A_1756 = arith.constant 32 : index
          %swap3A_1757 = tpu.vector_load %arg10[%swap3A_1755, %swap3A_1756] {strides = array<i32>} : memref<80x128xf32, #tpu.memory_space<vmem>>, vector<1x16xf32>,
          %swap3A_1758 = vector.shape_cast %swap3A_1757 : vector<1x16xf32> to vector<16xf32>
          %swap3A_1759 = vector.shape_cast %mul3A_1752 : vector<16xf32> to vector<1x16xf32>
          tpu.vector_store %arg10[%swap3A_1755, %swap3A_1756], %swap3A_1759 {strides = array<i32>} : memref<80x128xf32, #tpu.memory_space<vmem>>, vector<1x16xf32>,
          %add3A_1760 = arith.constant 13 : i32
          %add3A_1761 = arith.addi %mul3A_126, %add3A_1760 : i32
          %get3A_1762 = arith.index_cast %add3A_1761 : i32 to index
          %get3A_1763 = arith.constant 48 : index
          %get3A_1764 = tpu.vector_load %arg10[%get3A_1762, %get3A_1763] {strides = array<i32>} : memref<80x128xf32, #tpu.memory_space<vmem>>, vector<1x16xf32>,
          %get3A_1765 = vector.shape_cast %get3A_1764 : vector<1x16xf32> to vector<16xf32>
          %mul3A_1766 = vector.broadcast %squeeze3A_1714 : f32 to vector<16xf32>
          %mul3A_1767 = arith.mulf %get3A_1765, %mul3A_1766 : vector<16xf32>
          %add3A_1768 = arith.constant 13 : i32
          %add3A_1769 = arith.addi %mul3A_126, %add3A_1768 : i32
          %swap3A_1770 = arith.index_cast %add3A_1769 : i32 to index
          %swap3A_1771 = arith.constant 48 : index
          %swap3A_1772 = tpu.vector_load %arg10[%swap3A_1770, %swap3A_1771] {strides = array<i32>} : memref<80x128xf32, #tpu.memory_space<vmem>>, vector<1x16xf32>,
          %swap3A_1773 = vector.shape_cast %swap3A_1772 : vector<1x16xf32> to vector<16xf32>
          %swap3A_1774 = vector.shape_cast %mul3A_1767 : vector<16xf32> to vector<1x16xf32>
          tpu.vector_store %arg10[%swap3A_1770, %swap3A_1771], %swap3A_1774 {strides = array<i32>} : memref<80x128xf32, #tpu.memory_space<vmem>>, vector<1x16xf32>,
          %add3A_1775 = arith.constant 13 : i32
          %add3A_1776 = arith.addi %mul3A_126, %add3A_1775 : i32
          %get3A_1777 = arith.index_cast %add3A_1776 : i32 to index
          %get3A_1778 = arith.constant 64 : index
          %get3A_1779 = tpu.vector_load %arg10[%get3A_1777, %get3A_1778] {strides = array<i32>} : memref<80x128xf32, #tpu.memory_space<vmem>>, vector<1x16xf32>,
          %get3A_1780 = vector.shape_cast %get3A_1779 : vector<1x16xf32> to vector<16xf32>
          %mul3A_1781 = vector.broadcast %squeeze3A_1714 : f32 to vector<16xf32>
          %mul3A_1782 = arith.mulf %get3A_1780, %mul3A_1781 : vector<16xf32>
          %add3A_1783 = arith.constant 13 : i32
          %add3A_1784 = arith.addi %mul3A_126, %add3A_1783 : i32
          %swap3A_1785 = arith.index_cast %add3A_1784 : i32 to index
          %swap3A_1786 = arith.constant 64 : index
          %swap3A_1787 = tpu.vector_load %arg10[%swap3A_1785, %swap3A_1786] {strides = array<i32>} : memref<80x128xf32, #tpu.memory_space<vmem>>, vector<1x16xf32>,
          %swap3A_1788 = vector.shape_cast %swap3A_1787 : vector<1x16xf32> to vector<16xf32>
          %swap3A_1789 = vector.shape_cast %mul3A_1782 : vector<16xf32> to vector<1x16xf32>
          tpu.vector_store %arg10[%swap3A_1785, %swap3A_1786], %swap3A_1789 {strides = array<i32>} : memref<80x128xf32, #tpu.memory_space<vmem>>, vector<1x16xf32>,
          %add3A_1790 = arith.constant 13 : i32
          %add3A_1791 = arith.addi %mul3A_126, %add3A_1790 : i32
          %get3A_1792 = arith.index_cast %add3A_1791 : i32 to index
          %get3A_1793 = arith.constant 80 : index
          %get3A_1794 = tpu.vector_load %arg10[%get3A_1792, %get3A_1793] {strides = array<i32>} : memref<80x128xf32, #tpu.memory_space<vmem>>, vector<1x16xf32>,
          %get3A_1795 = vector.shape_cast %get3A_1794 : vector<1x16xf32> to vector<16xf32>
          %mul3A_1796 = vector.broadcast %squeeze3A_1714 : f32 to vector<16xf32>
          %mul3A_1797 = arith.mulf %get3A_1795, %mul3A_1796 : vector<16xf32>
          %add3A_1798 = arith.constant 13 : i32
          %add3A_1799 = arith.addi %mul3A_126, %add3A_1798 : i32
          %swap3A_1800 = arith.index_cast %add3A_1799 : i32 to index
          %swap3A_1801 = arith.constant 80 : index
          %swap3A_1802 = tpu.vector_load %arg10[%swap3A_1800, %swap3A_1801] {strides = array<i32>} : memref<80x128xf32, #tpu.memory_space<vmem>>, vector<1x16xf32>,
          %swap3A_1803 = vector.shape_cast %swap3A_1802 : vector<1x16xf32> to vector<16xf32>
          %swap3A_1804 = vector.shape_cast %mul3A_1797 : vector<16xf32> to vector<1x16xf32>
          tpu.vector_store %arg10[%swap3A_1800, %swap3A_1801], %swap3A_1804 {strides = array<i32>} : memref<80x128xf32, #tpu.memory_space<vmem>>, vector<1x16xf32>,
          %add3A_1805 = arith.constant 13 : i32
          %add3A_1806 = arith.addi %mul3A_126, %add3A_1805 : i32
          %get3A_1807 = arith.index_cast %add3A_1806 : i32 to index
          %get3A_1808 = arith.constant 96 : index
          %get3A_1809 = tpu.vector_load %arg10[%get3A_1807, %get3A_1808] {strides = array<i32>} : memref<80x128xf32, #tpu.memory_space<vmem>>, vector<1x16xf32>,
          %get3A_1810 = vector.shape_cast %get3A_1809 : vector<1x16xf32> to vector<16xf32>
          %mul3A_1811 = vector.broadcast %squeeze3A_1714 : f32 to vector<16xf32>
          %mul3A_1812 = arith.mulf %get3A_1810, %mul3A_1811 : vector<16xf32>
          %add3A_1813 = arith.constant 13 : i32
          %add3A_1814 = arith.addi %mul3A_126, %add3A_1813 : i32
          %swap3A_1815 = arith.index_cast %add3A_1814 : i32 to index
          %swap3A_1816 = arith.constant 96 : index
          %swap3A_1817 = tpu.vector_load %arg10[%swap3A_1815, %swap3A_1816] {strides = array<i32>} : memref<80x128xf32, #tpu.memory_space<vmem>>, vector<1x16xf32>,
          %swap3A_1818 = vector.shape_cast %swap3A_1817 : vector<1x16xf32> to vector<16xf32>
          %swap3A_1819 = vector.shape_cast %mul3A_1812 : vector<16xf32> to vector<1x16xf32>
          tpu.vector_store %arg10[%swap3A_1815, %swap3A_1816], %swap3A_1819 {strides = array<i32>} : memref<80x128xf32, #tpu.memory_space<vmem>>, vector<1x16xf32>,
          %add3A_1820 = arith.constant 13 : i32
          %add3A_1821 = arith.addi %mul3A_126, %add3A_1820 : i32
          %get3A_1822 = arith.index_cast %add3A_1821 : i32 to index
          %get3A_1823 = arith.constant 112 : index
          %get3A_1824 = tpu.vector_load %arg10[%get3A_1822, %get3A_1823] {strides = array<i32>} : memref<80x128xf32, #tpu.memory_space<vmem>>, vector<1x16xf32>,
          %get3A_1825 = vector.shape_cast %get3A_1824 : vector<1x16xf32> to vector<16xf32>
          %mul3A_1826 = vector.broadcast %squeeze3A_1714 : f32 to vector<16xf32>
          %mul3A_1827 = arith.mulf %get3A_1825, %mul3A_1826 : vector<16xf32>
          %add3A_1828 = arith.constant 13 : i32
          %add3A_1829 = arith.addi %mul3A_126, %add3A_1828 : i32
          %swap3A_1830 = arith.index_cast %add3A_1829 : i32 to index
          %swap3A_1831 = arith.constant 112 : index
          %swap3A_1832 = tpu.vector_load %arg10[%swap3A_1830, %swap3A_1831] {strides = array<i32>} : memref<80x128xf32, #tpu.memory_space<vmem>>, vector<1x16xf32>,
          %swap3A_1833 = vector.shape_cast %swap3A_1832 : vector<1x16xf32> to vector<16xf32>
          %swap3A_1834 = vector.shape_cast %mul3A_1827 : vector<16xf32> to vector<1x16xf32>
          tpu.vector_store %arg10[%swap3A_1830, %swap3A_1831], %swap3A_1834 {strides = array<i32>} : memref<80x128xf32, #tpu.memory_space<vmem>>, vector<1x16xf32>,
          %slice3A_1835 = vector.extract_strided_slice %get3A_129 {offsets = [14], sizes = [1], strides = [1]} : vector<16xf32> to vector<1xf32>
          %squeeze3A_1836 = vector.extract %slice3A_1835[0] : f32 from vector<1xf32>
          %add3A_1837 = arith.constant 14 : i32
          %add3A_1838 = arith.addi %mul3A_126, %add3A_1837 : i32
          %get3A_1839 = arith.index_cast %add3A_1838 : i32 to index
          %get3A_1840 = arith.constant 0 : index
          %get3A_1841 = tpu.vector_load %arg10[%get3A_1839, %get3A_1840] {strides = array<i32>} : memref<80x128xf32, #tpu.memory_space<vmem>>, vector<1x16xf32>,
          %get3A_1842 = vector.shape_cast %get3A_1841 : vector<1x16xf32> to vector<16xf32>
          %mul3A_1843 = vector.broadcast %squeeze3A_1836 : f32 to vector<16xf32>
          %mul3A_1844 = arith.mulf %get3A_1842, %mul3A_1843 : vector<16xf32>
          %add3A_1845 = arith.constant 14 : i32
          %add3A_1846 = arith.addi %mul3A_126, %add3A_1845 : i32
          %swap3A_1847 = arith.index_cast %add3A_1846 : i32 to index
          %swap3A_1848 = arith.constant 0 : index
          %swap3A_1849 = tpu.vector_load %arg10[%swap3A_1847, %swap3A_1848] {strides = array<i32>} : memref<80x128xf32, #tpu.memory_space<vmem>>, vector<1x16xf32>,
          %swap3A_1850 = vector.shape_cast %swap3A_1849 : vector<1x16xf32> to vector<16xf32>
          %swap3A_1851 = vector.shape_cast %mul3A_1844 : vector<16xf32> to vector<1x16xf32>
          tpu.vector_store %arg10[%swap3A_1847, %swap3A_1848], %swap3A_1851 {strides = array<i32>} : memref<80x128xf32, #tpu.memory_space<vmem>>, vector<1x16xf32>,
          %add3A_1852 = arith.constant 14 : i32
          %add3A_1853 = arith.addi %mul3A_126, %add3A_1852 : i32
          %get3A_1854 = arith.index_cast %add3A_1853 : i32 to index
          %get3A_1855 = arith.constant 16 : index
          %get3A_1856 = tpu.vector_load %arg10[%get3A_1854, %get3A_1855] {strides = array<i32>} : memref<80x128xf32, #tpu.memory_space<vmem>>, vector<1x16xf32>,
          %get3A_1857 = vector.shape_cast %get3A_1856 : vector<1x16xf32> to vector<16xf32>
          %mul3A_1858 = vector.broadcast %squeeze3A_1836 : f32 to vector<16xf32>
          %mul3A_1859 = arith.mulf %get3A_1857, %mul3A_1858 : vector<16xf32>
          %add3A_1860 = arith.constant 14 : i32
          %add3A_1861 = arith.addi %mul3A_126, %add3A_1860 : i32
          %swap3A_1862 = arith.index_cast %add3A_1861 : i32 to index
          %swap3A_1863 = arith.constant 16 : index
          %swap3A_1864 = tpu.vector_load %arg10[%swap3A_1862, %swap3A_1863] {strides = array<i32>} : memref<80x128xf32, #tpu.memory_space<vmem>>, vector<1x16xf32>,
          %swap3A_1865 = vector.shape_cast %swap3A_1864 : vector<1x16xf32> to vector<16xf32>
          %swap3A_1866 = vector.shape_cast %mul3A_1859 : vector<16xf32> to vector<1x16xf32>
          tpu.vector_store %arg10[%swap3A_1862, %swap3A_1863], %swap3A_1866 {strides = array<i32>} : memref<80x128xf32, #tpu.memory_space<vmem>>, vector<1x16xf32>,
          %add3A_1867 = arith.constant 14 : i32
          %add3A_1868 = arith.addi %mul3A_126, %add3A_1867 : i32
          %get3A_1869 = arith.index_cast %add3A_1868 : i32 to index
          %get3A_1870 = arith.constant 32 : index
          %get3A_1871 = tpu.vector_load %arg10[%get3A_1869, %get3A_1870] {strides = array<i32>} : memref<80x128xf32, #tpu.memory_space<vmem>>, vector<1x16xf32>,
          %get3A_1872 = vector.shape_cast %get3A_1871 : vector<1x16xf32> to vector<16xf32>
          %mul3A_1873 = vector.broadcast %squeeze3A_1836 : f32 to vector<16xf32>
          %mul3A_1874 = arith.mulf %get3A_1872, %mul3A_1873 : vector<16xf32>
          %add3A_1875 = arith.constant 14 : i32
          %add3A_1876 = arith.addi %mul3A_126, %add3A_1875 : i32
          %swap3A_1877 = arith.index_cast %add3A_1876 : i32 to index
          %swap3A_1878 = arith.constant 32 : index
          %swap3A_1879 = tpu.vector_load %arg10[%swap3A_1877, %swap3A_1878] {strides = array<i32>} : memref<80x128xf32, #tpu.memory_space<vmem>>, vector<1x16xf32>,
          %swap3A_1880 = vector.shape_cast %swap3A_1879 : vector<1x16xf32> to vector<16xf32>
          %swap3A_1881 = vector.shape_cast %mul3A_1874 : vector<16xf32> to vector<1x16xf32>
          tpu.vector_store %arg10[%swap3A_1877, %swap3A_1878], %swap3A_1881 {strides = array<i32>} : memref<80x128xf32, #tpu.memory_space<vmem>>, vector<1x16xf32>,
          %add3A_1882 = arith.constant 14 : i32
          %add3A_1883 = arith.addi %mul3A_126, %add3A_1882 : i32
          %get3A_1884 = arith.index_cast %add3A_1883 : i32 to index
          %get3A_1885 = arith.constant 48 : index
          %get3A_1886 = tpu.vector_load %arg10[%get3A_1884, %get3A_1885] {strides = array<i32>} : memref<80x128xf32, #tpu.memory_space<vmem>>, vector<1x16xf32>,
          %get3A_1887 = vector.shape_cast %get3A_1886 : vector<1x16xf32> to vector<16xf32>
          %mul3A_1888 = vector.broadcast %squeeze3A_1836 : f32 to vector<16xf32>
          %mul3A_1889 = arith.mulf %get3A_1887, %mul3A_1888 : vector<16xf32>
          %add3A_1890 = arith.constant 14 : i32
          %add3A_1891 = arith.addi %mul3A_126, %add3A_1890 : i32
          %swap3A_1892 = arith.index_cast %add3A_1891 : i32 to index
          %swap3A_1893 = arith.constant 48 : index
          %swap3A_1894 = tpu.vector_load %arg10[%swap3A_1892, %swap3A_1893] {strides = array<i32>} : memref<80x128xf32, #tpu.memory_space<vmem>>, vector<1x16xf32>,
          %swap3A_1895 = vector.shape_cast %swap3A_1894 : vector<1x16xf32> to vector<16xf32>
          %swap3A_1896 = vector.shape_cast %mul3A_1889 : vector<16xf32> to vector<1x16xf32>
          tpu.vector_store %arg10[%swap3A_1892, %swap3A_1893], %swap3A_1896 {strides = array<i32>} : memref<80x128xf32, #tpu.memory_space<vmem>>, vector<1x16xf32>,
          %add3A_1897 = arith.constant 14 : i32
          %add3A_1898 = arith.addi %mul3A_126, %add3A_1897 : i32
          %get3A_1899 = arith.index_cast %add3A_1898 : i32 to index
          %get3A_1900 = arith.constant 64 : index
          %get3A_1901 = tpu.vector_load %arg10[%get3A_1899, %get3A_1900] {strides = array<i32>} : memref<80x128xf32, #tpu.memory_space<vmem>>, vector<1x16xf32>,
          %get3A_1902 = vector.shape_cast %get3A_1901 : vector<1x16xf32> to vector<16xf32>
          %mul3A_1903 = vector.broadcast %squeeze3A_1836 : f32 to vector<16xf32>
          %mul3A_1904 = arith.mulf %get3A_1902, %mul3A_1903 : vector<16xf32>
          %add3A_1905 = arith.constant 14 : i32
          %add3A_1906 = arith.addi %mul3A_126, %add3A_1905 : i32
          %swap3A_1907 = arith.index_cast %add3A_1906 : i32 to index
          %swap3A_1908 = arith.constant 64 : index
          %swap3A_1909 = tpu.vector_load %arg10[%swap3A_1907, %swap3A_1908] {strides = array<i32>} : memref<80x128xf32, #tpu.memory_space<vmem>>, vector<1x16xf32>,
          %swap3A_1910 = vector.shape_cast %swap3A_1909 : vector<1x16xf32> to vector<16xf32>
          %swap3A_1911 = vector.shape_cast %mul3A_1904 : vector<16xf32> to vector<1x16xf32>
          tpu.vector_store %arg10[%swap3A_1907, %swap3A_1908], %swap3A_1911 {strides = array<i32>} : memref<80x128xf32, #tpu.memory_space<vmem>>, vector<1x16xf32>,
          %add3A_1912 = arith.constant 14 : i32
          %add3A_1913 = arith.addi %mul3A_126, %add3A_1912 : i32
          %get3A_1914 = arith.index_cast %add3A_1913 : i32 to index
          %get3A_1915 = arith.constant 80 : index
          %get3A_1916 = tpu.vector_load %arg10[%get3A_1914, %get3A_1915] {strides = array<i32>} : memref<80x128xf32, #tpu.memory_space<vmem>>, vector<1x16xf32>,
          %get3A_1917 = vector.shape_cast %get3A_1916 : vector<1x16xf32> to vector<16xf32>
          %mul3A_1918 = vector.broadcast %squeeze3A_1836 : f32 to vector<16xf32>
          %mul3A_1919 = arith.mulf %get3A_1917, %mul3A_1918 : vector<16xf32>
          %add3A_1920 = arith.constant 14 : i32
          %add3A_1921 = arith.addi %mul3A_126, %add3A_1920 : i32
          %swap3A_1922 = arith.index_cast %add3A_1921 : i32 to index
          %swap3A_1923 = arith.constant 80 : index
          %swap3A_1924 = tpu.vector_load %arg10[%swap3A_1922, %swap3A_1923] {strides = array<i32>} : memref<80x128xf32, #tpu.memory_space<vmem>>, vector<1x16xf32>,
          %swap3A_1925 = vector.shape_cast %swap3A_1924 : vector<1x16xf32> to vector<16xf32>
          %swap3A_1926 = vector.shape_cast %mul3A_1919 : vector<16xf32> to vector<1x16xf32>
          tpu.vector_store %arg10[%swap3A_1922, %swap3A_1923], %swap3A_1926 {strides = array<i32>} : memref<80x128xf32, #tpu.memory_space<vmem>>, vector<1x16xf32>,
          %add3A_1927 = arith.constant 14 : i32
          %add3A_1928 = arith.addi %mul3A_126, %add3A_1927 : i32
          %get3A_1929 = arith.index_cast %add3A_1928 : i32 to index
          %get3A_1930 = arith.constant 96 : index
          %get3A_1931 = tpu.vector_load %arg10[%get3A_1929, %get3A_1930] {strides = array<i32>} : memref<80x128xf32, #tpu.memory_space<vmem>>, vector<1x16xf32>,
          %get3A_1932 = vector.shape_cast %get3A_1931 : vector<1x16xf32> to vector<16xf32>
          %mul3A_1933 = vector.broadcast %squeeze3A_1836 : f32 to vector<16xf32>
          %mul3A_1934 = arith.mulf %get3A_1932, %mul3A_1933 : vector<16xf32>
          %add3A_1935 = arith.constant 14 : i32
          %add3A_1936 = arith.addi %mul3A_126, %add3A_1935 : i32
          %swap3A_1937 = arith.index_cast %add3A_1936 : i32 to index
          %swap3A_1938 = arith.constant 96 : index
          %swap3A_1939 = tpu.vector_load %arg10[%swap3A_1937, %swap3A_1938] {strides = array<i32>} : memref<80x128xf32, #tpu.memory_space<vmem>>, vector<1x16xf32>,
          %swap3A_1940 = vector.shape_cast %swap3A_1939 : vector<1x16xf32> to vector<16xf32>
          %swap3A_1941 = vector.shape_cast %mul3A_1934 : vector<16xf32> to vector<1x16xf32>
          tpu.vector_store %arg10[%swap3A_1937, %swap3A_1938], %swap3A_1941 {strides = array<i32>} : memref<80x128xf32, #tpu.memory_space<vmem>>, vector<1x16xf32>,
          %add3A_1942 = arith.constant 14 : i32
          %add3A_1943 = arith.addi %mul3A_126, %add3A_1942 : i32
          %get3A_1944 = arith.index_cast %add3A_1943 : i32 to index
          %get3A_1945 = arith.constant 112 : index
          %get3A_1946 = tpu.vector_load %arg10[%get3A_1944, %get3A_1945] {strides = array<i32>} : memref<80x128xf32, #tpu.memory_space<vmem>>, vector<1x16xf32>,
          %get3A_1947 = vector.shape_cast %get3A_1946 : vector<1x16xf32> to vector<16xf32>
          %mul3A_1948 = vector.broadcast %squeeze3A_1836 : f32 to vector<16xf32>
          %mul3A_1949 = arith.mulf %get3A_1947, %mul3A_1948 : vector<16xf32>
          %add3A_1950 = arith.constant 14 : i32
          %add3A_1951 = arith.addi %mul3A_126, %add3A_1950 : i32
          %swap3A_1952 = arith.index_cast %add3A_1951 : i32 to index
          %swap3A_1953 = arith.constant 112 : index
          %swap3A_1954 = tpu.vector_load %arg10[%swap3A_1952, %swap3A_1953] {strides = array<i32>} : memref<80x128xf32, #tpu.memory_space<vmem>>, vector<1x16xf32>,
          %swap3A_1955 = vector.shape_cast %swap3A_1954 : vector<1x16xf32> to vector<16xf32>
          %swap3A_1956 = vector.shape_cast %mul3A_1949 : vector<16xf32> to vector<1x16xf32>
          tpu.vector_store %arg10[%swap3A_1952, %swap3A_1953], %swap3A_1956 {strides = array<i32>} : memref<80x128xf32, #tpu.memory_space<vmem>>, vector<1x16xf32>,
          %slice3A_1957 = vector.extract_strided_slice %get3A_129 {offsets = [15], sizes = [1], strides = [1]} : vector<16xf32> to vector<1xf32>
          %squeeze3A_1958 = vector.extract %slice3A_1957[0] : f32 from vector<1xf32>
          %add3A_1959 = arith.constant 15 : i32
          %add3A_1960 = arith.addi %mul3A_126, %add3A_1959 : i32
          %get3A_1961 = arith.index_cast %add3A_1960 : i32 to index
          %get3A_1962 = arith.constant 0 : index
          %get3A_1963 = tpu.vector_load %arg10[%get3A_1961, %get3A_1962] {strides = array<i32>} : memref<80x128xf32, #tpu.memory_space<vmem>>, vector<1x16xf32>,
          %get3A_1964 = vector.shape_cast %get3A_1963 : vector<1x16xf32> to vector<16xf32>
          %mul3A_1965 = vector.broadcast %squeeze3A_1958 : f32 to vector<16xf32>
          %mul3A_1966 = arith.mulf %get3A_1964, %mul3A_1965 : vector<16xf32>
          %add3A_1967 = arith.constant 15 : i32
          %add3A_1968 = arith.addi %mul3A_126, %add3A_1967 : i32
          %swap3A_1969 = arith.index_cast %add3A_1968 : i32 to index
          %swap3A_1970 = arith.constant 0 : index
          %swap3A_1971 = tpu.vector_load %arg10[%swap3A_1969, %swap3A_1970] {strides = array<i32>} : memref<80x128xf32, #tpu.memory_space<vmem>>, vector<1x16xf32>,
          %swap3A_1972 = vector.shape_cast %swap3A_1971 : vector<1x16xf32> to vector<16xf32>
          %swap3A_1973 = vector.shape_cast %mul3A_1966 : vector<16xf32> to vector<1x16xf32>
          tpu.vector_store %arg10[%swap3A_1969, %swap3A_1970], %swap3A_1973 {strides = array<i32>} : memref<80x128xf32, #tpu.memory_space<vmem>>, vector<1x16xf32>,
          %add3A_1974 = arith.constant 15 : i32
          %add3A_1975 = arith.addi %mul3A_126, %add3A_1974 : i32
          %get3A_1976 = arith.index_cast %add3A_1975 : i32 to index
          %get3A_1977 = arith.constant 16 : index
          %get3A_1978 = tpu.vector_load %arg10[%get3A_1976, %get3A_1977] {strides = array<i32>} : memref<80x128xf32, #tpu.memory_space<vmem>>, vector<1x16xf32>,
          %get3A_1979 = vector.shape_cast %get3A_1978 : vector<1x16xf32> to vector<16xf32>
          %mul3A_1980 = vector.broadcast %squeeze3A_1958 : f32 to vector<16xf32>
          %mul3A_1981 = arith.mulf %get3A_1979, %mul3A_1980 : vector<16xf32>
          %add3A_1982 = arith.constant 15 : i32
          %add3A_1983 = arith.addi %mul3A_126, %add3A_1982 : i32
          %swap3A_1984 = arith.index_cast %add3A_1983 : i32 to index
          %swap3A_1985 = arith.constant 16 : index
          %swap3A_1986 = tpu.vector_load %arg10[%swap3A_1984, %swap3A_1985] {strides = array<i32>} : memref<80x128xf32, #tpu.memory_space<vmem>>, vector<1x16xf32>,
          %swap3A_1987 = vector.shape_cast %swap3A_1986 : vector<1x16xf32> to vector<16xf32>
          %swap3A_1988 = vector.shape_cast %mul3A_1981 : vector<16xf32> to vector<1x16xf32>
          tpu.vector_store %arg10[%swap3A_1984, %swap3A_1985], %swap3A_1988 {strides = array<i32>} : memref<80x128xf32, #tpu.memory_space<vmem>>, vector<1x16xf32>,
          %add3A_1989 = arith.constant 15 : i32
          %add3A_1990 = arith.addi %mul3A_126, %add3A_1989 : i32
          %get3A_1991 = arith.index_cast %add3A_1990 : i32 to index
          %get3A_1992 = arith.constant 32 : index
          %get3A_1993 = tpu.vector_load %arg10[%get3A_1991, %get3A_1992] {strides = array<i32>} : memref<80x128xf32, #tpu.memory_space<vmem>>, vector<1x16xf32>,
          %get3A_1994 = vector.shape_cast %get3A_1993 : vector<1x16xf32> to vector<16xf32>
          %mul3A_1995 = vector.broadcast %squeeze3A_1958 : f32 to vector<16xf32>
          %mul3A_1996 = arith.mulf %get3A_1994, %mul3A_1995 : vector<16xf32>
          %add3A_1997 = arith.constant 15 : i32
          %add3A_1998 = arith.addi %mul3A_126, %add3A_1997 : i32
          %swap3A_1999 = arith.index_cast %add3A_1998 : i32 to index
          %swap3A_2000 = arith.constant 32 : index
          %swap3A_2001 = tpu.vector_load %arg10[%swap3A_1999, %swap3A_2000] {strides = array<i32>} : memref<80x128xf32, #tpu.memory_space<vmem>>, vector<1x16xf32>,
          %swap3A_2002 = vector.shape_cast %swap3A_2001 : vector<1x16xf32> to vector<16xf32>
          %swap3A_2003 = vector.shape_cast %mul3A_1996 : vector<16xf32> to vector<1x16xf32>
          tpu.vector_store %arg10[%swap3A_1999, %swap3A_2000], %swap3A_2003 {strides = array<i32>} : memref<80x128xf32, #tpu.memory_space<vmem>>, vector<1x16xf32>,
          %add3A_2004 = arith.constant 15 : i32
          %add3A_2005 = arith.addi %mul3A_126, %add3A_2004 : i32
          %get3A_2006 = arith.index_cast %add3A_2005 : i32 to index
          %get3A_2007 = arith.constant 48 : index
          %get3A_2008 = tpu.vector_load %arg10[%get3A_2006, %get3A_2007] {strides = array<i32>} : memref<80x128xf32, #tpu.memory_space<vmem>>, vector<1x16xf32>,
          %get3A_2009 = vector.shape_cast %get3A_2008 : vector<1x16xf32> to vector<16xf32>
          %mul3A_2010 = vector.broadcast %squeeze3A_1958 : f32 to vector<16xf32>
          %mul3A_2011 = arith.mulf %get3A_2009, %mul3A_2010 : vector<16xf32>
          %add3A_2012 = arith.constant 15 : i32
          %add3A_2013 = arith.addi %mul3A_126, %add3A_2012 : i32
          %swap3A_2014 = arith.index_cast %add3A_2013 : i32 to index
          %swap3A_2015 = arith.constant 48 : index
          %swap3A_2016 = tpu.vector_load %arg10[%swap3A_2014, %swap3A_2015] {strides = array<i32>} : memref<80x128xf32, #tpu.memory_space<vmem>>, vector<1x16xf32>,
          %swap3A_2017 = vector.shape_cast %swap3A_2016 : vector<1x16xf32> to vector<16xf32>
          %swap3A_2018 = vector.shape_cast %mul3A_2011 : vector<16xf32> to vector<1x16xf32>
          tpu.vector_store %arg10[%swap3A_2014, %swap3A_2015], %swap3A_2018 {strides = array<i32>} : memref<80x128xf32, #tpu.memory_space<vmem>>, vector<1x16xf32>,
          %add3A_2019 = arith.constant 15 : i32
          %add3A_2020 = arith.addi %mul3A_126, %add3A_2019 : i32
          %get3A_2021 = arith.index_cast %add3A_2020 : i32 to index
          %get3A_2022 = arith.constant 64 : index
          %get3A_2023 = tpu.vector_load %arg10[%get3A_2021, %get3A_2022] {strides = array<i32>} : memref<80x128xf32, #tpu.memory_space<vmem>>, vector<1x16xf32>,
          %get3A_2024 = vector.shape_cast %get3A_2023 : vector<1x16xf32> to vector<16xf32>
          %mul3A_2025 = vector.broadcast %squeeze3A_1958 : f32 to vector<16xf32>
          %mul3A_2026 = arith.mulf %get3A_2024, %mul3A_2025 : vector<16xf32>
          %add3A_2027 = arith.constant 15 : i32
          %add3A_2028 = arith.addi %mul3A_126, %add3A_2027 : i32
          %swap3A_2029 = arith.index_cast %add3A_2028 : i32 to index
          %swap3A_2030 = arith.constant 64 : index
          %swap3A_2031 = tpu.vector_load %arg10[%swap3A_2029, %swap3A_2030] {strides = array<i32>} : memref<80x128xf32, #tpu.memory_space<vmem>>, vector<1x16xf32>,
          %swap3A_2032 = vector.shape_cast %swap3A_2031 : vector<1x16xf32> to vector<16xf32>
          %swap3A_2033 = vector.shape_cast %mul3A_2026 : vector<16xf32> to vector<1x16xf32>
          tpu.vector_store %arg10[%swap3A_2029, %swap3A_2030], %swap3A_2033 {strides = array<i32>} : memref<80x128xf32, #tpu.memory_space<vmem>>, vector<1x16xf32>,
          %add3A_2034 = arith.constant 15 : i32
          %add3A_2035 = arith.addi %mul3A_126, %add3A_2034 : i32
          %get3A_2036 = arith.index_cast %add3A_2035 : i32 to index
          %get3A_2037 = arith.constant 80 : index
          %get3A_2038 = tpu.vector_load %arg10[%get3A_2036, %get3A_2037] {strides = array<i32>} : memref<80x128xf32, #tpu.memory_space<vmem>>, vector<1x16xf32>,
          %get3A_2039 = vector.shape_cast %get3A_2038 : vector<1x16xf32> to vector<16xf32>
          %mul3A_2040 = vector.broadcast %squeeze3A_1958 : f32 to vector<16xf32>
          %mul3A_2041 = arith.mulf %get3A_2039, %mul3A_2040 : vector<16xf32>
          %add3A_2042 = arith.constant 15 : i32
          %add3A_2043 = arith.addi %mul3A_126, %add3A_2042 : i32
          %swap3A_2044 = arith.index_cast %add3A_2043 : i32 to index
          %swap3A_2045 = arith.constant 80 : index
          %swap3A_2046 = tpu.vector_load %arg10[%swap3A_2044, %swap3A_2045] {strides = array<i32>} : memref<80x128xf32, #tpu.memory_space<vmem>>, vector<1x16xf32>,
          %swap3A_2047 = vector.shape_cast %swap3A_2046 : vector<1x16xf32> to vector<16xf32>
          %swap3A_2048 = vector.shape_cast %mul3A_2041 : vector<16xf32> to vector<1x16xf32>
          tpu.vector_store %arg10[%swap3A_2044, %swap3A_2045], %swap3A_2048 {strides = array<i32>} : memref<80x128xf32, #tpu.memory_space<vmem>>, vector<1x16xf32>,
          %add3A_2049 = arith.constant 15 : i32
          %add3A_2050 = arith.addi %mul3A_126, %add3A_2049 : i32
          %get3A_2051 = arith.index_cast %add3A_2050 : i32 to index
          %get3A_2052 = arith.constant 96 : index
          %get3A_2053 = tpu.vector_load %arg10[%get3A_2051, %get3A_2052] {strides = array<i32>} : memref<80x128xf32, #tpu.memory_space<vmem>>, vector<1x16xf32>,
          %get3A_2054 = vector.shape_cast %get3A_2053 : vector<1x16xf32> to vector<16xf32>
          %mul3A_2055 = vector.broadcast %squeeze3A_1958 : f32 to vector<16xf32>
          %mul3A_2056 = arith.mulf %get3A_2054, %mul3A_2055 : vector<16xf32>
          %add3A_2057 = arith.constant 15 : i32
          %add3A_2058 = arith.addi %mul3A_126, %add3A_2057 : i32
          %swap3A_2059 = arith.index_cast %add3A_2058 : i32 to index
          %swap3A_2060 = arith.constant 96 : index
          %swap3A_2061 = tpu.vector_load %arg10[%swap3A_2059, %swap3A_2060] {strides = array<i32>} : memref<80x128xf32, #tpu.memory_space<vmem>>, vector<1x16xf32>,
          %swap3A_2062 = vector.shape_cast %swap3A_2061 : vector<1x16xf32> to vector<16xf32>
          %swap3A_2063 = vector.shape_cast %mul3A_2056 : vector<16xf32> to vector<1x16xf32>
          tpu.vector_store %arg10[%swap3A_2059, %swap3A_2060], %swap3A_2063 {strides = array<i32>} : memref<80x128xf32, #tpu.memory_space<vmem>>, vector<1x16xf32>,
          %add3A_2064 = arith.constant 15 : i32
          %add3A_2065 = arith.addi %mul3A_126, %add3A_2064 : i32
          %get3A_2066 = arith.index_cast %add3A_2065 : i32 to index
          %get3A_2067 = arith.constant 112 : index
          %get3A_2068 = tpu.vector_load %arg10[%get3A_2066, %get3A_2067] {strides = array<i32>} : memref<80x128xf32, #tpu.memory_space<vmem>>, vector<1x16xf32>,
          %get3A_2069 = vector.shape_cast %get3A_2068 : vector<1x16xf32> to vector<16xf32>
          %mul3A_2070 = vector.broadcast %squeeze3A_1958 : f32 to vector<16xf32>
          %mul3A_2071 = arith.mulf %get3A_2069, %mul3A_2070 : vector<16xf32>
          %add3A_2072 = arith.constant 15 : i32
          %add3A_2073 = arith.addi %mul3A_126, %add3A_2072 : i32
          %swap3A_2074 = arith.index_cast %add3A_2073 : i32 to index
          %swap3A_2075 = arith.constant 112 : index
          %swap3A_2076 = tpu.vector_load %arg10[%swap3A_2074, %swap3A_2075] {strides = array<i32>} : memref<80x128xf32, #tpu.memory_space<vmem>>, vector<1x16xf32>,
          %swap3A_2077 = vector.shape_cast %swap3A_2076 : vector<1x16xf32> to vector<16xf32>
          %swap3A_2078 = vector.shape_cast %mul3A_2071 : vector<16xf32> to vector<1x16xf32>
          tpu.vector_store %arg10[%swap3A_2074, %swap3A_2075], %swap3A_2078 {strides = array<i32>} : memref<80x128xf32, #tpu.memory_space<vmem>>, vector<1x16xf32>,
        }
        %scan3A_89 = arith.constant 5 : i32
        %dma_start3A_90 = arith.constant 0 : i32
        %dma_start3A_91 = tpu.memref_slice %arg8[%mul3A_65, %dma_start3A_90] : memref<16x80xi32, #tpu.memory_space<vmem>> -> memref<1x80xi32, #tpu.memory_space<vmem>>
        %dma_start3A_92 = tpu.memref_squeeze %dma_start3A_91 : memref<1x80xi32, #tpu.memory_space<vmem>> -> memref<80xi32, #tpu.memory_space<vmem>>
        %dma_start3A_93 = arith.constant 0 : i32
        %dma_start3A_94 = arith.constant 0 : i32
        %dma_start3A_95 = tpu.memref_slice %arg16[%dma_start3A_93, %dma_start3A_94] : memref<10000x128xf32, #tpu.memory_space<vmem_shared>> -> memref<10000x128xf32, #tpu.memory_space<vmem_shared>>
        tpu.enqueue_indirect_dma source(%arg10 : memref<80x128xf32, #tpu.memory_space<vmem>>) target(%dma_start3A_95 : memref<10000x128xf32, #tpu.memory_space<vmem_shared>>) offsets(%dma_start3A_92 : memref<80xi32, #tpu.memory_space<vmem>>) semaphore(%arg14 : memref<!tpu.dma_semaphore, #tpu.memory_space<semaphore_mem>>) {add = true}
        %dma_wait3A_96 = arith.constant 0 : i32
        %dma_wait3A_97 = tpu.memref_slice %arg7[%add3A_69, %dma_wait3A_96] : memref<16x80xi32, #tpu.memory_space<vmem>> -> memref<1x80xi32, #tpu.memory_space<vmem>>
        %dma_wait3A_98 = tpu.memref_squeeze %dma_wait3A_97 : memref<1x80xi32, #tpu.memory_space<vmem>> -> memref<80xi32, #tpu.memory_space<vmem>>
        %dma_wait3A_99 = arith.constant 0 : i32
        %dma_wait3A_100 = arith.constant 0 : i32
        %dma_wait3A_101 = tpu.memref_slice %arg2[%dma_wait3A_99, %dma_wait3A_100] : memref<20000x128xf32, #tpu.memory_space<hbm>> -> memref<20000x128xf32, #tpu.memory_space<hbm>>
        tpu.wait_indirect_dma semaphore(%arg13 : memref<!tpu.dma_semaphore, #tpu.memory_space<semaphore_mem>>) src(%dma_wait3A_101 : memref<20000x128xf32, #tpu.memory_space<hbm>>) dst(%arg11 : memref<80x128xf32, #tpu.memory_space<vmem>>)
        %scan3A_102 = arith.constant 0 : i32
        %scan3A_103 = arith.constant 0 : i32
        %scan3A_104 = arith.constant 5 : i32
        %scan3A_105 = arith.addi %scan3A_103, %scan3A_104 : i32
        %scan3A_106 = arith.constant 1 : i32
        scf.for %scan3A_124 = %scan3A_103 to %scan3A_105 step %scan3A_106  : i32 {
          %mul3A_125 = arith.constant 16 : i32
          %mul3A_126 = arith.muli %mul3A_125, %scan3A_124 : i32
          %get3A = arith.index_cast %add3A_69 : i32 to index
          %get3A_127 = arith.index_cast %mul3A_126 : i32 to index
          %get3A_128 = tpu.vector_load %arg9[%get3A, %get3A_127] {strides = array<i32>} : memref<16x80xf32, #tpu.memory_space<vmem>>, vector<1x16xf32>,
          %get3A_129 = vector.shape_cast %get3A_128 : vector<1x16xf32> to vector<16xf32>
          %slice3A = vector.extract_strided_slice %get3A_129 {offsets = [0], sizes = [1], strides = [1]} : vector<16xf32> to vector<1xf32>
          %squeeze3A = vector.extract %slice3A[0] : f32 from vector<1xf32>
          %add3A_130 = arith.constant 0 : i32
          %add3A_131 = arith.addi %mul3A_126, %add3A_130 : i32
          %get3A_132 = arith.index_cast %add3A_131 : i32 to index
          %get3A_133 = arith.constant 0 : index
          %get3A_134 = tpu.vector_load %arg11[%get3A_132, %get3A_133] {strides = array<i32>} : memref<80x128xf32, #tpu.memory_space<vmem>>, vector<1x16xf32>,
          %get3A_135 = vector.shape_cast %get3A_134 : vector<1x16xf32> to vector<16xf32>
          %mul3A_136 = vector.broadcast %squeeze3A : f32 to vector<16xf32>
          %mul3A_137 = arith.mulf %get3A_135, %mul3A_136 : vector<16xf32>
          %add3A_138 = arith.constant 0 : i32
          %add3A_139 = arith.addi %mul3A_126, %add3A_138 : i32
          %swap3A = arith.index_cast %add3A_139 : i32 to index
          %swap3A_140 = arith.constant 0 : index
          %swap3A_141 = tpu.vector_load %arg11[%swap3A, %swap3A_140] {strides = array<i32>} : memref<80x128xf32, #tpu.memory_space<vmem>>, vector<1x16xf32>,
          %swap3A_142 = vector.shape_cast %swap3A_141 : vector<1x16xf32> to vector<16xf32>
          %swap3A_143 = vector.shape_cast %mul3A_137 : vector<16xf32> to vector<1x16xf32>
          tpu.vector_store %arg11[%swap3A, %swap3A_140], %swap3A_143 {strides = array<i32>} : memref<80x128xf32, #tpu.memory_space<vmem>>, vector<1x16xf32>,
          %add3A_144 = arith.constant 0 : i32
          %add3A_145 = arith.addi %mul3A_126, %add3A_144 : i32
          %get3A_146 = arith.index_cast %add3A_145 : i32 to index
          %get3A_147 = arith.constant 16 : index
          %get3A_148 = tpu.vector_load %arg11[%get3A_146, %get3A_147] {strides = array<i32>} : memref<80x128xf32, #tpu.memory_space<vmem>>, vector<1x16xf32>,
          %get3A_149 = vector.shape_cast %get3A_148 : vector<1x16xf32> to vector<16xf32>
          %mul3A_150 = vector.broadcast %squeeze3A : f32 to vector<16xf32>
          %mul3A_151 = arith.mulf %get3A_149, %mul3A_150 : vector<16xf32>
          %add3A_152 = arith.constant 0 : i32
          %add3A_153 = arith.addi %mul3A_126, %add3A_152 : i32
          %swap3A_154 = arith.index_cast %add3A_153 : i32 to index
          %swap3A_155 = arith.constant 16 : index
          %swap3A_156 = tpu.vector_load %arg11[%swap3A_154, %swap3A_155] {strides = array<i32>} : memref<80x128xf32, #tpu.memory_space<vmem>>, vector<1x16xf32>,
          %swap3A_157 = vector.shape_cast %swap3A_156 : vector<1x16xf32> to vector<16xf32>
          %swap3A_158 = vector.shape_cast %mul3A_151 : vector<16xf32> to vector<1x16xf32>
          tpu.vector_store %arg11[%swap3A_154, %swap3A_155], %swap3A_158 {strides = array<i32>} : memref<80x128xf32, #tpu.memory_space<vmem>>, vector<1x16xf32>,
          %add3A_159 = arith.constant 0 : i32
          %add3A_160 = arith.addi %mul3A_126, %add3A_159 : i32
          %get3A_161 = arith.index_cast %add3A_160 : i32 to index
          %get3A_162 = arith.constant 32 : index
          %get3A_163 = tpu.vector_load %arg11[%get3A_161, %get3A_162] {strides = array<i32>} : memref<80x128xf32, #tpu.memory_space<vmem>>, vector<1x16xf32>,
          %get3A_164 = vector.shape_cast %get3A_163 : vector<1x16xf32> to vector<16xf32>
          %mul3A_165 = vector.broadcast %squeeze3A : f32 to vector<16xf32>
          %mul3A_166 = arith.mulf %get3A_164, %mul3A_165 : vector<16xf32>
          %add3A_167 = arith.constant 0 : i32
          %add3A_168 = arith.addi %mul3A_126, %add3A_167 : i32
          %swap3A_169 = arith.index_cast %add3A_168 : i32 to index
          %swap3A_170 = arith.constant 32 : index
          %swap3A_171 = tpu.vector_load %arg11[%swap3A_169, %swap3A_170] {strides = array<i32>} : memref<80x128xf32, #tpu.memory_space<vmem>>, vector<1x16xf32>,
          %swap3A_172 = vector.shape_cast %swap3A_171 : vector<1x16xf32> to vector<16xf32>
          %swap3A_173 = vector.shape_cast %mul3A_166 : vector<16xf32> to vector<1x16xf32>
          tpu.vector_store %arg11[%swap3A_169, %swap3A_170], %swap3A_173 {strides = array<i32>} : memref<80x128xf32, #tpu.memory_space<vmem>>, vector<1x16xf32>,
          %add3A_174 = arith.constant 0 : i32
          %add3A_175 = arith.addi %mul3A_126, %add3A_174 : i32
          %get3A_176 = arith.index_cast %add3A_175 : i32 to index
          %get3A_177 = arith.constant 48 : index
          %get3A_178 = tpu.vector_load %arg11[%get3A_176, %get3A_177] {strides = array<i32>} : memref<80x128xf32, #tpu.memory_space<vmem>>, vector<1x16xf32>,
          %get3A_179 = vector.shape_cast %get3A_178 : vector<1x16xf32> to vector<16xf32>
          %mul3A_180 = vector.broadcast %squeeze3A : f32 to vector<16xf32>
          %mul3A_181 = arith.mulf %get3A_179, %mul3A_180 : vector<16xf32>
          %add3A_182 = arith.constant 0 : i32
          %add3A_183 = arith.addi %mul3A_126, %add3A_182 : i32
          %swap3A_184 = arith.index_cast %add3A_183 : i32 to index
          %swap3A_185 = arith.constant 48 : index
          %swap3A_186 = tpu.vector_load %arg11[%swap3A_184, %swap3A_185] {strides = array<i32>} : memref<80x128xf32, #tpu.memory_space<vmem>>, vector<1x16xf32>,
          %swap3A_187 = vector.shape_cast %swap3A_186 : vector<1x16xf32> to vector<16xf32>
          %swap3A_188 = vector.shape_cast %mul3A_181 : vector<16xf32> to vector<1x16xf32>
          tpu.vector_store %arg11[%swap3A_184, %swap3A_185], %swap3A_188 {strides = array<i32>} : memref<80x128xf32, #tpu.memory_space<vmem>>, vector<1x16xf32>,
          %add3A_189 = arith.constant 0 : i32
          %add3A_190 = arith.addi %mul3A_126, %add3A_189 : i32
          %get3A_191 = arith.index_cast %add3A_190 : i32 to index
          %get3A_192 = arith.constant 64 : index
          %get3A_193 = tpu.vector_load %arg11[%get3A_191, %get3A_192] {strides = array<i32>} : memref<80x128xf32, #tpu.memory_space<vmem>>, vector<1x16xf32>,
          %get3A_194 = vector.shape_cast %get3A_193 : vector<1x16xf32> to vector<16xf32>
          %mul3A_195 = vector.broadcast %squeeze3A : f32 to vector<16xf32>
          %mul3A_196 = arith.mulf %get3A_194, %mul3A_195 : vector<16xf32>
          %add3A_197 = arith.constant 0 : i32
          %add3A_198 = arith.addi %mul3A_126, %add3A_197 : i32
          %swap3A_199 = arith.index_cast %add3A_198 : i32 to index
          %swap3A_200 = arith.constant 64 : index
          %swap3A_201 = tpu.vector_load %arg11[%swap3A_199, %swap3A_200] {strides = array<i32>} : memref<80x128xf32, #tpu.memory_space<vmem>>, vector<1x16xf32>,
          %swap3A_202 = vector.shape_cast %swap3A_201 : vector<1x16xf32> to vector<16xf32>
          %swap3A_203 = vector.shape_cast %mul3A_196 : vector<16xf32> to vector<1x16xf32>
          tpu.vector_store %arg11[%swap3A_199, %swap3A_200], %swap3A_203 {strides = array<i32>} : memref<80x128xf32, #tpu.memory_space<vmem>>, vector<1x16xf32>,
          %add3A_204 = arith.constant 0 : i32
          %add3A_205 = arith.addi %mul3A_126, %add3A_204 : i32
          %get3A_206 = arith.index_cast %add3A_205 : i32 to index
          %get3A_207 = arith.constant 80 : index
          %get3A_208 = tpu.vector_load %arg11[%get3A_206, %get3A_207] {strides = array<i32>} : memref<80x128xf32, #tpu.memory_space<vmem>>, vector<1x16xf32>,
          %get3A_209 = vector.shape_cast %get3A_208 : vector<1x16xf32> to vector<16xf32>
          %mul3A_210 = vector.broadcast %squeeze3A : f32 to vector<16xf32>
          %mul3A_211 = arith.mulf %get3A_209, %mul3A_210 : vector<16xf32>
          %add3A_212 = arith.constant 0 : i32
          %add3A_213 = arith.addi %mul3A_126, %add3A_212 : i32
          %swap3A_214 = arith.index_cast %add3A_213 : i32 to index
          %swap3A_215 = arith.constant 80 : index
          %swap3A_216 = tpu.vector_load %arg11[%swap3A_214, %swap3A_215] {strides = array<i32>} : memref<80x128xf32, #tpu.memory_space<vmem>>, vector<1x16xf32>,
          %swap3A_217 = vector.shape_cast %swap3A_216 : vector<1x16xf32> to vector<16xf32>
          %swap3A_218 = vector.shape_cast %mul3A_211 : vector<16xf32> to vector<1x16xf32>
          tpu.vector_store %arg11[%swap3A_214, %swap3A_215], %swap3A_218 {strides = array<i32>} : memref<80x128xf32, #tpu.memory_space<vmem>>, vector<1x16xf32>,
          %add3A_219 = arith.constant 0 : i32
          %add3A_220 = arith.addi %mul3A_126, %add3A_219 : i32
          %get3A_221 = arith.index_cast %add3A_220 : i32 to index
          %get3A_222 = arith.constant 96 : index
          %get3A_223 = tpu.vector_load %arg11[%get3A_221, %get3A_222] {strides = array<i32>} : memref<80x128xf32, #tpu.memory_space<vmem>>, vector<1x16xf32>,
          %get3A_224 = vector.shape_cast %get3A_223 : vector<1x16xf32> to vector<16xf32>
          %mul3A_225 = vector.broadcast %squeeze3A : f32 to vector<16xf32>
          %mul3A_226 = arith.mulf %get3A_224, %mul3A_225 : vector<16xf32>
          %add3A_227 = arith.constant 0 : i32
          %add3A_228 = arith.addi %mul3A_126, %add3A_227 : i32
          %swap3A_229 = arith.index_cast %add3A_228 : i32 to index
          %swap3A_230 = arith.constant 96 : index
          %swap3A_231 = tpu.vector_load %arg11[%swap3A_229, %swap3A_230] {strides = array<i32>} : memref<80x128xf32, #tpu.memory_space<vmem>>, vector<1x16xf32>,
          %swap3A_232 = vector.shape_cast %swap3A_231 : vector<1x16xf32> to vector<16xf32>
          %swap3A_233 = vector.shape_cast %mul3A_226 : vector<16xf32> to vector<1x16xf32>
          tpu.vector_store %arg11[%swap3A_229, %swap3A_230], %swap3A_233 {strides = array<i32>} : memref<80x128xf32, #tpu.memory_space<vmem>>, vector<1x16xf32>,
          %add3A_234 = arith.constant 0 : i32
          %add3A_235 = arith.addi %mul3A_126, %add3A_234 : i32
          %get3A_236 = arith.index_cast %add3A_235 : i32 to index
          %get3A_237 = arith.constant 112 : index
          %get3A_238 = tpu.vector_load %arg11[%get3A_236, %get3A_237] {strides = array<i32>} : memref<80x128xf32, #tpu.memory_space<vmem>>, vector<1x16xf32>,
          %get3A_239 = vector.shape_cast %get3A_238 : vector<1x16xf32> to vector<16xf32>
          %mul3A_240 = vector.broadcast %squeeze3A : f32 to vector<16xf32>
          %mul3A_241 = arith.mulf %get3A_239, %mul3A_240 : vector<16xf32>
          %add3A_242 = arith.constant 0 : i32
          %add3A_243 = arith.addi %mul3A_126, %add3A_242 : i32
          %swap3A_244 = arith.index_cast %add3A_243 : i32 to index
          %swap3A_245 = arith.constant 112 : index
          %swap3A_246 = tpu.vector_load %arg11[%swap3A_244, %swap3A_245] {strides = array<i32>} : memref<80x128xf32, #tpu.memory_space<vmem>>, vector<1x16xf32>,
          %swap3A_247 = vector.shape_cast %swap3A_246 : vector<1x16xf32> to vector<16xf32>
          %swap3A_248 = vector.shape_cast %mul3A_241 : vector<16xf32> to vector<1x16xf32>
          tpu.vector_store %arg11[%swap3A_244, %swap3A_245], %swap3A_248 {strides = array<i32>} : memref<80x128xf32, #tpu.memory_space<vmem>>, vector<1x16xf32>,
          %slice3A_249 = vector.extract_strided_slice %get3A_129 {offsets = [1], sizes = [1], strides = [1]} : vector<16xf32> to vector<1xf32>
          %squeeze3A_250 = vector.extract %slice3A_249[0] : f32 from vector<1xf32>
          %add3A_251 = arith.constant 1 : i32
          %add3A_252 = arith.addi %mul3A_126, %add3A_251 : i32
          %get3A_253 = arith.index_cast %add3A_252 : i32 to index
          %get3A_254 = arith.constant 0 : index
          %get3A_255 = tpu.vector_load %arg11[%get3A_253, %get3A_254] {strides = array<i32>} : memref<80x128xf32, #tpu.memory_space<vmem>>, vector<1x16xf32>,
          %get3A_256 = vector.shape_cast %get3A_255 : vector<1x16xf32> to vector<16xf32>
          %mul3A_257 = vector.broadcast %squeeze3A_250 : f32 to vector<16xf32>
          %mul3A_258 = arith.mulf %get3A_256, %mul3A_257 : vector<16xf32>
          %add3A_259 = arith.constant 1 : i32
          %add3A_260 = arith.addi %mul3A_126, %add3A_259 : i32
          %swap3A_261 = arith.index_cast %add3A_260 : i32 to index
          %swap3A_262 = arith.constant 0 : index
          %swap3A_263 = tpu.vector_load %arg11[%swap3A_261, %swap3A_262] {strides = array<i32>} : memref<80x128xf32, #tpu.memory_space<vmem>>, vector<1x16xf32>,
          %swap3A_264 = vector.shape_cast %swap3A_263 : vector<1x16xf32> to vector<16xf32>
          %swap3A_265 = vector.shape_cast %mul3A_258 : vector<16xf32> to vector<1x16xf32>
          tpu.vector_store %arg11[%swap3A_261, %swap3A_262], %swap3A_265 {strides = array<i32>} : memref<80x128xf32, #tpu.memory_space<vmem>>, vector<1x16xf32>,
          %add3A_266 = arith.constant 1 : i32
          %add3A_267 = arith.addi %mul3A_126, %add3A_266 : i32
          %get3A_268 = arith.index_cast %add3A_267 : i32 to index
          %get3A_269 = arith.constant 16 : index
          %get3A_270 = tpu.vector_load %arg11[%get3A_268, %get3A_269] {strides = array<i32>} : memref<80x128xf32, #tpu.memory_space<vmem>>, vector<1x16xf32>,
          %get3A_271 = vector.shape_cast %get3A_270 : vector<1x16xf32> to vector<16xf32>
          %mul3A_272 = vector.broadcast %squeeze3A_250 : f32 to vector<16xf32>
          %mul3A_273 = arith.mulf %get3A_271, %mul3A_272 : vector<16xf32>
          %add3A_274 = arith.constant 1 : i32
          %add3A_275 = arith.addi %mul3A_126, %add3A_274 : i32
          %swap3A_276 = arith.index_cast %add3A_275 : i32 to index
          %swap3A_277 = arith.constant 16 : index
          %swap3A_278 = tpu.vector_load %arg11[%swap3A_276, %swap3A_277] {strides = array<i32>} : memref<80x128xf32, #tpu.memory_space<vmem>>, vector<1x16xf32>,
          %swap3A_279 = vector.shape_cast %swap3A_278 : vector<1x16xf32> to vector<16xf32>
          %swap3A_280 = vector.shape_cast %mul3A_273 : vector<16xf32> to vector<1x16xf32>
          tpu.vector_store %arg11[%swap3A_276, %swap3A_277], %swap3A_280 {strides = array<i32>} : memref<80x128xf32, #tpu.memory_space<vmem>>, vector<1x16xf32>,
          %add3A_281 = arith.constant 1 : i32
          %add3A_282 = arith.addi %mul3A_126, %add3A_281 : i32
          %get3A_283 = arith.index_cast %add3A_282 : i32 to index
          %get3A_284 = arith.constant 32 : index
          %get3A_285 = tpu.vector_load %arg11[%get3A_283, %get3A_284] {strides = array<i32>} : memref<80x128xf32, #tpu.memory_space<vmem>>, vector<1x16xf32>,
          %get3A_286 = vector.shape_cast %get3A_285 : vector<1x16xf32> to vector<16xf32>
          %mul3A_287 = vector.broadcast %squeeze3A_250 : f32 to vector<16xf32>
          %mul3A_288 = arith.mulf %get3A_286, %mul3A_287 : vector<16xf32>
          %add3A_289 = arith.constant 1 : i32
          %add3A_290 = arith.addi %mul3A_126, %add3A_289 : i32
          %swap3A_291 = arith.index_cast %add3A_290 : i32 to index
          %swap3A_292 = arith.constant 32 : index
          %swap3A_293 = tpu.vector_load %arg11[%swap3A_291, %swap3A_292] {strides = array<i32>} : memref<80x128xf32, #tpu.memory_space<vmem>>, vector<1x16xf32>,
          %swap3A_294 = vector.shape_cast %swap3A_293 : vector<1x16xf32> to vector<16xf32>
          %swap3A_295 = vector.shape_cast %mul3A_288 : vector<16xf32> to vector<1x16xf32>
          tpu.vector_store %arg11[%swap3A_291, %swap3A_292], %swap3A_295 {strides = array<i32>} : memref<80x128xf32, #tpu.memory_space<vmem>>, vector<1x16xf32>,
          %add3A_296 = arith.constant 1 : i32
          %add3A_297 = arith.addi %mul3A_126, %add3A_296 : i32
          %get3A_298 = arith.index_cast %add3A_297 : i32 to index
          %get3A_299 = arith.constant 48 : index
          %get3A_300 = tpu.vector_load %arg11[%get3A_298, %get3A_299] {strides = array<i32>} : memref<80x128xf32, #tpu.memory_space<vmem>>, vector<1x16xf32>,
          %get3A_301 = vector.shape_cast %get3A_300 : vector<1x16xf32> to vector<16xf32>
          %mul3A_302 = vector.broadcast %squeeze3A_250 : f32 to vector<16xf32>
          %mul3A_303 = arith.mulf %get3A_301, %mul3A_302 : vector<16xf32>
          %add3A_304 = arith.constant 1 : i32
          %add3A_305 = arith.addi %mul3A_126, %add3A_304 : i32
          %swap3A_306 = arith.index_cast %add3A_305 : i32 to index
          %swap3A_307 = arith.constant 48 : index
          %swap3A_308 = tpu.vector_load %arg11[%swap3A_306, %swap3A_307] {strides = array<i32>} : memref<80x128xf32, #tpu.memory_space<vmem>>, vector<1x16xf32>,
          %swap3A_309 = vector.shape_cast %swap3A_308 : vector<1x16xf32> to vector<16xf32>
          %swap3A_310 = vector.shape_cast %mul3A_303 : vector<16xf32> to vector<1x16xf32>
          tpu.vector_store %arg11[%swap3A_306, %swap3A_307], %swap3A_310 {strides = array<i32>} : memref<80x128xf32, #tpu.memory_space<vmem>>, vector<1x16xf32>,
          %add3A_311 = arith.constant 1 : i32
          %add3A_312 = arith.addi %mul3A_126, %add3A_311 : i32
          %get3A_313 = arith.index_cast %add3A_312 : i32 to index
          %get3A_314 = arith.constant 64 : index
          %get3A_315 = tpu.vector_load %arg11[%get3A_313, %get3A_314] {strides = array<i32>} : memref<80x128xf32, #tpu.memory_space<vmem>>, vector<1x16xf32>,
          %get3A_316 = vector.shape_cast %get3A_315 : vector<1x16xf32> to vector<16xf32>
          %mul3A_317 = vector.broadcast %squeeze3A_250 : f32 to vector<16xf32>
          %mul3A_318 = arith.mulf %get3A_316, %mul3A_317 : vector<16xf32>
          %add3A_319 = arith.constant 1 : i32
          %add3A_320 = arith.addi %mul3A_126, %add3A_319 : i32
          %swap3A_321 = arith.index_cast %add3A_320 : i32 to index
          %swap3A_322 = arith.constant 64 : index
          %swap3A_323 = tpu.vector_load %arg11[%swap3A_321, %swap3A_322] {strides = array<i32>} : memref<80x128xf32, #tpu.memory_space<vmem>>, vector<1x16xf32>,
          %swap3A_324 = vector.shape_cast %swap3A_323 : vector<1x16xf32> to vector<16xf32>
          %swap3A_325 = vector.shape_cast %mul3A_318 : vector<16xf32> to vector<1x16xf32>
          tpu.vector_store %arg11[%swap3A_321, %swap3A_322], %swap3A_325 {strides = array<i32>} : memref<80x128xf32, #tpu.memory_space<vmem>>, vector<1x16xf32>,
          %add3A_326 = arith.constant 1 : i32
          %add3A_327 = arith.addi %mul3A_126, %add3A_326 : i32
          %get3A_328 = arith.index_cast %add3A_327 : i32 to index
          %get3A_329 = arith.constant 80 : index
          %get3A_330 = tpu.vector_load %arg11[%get3A_328, %get3A_329] {strides = array<i32>} : memref<80x128xf32, #tpu.memory_space<vmem>>, vector<1x16xf32>,
          %get3A_331 = vector.shape_cast %get3A_330 : vector<1x16xf32> to vector<16xf32>
          %mul3A_332 = vector.broadcast %squeeze3A_250 : f32 to vector<16xf32>
          %mul3A_333 = arith.mulf %get3A_331, %mul3A_332 : vector<16xf32>
          %add3A_334 = arith.constant 1 : i32
          %add3A_335 = arith.addi %mul3A_126, %add3A_334 : i32
          %swap3A_336 = arith.index_cast %add3A_335 : i32 to index
          %swap3A_337 = arith.constant 80 : index
          %swap3A_338 = tpu.vector_load %arg11[%swap3A_336, %swap3A_337] {strides = array<i32>} : memref<80x128xf32, #tpu.memory_space<vmem>>, vector<1x16xf32>,
          %swap3A_339 = vector.shape_cast %swap3A_338 : vector<1x16xf32> to vector<16xf32>
          %swap3A_340 = vector.shape_cast %mul3A_333 : vector<16xf32> to vector<1x16xf32>
          tpu.vector_store %arg11[%swap3A_336, %swap3A_337], %swap3A_340 {strides = array<i32>} : memref<80x128xf32, #tpu.memory_space<vmem>>, vector<1x16xf32>,
          %add3A_341 = arith.constant 1 : i32
          %add3A_342 = arith.addi %mul3A_126, %add3A_341 : i32
          %get3A_343 = arith.index_cast %add3A_342 : i32 to index
          %get3A_344 = arith.constant 96 : index
          %get3A_345 = tpu.vector_load %arg11[%get3A_343, %get3A_344] {strides = array<i32>} : memref<80x128xf32, #tpu.memory_space<vmem>>, vector<1x16xf32>,
          %get3A_346 = vector.shape_cast %get3A_345 : vector<1x16xf32> to vector<16xf32>
          %mul3A_347 = vector.broadcast %squeeze3A_250 : f32 to vector<16xf32>
          %mul3A_348 = arith.mulf %get3A_346, %mul3A_347 : vector<16xf32>
          %add3A_349 = arith.constant 1 : i32
          %add3A_350 = arith.addi %mul3A_126, %add3A_349 : i32
          %swap3A_351 = arith.index_cast %add3A_350 : i32 to index
          %swap3A_352 = arith.constant 96 : index
          %swap3A_353 = tpu.vector_load %arg11[%swap3A_351, %swap3A_352] {strides = array<i32>} : memref<80x128xf32, #tpu.memory_space<vmem>>, vector<1x16xf32>,
          %swap3A_354 = vector.shape_cast %swap3A_353 : vector<1x16xf32> to vector<16xf32>
          %swap3A_355 = vector.shape_cast %mul3A_348 : vector<16xf32> to vector<1x16xf32>
          tpu.vector_store %arg11[%swap3A_351, %swap3A_352], %swap3A_355 {strides = array<i32>} : memref<80x128xf32, #tpu.memory_space<vmem>>, vector<1x16xf32>,
          %add3A_356 = arith.constant 1 : i32
          %add3A_357 = arith.addi %mul3A_126, %add3A_356 : i32
          %get3A_358 = arith.index_cast %add3A_357 : i32 to index
          %get3A_359 = arith.constant 112 : index
          %get3A_360 = tpu.vector_load %arg11[%get3A_358, %get3A_359] {strides = array<i32>} : memref<80x128xf32, #tpu.memory_space<vmem>>, vector<1x16xf32>,
          %get3A_361 = vector.shape_cast %get3A_360 : vector<1x16xf32> to vector<16xf32>
          %mul3A_362 = vector.broadcast %squeeze3A_250 : f32 to vector<16xf32>
          %mul3A_363 = arith.mulf %get3A_361, %mul3A_362 : vector<16xf32>
          %add3A_364 = arith.constant 1 : i32
          %add3A_365 = arith.addi %mul3A_126, %add3A_364 : i32
          %swap3A_366 = arith.index_cast %add3A_365 : i32 to index
          %swap3A_367 = arith.constant 112 : index
          %swap3A_368 = tpu.vector_load %arg11[%swap3A_366, %swap3A_367] {strides = array<i32>} : memref<80x128xf32, #tpu.memory_space<vmem>>, vector<1x16xf32>,
          %swap3A_369 = vector.shape_cast %swap3A_368 : vector<1x16xf32> to vector<16xf32>
          %swap3A_370 = vector.shape_cast %mul3A_363 : vector<16xf32> to vector<1x16xf32>
          tpu.vector_store %arg11[%swap3A_366, %swap3A_367], %swap3A_370 {strides = array<i32>} : memref<80x128xf32, #tpu.memory_space<vmem>>, vector<1x16xf32>,
          %slice3A_371 = vector.extract_strided_slice %get3A_129 {offsets = [2], sizes = [1], strides = [1]} : vector<16xf32> to vector<1xf32>
          %squeeze3A_372 = vector.extract %slice3A_371[0] : f32 from vector<1xf32>
          %add3A_373 = arith.constant 2 : i32
          %add3A_374 = arith.addi %mul3A_126, %add3A_373 : i32
          %get3A_375 = arith.index_cast %add3A_374 : i32 to index
          %get3A_376 = arith.constant 0 : index
          %get3A_377 = tpu.vector_load %arg11[%get3A_375, %get3A_376] {strides = array<i32>} : memref<80x128xf32, #tpu.memory_space<vmem>>, vector<1x16xf32>,
          %get3A_378 = vector.shape_cast %get3A_377 : vector<1x16xf32> to vector<16xf32>
          %mul3A_379 = vector.broadcast %squeeze3A_372 : f32 to vector<16xf32>
          %mul3A_380 = arith.mulf %get3A_378, %mul3A_379 : vector<16xf32>
          %add3A_381 = arith.constant 2 : i32
          %add3A_382 = arith.addi %mul3A_126, %add3A_381 : i32
          %swap3A_383 = arith.index_cast %add3A_382 : i32 to index
          %swap3A_384 = arith.constant 0 : index
          %swap3A_385 = tpu.vector_load %arg11[%swap3A_383, %swap3A_384] {strides = array<i32>} : memref<80x128xf32, #tpu.memory_space<vmem>>, vector<1x16xf32>,
          %swap3A_386 = vector.shape_cast %swap3A_385 : vector<1x16xf32> to vector<16xf32>
          %swap3A_387 = vector.shape_cast %mul3A_380 : vector<16xf32> to vector<1x16xf32>
          tpu.vector_store %arg11[%swap3A_383, %swap3A_384], %swap3A_387 {strides = array<i32>} : memref<80x128xf32, #tpu.memory_space<vmem>>, vector<1x16xf32>,
          %add3A_388 = arith.constant 2 : i32
          %add3A_389 = arith.addi %mul3A_126, %add3A_388 : i32
          %get3A_390 = arith.index_cast %add3A_389 : i32 to index
          %get3A_391 = arith.constant 16 : index
          %get3A_392 = tpu.vector_load %arg11[%get3A_390, %get3A_391] {strides = array<i32>} : memref<80x128xf32, #tpu.memory_space<vmem>>, vector<1x16xf32>,
          %get3A_393 = vector.shape_cast %get3A_392 : vector<1x16xf32> to vector<16xf32>
          %mul3A_394 = vector.broadcast %squeeze3A_372 : f32 to vector<16xf32>
          %mul3A_395 = arith.mulf %get3A_393, %mul3A_394 : vector<16xf32>
          %add3A_396 = arith.constant 2 : i32
          %add3A_397 = arith.addi %mul3A_126, %add3A_396 : i32
          %swap3A_398 = arith.index_cast %add3A_397 : i32 to index
          %swap3A_399 = arith.constant 16 : index
          %swap3A_400 = tpu.vector_load %arg11[%swap3A_398, %swap3A_399] {strides = array<i32>} : memref<80x128xf32, #tpu.memory_space<vmem>>, vector<1x16xf32>,
          %swap3A_401 = vector.shape_cast %swap3A_400 : vector<1x16xf32> to vector<16xf32>
          %swap3A_402 = vector.shape_cast %mul3A_395 : vector<16xf32> to vector<1x16xf32>
          tpu.vector_store %arg11[%swap3A_398, %swap3A_399], %swap3A_402 {strides = array<i32>} : memref<80x128xf32, #tpu.memory_space<vmem>>, vector<1x16xf32>,
          %add3A_403 = arith.constant 2 : i32
          %add3A_404 = arith.addi %mul3A_126, %add3A_403 : i32
          %get3A_405 = arith.index_cast %add3A_404 : i32 to index
          %get3A_406 = arith.constant 32 : index
          %get3A_407 = tpu.vector_load %arg11[%get3A_405, %get3A_406] {strides = array<i32>} : memref<80x128xf32, #tpu.memory_space<vmem>>, vector<1x16xf32>,
          %get3A_408 = vector.shape_cast %get3A_407 : vector<1x16xf32> to vector<16xf32>
          %mul3A_409 = vector.broadcast %squeeze3A_372 : f32 to vector<16xf32>
          %mul3A_410 = arith.mulf %get3A_408, %mul3A_409 : vector<16xf32>
          %add3A_411 = arith.constant 2 : i32
          %add3A_412 = arith.addi %mul3A_126, %add3A_411 : i32
          %swap3A_413 = arith.index_cast %add3A_412 : i32 to index
          %swap3A_414 = arith.constant 32 : index
          %swap3A_415 = tpu.vector_load %arg11[%swap3A_413, %swap3A_414] {strides = array<i32>} : memref<80x128xf32, #tpu.memory_space<vmem>>, vector<1x16xf32>,
          %swap3A_416 = vector.shape_cast %swap3A_415 : vector<1x16xf32> to vector<16xf32>
          %swap3A_417 = vector.shape_cast %mul3A_410 : vector<16xf32> to vector<1x16xf32>
          tpu.vector_store %arg11[%swap3A_413, %swap3A_414], %swap3A_417 {strides = array<i32>} : memref<80x128xf32, #tpu.memory_space<vmem>>, vector<1x16xf32>,
          %add3A_418 = arith.constant 2 : i32
          %add3A_419 = arith.addi %mul3A_126, %add3A_418 : i32
          %get3A_420 = arith.index_cast %add3A_419 : i32 to index
          %get3A_421 = arith.constant 48 : index
          %get3A_422 = tpu.vector_load %arg11[%get3A_420, %get3A_421] {strides = array<i32>} : memref<80x128xf32, #tpu.memory_space<vmem>>, vector<1x16xf32>,
          %get3A_423 = vector.shape_cast %get3A_422 : vector<1x16xf32> to vector<16xf32>
          %mul3A_424 = vector.broadcast %squeeze3A_372 : f32 to vector<16xf32>
          %mul3A_425 = arith.mulf %get3A_423, %mul3A_424 : vector<16xf32>
          %add3A_426 = arith.constant 2 : i32
          %add3A_427 = arith.addi %mul3A_126, %add3A_426 : i32
          %swap3A_428 = arith.index_cast %add3A_427 : i32 to index
          %swap3A_429 = arith.constant 48 : index
          %swap3A_430 = tpu.vector_load %arg11[%swap3A_428, %swap3A_429] {strides = array<i32>} : memref<80x128xf32, #tpu.memory_space<vmem>>, vector<1x16xf32>,
          %swap3A_431 = vector.shape_cast %swap3A_430 : vector<1x16xf32> to vector<16xf32>
          %swap3A_432 = vector.shape_cast %mul3A_425 : vector<16xf32> to vector<1x16xf32>
          tpu.vector_store %arg11[%swap3A_428, %swap3A_429], %swap3A_432 {strides = array<i32>} : memref<80x128xf32, #tpu.memory_space<vmem>>, vector<1x16xf32>,
          %add3A_433 = arith.constant 2 : i32
          %add3A_434 = arith.addi %mul3A_126, %add3A_433 : i32
          %get3A_435 = arith.index_cast %add3A_434 : i32 to index
          %get3A_436 = arith.constant 64 : index
          %get3A_437 = tpu.vector_load %arg11[%get3A_435, %get3A_436] {strides = array<i32>} : memref<80x128xf32, #tpu.memory_space<vmem>>, vector<1x16xf32>,
          %get3A_438 = vector.shape_cast %get3A_437 : vector<1x16xf32> to vector<16xf32>
          %mul3A_439 = vector.broadcast %squeeze3A_372 : f32 to vector<16xf32>
          %mul3A_440 = arith.mulf %get3A_438, %mul3A_439 : vector<16xf32>
          %add3A_441 = arith.constant 2 : i32
          %add3A_442 = arith.addi %mul3A_126, %add3A_441 : i32
          %swap3A_443 = arith.index_cast %add3A_442 : i32 to index
          %swap3A_444 = arith.constant 64 : index
          %swap3A_445 = tpu.vector_load %arg11[%swap3A_443, %swap3A_444] {strides = array<i32>} : memref<80x128xf32, #tpu.memory_space<vmem>>, vector<1x16xf32>,
          %swap3A_446 = vector.shape_cast %swap3A_445 : vector<1x16xf32> to vector<16xf32>
          %swap3A_447 = vector.shape_cast %mul3A_440 : vector<16xf32> to vector<1x16xf32>
          tpu.vector_store %arg11[%swap3A_443, %swap3A_444], %swap3A_447 {strides = array<i32>} : memref<80x128xf32, #tpu.memory_space<vmem>>, vector<1x16xf32>,
          %add3A_448 = arith.constant 2 : i32
          %add3A_449 = arith.addi %mul3A_126, %add3A_448 : i32
          %get3A_450 = arith.index_cast %add3A_449 : i32 to index
          %get3A_451 = arith.constant 80 : index
          %get3A_452 = tpu.vector_load %arg11[%get3A_450, %get3A_451] {strides = array<i32>} : memref<80x128xf32, #tpu.memory_space<vmem>>, vector<1x16xf32>,
          %get3A_453 = vector.shape_cast %get3A_452 : vector<1x16xf32> to vector<16xf32>
          %mul3A_454 = vector.broadcast %squeeze3A_372 : f32 to vector<16xf32>
          %mul3A_455 = arith.mulf %get3A_453, %mul3A_454 : vector<16xf32>
          %add3A_456 = arith.constant 2 : i32
          %add3A_457 = arith.addi %mul3A_126, %add3A_456 : i32
          %swap3A_458 = arith.index_cast %add3A_457 : i32 to index
          %swap3A_459 = arith.constant 80 : index
          %swap3A_460 = tpu.vector_load %arg11[%swap3A_458, %swap3A_459] {strides = array<i32>} : memref<80x128xf32, #tpu.memory_space<vmem>>, vector<1x16xf32>,
          %swap3A_461 = vector.shape_cast %swap3A_460 : vector<1x16xf32> to vector<16xf32>
          %swap3A_462 = vector.shape_cast %mul3A_455 : vector<16xf32> to vector<1x16xf32>
          tpu.vector_store %arg11[%swap3A_458, %swap3A_459], %swap3A_462 {strides = array<i32>} : memref<80x128xf32, #tpu.memory_space<vmem>>, vector<1x16xf32>,
          %add3A_463 = arith.constant 2 : i32
          %add3A_464 = arith.addi %mul3A_126, %add3A_463 : i32
          %get3A_465 = arith.index_cast %add3A_464 : i32 to index
          %get3A_466 = arith.constant 96 : index
          %get3A_467 = tpu.vector_load %arg11[%get3A_465, %get3A_466] {strides = array<i32>} : memref<80x128xf32, #tpu.memory_space<vmem>>, vector<1x16xf32>,
          %get3A_468 = vector.shape_cast %get3A_467 : vector<1x16xf32> to vector<16xf32>
          %mul3A_469 = vector.broadcast %squeeze3A_372 : f32 to vector<16xf32>
          %mul3A_470 = arith.mulf %get3A_468, %mul3A_469 : vector<16xf32>
          %add3A_471 = arith.constant 2 : i32
          %add3A_472 = arith.addi %mul3A_126, %add3A_471 : i32
          %swap3A_473 = arith.index_cast %add3A_472 : i32 to index
          %swap3A_474 = arith.constant 96 : index
          %swap3A_475 = tpu.vector_load %arg11[%swap3A_473, %swap3A_474] {strides = array<i32>} : memref<80x128xf32, #tpu.memory_space<vmem>>, vector<1x16xf32>,
          %swap3A_476 = vector.shape_cast %swap3A_475 : vector<1x16xf32> to vector<16xf32>
          %swap3A_477 = vector.shape_cast %mul3A_470 : vector<16xf32> to vector<1x16xf32>
          tpu.vector_store %arg11[%swap3A_473, %swap3A_474], %swap3A_477 {strides = array<i32>} : memref<80x128xf32, #tpu.memory_space<vmem>>, vector<1x16xf32>,
          %add3A_478 = arith.constant 2 : i32
          %add3A_479 = arith.addi %mul3A_126, %add3A_478 : i32
          %get3A_480 = arith.index_cast %add3A_479 : i32 to index
          %get3A_481 = arith.constant 112 : index
          %get3A_482 = tpu.vector_load %arg11[%get3A_480, %get3A_481] {strides = array<i32>} : memref<80x128xf32, #tpu.memory_space<vmem>>, vector<1x16xf32>,
          %get3A_483 = vector.shape_cast %get3A_482 : vector<1x16xf32> to vector<16xf32>
          %mul3A_484 = vector.broadcast %squeeze3A_372 : f32 to vector<16xf32>
          %mul3A_485 = arith.mulf %get3A_483, %mul3A_484 : vector<16xf32>
          %add3A_486 = arith.constant 2 : i32
          %add3A_487 = arith.addi %mul3A_126, %add3A_486 : i32
          %swap3A_488 = arith.index_cast %add3A_487 : i32 to index
          %swap3A_489 = arith.constant 112 : index
          %swap3A_490 = tpu.vector_load %arg11[%swap3A_488, %swap3A_489] {strides = array<i32>} : memref<80x128xf32, #tpu.memory_space<vmem>>, vector<1x16xf32>,
          %swap3A_491 = vector.shape_cast %swap3A_490 : vector<1x16xf32> to vector<16xf32>
          %swap3A_492 = vector.shape_cast %mul3A_485 : vector<16xf32> to vector<1x16xf32>
          tpu.vector_store %arg11[%swap3A_488, %swap3A_489], %swap3A_492 {strides = array<i32>} : memref<80x128xf32, #tpu.memory_space<vmem>>, vector<1x16xf32>,
          %slice3A_493 = vector.extract_strided_slice %get3A_129 {offsets = [3], sizes = [1], strides = [1]} : vector<16xf32> to vector<1xf32>
          %squeeze3A_494 = vector.extract %slice3A_493[0] : f32 from vector<1xf32>
          %add3A_495 = arith.constant 3 : i32
          %add3A_496 = arith.addi %mul3A_126, %add3A_495 : i32
          %get3A_497 = arith.index_cast %add3A_496 : i32 to index
          %get3A_498 = arith.constant 0 : index
          %get3A_499 = tpu.vector_load %arg11[%get3A_497, %get3A_498] {strides = array<i32>} : memref<80x128xf32, #tpu.memory_space<vmem>>, vector<1x16xf32>,
          %get3A_500 = vector.shape_cast %get3A_499 : vector<1x16xf32> to vector<16xf32>
          %mul3A_501 = vector.broadcast %squeeze3A_494 : f32 to vector<16xf32>
          %mul3A_502 = arith.mulf %get3A_500, %mul3A_501 : vector<16xf32>
          %add3A_503 = arith.constant 3 : i32
          %add3A_504 = arith.addi %mul3A_126, %add3A_503 : i32
          %swap3A_505 = arith.index_cast %add3A_504 : i32 to index
          %swap3A_506 = arith.constant 0 : index
          %swap3A_507 = tpu.vector_load %arg11[%swap3A_505, %swap3A_506] {strides = array<i32>} : memref<80x128xf32, #tpu.memory_space<vmem>>, vector<1x16xf32>,
          %swap3A_508 = vector.shape_cast %swap3A_507 : vector<1x16xf32> to vector<16xf32>
          %swap3A_509 = vector.shape_cast %mul3A_502 : vector<16xf32> to vector<1x16xf32>
          tpu.vector_store %arg11[%swap3A_505, %swap3A_506], %swap3A_509 {strides = array<i32>} : memref<80x128xf32, #tpu.memory_space<vmem>>, vector<1x16xf32>,
          %add3A_510 = arith.constant 3 : i32
          %add3A_511 = arith.addi %mul3A_126, %add3A_510 : i32
          %get3A_512 = arith.index_cast %add3A_511 : i32 to index
          %get3A_513 = arith.constant 16 : index
          %get3A_514 = tpu.vector_load %arg11[%get3A_512, %get3A_513] {strides = array<i32>} : memref<80x128xf32, #tpu.memory_space<vmem>>, vector<1x16xf32>,
          %get3A_515 = vector.shape_cast %get3A_514 : vector<1x16xf32> to vector<16xf32>
          %mul3A_516 = vector.broadcast %squeeze3A_494 : f32 to vector<16xf32>
          %mul3A_517 = arith.mulf %get3A_515, %mul3A_516 : vector<16xf32>
          %add3A_518 = arith.constant 3 : i32
          %add3A_519 = arith.addi %mul3A_126, %add3A_518 : i32
          %swap3A_520 = arith.index_cast %add3A_519 : i32 to index
          %swap3A_521 = arith.constant 16 : index
          %swap3A_522 = tpu.vector_load %arg11[%swap3A_520, %swap3A_521] {strides = array<i32>} : memref<80x128xf32, #tpu.memory_space<vmem>>, vector<1x16xf32>,
          %swap3A_523 = vector.shape_cast %swap3A_522 : vector<1x16xf32> to vector<16xf32>
          %swap3A_524 = vector.shape_cast %mul3A_517 : vector<16xf32> to vector<1x16xf32>
          tpu.vector_store %arg11[%swap3A_520, %swap3A_521], %swap3A_524 {strides = array<i32>} : memref<80x128xf32, #tpu.memory_space<vmem>>, vector<1x16xf32>,
          %add3A_525 = arith.constant 3 : i32
          %add3A_526 = arith.addi %mul3A_126, %add3A_525 : i32
          %get3A_527 = arith.index_cast %add3A_526 : i32 to index
          %get3A_528 = arith.constant 32 : index
          %get3A_529 = tpu.vector_load %arg11[%get3A_527, %get3A_528] {strides = array<i32>} : memref<80x128xf32, #tpu.memory_space<vmem>>, vector<1x16xf32>,
          %get3A_530 = vector.shape_cast %get3A_529 : vector<1x16xf32> to vector<16xf32>
          %mul3A_531 = vector.broadcast %squeeze3A_494 : f32 to vector<16xf32>
          %mul3A_532 = arith.mulf %get3A_530, %mul3A_531 : vector<16xf32>
          %add3A_533 = arith.constant 3 : i32
          %add3A_534 = arith.addi %mul3A_126, %add3A_533 : i32
          %swap3A_535 = arith.index_cast %add3A_534 : i32 to index
          %swap3A_536 = arith.constant 32 : index
          %swap3A_537 = tpu.vector_load %arg11[%swap3A_535, %swap3A_536] {strides = array<i32>} : memref<80x128xf32, #tpu.memory_space<vmem>>, vector<1x16xf32>,
          %swap3A_538 = vector.shape_cast %swap3A_537 : vector<1x16xf32> to vector<16xf32>
          %swap3A_539 = vector.shape_cast %mul3A_532 : vector<16xf32> to vector<1x16xf32>
          tpu.vector_store %arg11[%swap3A_535, %swap3A_536], %swap3A_539 {strides = array<i32>} : memref<80x128xf32, #tpu.memory_space<vmem>>, vector<1x16xf32>,
          %add3A_540 = arith.constant 3 : i32
          %add3A_541 = arith.addi %mul3A_126, %add3A_540 : i32
          %get3A_542 = arith.index_cast %add3A_541 : i32 to index
          %get3A_543 = arith.constant 48 : index
          %get3A_544 = tpu.vector_load %arg11[%get3A_542, %get3A_543] {strides = array<i32>} : memref<80x128xf32, #tpu.memory_space<vmem>>, vector<1x16xf32>,
          %get3A_545 = vector.shape_cast %get3A_544 : vector<1x16xf32> to vector<16xf32>
          %mul3A_546 = vector.broadcast %squeeze3A_494 : f32 to vector<16xf32>
          %mul3A_547 = arith.mulf %get3A_545, %mul3A_546 : vector<16xf32>
          %add3A_548 = arith.constant 3 : i32
          %add3A_549 = arith.addi %mul3A_126, %add3A_548 : i32
          %swap3A_550 = arith.index_cast %add3A_549 : i32 to index
          %swap3A_551 = arith.constant 48 : index
          %swap3A_552 = tpu.vector_load %arg11[%swap3A_550, %swap3A_551] {strides = array<i32>} : memref<80x128xf32, #tpu.memory_space<vmem>>, vector<1x16xf32>,
          %swap3A_553 = vector.shape_cast %swap3A_552 : vector<1x16xf32> to vector<16xf32>
          %swap3A_554 = vector.shape_cast %mul3A_547 : vector<16xf32> to vector<1x16xf32>
          tpu.vector_store %arg11[%swap3A_550, %swap3A_551], %swap3A_554 {strides = array<i32>} : memref<80x128xf32, #tpu.memory_space<vmem>>, vector<1x16xf32>,
          %add3A_555 = arith.constant 3 : i32
          %add3A_556 = arith.addi %mul3A_126, %add3A_555 : i32
          %get3A_557 = arith.index_cast %add3A_556 : i32 to index
          %get3A_558 = arith.constant 64 : index
          %get3A_559 = tpu.vector_load %arg11[%get3A_557, %get3A_558] {strides = array<i32>} : memref<80x128xf32, #tpu.memory_space<vmem>>, vector<1x16xf32>,
          %get3A_560 = vector.shape_cast %get3A_559 : vector<1x16xf32> to vector<16xf32>
          %mul3A_561 = vector.broadcast %squeeze3A_494 : f32 to vector<16xf32>
          %mul3A_562 = arith.mulf %get3A_560, %mul3A_561 : vector<16xf32>
          %add3A_563 = arith.constant 3 : i32
          %add3A_564 = arith.addi %mul3A_126, %add3A_563 : i32
          %swap3A_565 = arith.index_cast %add3A_564 : i32 to index
          %swap3A_566 = arith.constant 64 : index
          %swap3A_567 = tpu.vector_load %arg11[%swap3A_565, %swap3A_566] {strides = array<i32>} : memref<80x128xf32, #tpu.memory_space<vmem>>, vector<1x16xf32>,
          %swap3A_568 = vector.shape_cast %swap3A_567 : vector<1x16xf32> to vector<16xf32>
          %swap3A_569 = vector.shape_cast %mul3A_562 : vector<16xf32> to vector<1x16xf32>
          tpu.vector_store %arg11[%swap3A_565, %swap3A_566], %swap3A_569 {strides = array<i32>} : memref<80x128xf32, #tpu.memory_space<vmem>>, vector<1x16xf32>,
          %add3A_570 = arith.constant 3 : i32
          %add3A_571 = arith.addi %mul3A_126, %add3A_570 : i32
          %get3A_572 = arith.index_cast %add3A_571 : i32 to index
          %get3A_573 = arith.constant 80 : index
          %get3A_574 = tpu.vector_load %arg11[%get3A_572, %get3A_573] {strides = array<i32>} : memref<80x128xf32, #tpu.memory_space<vmem>>, vector<1x16xf32>,
          %get3A_575 = vector.shape_cast %get3A_574 : vector<1x16xf32> to vector<16xf32>
          %mul3A_576 = vector.broadcast %squeeze3A_494 : f32 to vector<16xf32>
          %mul3A_577 = arith.mulf %get3A_575, %mul3A_576 : vector<16xf32>
          %add3A_578 = arith.constant 3 : i32
          %add3A_579 = arith.addi %mul3A_126, %add3A_578 : i32
          %swap3A_580 = arith.index_cast %add3A_579 : i32 to index
          %swap3A_581 = arith.constant 80 : index
          %swap3A_582 = tpu.vector_load %arg11[%swap3A_580, %swap3A_581] {strides = array<i32>} : memref<80x128xf32, #tpu.memory_space<vmem>>, vector<1x16xf32>,
          %swap3A_583 = vector.shape_cast %swap3A_582 : vector<1x16xf32> to vector<16xf32>
          %swap3A_584 = vector.shape_cast %mul3A_577 : vector<16xf32> to vector<1x16xf32>
          tpu.vector_store %arg11[%swap3A_580, %swap3A_581], %swap3A_584 {strides = array<i32>} : memref<80x128xf32, #tpu.memory_space<vmem>>, vector<1x16xf32>,
          %add3A_585 = arith.constant 3 : i32
          %add3A_586 = arith.addi %mul3A_126, %add3A_585 : i32
          %get3A_587 = arith.index_cast %add3A_586 : i32 to index
          %get3A_588 = arith.constant 96 : index
          %get3A_589 = tpu.vector_load %arg11[%get3A_587, %get3A_588] {strides = array<i32>} : memref<80x128xf32, #tpu.memory_space<vmem>>, vector<1x16xf32>,
          %get3A_590 = vector.shape_cast %get3A_589 : vector<1x16xf32> to vector<16xf32>
          %mul3A_591 = vector.broadcast %squeeze3A_494 : f32 to vector<16xf32>
          %mul3A_592 = arith.mulf %get3A_590, %mul3A_591 : vector<16xf32>
          %add3A_593 = arith.constant 3 : i32
          %add3A_594 = arith.addi %mul3A_126, %add3A_593 : i32
          %swap3A_595 = arith.index_cast %add3A_594 : i32 to index
          %swap3A_596 = arith.constant 96 : index
          %swap3A_597 = tpu.vector_load %arg11[%swap3A_595, %swap3A_596] {strides = array<i32>} : memref<80x128xf32, #tpu.memory_space<vmem>>, vector<1x16xf32>,
          %swap3A_598 = vector.shape_cast %swap3A_597 : vector<1x16xf32> to vector<16xf32>
          %swap3A_599 = vector.shape_cast %mul3A_592 : vector<16xf32> to vector<1x16xf32>
          tpu.vector_store %arg11[%swap3A_595, %swap3A_596], %swap3A_599 {strides = array<i32>} : memref<80x128xf32, #tpu.memory_space<vmem>>, vector<1x16xf32>,
          %add3A_600 = arith.constant 3 : i32
          %add3A_601 = arith.addi %mul3A_126, %add3A_600 : i32
          %get3A_602 = arith.index_cast %add3A_601 : i32 to index
          %get3A_603 = arith.constant 112 : index
          %get3A_604 = tpu.vector_load %arg11[%get3A_602, %get3A_603] {strides = array<i32>} : memref<80x128xf32, #tpu.memory_space<vmem>>, vector<1x16xf32>,
          %get3A_605 = vector.shape_cast %get3A_604 : vector<1x16xf32> to vector<16xf32>
          %mul3A_606 = vector.broadcast %squeeze3A_494 : f32 to vector<16xf32>
          %mul3A_607 = arith.mulf %get3A_605, %mul3A_606 : vector<16xf32>
          %add3A_608 = arith.constant 3 : i32
          %add3A_609 = arith.addi %mul3A_126, %add3A_608 : i32
          %swap3A_610 = arith.index_cast %add3A_609 : i32 to index
          %swap3A_611 = arith.constant 112 : index
          %swap3A_612 = tpu.vector_load %arg11[%swap3A_610, %swap3A_611] {strides = array<i32>} : memref<80x128xf32, #tpu.memory_space<vmem>>, vector<1x16xf32>,
          %swap3A_613 = vector.shape_cast %swap3A_612 : vector<1x16xf32> to vector<16xf32>
          %swap3A_614 = vector.shape_cast %mul3A_607 : vector<16xf32> to vector<1x16xf32>
          tpu.vector_store %arg11[%swap3A_610, %swap3A_611], %swap3A_614 {strides = array<i32>} : memref<80x128xf32, #tpu.memory_space<vmem>>, vector<1x16xf32>,
          %slice3A_615 = vector.extract_strided_slice %get3A_129 {offsets = [4], sizes = [1], strides = [1]} : vector<16xf32> to vector<1xf32>
          %squeeze3A_616 = vector.extract %slice3A_615[0] : f32 from vector<1xf32>
          %add3A_617 = arith.constant 4 : i32
          %add3A_618 = arith.addi %mul3A_126, %add3A_617 : i32
          %get3A_619 = arith.index_cast %add3A_618 : i32 to index
          %get3A_620 = arith.constant 0 : index
          %get3A_621 = tpu.vector_load %arg11[%get3A_619, %get3A_620] {strides = array<i32>} : memref<80x128xf32, #tpu.memory_space<vmem>>, vector<1x16xf32>,
          %get3A_622 = vector.shape_cast %get3A_621 : vector<1x16xf32> to vector<16xf32>
          %mul3A_623 = vector.broadcast %squeeze3A_616 : f32 to vector<16xf32>
          %mul3A_624 = arith.mulf %get3A_622, %mul3A_623 : vector<16xf32>
          %add3A_625 = arith.constant 4 : i32
          %add3A_626 = arith.addi %mul3A_126, %add3A_625 : i32
          %swap3A_627 = arith.index_cast %add3A_626 : i32 to index
          %swap3A_628 = arith.constant 0 : index
          %swap3A_629 = tpu.vector_load %arg11[%swap3A_627, %swap3A_628] {strides = array<i32>} : memref<80x128xf32, #tpu.memory_space<vmem>>, vector<1x16xf32>,
          %swap3A_630 = vector.shape_cast %swap3A_629 : vector<1x16xf32> to vector<16xf32>
          %swap3A_631 = vector.shape_cast %mul3A_624 : vector<16xf32> to vector<1x16xf32>
          tpu.vector_store %arg11[%swap3A_627, %swap3A_628], %swap3A_631 {strides = array<i32>} : memref<80x128xf32, #tpu.memory_space<vmem>>, vector<1x16xf32>,
          %add3A_632 = arith.constant 4 : i32
          %add3A_633 = arith.addi %mul3A_126, %add3A_632 : i32
          %get3A_634 = arith.index_cast %add3A_633 : i32 to index
          %get3A_635 = arith.constant 16 : index
          %get3A_636 = tpu.vector_load %arg11[%get3A_634, %get3A_635] {strides = array<i32>} : memref<80x128xf32, #tpu.memory_space<vmem>>, vector<1x16xf32>,
          %get3A_637 = vector.shape_cast %get3A_636 : vector<1x16xf32> to vector<16xf32>
          %mul3A_638 = vector.broadcast %squeeze3A_616 : f32 to vector<16xf32>
          %mul3A_639 = arith.mulf %get3A_637, %mul3A_638 : vector<16xf32>
          %add3A_640 = arith.constant 4 : i32
          %add3A_641 = arith.addi %mul3A_126, %add3A_640 : i32
          %swap3A_642 = arith.index_cast %add3A_641 : i32 to index
          %swap3A_643 = arith.constant 16 : index
          %swap3A_644 = tpu.vector_load %arg11[%swap3A_642, %swap3A_643] {strides = array<i32>} : memref<80x128xf32, #tpu.memory_space<vmem>>, vector<1x16xf32>,
          %swap3A_645 = vector.shape_cast %swap3A_644 : vector<1x16xf32> to vector<16xf32>
          %swap3A_646 = vector.shape_cast %mul3A_639 : vector<16xf32> to vector<1x16xf32>
          tpu.vector_store %arg11[%swap3A_642, %swap3A_643], %swap3A_646 {strides = array<i32>} : memref<80x128xf32, #tpu.memory_space<vmem>>, vector<1x16xf32>,
          %add3A_647 = arith.constant 4 : i32
          %add3A_648 = arith.addi %mul3A_126, %add3A_647 : i32
          %get3A_649 = arith.index_cast %add3A_648 : i32 to index
          %get3A_650 = arith.constant 32 : index
          %get3A_651 = tpu.vector_load %arg11[%get3A_649, %get3A_650] {strides = array<i32>} : memref<80x128xf32, #tpu.memory_space<vmem>>, vector<1x16xf32>,
          %get3A_652 = vector.shape_cast %get3A_651 : vector<1x16xf32> to vector<16xf32>
          %mul3A_653 = vector.broadcast %squeeze3A_616 : f32 to vector<16xf32>
          %mul3A_654 = arith.mulf %get3A_652, %mul3A_653 : vector<16xf32>
          %add3A_655 = arith.constant 4 : i32
          %add3A_656 = arith.addi %mul3A_126, %add3A_655 : i32
          %swap3A_657 = arith.index_cast %add3A_656 : i32 to index
          %swap3A_658 = arith.constant 32 : index
          %swap3A_659 = tpu.vector_load %arg11[%swap3A_657, %swap3A_658] {strides = array<i32>} : memref<80x128xf32, #tpu.memory_space<vmem>>, vector<1x16xf32>,
          %swap3A_660 = vector.shape_cast %swap3A_659 : vector<1x16xf32> to vector<16xf32>
          %swap3A_661 = vector.shape_cast %mul3A_654 : vector<16xf32> to vector<1x16xf32>
          tpu.vector_store %arg11[%swap3A_657, %swap3A_658], %swap3A_661 {strides = array<i32>} : memref<80x128xf32, #tpu.memory_space<vmem>>, vector<1x16xf32>,
          %add3A_662 = arith.constant 4 : i32
          %add3A_663 = arith.addi %mul3A_126, %add3A_662 : i32
          %get3A_664 = arith.index_cast %add3A_663 : i32 to index
          %get3A_665 = arith.constant 48 : index
          %get3A_666 = tpu.vector_load %arg11[%get3A_664, %get3A_665] {strides = array<i32>} : memref<80x128xf32, #tpu.memory_space<vmem>>, vector<1x16xf32>,
          %get3A_667 = vector.shape_cast %get3A_666 : vector<1x16xf32> to vector<16xf32>
          %mul3A_668 = vector.broadcast %squeeze3A_616 : f32 to vector<16xf32>
          %mul3A_669 = arith.mulf %get3A_667, %mul3A_668 : vector<16xf32>
          %add3A_670 = arith.constant 4 : i32
          %add3A_671 = arith.addi %mul3A_126, %add3A_670 : i32
          %swap3A_672 = arith.index_cast %add3A_671 : i32 to index
          %swap3A_673 = arith.constant 48 : index
          %swap3A_674 = tpu.vector_load %arg11[%swap3A_672, %swap3A_673] {strides = array<i32>} : memref<80x128xf32, #tpu.memory_space<vmem>>, vector<1x16xf32>,
          %swap3A_675 = vector.shape_cast %swap3A_674 : vector<1x16xf32> to vector<16xf32>
          %swap3A_676 = vector.shape_cast %mul3A_669 : vector<16xf32> to vector<1x16xf32>
          tpu.vector_store %arg11[%swap3A_672, %swap3A_673], %swap3A_676 {strides = array<i32>} : memref<80x128xf32, #tpu.memory_space<vmem>>, vector<1x16xf32>,
          %add3A_677 = arith.constant 4 : i32
          %add3A_678 = arith.addi %mul3A_126, %add3A_677 : i32
          %get3A_679 = arith.index_cast %add3A_678 : i32 to index
          %get3A_680 = arith.constant 64 : index
          %get3A_681 = tpu.vector_load %arg11[%get3A_679, %get3A_680] {strides = array<i32>} : memref<80x128xf32, #tpu.memory_space<vmem>>, vector<1x16xf32>,
          %get3A_682 = vector.shape_cast %get3A_681 : vector<1x16xf32> to vector<16xf32>
          %mul3A_683 = vector.broadcast %squeeze3A_616 : f32 to vector<16xf32>
          %mul3A_684 = arith.mulf %get3A_682, %mul3A_683 : vector<16xf32>
          %add3A_685 = arith.constant 4 : i32
          %add3A_686 = arith.addi %mul3A_126, %add3A_685 : i32
          %swap3A_687 = arith.index_cast %add3A_686 : i32 to index
          %swap3A_688 = arith.constant 64 : index
          %swap3A_689 = tpu.vector_load %arg11[%swap3A_687, %swap3A_688] {strides = array<i32>} : memref<80x128xf32, #tpu.memory_space<vmem>>, vector<1x16xf32>,
          %swap3A_690 = vector.shape_cast %swap3A_689 : vector<1x16xf32> to vector<16xf32>
          %swap3A_691 = vector.shape_cast %mul3A_684 : vector<16xf32> to vector<1x16xf32>
          tpu.vector_store %arg11[%swap3A_687, %swap3A_688], %swap3A_691 {strides = array<i32>} : memref<80x128xf32, #tpu.memory_space<vmem>>, vector<1x16xf32>,
          %add3A_692 = arith.constant 4 : i32
          %add3A_693 = arith.addi %mul3A_126, %add3A_692 : i32
          %get3A_694 = arith.index_cast %add3A_693 : i32 to index
          %get3A_695 = arith.constant 80 : index
          %get3A_696 = tpu.vector_load %arg11[%get3A_694, %get3A_695] {strides = array<i32>} : memref<80x128xf32, #tpu.memory_space<vmem>>, vector<1x16xf32>,
          %get3A_697 = vector.shape_cast %get3A_696 : vector<1x16xf32> to vector<16xf32>
          %mul3A_698 = vector.broadcast %squeeze3A_616 : f32 to vector<16xf32>
          %mul3A_699 = arith.mulf %get3A_697, %mul3A_698 : vector<16xf32>
          %add3A_700 = arith.constant 4 : i32
          %add3A_701 = arith.addi %mul3A_126, %add3A_700 : i32
          %swap3A_702 = arith.index_cast %add3A_701 : i32 to index
          %swap3A_703 = arith.constant 80 : index
          %swap3A_704 = tpu.vector_load %arg11[%swap3A_702, %swap3A_703] {strides = array<i32>} : memref<80x128xf32, #tpu.memory_space<vmem>>, vector<1x16xf32>,
          %swap3A_705 = vector.shape_cast %swap3A_704 : vector<1x16xf32> to vector<16xf32>
          %swap3A_706 = vector.shape_cast %mul3A_699 : vector<16xf32> to vector<1x16xf32>
          tpu.vector_store %arg11[%swap3A_702, %swap3A_703], %swap3A_706 {strides = array<i32>} : memref<80x128xf32, #tpu.memory_space<vmem>>, vector<1x16xf32>,
          %add3A_707 = arith.constant 4 : i32
          %add3A_708 = arith.addi %mul3A_126, %add3A_707 : i32
          %get3A_709 = arith.index_cast %add3A_708 : i32 to index
          %get3A_710 = arith.constant 96 : index
          %get3A_711 = tpu.vector_load %arg11[%get3A_709, %get3A_710] {strides = array<i32>} : memref<80x128xf32, #tpu.memory_space<vmem>>, vector<1x16xf32>,
          %get3A_712 = vector.shape_cast %get3A_711 : vector<1x16xf32> to vector<16xf32>
          %mul3A_713 = vector.broadcast %squeeze3A_616 : f32 to vector<16xf32>
          %mul3A_714 = arith.mulf %get3A_712, %mul3A_713 : vector<16xf32>
          %add3A_715 = arith.constant 4 : i32
          %add3A_716 = arith.addi %mul3A_126, %add3A_715 : i32
          %swap3A_717 = arith.index_cast %add3A_716 : i32 to index
          %swap3A_718 = arith.constant 96 : index
          %swap3A_719 = tpu.vector_load %arg11[%swap3A_717, %swap3A_718] {strides = array<i32>} : memref<80x128xf32, #tpu.memory_space<vmem>>, vector<1x16xf32>,
          %swap3A_720 = vector.shape_cast %swap3A_719 : vector<1x16xf32> to vector<16xf32>
          %swap3A_721 = vector.shape_cast %mul3A_714 : vector<16xf32> to vector<1x16xf32>
          tpu.vector_store %arg11[%swap3A_717, %swap3A_718], %swap3A_721 {strides = array<i32>} : memref<80x128xf32, #tpu.memory_space<vmem>>, vector<1x16xf32>,
          %add3A_722 = arith.constant 4 : i32
          %add3A_723 = arith.addi %mul3A_126, %add3A_722 : i32
          %get3A_724 = arith.index_cast %add3A_723 : i32 to index
          %get3A_725 = arith.constant 112 : index
          %get3A_726 = tpu.vector_load %arg11[%get3A_724, %get3A_725] {strides = array<i32>} : memref<80x128xf32, #tpu.memory_space<vmem>>, vector<1x16xf32>,
          %get3A_727 = vector.shape_cast %get3A_726 : vector<1x16xf32> to vector<16xf32>
          %mul3A_728 = vector.broadcast %squeeze3A_616 : f32 to vector<16xf32>
          %mul3A_729 = arith.mulf %get3A_727, %mul3A_728 : vector<16xf32>
          %add3A_730 = arith.constant 4 : i32
          %add3A_731 = arith.addi %mul3A_126, %add3A_730 : i32
          %swap3A_732 = arith.index_cast %add3A_731 : i32 to index
          %swap3A_733 = arith.constant 112 : index
          %swap3A_734 = tpu.vector_load %arg11[%swap3A_732, %swap3A_733] {strides = array<i32>} : memref<80x128xf32, #tpu.memory_space<vmem>>, vector<1x16xf32>,
          %swap3A_735 = vector.shape_cast %swap3A_734 : vector<1x16xf32> to vector<16xf32>
          %swap3A_736 = vector.shape_cast %mul3A_729 : vector<16xf32> to vector<1x16xf32>
          tpu.vector_store %arg11[%swap3A_732, %swap3A_733], %swap3A_736 {strides = array<i32>} : memref<80x128xf32, #tpu.memory_space<vmem>>, vector<1x16xf32>,
          %slice3A_737 = vector.extract_strided_slice %get3A_129 {offsets = [5], sizes = [1], strides = [1]} : vector<16xf32> to vector<1xf32>
          %squeeze3A_738 = vector.extract %slice3A_737[0] : f32 from vector<1xf32>
          %add3A_739 = arith.constant 5 : i32
          %add3A_740 = arith.addi %mul3A_126, %add3A_739 : i32
          %get3A_741 = arith.index_cast %add3A_740 : i32 to index
          %get3A_742 = arith.constant 0 : index
          %get3A_743 = tpu.vector_load %arg11[%get3A_741, %get3A_742] {strides = array<i32>} : memref<80x128xf32, #tpu.memory_space<vmem>>, vector<1x16xf32>,
          %get3A_744 = vector.shape_cast %get3A_743 : vector<1x16xf32> to vector<16xf32>
          %mul3A_745 = vector.broadcast %squeeze3A_738 : f32 to vector<16xf32>
          %mul3A_746 = arith.mulf %get3A_744, %mul3A_745 : vector<16xf32>
          %add3A_747 = arith.constant 5 : i32
          %add3A_748 = arith.addi %mul3A_126, %add3A_747 : i32
          %swap3A_749 = arith.index_cast %add3A_748 : i32 to index
          %swap3A_750 = arith.constant 0 : index
          %swap3A_751 = tpu.vector_load %arg11[%swap3A_749, %swap3A_750] {strides = array<i32>} : memref<80x128xf32, #tpu.memory_space<vmem>>, vector<1x16xf32>,
          %swap3A_752 = vector.shape_cast %swap3A_751 : vector<1x16xf32> to vector<16xf32>
          %swap3A_753 = vector.shape_cast %mul3A_746 : vector<16xf32> to vector<1x16xf32>
          tpu.vector_store %arg11[%swap3A_749, %swap3A_750], %swap3A_753 {strides = array<i32>} : memref<80x128xf32, #tpu.memory_space<vmem>>, vector<1x16xf32>,
          %add3A_754 = arith.constant 5 : i32
          %add3A_755 = arith.addi %mul3A_126, %add3A_754 : i32
          %get3A_756 = arith.index_cast %add3A_755 : i32 to index
          %get3A_757 = arith.constant 16 : index
          %get3A_758 = tpu.vector_load %arg11[%get3A_756, %get3A_757] {strides = array<i32>} : memref<80x128xf32, #tpu.memory_space<vmem>>, vector<1x16xf32>,
          %get3A_759 = vector.shape_cast %get3A_758 : vector<1x16xf32> to vector<16xf32>
          %mul3A_760 = vector.broadcast %squeeze3A_738 : f32 to vector<16xf32>
          %mul3A_761 = arith.mulf %get3A_759, %mul3A_760 : vector<16xf32>
          %add3A_762 = arith.constant 5 : i32
          %add3A_763 = arith.addi %mul3A_126, %add3A_762 : i32
          %swap3A_764 = arith.index_cast %add3A_763 : i32 to index
          %swap3A_765 = arith.constant 16 : index
          %swap3A_766 = tpu.vector_load %arg11[%swap3A_764, %swap3A_765] {strides = array<i32>} : memref<80x128xf32, #tpu.memory_space<vmem>>, vector<1x16xf32>,
          %swap3A_767 = vector.shape_cast %swap3A_766 : vector<1x16xf32> to vector<16xf32>
          %swap3A_768 = vector.shape_cast %mul3A_761 : vector<16xf32> to vector<1x16xf32>
          tpu.vector_store %arg11[%swap3A_764, %swap3A_765], %swap3A_768 {strides = array<i32>} : memref<80x128xf32, #tpu.memory_space<vmem>>, vector<1x16xf32>,
          %add3A_769 = arith.constant 5 : i32
          %add3A_770 = arith.addi %mul3A_126, %add3A_769 : i32
          %get3A_771 = arith.index_cast %add3A_770 : i32 to index
          %get3A_772 = arith.constant 32 : index
          %get3A_773 = tpu.vector_load %arg11[%get3A_771, %get3A_772] {strides = array<i32>} : memref<80x128xf32, #tpu.memory_space<vmem>>, vector<1x16xf32>,
          %get3A_774 = vector.shape_cast %get3A_773 : vector<1x16xf32> to vector<16xf32>
          %mul3A_775 = vector.broadcast %squeeze3A_738 : f32 to vector<16xf32>
          %mul3A_776 = arith.mulf %get3A_774, %mul3A_775 : vector<16xf32>
          %add3A_777 = arith.constant 5 : i32
          %add3A_778 = arith.addi %mul3A_126, %add3A_777 : i32
          %swap3A_779 = arith.index_cast %add3A_778 : i32 to index
          %swap3A_780 = arith.constant 32 : index
          %swap3A_781 = tpu.vector_load %arg11[%swap3A_779, %swap3A_780] {strides = array<i32>} : memref<80x128xf32, #tpu.memory_space<vmem>>, vector<1x16xf32>,
          %swap3A_782 = vector.shape_cast %swap3A_781 : vector<1x16xf32> to vector<16xf32>
          %swap3A_783 = vector.shape_cast %mul3A_776 : vector<16xf32> to vector<1x16xf32>
          tpu.vector_store %arg11[%swap3A_779, %swap3A_780], %swap3A_783 {strides = array<i32>} : memref<80x128xf32, #tpu.memory_space<vmem>>, vector<1x16xf32>,
          %add3A_784 = arith.constant 5 : i32
          %add3A_785 = arith.addi %mul3A_126, %add3A_784 : i32
          %get3A_786 = arith.index_cast %add3A_785 : i32 to index
          %get3A_787 = arith.constant 48 : index
          %get3A_788 = tpu.vector_load %arg11[%get3A_786, %get3A_787] {strides = array<i32>} : memref<80x128xf32, #tpu.memory_space<vmem>>, vector<1x16xf32>,
          %get3A_789 = vector.shape_cast %get3A_788 : vector<1x16xf32> to vector<16xf32>
          %mul3A_790 = vector.broadcast %squeeze3A_738 : f32 to vector<16xf32>
          %mul3A_791 = arith.mulf %get3A_789, %mul3A_790 : vector<16xf32>
          %add3A_792 = arith.constant 5 : i32
          %add3A_793 = arith.addi %mul3A_126, %add3A_792 : i32
          %swap3A_794 = arith.index_cast %add3A_793 : i32 to index
          %swap3A_795 = arith.constant 48 : index
          %swap3A_796 = tpu.vector_load %arg11[%swap3A_794, %swap3A_795] {strides = array<i32>} : memref<80x128xf32, #tpu.memory_space<vmem>>, vector<1x16xf32>,
          %swap3A_797 = vector.shape_cast %swap3A_796 : vector<1x16xf32> to vector<16xf32>
          %swap3A_798 = vector.shape_cast %mul3A_791 : vector<16xf32> to vector<1x16xf32>
          tpu.vector_store %arg11[%swap3A_794, %swap3A_795], %swap3A_798 {strides = array<i32>} : memref<80x128xf32, #tpu.memory_space<vmem>>, vector<1x16xf32>,
          %add3A_799 = arith.constant 5 : i32
          %add3A_800 = arith.addi %mul3A_126, %add3A_799 : i32
          %get3A_801 = arith.index_cast %add3A_800 : i32 to index
          %get3A_802 = arith.constant 64 : index
          %get3A_803 = tpu.vector_load %arg11[%get3A_801, %get3A_802] {strides = array<i32>} : memref<80x128xf32, #tpu.memory_space<vmem>>, vector<1x16xf32>,
          %get3A_804 = vector.shape_cast %get3A_803 : vector<1x16xf32> to vector<16xf32>
          %mul3A_805 = vector.broadcast %squeeze3A_738 : f32 to vector<16xf32>
          %mul3A_806 = arith.mulf %get3A_804, %mul3A_805 : vector<16xf32>
          %add3A_807 = arith.constant 5 : i32
          %add3A_808 = arith.addi %mul3A_126, %add3A_807 : i32
          %swap3A_809 = arith.index_cast %add3A_808 : i32 to index
          %swap3A_810 = arith.constant 64 : index
          %swap3A_811 = tpu.vector_load %arg11[%swap3A_809, %swap3A_810] {strides = array<i32>} : memref<80x128xf32, #tpu.memory_space<vmem>>, vector<1x16xf32>,
          %swap3A_812 = vector.shape_cast %swap3A_811 : vector<1x16xf32> to vector<16xf32>
          %swap3A_813 = vector.shape_cast %mul3A_806 : vector<16xf32> to vector<1x16xf32>
          tpu.vector_store %arg11[%swap3A_809, %swap3A_810], %swap3A_813 {strides = array<i32>} : memref<80x128xf32, #tpu.memory_space<vmem>>, vector<1x16xf32>,
          %add3A_814 = arith.constant 5 : i32
          %add3A_815 = arith.addi %mul3A_126, %add3A_814 : i32
          %get3A_816 = arith.index_cast %add3A_815 : i32 to index
          %get3A_817 = arith.constant 80 : index
          %get3A_818 = tpu.vector_load %arg11[%get3A_816, %get3A_817] {strides = array<i32>} : memref<80x128xf32, #tpu.memory_space<vmem>>, vector<1x16xf32>,
          %get3A_819 = vector.shape_cast %get3A_818 : vector<1x16xf32> to vector<16xf32>
          %mul3A_820 = vector.broadcast %squeeze3A_738 : f32 to vector<16xf32>
          %mul3A_821 = arith.mulf %get3A_819, %mul3A_820 : vector<16xf32>
          %add3A_822 = arith.constant 5 : i32
          %add3A_823 = arith.addi %mul3A_126, %add3A_822 : i32
          %swap3A_824 = arith.index_cast %add3A_823 : i32 to index
          %swap3A_825 = arith.constant 80 : index
          %swap3A_826 = tpu.vector_load %arg11[%swap3A_824, %swap3A_825] {strides = array<i32>} : memref<80x128xf32, #tpu.memory_space<vmem>>, vector<1x16xf32>,
          %swap3A_827 = vector.shape_cast %swap3A_826 : vector<1x16xf32> to vector<16xf32>
          %swap3A_828 = vector.shape_cast %mul3A_821 : vector<16xf32> to vector<1x16xf32>
          tpu.vector_store %arg11[%swap3A_824, %swap3A_825], %swap3A_828 {strides = array<i32>} : memref<80x128xf32, #tpu.memory_space<vmem>>, vector<1x16xf32>,
          %add3A_829 = arith.constant 5 : i32
          %add3A_830 = arith.addi %mul3A_126, %add3A_829 : i32
          %get3A_831 = arith.index_cast %add3A_830 : i32 to index
          %get3A_832 = arith.constant 96 : index
          %get3A_833 = tpu.vector_load %arg11[%get3A_831, %get3A_832] {strides = array<i32>} : memref<80x128xf32, #tpu.memory_space<vmem>>, vector<1x16xf32>,
          %get3A_834 = vector.shape_cast %get3A_833 : vector<1x16xf32> to vector<16xf32>
          %mul3A_835 = vector.broadcast %squeeze3A_738 : f32 to vector<16xf32>
          %mul3A_836 = arith.mulf %get3A_834, %mul3A_835 : vector<16xf32>
          %add3A_837 = arith.constant 5 : i32
          %add3A_838 = arith.addi %mul3A_126, %add3A_837 : i32
          %swap3A_839 = arith.index_cast %add3A_838 : i32 to index
          %swap3A_840 = arith.constant 96 : index
          %swap3A_841 = tpu.vector_load %arg11[%swap3A_839, %swap3A_840] {strides = array<i32>} : memref<80x128xf32, #tpu.memory_space<vmem>>, vector<1x16xf32>,
          %swap3A_842 = vector.shape_cast %swap3A_841 : vector<1x16xf32> to vector<16xf32>
          %swap3A_843 = vector.shape_cast %mul3A_836 : vector<16xf32> to vector<1x16xf32>
          tpu.vector_store %arg11[%swap3A_839, %swap3A_840], %swap3A_843 {strides = array<i32>} : memref<80x128xf32, #tpu.memory_space<vmem>>, vector<1x16xf32>,
          %add3A_844 = arith.constant 5 : i32
          %add3A_845 = arith.addi %mul3A_126, %add3A_844 : i32
          %get3A_846 = arith.index_cast %add3A_845 : i32 to index
          %get3A_847 = arith.constant 112 : index
          %get3A_848 = tpu.vector_load %arg11[%get3A_846, %get3A_847] {strides = array<i32>} : memref<80x128xf32, #tpu.memory_space<vmem>>, vector<1x16xf32>,
          %get3A_849 = vector.shape_cast %get3A_848 : vector<1x16xf32> to vector<16xf32>
          %mul3A_850 = vector.broadcast %squeeze3A_738 : f32 to vector<16xf32>
          %mul3A_851 = arith.mulf %get3A_849, %mul3A_850 : vector<16xf32>
          %add3A_852 = arith.constant 5 : i32
          %add3A_853 = arith.addi %mul3A_126, %add3A_852 : i32
          %swap3A_854 = arith.index_cast %add3A_853 : i32 to index
          %swap3A_855 = arith.constant 112 : index
          %swap3A_856 = tpu.vector_load %arg11[%swap3A_854, %swap3A_855] {strides = array<i32>} : memref<80x128xf32, #tpu.memory_space<vmem>>, vector<1x16xf32>,
          %swap3A_857 = vector.shape_cast %swap3A_856 : vector<1x16xf32> to vector<16xf32>
          %swap3A_858 = vector.shape_cast %mul3A_851 : vector<16xf32> to vector<1x16xf32>
          tpu.vector_store %arg11[%swap3A_854, %swap3A_855], %swap3A_858 {strides = array<i32>} : memref<80x128xf32, #tpu.memory_space<vmem>>, vector<1x16xf32>,
          %slice3A_859 = vector.extract_strided_slice %get3A_129 {offsets = [6], sizes = [1], strides = [1]} : vector<16xf32> to vector<1xf32>
          %squeeze3A_860 = vector.extract %slice3A_859[0] : f32 from vector<1xf32>
          %add3A_861 = arith.constant 6 : i32
          %add3A_862 = arith.addi %mul3A_126, %add3A_861 : i32
          %get3A_863 = arith.index_cast %add3A_862 : i32 to index
          %get3A_864 = arith.constant 0 : index
          %get3A_865 = tpu.vector_load %arg11[%get3A_863, %get3A_864] {strides = array<i32>} : memref<80x128xf32, #tpu.memory_space<vmem>>, vector<1x16xf32>,
          %get3A_866 = vector.shape_cast %get3A_865 : vector<1x16xf32> to vector<16xf32>
          %mul3A_867 = vector.broadcast %squeeze3A_860 : f32 to vector<16xf32>
          %mul3A_868 = arith.mulf %get3A_866, %mul3A_867 : vector<16xf32>
          %add3A_869 = arith.constant 6 : i32
          %add3A_870 = arith.addi %mul3A_126, %add3A_869 : i32
          %swap3A_871 = arith.index_cast %add3A_870 : i32 to index
          %swap3A_872 = arith.constant 0 : index
          %swap3A_873 = tpu.vector_load %arg11[%swap3A_871, %swap3A_872] {strides = array<i32>} : memref<80x128xf32, #tpu.memory_space<vmem>>, vector<1x16xf32>,
          %swap3A_874 = vector.shape_cast %swap3A_873 : vector<1x16xf32> to vector<16xf32>
          %swap3A_875 = vector.shape_cast %mul3A_868 : vector<16xf32> to vector<1x16xf32>
          tpu.vector_store %arg11[%swap3A_871, %swap3A_872], %swap3A_875 {strides = array<i32>} : memref<80x128xf32, #tpu.memory_space<vmem>>, vector<1x16xf32>,
          %add3A_876 = arith.constant 6 : i32
          %add3A_877 = arith.addi %mul3A_126, %add3A_876 : i32
          %get3A_878 = arith.index_cast %add3A_877 : i32 to index
          %get3A_879 = arith.constant 16 : index
          %get3A_880 = tpu.vector_load %arg11[%get3A_878, %get3A_879] {strides = array<i32>} : memref<80x128xf32, #tpu.memory_space<vmem>>, vector<1x16xf32>,
          %get3A_881 = vector.shape_cast %get3A_880 : vector<1x16xf32> to vector<16xf32>
          %mul3A_882 = vector.broadcast %squeeze3A_860 : f32 to vector<16xf32>
          %mul3A_883 = arith.mulf %get3A_881, %mul3A_882 : vector<16xf32>
          %add3A_884 = arith.constant 6 : i32
          %add3A_885 = arith.addi %mul3A_126, %add3A_884 : i32
          %swap3A_886 = arith.index_cast %add3A_885 : i32 to index
          %swap3A_887 = arith.constant 16 : index
          %swap3A_888 = tpu.vector_load %arg11[%swap3A_886, %swap3A_887] {strides = array<i32>} : memref<80x128xf32, #tpu.memory_space<vmem>>, vector<1x16xf32>,
          %swap3A_889 = vector.shape_cast %swap3A_888 : vector<1x16xf32> to vector<16xf32>
          %swap3A_890 = vector.shape_cast %mul3A_883 : vector<16xf32> to vector<1x16xf32>
          tpu.vector_store %arg11[%swap3A_886, %swap3A_887], %swap3A_890 {strides = array<i32>} : memref<80x128xf32, #tpu.memory_space<vmem>>, vector<1x16xf32>,
          %add3A_891 = arith.constant 6 : i32
          %add3A_892 = arith.addi %mul3A_126, %add3A_891 : i32
          %get3A_893 = arith.index_cast %add3A_892 : i32 to index
          %get3A_894 = arith.constant 32 : index
          %get3A_895 = tpu.vector_load %arg11[%get3A_893, %get3A_894] {strides = array<i32>} : memref<80x128xf32, #tpu.memory_space<vmem>>, vector<1x16xf32>,
          %get3A_896 = vector.shape_cast %get3A_895 : vector<1x16xf32> to vector<16xf32>
          %mul3A_897 = vector.broadcast %squeeze3A_860 : f32 to vector<16xf32>
          %mul3A_898 = arith.mulf %get3A_896, %mul3A_897 : vector<16xf32>
          %add3A_899 = arith.constant 6 : i32
          %add3A_900 = arith.addi %mul3A_126, %add3A_899 : i32
          %swap3A_901 = arith.index_cast %add3A_900 : i32 to index
          %swap3A_902 = arith.constant 32 : index
          %swap3A_903 = tpu.vector_load %arg11[%swap3A_901, %swap3A_902] {strides = array<i32>} : memref<80x128xf32, #tpu.memory_space<vmem>>, vector<1x16xf32>,
          %swap3A_904 = vector.shape_cast %swap3A_903 : vector<1x16xf32> to vector<16xf32>
          %swap3A_905 = vector.shape_cast %mul3A_898 : vector<16xf32> to vector<1x16xf32>
          tpu.vector_store %arg11[%swap3A_901, %swap3A_902], %swap3A_905 {strides = array<i32>} : memref<80x128xf32, #tpu.memory_space<vmem>>, vector<1x16xf32>,
          %add3A_906 = arith.constant 6 : i32
          %add3A_907 = arith.addi %mul3A_126, %add3A_906 : i32
          %get3A_908 = arith.index_cast %add3A_907 : i32 to index
          %get3A_909 = arith.constant 48 : index
          %get3A_910 = tpu.vector_load %arg11[%get3A_908, %get3A_909] {strides = array<i32>} : memref<80x128xf32, #tpu.memory_space<vmem>>, vector<1x16xf32>,
          %get3A_911 = vector.shape_cast %get3A_910 : vector<1x16xf32> to vector<16xf32>
          %mul3A_912 = vector.broadcast %squeeze3A_860 : f32 to vector<16xf32>
          %mul3A_913 = arith.mulf %get3A_911, %mul3A_912 : vector<16xf32>
          %add3A_914 = arith.constant 6 : i32
          %add3A_915 = arith.addi %mul3A_126, %add3A_914 : i32
          %swap3A_916 = arith.index_cast %add3A_915 : i32 to index
          %swap3A_917 = arith.constant 48 : index
          %swap3A_918 = tpu.vector_load %arg11[%swap3A_916, %swap3A_917] {strides = array<i32>} : memref<80x128xf32, #tpu.memory_space<vmem>>, vector<1x16xf32>,
          %swap3A_919 = vector.shape_cast %swap3A_918 : vector<1x16xf32> to vector<16xf32>
          %swap3A_920 = vector.shape_cast %mul3A_913 : vector<16xf32> to vector<1x16xf32>
          tpu.vector_store %arg11[%swap3A_916, %swap3A_917], %swap3A_920 {strides = array<i32>} : memref<80x128xf32, #tpu.memory_space<vmem>>, vector<1x16xf32>,
          %add3A_921 = arith.constant 6 : i32
          %add3A_922 = arith.addi %mul3A_126, %add3A_921 : i32
          %get3A_923 = arith.index_cast %add3A_922 : i32 to index
          %get3A_924 = arith.constant 64 : index
          %get3A_925 = tpu.vector_load %arg11[%get3A_923, %get3A_924] {strides = array<i32>} : memref<80x128xf32, #tpu.memory_space<vmem>>, vector<1x16xf32>,
          %get3A_926 = vector.shape_cast %get3A_925 : vector<1x16xf32> to vector<16xf32>
          %mul3A_927 = vector.broadcast %squeeze3A_860 : f32 to vector<16xf32>
          %mul3A_928 = arith.mulf %get3A_926, %mul3A_927 : vector<16xf32>
          %add3A_929 = arith.constant 6 : i32
          %add3A_930 = arith.addi %mul3A_126, %add3A_929 : i32
          %swap3A_931 = arith.index_cast %add3A_930 : i32 to index
          %swap3A_932 = arith.constant 64 : index
          %swap3A_933 = tpu.vector_load %arg11[%swap3A_931, %swap3A_932] {strides = array<i32>} : memref<80x128xf32, #tpu.memory_space<vmem>>, vector<1x16xf32>,
          %swap3A_934 = vector.shape_cast %swap3A_933 : vector<1x16xf32> to vector<16xf32>
          %swap3A_935 = vector.shape_cast %mul3A_928 : vector<16xf32> to vector<1x16xf32>
          tpu.vector_store %arg11[%swap3A_931, %swap3A_932], %swap3A_935 {strides = array<i32>} : memref<80x128xf32, #tpu.memory_space<vmem>>, vector<1x16xf32>,
          %add3A_936 = arith.constant 6 : i32
          %add3A_937 = arith.addi %mul3A_126, %add3A_936 : i32
          %get3A_938 = arith.index_cast %add3A_937 : i32 to index
          %get3A_939 = arith.constant 80 : index
          %get3A_940 = tpu.vector_load %arg11[%get3A_938, %get3A_939] {strides = array<i32>} : memref<80x128xf32, #tpu.memory_space<vmem>>, vector<1x16xf32>,
          %get3A_941 = vector.shape_cast %get3A_940 : vector<1x16xf32> to vector<16xf32>
          %mul3A_942 = vector.broadcast %squeeze3A_860 : f32 to vector<16xf32>
          %mul3A_943 = arith.mulf %get3A_941, %mul3A_942 : vector<16xf32>
          %add3A_944 = arith.constant 6 : i32
          %add3A_945 = arith.addi %mul3A_126, %add3A_944 : i32
          %swap3A_946 = arith.index_cast %add3A_945 : i32 to index
          %swap3A_947 = arith.constant 80 : index
          %swap3A_948 = tpu.vector_load %arg11[%swap3A_946, %swap3A_947] {strides = array<i32>} : memref<80x128xf32, #tpu.memory_space<vmem>>, vector<1x16xf32>,
          %swap3A_949 = vector.shape_cast %swap3A_948 : vector<1x16xf32> to vector<16xf32>
          %swap3A_950 = vector.shape_cast %mul3A_943 : vector<16xf32> to vector<1x16xf32>
          tpu.vector_store %arg11[%swap3A_946, %swap3A_947], %swap3A_950 {strides = array<i32>} : memref<80x128xf32, #tpu.memory_space<vmem>>, vector<1x16xf32>,
          %add3A_951 = arith.constant 6 : i32
          %add3A_952 = arith.addi %mul3A_126, %add3A_951 : i32
          %get3A_953 = arith.index_cast %add3A_952 : i32 to index
          %get3A_954 = arith.constant 96 : index
          %get3A_955 = tpu.vector_load %arg11[%get3A_953, %get3A_954] {strides = array<i32>} : memref<80x128xf32, #tpu.memory_space<vmem>>, vector<1x16xf32>,
          %get3A_956 = vector.shape_cast %get3A_955 : vector<1x16xf32> to vector<16xf32>
          %mul3A_957 = vector.broadcast %squeeze3A_860 : f32 to vector<16xf32>
          %mul3A_958 = arith.mulf %get3A_956, %mul3A_957 : vector<16xf32>
          %add3A_959 = arith.constant 6 : i32
          %add3A_960 = arith.addi %mul3A_126, %add3A_959 : i32
          %swap3A_961 = arith.index_cast %add3A_960 : i32 to index
          %swap3A_962 = arith.constant 96 : index
          %swap3A_963 = tpu.vector_load %arg11[%swap3A_961, %swap3A_962] {strides = array<i32>} : memref<80x128xf32, #tpu.memory_space<vmem>>, vector<1x16xf32>,
          %swap3A_964 = vector.shape_cast %swap3A_963 : vector<1x16xf32> to vector<16xf32>
          %swap3A_965 = vector.shape_cast %mul3A_958 : vector<16xf32> to vector<1x16xf32>
          tpu.vector_store %arg11[%swap3A_961, %swap3A_962], %swap3A_965 {strides = array<i32>} : memref<80x128xf32, #tpu.memory_space<vmem>>, vector<1x16xf32>,
          %add3A_966 = arith.constant 6 : i32
          %add3A_967 = arith.addi %mul3A_126, %add3A_966 : i32
          %get3A_968 = arith.index_cast %add3A_967 : i32 to index
          %get3A_969 = arith.constant 112 : index
          %get3A_970 = tpu.vector_load %arg11[%get3A_968, %get3A_969] {strides = array<i32>} : memref<80x128xf32, #tpu.memory_space<vmem>>, vector<1x16xf32>,
          %get3A_971 = vector.shape_cast %get3A_970 : vector<1x16xf32> to vector<16xf32>
          %mul3A_972 = vector.broadcast %squeeze3A_860 : f32 to vector<16xf32>
          %mul3A_973 = arith.mulf %get3A_971, %mul3A_972 : vector<16xf32>
          %add3A_974 = arith.constant 6 : i32
          %add3A_975 = arith.addi %mul3A_126, %add3A_974 : i32
          %swap3A_976 = arith.index_cast %add3A_975 : i32 to index
          %swap3A_977 = arith.constant 112 : index
          %swap3A_978 = tpu.vector_load %arg11[%swap3A_976, %swap3A_977] {strides = array<i32>} : memref<80x128xf32, #tpu.memory_space<vmem>>, vector<1x16xf32>,
          %swap3A_979 = vector.shape_cast %swap3A_978 : vector<1x16xf32> to vector<16xf32>
          %swap3A_980 = vector.shape_cast %mul3A_973 : vector<16xf32> to vector<1x16xf32>
          tpu.vector_store %arg11[%swap3A_976, %swap3A_977], %swap3A_980 {strides = array<i32>} : memref<80x128xf32, #tpu.memory_space<vmem>>, vector<1x16xf32>,
          %slice3A_981 = vector.extract_strided_slice %get3A_129 {offsets = [7], sizes = [1], strides = [1]} : vector<16xf32> to vector<1xf32>
          %squeeze3A_982 = vector.extract %slice3A_981[0] : f32 from vector<1xf32>
          %add3A_983 = arith.constant 7 : i32
          %add3A_984 = arith.addi %mul3A_126, %add3A_983 : i32
          %get3A_985 = arith.index_cast %add3A_984 : i32 to index
          %get3A_986 = arith.constant 0 : index
          %get3A_987 = tpu.vector_load %arg11[%get3A_985, %get3A_986] {strides = array<i32>} : memref<80x128xf32, #tpu.memory_space<vmem>>, vector<1x16xf32>,
          %get3A_988 = vector.shape_cast %get3A_987 : vector<1x16xf32> to vector<16xf32>
          %mul3A_989 = vector.broadcast %squeeze3A_982 : f32 to vector<16xf32>
          %mul3A_990 = arith.mulf %get3A_988, %mul3A_989 : vector<16xf32>
          %add3A_991 = arith.constant 7 : i32
          %add3A_992 = arith.addi %mul3A_126, %add3A_991 : i32
          %swap3A_993 = arith.index_cast %add3A_992 : i32 to index
          %swap3A_994 = arith.constant 0 : index
          %swap3A_995 = tpu.vector_load %arg11[%swap3A_993, %swap3A_994] {strides = array<i32>} : memref<80x128xf32, #tpu.memory_space<vmem>>, vector<1x16xf32>,
          %swap3A_996 = vector.shape_cast %swap3A_995 : vector<1x16xf32> to vector<16xf32>
          %swap3A_997 = vector.shape_cast %mul3A_990 : vector<16xf32> to vector<1x16xf32>
          tpu.vector_store %arg11[%swap3A_993, %swap3A_994], %swap3A_997 {strides = array<i32>} : memref<80x128xf32, #tpu.memory_space<vmem>>, vector<1x16xf32>,
          %add3A_998 = arith.constant 7 : i32
          %add3A_999 = arith.addi %mul3A_126, %add3A_998 : i32
          %get3A_1000 = arith.index_cast %add3A_999 : i32 to index
          %get3A_1001 = arith.constant 16 : index
          %get3A_1002 = tpu.vector_load %arg11[%get3A_1000, %get3A_1001] {strides = array<i32>} : memref<80x128xf32, #tpu.memory_space<vmem>>, vector<1x16xf32>,
          %get3A_1003 = vector.shape_cast %get3A_1002 : vector<1x16xf32> to vector<16xf32>
          %mul3A_1004 = vector.broadcast %squeeze3A_982 : f32 to vector<16xf32>
          %mul3A_1005 = arith.mulf %get3A_1003, %mul3A_1004 : vector<16xf32>
          %add3A_1006 = arith.constant 7 : i32
          %add3A_1007 = arith.addi %mul3A_126, %add3A_1006 : i32
          %swap3A_1008 = arith.index_cast %add3A_1007 : i32 to index
          %swap3A_1009 = arith.constant 16 : index
          %swap3A_1010 = tpu.vector_load %arg11[%swap3A_1008, %swap3A_1009] {strides = array<i32>} : memref<80x128xf32, #tpu.memory_space<vmem>>, vector<1x16xf32>,
          %swap3A_1011 = vector.shape_cast %swap3A_1010 : vector<1x16xf32> to vector<16xf32>
          %swap3A_1012 = vector.shape_cast %mul3A_1005 : vector<16xf32> to vector<1x16xf32>
          tpu.vector_store %arg11[%swap3A_1008, %swap3A_1009], %swap3A_1012 {strides = array<i32>} : memref<80x128xf32, #tpu.memory_space<vmem>>, vector<1x16xf32>,
          %add3A_1013 = arith.constant 7 : i32
          %add3A_1014 = arith.addi %mul3A_126, %add3A_1013 : i32
          %get3A_1015 = arith.index_cast %add3A_1014 : i32 to index
          %get3A_1016 = arith.constant 32 : index
          %get3A_1017 = tpu.vector_load %arg11[%get3A_1015, %get3A_1016] {strides = array<i32>} : memref<80x128xf32, #tpu.memory_space<vmem>>, vector<1x16xf32>,
          %get3A_1018 = vector.shape_cast %get3A_1017 : vector<1x16xf32> to vector<16xf32>
          %mul3A_1019 = vector.broadcast %squeeze3A_982 : f32 to vector<16xf32>
          %mul3A_1020 = arith.mulf %get3A_1018, %mul3A_1019 : vector<16xf32>
          %add3A_1021 = arith.constant 7 : i32
          %add3A_1022 = arith.addi %mul3A_126, %add3A_1021 : i32
          %swap3A_1023 = arith.index_cast %add3A_1022 : i32 to index
          %swap3A_1024 = arith.constant 32 : index
          %swap3A_1025 = tpu.vector_load %arg11[%swap3A_1023, %swap3A_1024] {strides = array<i32>} : memref<80x128xf32, #tpu.memory_space<vmem>>, vector<1x16xf32>,
          %swap3A_1026 = vector.shape_cast %swap3A_1025 : vector<1x16xf32> to vector<16xf32>
          %swap3A_1027 = vector.shape_cast %mul3A_1020 : vector<16xf32> to vector<1x16xf32>
          tpu.vector_store %arg11[%swap3A_1023, %swap3A_1024], %swap3A_1027 {strides = array<i32>} : memref<80x128xf32, #tpu.memory_space<vmem>>, vector<1x16xf32>,
          %add3A_1028 = arith.constant 7 : i32
          %add3A_1029 = arith.addi %mul3A_126, %add3A_1028 : i32
          %get3A_1030 = arith.index_cast %add3A_1029 : i32 to index
          %get3A_1031 = arith.constant 48 : index
          %get3A_1032 = tpu.vector_load %arg11[%get3A_1030, %get3A_1031] {strides = array<i32>} : memref<80x128xf32, #tpu.memory_space<vmem>>, vector<1x16xf32>,
          %get3A_1033 = vector.shape_cast %get3A_1032 : vector<1x16xf32> to vector<16xf32>
          %mul3A_1034 = vector.broadcast %squeeze3A_982 : f32 to vector<16xf32>
          %mul3A_1035 = arith.mulf %get3A_1033, %mul3A_1034 : vector<16xf32>
          %add3A_1036 = arith.constant 7 : i32
          %add3A_1037 = arith.addi %mul3A_126, %add3A_1036 : i32
          %swap3A_1038 = arith.index_cast %add3A_1037 : i32 to index
          %swap3A_1039 = arith.constant 48 : index
          %swap3A_1040 = tpu.vector_load %arg11[%swap3A_1038, %swap3A_1039] {strides = array<i32>} : memref<80x128xf32, #tpu.memory_space<vmem>>, vector<1x16xf32>,
          %swap3A_1041 = vector.shape_cast %swap3A_1040 : vector<1x16xf32> to vector<16xf32>
          %swap3A_1042 = vector.shape_cast %mul3A_1035 : vector<16xf32> to vector<1x16xf32>
          tpu.vector_store %arg11[%swap3A_1038, %swap3A_1039], %swap3A_1042 {strides = array<i32>} : memref<80x128xf32, #tpu.memory_space<vmem>>, vector<1x16xf32>,
          %add3A_1043 = arith.constant 7 : i32
          %add3A_1044 = arith.addi %mul3A_126, %add3A_1043 : i32
          %get3A_1045 = arith.index_cast %add3A_1044 : i32 to index
          %get3A_1046 = arith.constant 64 : index
          %get3A_1047 = tpu.vector_load %arg11[%get3A_1045, %get3A_1046] {strides = array<i32>} : memref<80x128xf32, #tpu.memory_space<vmem>>, vector<1x16xf32>,
          %get3A_1048 = vector.shape_cast %get3A_1047 : vector<1x16xf32> to vector<16xf32>
          %mul3A_1049 = vector.broadcast %squeeze3A_982 : f32 to vector<16xf32>
          %mul3A_1050 = arith.mulf %get3A_1048, %mul3A_1049 : vector<16xf32>
          %add3A_1051 = arith.constant 7 : i32
          %add3A_1052 = arith.addi %mul3A_126, %add3A_1051 : i32
          %swap3A_1053 = arith.index_cast %add3A_1052 : i32 to index
          %swap3A_1054 = arith.constant 64 : index
          %swap3A_1055 = tpu.vector_load %arg11[%swap3A_1053, %swap3A_1054] {strides = array<i32>} : memref<80x128xf32, #tpu.memory_space<vmem>>, vector<1x16xf32>,
          %swap3A_1056 = vector.shape_cast %swap3A_1055 : vector<1x16xf32> to vector<16xf32>
          %swap3A_1057 = vector.shape_cast %mul3A_1050 : vector<16xf32> to vector<1x16xf32>
          tpu.vector_store %arg11[%swap3A_1053, %swap3A_1054], %swap3A_1057 {strides = array<i32>} : memref<80x128xf32, #tpu.memory_space<vmem>>, vector<1x16xf32>,
          %add3A_1058 = arith.constant 7 : i32
          %add3A_1059 = arith.addi %mul3A_126, %add3A_1058 : i32
          %get3A_1060 = arith.index_cast %add3A_1059 : i32 to index
          %get3A_1061 = arith.constant 80 : index
          %get3A_1062 = tpu.vector_load %arg11[%get3A_1060, %get3A_1061] {strides = array<i32>} : memref<80x128xf32, #tpu.memory_space<vmem>>, vector<1x16xf32>,
          %get3A_1063 = vector.shape_cast %get3A_1062 : vector<1x16xf32> to vector<16xf32>
          %mul3A_1064 = vector.broadcast %squeeze3A_982 : f32 to vector<16xf32>
          %mul3A_1065 = arith.mulf %get3A_1063, %mul3A_1064 : vector<16xf32>
          %add3A_1066 = arith.constant 7 : i32
          %add3A_1067 = arith.addi %mul3A_126, %add3A_1066 : i32
          %swap3A_1068 = arith.index_cast %add3A_1067 : i32 to index
          %swap3A_1069 = arith.constant 80 : index
          %swap3A_1070 = tpu.vector_load %arg11[%swap3A_1068, %swap3A_1069] {strides = array<i32>} : memref<80x128xf32, #tpu.memory_space<vmem>>, vector<1x16xf32>,
          %swap3A_1071 = vector.shape_cast %swap3A_1070 : vector<1x16xf32> to vector<16xf32>
          %swap3A_1072 = vector.shape_cast %mul3A_1065 : vector<16xf32> to vector<1x16xf32>
          tpu.vector_store %arg11[%swap3A_1068, %swap3A_1069], %swap3A_1072 {strides = array<i32>} : memref<80x128xf32, #tpu.memory_space<vmem>>, vector<1x16xf32>,
          %add3A_1073 = arith.constant 7 : i32
          %add3A_1074 = arith.addi %mul3A_126, %add3A_1073 : i32
          %get3A_1075 = arith.index_cast %add3A_1074 : i32 to index
          %get3A_1076 = arith.constant 96 : index
          %get3A_1077 = tpu.vector_load %arg11[%get3A_1075, %get3A_1076] {strides = array<i32>} : memref<80x128xf32, #tpu.memory_space<vmem>>, vector<1x16xf32>,
          %get3A_1078 = vector.shape_cast %get3A_1077 : vector<1x16xf32> to vector<16xf32>
          %mul3A_1079 = vector.broadcast %squeeze3A_982 : f32 to vector<16xf32>
          %mul3A_1080 = arith.mulf %get3A_1078, %mul3A_1079 : vector<16xf32>
          %add3A_1081 = arith.constant 7 : i32
          %add3A_1082 = arith.addi %mul3A_126, %add3A_1081 : i32
          %swap3A_1083 = arith.index_cast %add3A_1082 : i32 to index
          %swap3A_1084 = arith.constant 96 : index
          %swap3A_1085 = tpu.vector_load %arg11[%swap3A_1083, %swap3A_1084] {strides = array<i32>} : memref<80x128xf32, #tpu.memory_space<vmem>>, vector<1x16xf32>,
          %swap3A_1086 = vector.shape_cast %swap3A_1085 : vector<1x16xf32> to vector<16xf32>
          %swap3A_1087 = vector.shape_cast %mul3A_1080 : vector<16xf32> to vector<1x16xf32>
          tpu.vector_store %arg11[%swap3A_1083, %swap3A_1084], %swap3A_1087 {strides = array<i32>} : memref<80x128xf32, #tpu.memory_space<vmem>>, vector<1x16xf32>,
          %add3A_1088 = arith.constant 7 : i32
          %add3A_1089 = arith.addi %mul3A_126, %add3A_1088 : i32
          %get3A_1090 = arith.index_cast %add3A_1089 : i32 to index
          %get3A_1091 = arith.constant 112 : index
          %get3A_1092 = tpu.vector_load %arg11[%get3A_1090, %get3A_1091] {strides = array<i32>} : memref<80x128xf32, #tpu.memory_space<vmem>>, vector<1x16xf32>,
          %get3A_1093 = vector.shape_cast %get3A_1092 : vector<1x16xf32> to vector<16xf32>
          %mul3A_1094 = vector.broadcast %squeeze3A_982 : f32 to vector<16xf32>
          %mul3A_1095 = arith.mulf %get3A_1093, %mul3A_1094 : vector<16xf32>
          %add3A_1096 = arith.constant 7 : i32
          %add3A_1097 = arith.addi %mul3A_126, %add3A_1096 : i32
          %swap3A_1098 = arith.index_cast %add3A_1097 : i32 to index
          %swap3A_1099 = arith.constant 112 : index
          %swap3A_1100 = tpu.vector_load %arg11[%swap3A_1098, %swap3A_1099] {strides = array<i32>} : memref<80x128xf32, #tpu.memory_space<vmem>>, vector<1x16xf32>,
          %swap3A_1101 = vector.shape_cast %swap3A_1100 : vector<1x16xf32> to vector<16xf32>
          %swap3A_1102 = vector.shape_cast %mul3A_1095 : vector<16xf32> to vector<1x16xf32>
          tpu.vector_store %arg11[%swap3A_1098, %swap3A_1099], %swap3A_1102 {strides = array<i32>} : memref<80x128xf32, #tpu.memory_space<vmem>>, vector<1x16xf32>,
          %slice3A_1103 = vector.extract_strided_slice %get3A_129 {offsets = [8], sizes = [1], strides = [1]} : vector<16xf32> to vector<1xf32>
          %squeeze3A_1104 = vector.extract %slice3A_1103[0] : f32 from vector<1xf32>
          %add3A_1105 = arith.constant 8 : i32
          %add3A_1106 = arith.addi %mul3A_126, %add3A_1105 : i32
          %get3A_1107 = arith.index_cast %add3A_1106 : i32 to index
          %get3A_1108 = arith.constant 0 : index
          %get3A_1109 = tpu.vector_load %arg11[%get3A_1107, %get3A_1108] {strides = array<i32>} : memref<80x128xf32, #tpu.memory_space<vmem>>, vector<1x16xf32>,
          %get3A_1110 = vector.shape_cast %get3A_1109 : vector<1x16xf32> to vector<16xf32>
          %mul3A_1111 = vector.broadcast %squeeze3A_1104 : f32 to vector<16xf32>
          %mul3A_1112 = arith.mulf %get3A_1110, %mul3A_1111 : vector<16xf32>
          %add3A_1113 = arith.constant 8 : i32
          %add3A_1114 = arith.addi %mul3A_126, %add3A_1113 : i32
          %swap3A_1115 = arith.index_cast %add3A_1114 : i32 to index
          %swap3A_1116 = arith.constant 0 : index
          %swap3A_1117 = tpu.vector_load %arg11[%swap3A_1115, %swap3A_1116] {strides = array<i32>} : memref<80x128xf32, #tpu.memory_space<vmem>>, vector<1x16xf32>,
          %swap3A_1118 = vector.shape_cast %swap3A_1117 : vector<1x16xf32> to vector<16xf32>
          %swap3A_1119 = vector.shape_cast %mul3A_1112 : vector<16xf32> to vector<1x16xf32>
          tpu.vector_store %arg11[%swap3A_1115, %swap3A_1116], %swap3A_1119 {strides = array<i32>} : memref<80x128xf32, #tpu.memory_space<vmem>>, vector<1x16xf32>,
          %add3A_1120 = arith.constant 8 : i32
          %add3A_1121 = arith.addi %mul3A_126, %add3A_1120 : i32
          %get3A_1122 = arith.index_cast %add3A_1121 : i32 to index
          %get3A_1123 = arith.constant 16 : index
          %get3A_1124 = tpu.vector_load %arg11[%get3A_1122, %get3A_1123] {strides = array<i32>} : memref<80x128xf32, #tpu.memory_space<vmem>>, vector<1x16xf32>,
          %get3A_1125 = vector.shape_cast %get3A_1124 : vector<1x16xf32> to vector<16xf32>
          %mul3A_1126 = vector.broadcast %squeeze3A_1104 : f32 to vector<16xf32>
          %mul3A_1127 = arith.mulf %get3A_1125, %mul3A_1126 : vector<16xf32>
          %add3A_1128 = arith.constant 8 : i32
          %add3A_1129 = arith.addi %mul3A_126, %add3A_1128 : i32
          %swap3A_1130 = arith.index_cast %add3A_1129 : i32 to index
          %swap3A_1131 = arith.constant 16 : index
          %swap3A_1132 = tpu.vector_load %arg11[%swap3A_1130, %swap3A_1131] {strides = array<i32>} : memref<80x128xf32, #tpu.memory_space<vmem>>, vector<1x16xf32>,
          %swap3A_1133 = vector.shape_cast %swap3A_1132 : vector<1x16xf32> to vector<16xf32>
          %swap3A_1134 = vector.shape_cast %mul3A_1127 : vector<16xf32> to vector<1x16xf32>
          tpu.vector_store %arg11[%swap3A_1130, %swap3A_1131], %swap3A_1134 {strides = array<i32>} : memref<80x128xf32, #tpu.memory_space<vmem>>, vector<1x16xf32>,
          %add3A_1135 = arith.constant 8 : i32
          %add3A_1136 = arith.addi %mul3A_126, %add3A_1135 : i32
          %get3A_1137 = arith.index_cast %add3A_1136 : i32 to index
          %get3A_1138 = arith.constant 32 : index
          %get3A_1139 = tpu.vector_load %arg11[%get3A_1137, %get3A_1138] {strides = array<i32>} : memref<80x128xf32, #tpu.memory_space<vmem>>, vector<1x16xf32>,
          %get3A_1140 = vector.shape_cast %get3A_1139 : vector<1x16xf32> to vector<16xf32>
          %mul3A_1141 = vector.broadcast %squeeze3A_1104 : f32 to vector<16xf32>
          %mul3A_1142 = arith.mulf %get3A_1140, %mul3A_1141 : vector<16xf32>
          %add3A_1143 = arith.constant 8 : i32
          %add3A_1144 = arith.addi %mul3A_126, %add3A_1143 : i32
          %swap3A_1145 = arith.index_cast %add3A_1144 : i32 to index
          %swap3A_1146 = arith.constant 32 : index
          %swap3A_1147 = tpu.vector_load %arg11[%swap3A_1145, %swap3A_1146] {strides = array<i32>} : memref<80x128xf32, #tpu.memory_space<vmem>>, vector<1x16xf32>,
          %swap3A_1148 = vector.shape_cast %swap3A_1147 : vector<1x16xf32> to vector<16xf32>
          %swap3A_1149 = vector.shape_cast %mul3A_1142 : vector<16xf32> to vector<1x16xf32>
          tpu.vector_store %arg11[%swap3A_1145, %swap3A_1146], %swap3A_1149 {strides = array<i32>} : memref<80x128xf32, #tpu.memory_space<vmem>>, vector<1x16xf32>,
          %add3A_1150 = arith.constant 8 : i32
          %add3A_1151 = arith.addi %mul3A_126, %add3A_1150 : i32
          %get3A_1152 = arith.index_cast %add3A_1151 : i32 to index
          %get3A_1153 = arith.constant 48 : index
          %get3A_1154 = tpu.vector_load %arg11[%get3A_1152, %get3A_1153] {strides = array<i32>} : memref<80x128xf32, #tpu.memory_space<vmem>>, vector<1x16xf32>,
          %get3A_1155 = vector.shape_cast %get3A_1154 : vector<1x16xf32> to vector<16xf32>
          %mul3A_1156 = vector.broadcast %squeeze3A_1104 : f32 to vector<16xf32>
          %mul3A_1157 = arith.mulf %get3A_1155, %mul3A_1156 : vector<16xf32>
          %add3A_1158 = arith.constant 8 : i32
          %add3A_1159 = arith.addi %mul3A_126, %add3A_1158 : i32
          %swap3A_1160 = arith.index_cast %add3A_1159 : i32 to index
          %swap3A_1161 = arith.constant 48 : index
          %swap3A_1162 = tpu.vector_load %arg11[%swap3A_1160, %swap3A_1161] {strides = array<i32>} : memref<80x128xf32, #tpu.memory_space<vmem>>, vector<1x16xf32>,
          %swap3A_1163 = vector.shape_cast %swap3A_1162 : vector<1x16xf32> to vector<16xf32>
          %swap3A_1164 = vector.shape_cast %mul3A_1157 : vector<16xf32> to vector<1x16xf32>
          tpu.vector_store %arg11[%swap3A_1160, %swap3A_1161], %swap3A_1164 {strides = array<i32>} : memref<80x128xf32, #tpu.memory_space<vmem>>, vector<1x16xf32>,
          %add3A_1165 = arith.constant 8 : i32
          %add3A_1166 = arith.addi %mul3A_126, %add3A_1165 : i32
          %get3A_1167 = arith.index_cast %add3A_1166 : i32 to index
          %get3A_1168 = arith.constant 64 : index
          %get3A_1169 = tpu.vector_load %arg11[%get3A_1167, %get3A_1168] {strides = array<i32>} : memref<80x128xf32, #tpu.memory_space<vmem>>, vector<1x16xf32>,
          %get3A_1170 = vector.shape_cast %get3A_1169 : vector<1x16xf32> to vector<16xf32>
          %mul3A_1171 = vector.broadcast %squeeze3A_1104 : f32 to vector<16xf32>
          %mul3A_1172 = arith.mulf %get3A_1170, %mul3A_1171 : vector<16xf32>
          %add3A_1173 = arith.constant 8 : i32
          %add3A_1174 = arith.addi %mul3A_126, %add3A_1173 : i32
          %swap3A_1175 = arith.index_cast %add3A_1174 : i32 to index
          %swap3A_1176 = arith.constant 64 : index
          %swap3A_1177 = tpu.vector_load %arg11[%swap3A_1175, %swap3A_1176] {strides = array<i32>} : memref<80x128xf32, #tpu.memory_space<vmem>>, vector<1x16xf32>,
          %swap3A_1178 = vector.shape_cast %swap3A_1177 : vector<1x16xf32> to vector<16xf32>
          %swap3A_1179 = vector.shape_cast %mul3A_1172 : vector<16xf32> to vector<1x16xf32>
          tpu.vector_store %arg11[%swap3A_1175, %swap3A_1176], %swap3A_1179 {strides = array<i32>} : memref<80x128xf32, #tpu.memory_space<vmem>>, vector<1x16xf32>,
          %add3A_1180 = arith.constant 8 : i32
          %add3A_1181 = arith.addi %mul3A_126, %add3A_1180 : i32
          %get3A_1182 = arith.index_cast %add3A_1181 : i32 to index
          %get3A_1183 = arith.constant 80 : index
          %get3A_1184 = tpu.vector_load %arg11[%get3A_1182, %get3A_1183] {strides = array<i32>} : memref<80x128xf32, #tpu.memory_space<vmem>>, vector<1x16xf32>,
          %get3A_1185 = vector.shape_cast %get3A_1184 : vector<1x16xf32> to vector<16xf32>
          %mul3A_1186 = vector.broadcast %squeeze3A_1104 : f32 to vector<16xf32>
          %mul3A_1187 = arith.mulf %get3A_1185, %mul3A_1186 : vector<16xf32>
          %add3A_1188 = arith.constant 8 : i32
          %add3A_1189 = arith.addi %mul3A_126, %add3A_1188 : i32
          %swap3A_1190 = arith.index_cast %add3A_1189 : i32 to index
          %swap3A_1191 = arith.constant 80 : index
          %swap3A_1192 = tpu.vector_load %arg11[%swap3A_1190, %swap3A_1191] {strides = array<i32>} : memref<80x128xf32, #tpu.memory_space<vmem>>, vector<1x16xf32>,
          %swap3A_1193 = vector.shape_cast %swap3A_1192 : vector<1x16xf32> to vector<16xf32>
          %swap3A_1194 = vector.shape_cast %mul3A_1187 : vector<16xf32> to vector<1x16xf32>
          tpu.vector_store %arg11[%swap3A_1190, %swap3A_1191], %swap3A_1194 {strides = array<i32>} : memref<80x128xf32, #tpu.memory_space<vmem>>, vector<1x16xf32>,
          %add3A_1195 = arith.constant 8 : i32
          %add3A_1196 = arith.addi %mul3A_126, %add3A_1195 : i32
          %get3A_1197 = arith.index_cast %add3A_1196 : i32 to index
          %get3A_1198 = arith.constant 96 : index
          %get3A_1199 = tpu.vector_load %arg11[%get3A_1197, %get3A_1198] {strides = array<i32>} : memref<80x128xf32, #tpu.memory_space<vmem>>, vector<1x16xf32>,
          %get3A_1200 = vector.shape_cast %get3A_1199 : vector<1x16xf32> to vector<16xf32>
          %mul3A_1201 = vector.broadcast %squeeze3A_1104 : f32 to vector<16xf32>
          %mul3A_1202 = arith.mulf %get3A_1200, %mul3A_1201 : vector<16xf32>
          %add3A_1203 = arith.constant 8 : i32
          %add3A_1204 = arith.addi %mul3A_126, %add3A_1203 : i32
          %swap3A_1205 = arith.index_cast %add3A_1204 : i32 to index
          %swap3A_1206 = arith.constant 96 : index
          %swap3A_1207 = tpu.vector_load %arg11[%swap3A_1205, %swap3A_1206] {strides = array<i32>} : memref<80x128xf32, #tpu.memory_space<vmem>>, vector<1x16xf32>,
          %swap3A_1208 = vector.shape_cast %swap3A_1207 : vector<1x16xf32> to vector<16xf32>
          %swap3A_1209 = vector.shape_cast %mul3A_1202 : vector<16xf32> to vector<1x16xf32>
          tpu.vector_store %arg11[%swap3A_1205, %swap3A_1206], %swap3A_1209 {strides = array<i32>} : memref<80x128xf32, #tpu.memory_space<vmem>>, vector<1x16xf32>,
          %add3A_1210 = arith.constant 8 : i32
          %add3A_1211 = arith.addi %mul3A_126, %add3A_1210 : i32
          %get3A_1212 = arith.index_cast %add3A_1211 : i32 to index
          %get3A_1213 = arith.constant 112 : index
          %get3A_1214 = tpu.vector_load %arg11[%get3A_1212, %get3A_1213] {strides = array<i32>} : memref<80x128xf32, #tpu.memory_space<vmem>>, vector<1x16xf32>,
          %get3A_1215 = vector.shape_cast %get3A_1214 : vector<1x16xf32> to vector<16xf32>
          %mul3A_1216 = vector.broadcast %squeeze3A_1104 : f32 to vector<16xf32>
          %mul3A_1217 = arith.mulf %get3A_1215, %mul3A_1216 : vector<16xf32>
          %add3A_1218 = arith.constant 8 : i32
          %add3A_1219 = arith.addi %mul3A_126, %add3A_1218 : i32
          %swap3A_1220 = arith.index_cast %add3A_1219 : i32 to index
          %swap3A_1221 = arith.constant 112 : index
          %swap3A_1222 = tpu.vector_load %arg11[%swap3A_1220, %swap3A_1221] {strides = array<i32>} : memref<80x128xf32, #tpu.memory_space<vmem>>, vector<1x16xf32>,
          %swap3A_1223 = vector.shape_cast %swap3A_1222 : vector<1x16xf32> to vector<16xf32>
          %swap3A_1224 = vector.shape_cast %mul3A_1217 : vector<16xf32> to vector<1x16xf32>
          tpu.vector_store %arg11[%swap3A_1220, %swap3A_1221], %swap3A_1224 {strides = array<i32>} : memref<80x128xf32, #tpu.memory_space<vmem>>, vector<1x16xf32>,
          %slice3A_1225 = vector.extract_strided_slice %get3A_129 {offsets = [9], sizes = [1], strides = [1]} : vector<16xf32> to vector<1xf32>
          %squeeze3A_1226 = vector.extract %slice3A_1225[0] : f32 from vector<1xf32>
          %add3A_1227 = arith.constant 9 : i32
          %add3A_1228 = arith.addi %mul3A_126, %add3A_1227 : i32
          %get3A_1229 = arith.index_cast %add3A_1228 : i32 to index
          %get3A_1230 = arith.constant 0 : index
          %get3A_1231 = tpu.vector_load %arg11[%get3A_1229, %get3A_1230] {strides = array<i32>} : memref<80x128xf32, #tpu.memory_space<vmem>>, vector<1x16xf32>,
          %get3A_1232 = vector.shape_cast %get3A_1231 : vector<1x16xf32> to vector<16xf32>
          %mul3A_1233 = vector.broadcast %squeeze3A_1226 : f32 to vector<16xf32>
          %mul3A_1234 = arith.mulf %get3A_1232, %mul3A_1233 : vector<16xf32>
          %add3A_1235 = arith.constant 9 : i32
          %add3A_1236 = arith.addi %mul3A_126, %add3A_1235 : i32
          %swap3A_1237 = arith.index_cast %add3A_1236 : i32 to index
          %swap3A_1238 = arith.constant 0 : index
          %swap3A_1239 = tpu.vector_load %arg11[%swap3A_1237, %swap3A_1238] {strides = array<i32>} : memref<80x128xf32, #tpu.memory_space<vmem>>, vector<1x16xf32>,
          %swap3A_1240 = vector.shape_cast %swap3A_1239 : vector<1x16xf32> to vector<16xf32>
          %swap3A_1241 = vector.shape_cast %mul3A_1234 : vector<16xf32> to vector<1x16xf32>
          tpu.vector_store %arg11[%swap3A_1237, %swap3A_1238], %swap3A_1241 {strides = array<i32>} : memref<80x128xf32, #tpu.memory_space<vmem>>, vector<1x16xf32>,
          %add3A_1242 = arith.constant 9 : i32
          %add3A_1243 = arith.addi %mul3A_126, %add3A_1242 : i32
          %get3A_1244 = arith.index_cast %add3A_1243 : i32 to index
          %get3A_1245 = arith.constant 16 : index
          %get3A_1246 = tpu.vector_load %arg11[%get3A_1244, %get3A_1245] {strides = array<i32>} : memref<80x128xf32, #tpu.memory_space<vmem>>, vector<1x16xf32>,
          %get3A_1247 = vector.shape_cast %get3A_1246 : vector<1x16xf32> to vector<16xf32>
          %mul3A_1248 = vector.broadcast %squeeze3A_1226 : f32 to vector<16xf32>
          %mul3A_1249 = arith.mulf %get3A_1247, %mul3A_1248 : vector<16xf32>
          %add3A_1250 = arith.constant 9 : i32
          %add3A_1251 = arith.addi %mul3A_126, %add3A_1250 : i32
          %swap3A_1252 = arith.index_cast %add3A_1251 : i32 to index
          %swap3A_1253 = arith.constant 16 : index
          %swap3A_1254 = tpu.vector_load %arg11[%swap3A_1252, %swap3A_1253] {strides = array<i32>} : memref<80x128xf32, #tpu.memory_space<vmem>>, vector<1x16xf32>,
          %swap3A_1255 = vector.shape_cast %swap3A_1254 : vector<1x16xf32> to vector<16xf32>
          %swap3A_1256 = vector.shape_cast %mul3A_1249 : vector<16xf32> to vector<1x16xf32>
          tpu.vector_store %arg11[%swap3A_1252, %swap3A_1253], %swap3A_1256 {strides = array<i32>} : memref<80x128xf32, #tpu.memory_space<vmem>>, vector<1x16xf32>,
          %add3A_1257 = arith.constant 9 : i32
          %add3A_1258 = arith.addi %mul3A_126, %add3A_1257 : i32
          %get3A_1259 = arith.index_cast %add3A_1258 : i32 to index
          %get3A_1260 = arith.constant 32 : index
          %get3A_1261 = tpu.vector_load %arg11[%get3A_1259, %get3A_1260] {strides = array<i32>} : memref<80x128xf32, #tpu.memory_space<vmem>>, vector<1x16xf32>,
          %get3A_1262 = vector.shape_cast %get3A_1261 : vector<1x16xf32> to vector<16xf32>
          %mul3A_1263 = vector.broadcast %squeeze3A_1226 : f32 to vector<16xf32>
          %mul3A_1264 = arith.mulf %get3A_1262, %mul3A_1263 : vector<16xf32>
          %add3A_1265 = arith.constant 9 : i32
          %add3A_1266 = arith.addi %mul3A_126, %add3A_1265 : i32
          %swap3A_1267 = arith.index_cast %add3A_1266 : i32 to index
          %swap3A_1268 = arith.constant 32 : index
          %swap3A_1269 = tpu.vector_load %arg11[%swap3A_1267, %swap3A_1268] {strides = array<i32>} : memref<80x128xf32, #tpu.memory_space<vmem>>, vector<1x16xf32>,
          %swap3A_1270 = vector.shape_cast %swap3A_1269 : vector<1x16xf32> to vector<16xf32>
          %swap3A_1271 = vector.shape_cast %mul3A_1264 : vector<16xf32> to vector<1x16xf32>
          tpu.vector_store %arg11[%swap3A_1267, %swap3A_1268], %swap3A_1271 {strides = array<i32>} : memref<80x128xf32, #tpu.memory_space<vmem>>, vector<1x16xf32>,
          %add3A_1272 = arith.constant 9 : i32
          %add3A_1273 = arith.addi %mul3A_126, %add3A_1272 : i32
          %get3A_1274 = arith.index_cast %add3A_1273 : i32 to index
          %get3A_1275 = arith.constant 48 : index
          %get3A_1276 = tpu.vector_load %arg11[%get3A_1274, %get3A_1275] {strides = array<i32>} : memref<80x128xf32, #tpu.memory_space<vmem>>, vector<1x16xf32>,
          %get3A_1277 = vector.shape_cast %get3A_1276 : vector<1x16xf32> to vector<16xf32>
          %mul3A_1278 = vector.broadcast %squeeze3A_1226 : f32 to vector<16xf32>
          %mul3A_1279 = arith.mulf %get3A_1277, %mul3A_1278 : vector<16xf32>
          %add3A_1280 = arith.constant 9 : i32
          %add3A_1281 = arith.addi %mul3A_126, %add3A_1280 : i32
          %swap3A_1282 = arith.index_cast %add3A_1281 : i32 to index
          %swap3A_1283 = arith.constant 48 : index
          %swap3A_1284 = tpu.vector_load %arg11[%swap3A_1282, %swap3A_1283] {strides = array<i32>} : memref<80x128xf32, #tpu.memory_space<vmem>>, vector<1x16xf32>,
          %swap3A_1285 = vector.shape_cast %swap3A_1284 : vector<1x16xf32> to vector<16xf32>
          %swap3A_1286 = vector.shape_cast %mul3A_1279 : vector<16xf32> to vector<1x16xf32>
          tpu.vector_store %arg11[%swap3A_1282, %swap3A_1283], %swap3A_1286 {strides = array<i32>} : memref<80x128xf32, #tpu.memory_space<vmem>>, vector<1x16xf32>,
          %add3A_1287 = arith.constant 9 : i32
          %add3A_1288 = arith.addi %mul3A_126, %add3A_1287 : i32
          %get3A_1289 = arith.index_cast %add3A_1288 : i32 to index
          %get3A_1290 = arith.constant 64 : index
          %get3A_1291 = tpu.vector_load %arg11[%get3A_1289, %get3A_1290] {strides = array<i32>} : memref<80x128xf32, #tpu.memory_space<vmem>>, vector<1x16xf32>,
          %get3A_1292 = vector.shape_cast %get3A_1291 : vector<1x16xf32> to vector<16xf32>
          %mul3A_1293 = vector.broadcast %squeeze3A_1226 : f32 to vector<16xf32>
          %mul3A_1294 = arith.mulf %get3A_1292, %mul3A_1293 : vector<16xf32>
          %add3A_1295 = arith.constant 9 : i32
          %add3A_1296 = arith.addi %mul3A_126, %add3A_1295 : i32
          %swap3A_1297 = arith.index_cast %add3A_1296 : i32 to index
          %swap3A_1298 = arith.constant 64 : index
          %swap3A_1299 = tpu.vector_load %arg11[%swap3A_1297, %swap3A_1298] {strides = array<i32>} : memref<80x128xf32, #tpu.memory_space<vmem>>, vector<1x16xf32>,
          %swap3A_1300 = vector.shape_cast %swap3A_1299 : vector<1x16xf32> to vector<16xf32>
          %swap3A_1301 = vector.shape_cast %mul3A_1294 : vector<16xf32> to vector<1x16xf32>
          tpu.vector_store %arg11[%swap3A_1297, %swap3A_1298], %swap3A_1301 {strides = array<i32>} : memref<80x128xf32, #tpu.memory_space<vmem>>, vector<1x16xf32>,
          %add3A_1302 = arith.constant 9 : i32
          %add3A_1303 = arith.addi %mul3A_126, %add3A_1302 : i32
          %get3A_1304 = arith.index_cast %add3A_1303 : i32 to index
          %get3A_1305 = arith.constant 80 : index
          %get3A_1306 = tpu.vector_load %arg11[%get3A_1304, %get3A_1305] {strides = array<i32>} : memref<80x128xf32, #tpu.memory_space<vmem>>, vector<1x16xf32>,
          %get3A_1307 = vector.shape_cast %get3A_1306 : vector<1x16xf32> to vector<16xf32>
          %mul3A_1308 = vector.broadcast %squeeze3A_1226 : f32 to vector<16xf32>
          %mul3A_1309 = arith.mulf %get3A_1307, %mul3A_1308 : vector<16xf32>
          %add3A_1310 = arith.constant 9 : i32
          %add3A_1311 = arith.addi %mul3A_126, %add3A_1310 : i32
          %swap3A_1312 = arith.index_cast %add3A_1311 : i32 to index
          %swap3A_1313 = arith.constant 80 : index
          %swap3A_1314 = tpu.vector_load %arg11[%swap3A_1312, %swap3A_1313] {strides = array<i32>} : memref<80x128xf32, #tpu.memory_space<vmem>>, vector<1x16xf32>,
          %swap3A_1315 = vector.shape_cast %swap3A_1314 : vector<1x16xf32> to vector<16xf32>
          %swap3A_1316 = vector.shape_cast %mul3A_1309 : vector<16xf32> to vector<1x16xf32>
          tpu.vector_store %arg11[%swap3A_1312, %swap3A_1313], %swap3A_1316 {strides = array<i32>} : memref<80x128xf32, #tpu.memory_space<vmem>>, vector<1x16xf32>,
          %add3A_1317 = arith.constant 9 : i32
          %add3A_1318 = arith.addi %mul3A_126, %add3A_1317 : i32
          %get3A_1319 = arith.index_cast %add3A_1318 : i32 to index
          %get3A_1320 = arith.constant 96 : index
          %get3A_1321 = tpu.vector_load %arg11[%get3A_1319, %get3A_1320] {strides = array<i32>} : memref<80x128xf32, #tpu.memory_space<vmem>>, vector<1x16xf32>,
          %get3A_1322 = vector.shape_cast %get3A_1321 : vector<1x16xf32> to vector<16xf32>
          %mul3A_1323 = vector.broadcast %squeeze3A_1226 : f32 to vector<16xf32>
          %mul3A_1324 = arith.mulf %get3A_1322, %mul3A_1323 : vector<16xf32>
          %add3A_1325 = arith.constant 9 : i32
          %add3A_1326 = arith.addi %mul3A_126, %add3A_1325 : i32
          %swap3A_1327 = arith.index_cast %add3A_1326 : i32 to index
          %swap3A_1328 = arith.constant 96 : index
          %swap3A_1329 = tpu.vector_load %arg11[%swap3A_1327, %swap3A_1328] {strides = array<i32>} : memref<80x128xf32, #tpu.memory_space<vmem>>, vector<1x16xf32>,
          %swap3A_1330 = vector.shape_cast %swap3A_1329 : vector<1x16xf32> to vector<16xf32>
          %swap3A_1331 = vector.shape_cast %mul3A_1324 : vector<16xf32> to vector<1x16xf32>
          tpu.vector_store %arg11[%swap3A_1327, %swap3A_1328], %swap3A_1331 {strides = array<i32>} : memref<80x128xf32, #tpu.memory_space<vmem>>, vector<1x16xf32>,
          %add3A_1332 = arith.constant 9 : i32
          %add3A_1333 = arith.addi %mul3A_126, %add3A_1332 : i32
          %get3A_1334 = arith.index_cast %add3A_1333 : i32 to index
          %get3A_1335 = arith.constant 112 : index
          %get3A_1336 = tpu.vector_load %arg11[%get3A_1334, %get3A_1335] {strides = array<i32>} : memref<80x128xf32, #tpu.memory_space<vmem>>, vector<1x16xf32>,
          %get3A_1337 = vector.shape_cast %get3A_1336 : vector<1x16xf32> to vector<16xf32>
          %mul3A_1338 = vector.broadcast %squeeze3A_1226 : f32 to vector<16xf32>
          %mul3A_1339 = arith.mulf %get3A_1337, %mul3A_1338 : vector<16xf32>
          %add3A_1340 = arith.constant 9 : i32
          %add3A_1341 = arith.addi %mul3A_126, %add3A_1340 : i32
          %swap3A_1342 = arith.index_cast %add3A_1341 : i32 to index
          %swap3A_1343 = arith.constant 112 : index
          %swap3A_1344 = tpu.vector_load %arg11[%swap3A_1342, %swap3A_1343] {strides = array<i32>} : memref<80x128xf32, #tpu.memory_space<vmem>>, vector<1x16xf32>,
          %swap3A_1345 = vector.shape_cast %swap3A_1344 : vector<1x16xf32> to vector<16xf32>
          %swap3A_1346 = vector.shape_cast %mul3A_1339 : vector<16xf32> to vector<1x16xf32>
          tpu.vector_store %arg11[%swap3A_1342, %swap3A_1343], %swap3A_1346 {strides = array<i32>} : memref<80x128xf32, #tpu.memory_space<vmem>>, vector<1x16xf32>,
          %slice3A_1347 = vector.extract_strided_slice %get3A_129 {offsets = [10], sizes = [1], strides = [1]} : vector<16xf32> to vector<1xf32>
          %squeeze3A_1348 = vector.extract %slice3A_1347[0] : f32 from vector<1xf32>
          %add3A_1349 = arith.constant 10 : i32
          %add3A_1350 = arith.addi %mul3A_126, %add3A_1349 : i32
          %get3A_1351 = arith.index_cast %add3A_1350 : i32 to index
          %get3A_1352 = arith.constant 0 : index
          %get3A_1353 = tpu.vector_load %arg11[%get3A_1351, %get3A_1352] {strides = array<i32>} : memref<80x128xf32, #tpu.memory_space<vmem>>, vector<1x16xf32>,
          %get3A_1354 = vector.shape_cast %get3A_1353 : vector<1x16xf32> to vector<16xf32>
          %mul3A_1355 = vector.broadcast %squeeze3A_1348 : f32 to vector<16xf32>
          %mul3A_1356 = arith.mulf %get3A_1354, %mul3A_1355 : vector<16xf32>
          %add3A_1357 = arith.constant 10 : i32
          %add3A_1358 = arith.addi %mul3A_126, %add3A_1357 : i32
          %swap3A_1359 = arith.index_cast %add3A_1358 : i32 to index
          %swap3A_1360 = arith.constant 0 : index
          %swap3A_1361 = tpu.vector_load %arg11[%swap3A_1359, %swap3A_1360] {strides = array<i32>} : memref<80x128xf32, #tpu.memory_space<vmem>>, vector<1x16xf32>,
          %swap3A_1362 = vector.shape_cast %swap3A_1361 : vector<1x16xf32> to vector<16xf32>
          %swap3A_1363 = vector.shape_cast %mul3A_1356 : vector<16xf32> to vector<1x16xf32>
          tpu.vector_store %arg11[%swap3A_1359, %swap3A_1360], %swap3A_1363 {strides = array<i32>} : memref<80x128xf32, #tpu.memory_space<vmem>>, vector<1x16xf32>,
          %add3A_1364 = arith.constant 10 : i32
          %add3A_1365 = arith.addi %mul3A_126, %add3A_1364 : i32
          %get3A_1366 = arith.index_cast %add3A_1365 : i32 to index
          %get3A_1367 = arith.constant 16 : index
          %get3A_1368 = tpu.vector_load %arg11[%get3A_1366, %get3A_1367] {strides = array<i32>} : memref<80x128xf32, #tpu.memory_space<vmem>>, vector<1x16xf32>,
          %get3A_1369 = vector.shape_cast %get3A_1368 : vector<1x16xf32> to vector<16xf32>
          %mul3A_1370 = vector.broadcast %squeeze3A_1348 : f32 to vector<16xf32>
          %mul3A_1371 = arith.mulf %get3A_1369, %mul3A_1370 : vector<16xf32>
          %add3A_1372 = arith.constant 10 : i32
          %add3A_1373 = arith.addi %mul3A_126, %add3A_1372 : i32
          %swap3A_1374 = arith.index_cast %add3A_1373 : i32 to index
          %swap3A_1375 = arith.constant 16 : index
          %swap3A_1376 = tpu.vector_load %arg11[%swap3A_1374, %swap3A_1375] {strides = array<i32>} : memref<80x128xf32, #tpu.memory_space<vmem>>, vector<1x16xf32>,
          %swap3A_1377 = vector.shape_cast %swap3A_1376 : vector<1x16xf32> to vector<16xf32>
          %swap3A_1378 = vector.shape_cast %mul3A_1371 : vector<16xf32> to vector<1x16xf32>
          tpu.vector_store %arg11[%swap3A_1374, %swap3A_1375], %swap3A_1378 {strides = array<i32>} : memref<80x128xf32, #tpu.memory_space<vmem>>, vector<1x16xf32>,
          %add3A_1379 = arith.constant 10 : i32
          %add3A_1380 = arith.addi %mul3A_126, %add3A_1379 : i32
          %get3A_1381 = arith.index_cast %add3A_1380 : i32 to index
          %get3A_1382 = arith.constant 32 : index
          %get3A_1383 = tpu.vector_load %arg11[%get3A_1381, %get3A_1382] {strides = array<i32>} : memref<80x128xf32, #tpu.memory_space<vmem>>, vector<1x16xf32>,
          %get3A_1384 = vector.shape_cast %get3A_1383 : vector<1x16xf32> to vector<16xf32>
          %mul3A_1385 = vector.broadcast %squeeze3A_1348 : f32 to vector<16xf32>
          %mul3A_1386 = arith.mulf %get3A_1384, %mul3A_1385 : vector<16xf32>
          %add3A_1387 = arith.constant 10 : i32
          %add3A_1388 = arith.addi %mul3A_126, %add3A_1387 : i32
          %swap3A_1389 = arith.index_cast %add3A_1388 : i32 to index
          %swap3A_1390 = arith.constant 32 : index
          %swap3A_1391 = tpu.vector_load %arg11[%swap3A_1389, %swap3A_1390] {strides = array<i32>} : memref<80x128xf32, #tpu.memory_space<vmem>>, vector<1x16xf32>,
          %swap3A_1392 = vector.shape_cast %swap3A_1391 : vector<1x16xf32> to vector<16xf32>
          %swap3A_1393 = vector.shape_cast %mul3A_1386 : vector<16xf32> to vector<1x16xf32>
          tpu.vector_store %arg11[%swap3A_1389, %swap3A_1390], %swap3A_1393 {strides = array<i32>} : memref<80x128xf32, #tpu.memory_space<vmem>>, vector<1x16xf32>,
          %add3A_1394 = arith.constant 10 : i32
          %add3A_1395 = arith.addi %mul3A_126, %add3A_1394 : i32
          %get3A_1396 = arith.index_cast %add3A_1395 : i32 to index
          %get3A_1397 = arith.constant 48 : index
          %get3A_1398 = tpu.vector_load %arg11[%get3A_1396, %get3A_1397] {strides = array<i32>} : memref<80x128xf32, #tpu.memory_space<vmem>>, vector<1x16xf32>,
          %get3A_1399 = vector.shape_cast %get3A_1398 : vector<1x16xf32> to vector<16xf32>
          %mul3A_1400 = vector.broadcast %squeeze3A_1348 : f32 to vector<16xf32>
          %mul3A_1401 = arith.mulf %get3A_1399, %mul3A_1400 : vector<16xf32>
          %add3A_1402 = arith.constant 10 : i32
          %add3A_1403 = arith.addi %mul3A_126, %add3A_1402 : i32
          %swap3A_1404 = arith.index_cast %add3A_1403 : i32 to index
          %swap3A_1405 = arith.constant 48 : index
          %swap3A_1406 = tpu.vector_load %arg11[%swap3A_1404, %swap3A_1405] {strides = array<i32>} : memref<80x128xf32, #tpu.memory_space<vmem>>, vector<1x16xf32>,
          %swap3A_1407 = vector.shape_cast %swap3A_1406 : vector<1x16xf32> to vector<16xf32>
          %swap3A_1408 = vector.shape_cast %mul3A_1401 : vector<16xf32> to vector<1x16xf32>
          tpu.vector_store %arg11[%swap3A_1404, %swap3A_1405], %swap3A_1408 {strides = array<i32>} : memref<80x128xf32, #tpu.memory_space<vmem>>, vector<1x16xf32>,
          %add3A_1409 = arith.constant 10 : i32
          %add3A_1410 = arith.addi %mul3A_126, %add3A_1409 : i32
          %get3A_1411 = arith.index_cast %add3A_1410 : i32 to index
          %get3A_1412 = arith.constant 64 : index
          %get3A_1413 = tpu.vector_load %arg11[%get3A_1411, %get3A_1412] {strides = array<i32>} : memref<80x128xf32, #tpu.memory_space<vmem>>, vector<1x16xf32>,
          %get3A_1414 = vector.shape_cast %get3A_1413 : vector<1x16xf32> to vector<16xf32>
          %mul3A_1415 = vector.broadcast %squeeze3A_1348 : f32 to vector<16xf32>
          %mul3A_1416 = arith.mulf %get3A_1414, %mul3A_1415 : vector<16xf32>
          %add3A_1417 = arith.constant 10 : i32
          %add3A_1418 = arith.addi %mul3A_126, %add3A_1417 : i32
          %swap3A_1419 = arith.index_cast %add3A_1418 : i32 to index
          %swap3A_1420 = arith.constant 64 : index
          %swap3A_1421 = tpu.vector_load %arg11[%swap3A_1419, %swap3A_1420] {strides = array<i32>} : memref<80x128xf32, #tpu.memory_space<vmem>>, vector<1x16xf32>,
          %swap3A_1422 = vector.shape_cast %swap3A_1421 : vector<1x16xf32> to vector<16xf32>
          %swap3A_1423 = vector.shape_cast %mul3A_1416 : vector<16xf32> to vector<1x16xf32>
          tpu.vector_store %arg11[%swap3A_1419, %swap3A_1420], %swap3A_1423 {strides = array<i32>} : memref<80x128xf32, #tpu.memory_space<vmem>>, vector<1x16xf32>,
          %add3A_1424 = arith.constant 10 : i32
          %add3A_1425 = arith.addi %mul3A_126, %add3A_1424 : i32
          %get3A_1426 = arith.index_cast %add3A_1425 : i32 to index
          %get3A_1427 = arith.constant 80 : index
          %get3A_1428 = tpu.vector_load %arg11[%get3A_1426, %get3A_1427] {strides = array<i32>} : memref<80x128xf32, #tpu.memory_space<vmem>>, vector<1x16xf32>,
          %get3A_1429 = vector.shape_cast %get3A_1428 : vector<1x16xf32> to vector<16xf32>
          %mul3A_1430 = vector.broadcast %squeeze3A_1348 : f32 to vector<16xf32>
          %mul3A_1431 = arith.mulf %get3A_1429, %mul3A_1430 : vector<16xf32>
          %add3A_1432 = arith.constant 10 : i32
          %add3A_1433 = arith.addi %mul3A_126, %add3A_1432 : i32
          %swap3A_1434 = arith.index_cast %add3A_1433 : i32 to index
          %swap3A_1435 = arith.constant 80 : index
          %swap3A_1436 = tpu.vector_load %arg11[%swap3A_1434, %swap3A_1435] {strides = array<i32>} : memref<80x128xf32, #tpu.memory_space<vmem>>, vector<1x16xf32>,
          %swap3A_1437 = vector.shape_cast %swap3A_1436 : vector<1x16xf32> to vector<16xf32>
          %swap3A_1438 = vector.shape_cast %mul3A_1431 : vector<16xf32> to vector<1x16xf32>
          tpu.vector_store %arg11[%swap3A_1434, %swap3A_1435], %swap3A_1438 {strides = array<i32>} : memref<80x128xf32, #tpu.memory_space<vmem>>, vector<1x16xf32>,
          %add3A_1439 = arith.constant 10 : i32
          %add3A_1440 = arith.addi %mul3A_126, %add3A_1439 : i32
          %get3A_1441 = arith.index_cast %add3A_1440 : i32 to index
          %get3A_1442 = arith.constant 96 : index
          %get3A_1443 = tpu.vector_load %arg11[%get3A_1441, %get3A_1442] {strides = array<i32>} : memref<80x128xf32, #tpu.memory_space<vmem>>, vector<1x16xf32>,
          %get3A_1444 = vector.shape_cast %get3A_1443 : vector<1x16xf32> to vector<16xf32>
          %mul3A_1445 = vector.broadcast %squeeze3A_1348 : f32 to vector<16xf32>
          %mul3A_1446 = arith.mulf %get3A_1444, %mul3A_1445 : vector<16xf32>
          %add3A_1447 = arith.constant 10 : i32
          %add3A_1448 = arith.addi %mul3A_126, %add3A_1447 : i32
          %swap3A_1449 = arith.index_cast %add3A_1448 : i32 to index
          %swap3A_1450 = arith.constant 96 : index
          %swap3A_1451 = tpu.vector_load %arg11[%swap3A_1449, %swap3A_1450] {strides = array<i32>} : memref<80x128xf32, #tpu.memory_space<vmem>>, vector<1x16xf32>,
          %swap3A_1452 = vector.shape_cast %swap3A_1451 : vector<1x16xf32> to vector<16xf32>
          %swap3A_1453 = vector.shape_cast %mul3A_1446 : vector<16xf32> to vector<1x16xf32>
          tpu.vector_store %arg11[%swap3A_1449, %swap3A_1450], %swap3A_1453 {strides = array<i32>} : memref<80x128xf32, #tpu.memory_space<vmem>>, vector<1x16xf32>,
          %add3A_1454 = arith.constant 10 : i32
          %add3A_1455 = arith.addi %mul3A_126, %add3A_1454 : i32
          %get3A_1456 = arith.index_cast %add3A_1455 : i32 to index
          %get3A_1457 = arith.constant 112 : index
          %get3A_1458 = tpu.vector_load %arg11[%get3A_1456, %get3A_1457] {strides = array<i32>} : memref<80x128xf32, #tpu.memory_space<vmem>>, vector<1x16xf32>,
          %get3A_1459 = vector.shape_cast %get3A_1458 : vector<1x16xf32> to vector<16xf32>
          %mul3A_1460 = vector.broadcast %squeeze3A_1348 : f32 to vector<16xf32>
          %mul3A_1461 = arith.mulf %get3A_1459, %mul3A_1460 : vector<16xf32>
          %add3A_1462 = arith.constant 10 : i32
          %add3A_1463 = arith.addi %mul3A_126, %add3A_1462 : i32
          %swap3A_1464 = arith.index_cast %add3A_1463 : i32 to index
          %swap3A_1465 = arith.constant 112 : index
          %swap3A_1466 = tpu.vector_load %arg11[%swap3A_1464, %swap3A_1465] {strides = array<i32>} : memref<80x128xf32, #tpu.memory_space<vmem>>, vector<1x16xf32>,
          %swap3A_1467 = vector.shape_cast %swap3A_1466 : vector<1x16xf32> to vector<16xf32>
          %swap3A_1468 = vector.shape_cast %mul3A_1461 : vector<16xf32> to vector<1x16xf32>
          tpu.vector_store %arg11[%swap3A_1464, %swap3A_1465], %swap3A_1468 {strides = array<i32>} : memref<80x128xf32, #tpu.memory_space<vmem>>, vector<1x16xf32>,
          %slice3A_1469 = vector.extract_strided_slice %get3A_129 {offsets = [11], sizes = [1], strides = [1]} : vector<16xf32> to vector<1xf32>
          %squeeze3A_1470 = vector.extract %slice3A_1469[0] : f32 from vector<1xf32>
          %add3A_1471 = arith.constant 11 : i32
          %add3A_1472 = arith.addi %mul3A_126, %add3A_1471 : i32
          %get3A_1473 = arith.index_cast %add3A_1472 : i32 to index
          %get3A_1474 = arith.constant 0 : index
          %get3A_1475 = tpu.vector_load %arg11[%get3A_1473, %get3A_1474] {strides = array<i32>} : memref<80x128xf32, #tpu.memory_space<vmem>>, vector<1x16xf32>,
          %get3A_1476 = vector.shape_cast %get3A_1475 : vector<1x16xf32> to vector<16xf32>
          %mul3A_1477 = vector.broadcast %squeeze3A_1470 : f32 to vector<16xf32>
          %mul3A_1478 = arith.mulf %get3A_1476, %mul3A_1477 : vector<16xf32>
          %add3A_1479 = arith.constant 11 : i32
          %add3A_1480 = arith.addi %mul3A_126, %add3A_1479 : i32
          %swap3A_1481 = arith.index_cast %add3A_1480 : i32 to index
          %swap3A_1482 = arith.constant 0 : index
          %swap3A_1483 = tpu.vector_load %arg11[%swap3A_1481, %swap3A_1482] {strides = array<i32>} : memref<80x128xf32, #tpu.memory_space<vmem>>, vector<1x16xf32>,
          %swap3A_1484 = vector.shape_cast %swap3A_1483 : vector<1x16xf32> to vector<16xf32>
          %swap3A_1485 = vector.shape_cast %mul3A_1478 : vector<16xf32> to vector<1x16xf32>
          tpu.vector_store %arg11[%swap3A_1481, %swap3A_1482], %swap3A_1485 {strides = array<i32>} : memref<80x128xf32, #tpu.memory_space<vmem>>, vector<1x16xf32>,
          %add3A_1486 = arith.constant 11 : i32
          %add3A_1487 = arith.addi %mul3A_126, %add3A_1486 : i32
          %get3A_1488 = arith.index_cast %add3A_1487 : i32 to index
          %get3A_1489 = arith.constant 16 : index
          %get3A_1490 = tpu.vector_load %arg11[%get3A_1488, %get3A_1489] {strides = array<i32>} : memref<80x128xf32, #tpu.memory_space<vmem>>, vector<1x16xf32>,
          %get3A_1491 = vector.shape_cast %get3A_1490 : vector<1x16xf32> to vector<16xf32>
          %mul3A_1492 = vector.broadcast %squeeze3A_1470 : f32 to vector<16xf32>
          %mul3A_1493 = arith.mulf %get3A_1491, %mul3A_1492 : vector<16xf32>
          %add3A_1494 = arith.constant 11 : i32
          %add3A_1495 = arith.addi %mul3A_126, %add3A_1494 : i32
          %swap3A_1496 = arith.index_cast %add3A_1495 : i32 to index
          %swap3A_1497 = arith.constant 16 : index
          %swap3A_1498 = tpu.vector_load %arg11[%swap3A_1496, %swap3A_1497] {strides = array<i32>} : memref<80x128xf32, #tpu.memory_space<vmem>>, vector<1x16xf32>,
          %swap3A_1499 = vector.shape_cast %swap3A_1498 : vector<1x16xf32> to vector<16xf32>
          %swap3A_1500 = vector.shape_cast %mul3A_1493 : vector<16xf32> to vector<1x16xf32>
          tpu.vector_store %arg11[%swap3A_1496, %swap3A_1497], %swap3A_1500 {strides = array<i32>} : memref<80x128xf32, #tpu.memory_space<vmem>>, vector<1x16xf32>,
          %add3A_1501 = arith.constant 11 : i32
          %add3A_1502 = arith.addi %mul3A_126, %add3A_1501 : i32
          %get3A_1503 = arith.index_cast %add3A_1502 : i32 to index
          %get3A_1504 = arith.constant 32 : index
          %get3A_1505 = tpu.vector_load %arg11[%get3A_1503, %get3A_1504] {strides = array<i32>} : memref<80x128xf32, #tpu.memory_space<vmem>>, vector<1x16xf32>,
          %get3A_1506 = vector.shape_cast %get3A_1505 : vector<1x16xf32> to vector<16xf32>
          %mul3A_1507 = vector.broadcast %squeeze3A_1470 : f32 to vector<16xf32>
          %mul3A_1508 = arith.mulf %get3A_1506, %mul3A_1507 : vector<16xf32>
          %add3A_1509 = arith.constant 11 : i32
          %add3A_1510 = arith.addi %mul3A_126, %add3A_1509 : i32
          %swap3A_1511 = arith.index_cast %add3A_1510 : i32 to index
          %swap3A_1512 = arith.constant 32 : index
          %swap3A_1513 = tpu.vector_load %arg11[%swap3A_1511, %swap3A_1512] {strides = array<i32>} : memref<80x128xf32, #tpu.memory_space<vmem>>, vector<1x16xf32>,
          %swap3A_1514 = vector.shape_cast %swap3A_1513 : vector<1x16xf32> to vector<16xf32>
          %swap3A_1515 = vector.shape_cast %mul3A_1508 : vector<16xf32> to vector<1x16xf32>
          tpu.vector_store %arg11[%swap3A_1511, %swap3A_1512], %swap3A_1515 {strides = array<i32>} : memref<80x128xf32, #tpu.memory_space<vmem>>, vector<1x16xf32>,
          %add3A_1516 = arith.constant 11 : i32
          %add3A_1517 = arith.addi %mul3A_126, %add3A_1516 : i32
          %get3A_1518 = arith.index_cast %add3A_1517 : i32 to index
          %get3A_1519 = arith.constant 48 : index
          %get3A_1520 = tpu.vector_load %arg11[%get3A_1518, %get3A_1519] {strides = array<i32>} : memref<80x128xf32, #tpu.memory_space<vmem>>, vector<1x16xf32>,
          %get3A_1521 = vector.shape_cast %get3A_1520 : vector<1x16xf32> to vector<16xf32>
          %mul3A_1522 = vector.broadcast %squeeze3A_1470 : f32 to vector<16xf32>
          %mul3A_1523 = arith.mulf %get3A_1521, %mul3A_1522 : vector<16xf32>
          %add3A_1524 = arith.constant 11 : i32
          %add3A_1525 = arith.addi %mul3A_126, %add3A_1524 : i32
          %swap3A_1526 = arith.index_cast %add3A_1525 : i32 to index
          %swap3A_1527 = arith.constant 48 : index
          %swap3A_1528 = tpu.vector_load %arg11[%swap3A_1526, %swap3A_1527] {strides = array<i32>} : memref<80x128xf32, #tpu.memory_space<vmem>>, vector<1x16xf32>,
          %swap3A_1529 = vector.shape_cast %swap3A_1528 : vector<1x16xf32> to vector<16xf32>
          %swap3A_1530 = vector.shape_cast %mul3A_1523 : vector<16xf32> to vector<1x16xf32>
          tpu.vector_store %arg11[%swap3A_1526, %swap3A_1527], %swap3A_1530 {strides = array<i32>} : memref<80x128xf32, #tpu.memory_space<vmem>>, vector<1x16xf32>,
          %add3A_1531 = arith.constant 11 : i32
          %add3A_1532 = arith.addi %mul3A_126, %add3A_1531 : i32
          %get3A_1533 = arith.index_cast %add3A_1532 : i32 to index
          %get3A_1534 = arith.constant 64 : index
          %get3A_1535 = tpu.vector_load %arg11[%get3A_1533, %get3A_1534] {strides = array<i32>} : memref<80x128xf32, #tpu.memory_space<vmem>>, vector<1x16xf32>,
          %get3A_1536 = vector.shape_cast %get3A_1535 : vector<1x16xf32> to vector<16xf32>
          %mul3A_1537 = vector.broadcast %squeeze3A_1470 : f32 to vector<16xf32>
          %mul3A_1538 = arith.mulf %get3A_1536, %mul3A_1537 : vector<16xf32>
          %add3A_1539 = arith.constant 11 : i32
          %add3A_1540 = arith.addi %mul3A_126, %add3A_1539 : i32
          %swap3A_1541 = arith.index_cast %add3A_1540 : i32 to index
          %swap3A_1542 = arith.constant 64 : index
          %swap3A_1543 = tpu.vector_load %arg11[%swap3A_1541, %swap3A_1542] {strides = array<i32>} : memref<80x128xf32, #tpu.memory_space<vmem>>, vector<1x16xf32>,
          %swap3A_1544 = vector.shape_cast %swap3A_1543 : vector<1x16xf32> to vector<16xf32>
          %swap3A_1545 = vector.shape_cast %mul3A_1538 : vector<16xf32> to vector<1x16xf32>
          tpu.vector_store %arg11[%swap3A_1541, %swap3A_1542], %swap3A_1545 {strides = array<i32>} : memref<80x128xf32, #tpu.memory_space<vmem>>, vector<1x16xf32>,
          %add3A_1546 = arith.constant 11 : i32
          %add3A_1547 = arith.addi %mul3A_126, %add3A_1546 : i32
          %get3A_1548 = arith.index_cast %add3A_1547 : i32 to index
          %get3A_1549 = arith.constant 80 : index
          %get3A_1550 = tpu.vector_load %arg11[%get3A_1548, %get3A_1549] {strides = array<i32>} : memref<80x128xf32, #tpu.memory_space<vmem>>, vector<1x16xf32>,
          %get3A_1551 = vector.shape_cast %get3A_1550 : vector<1x16xf32> to vector<16xf32>
          %mul3A_1552 = vector.broadcast %squeeze3A_1470 : f32 to vector<16xf32>
          %mul3A_1553 = arith.mulf %get3A_1551, %mul3A_1552 : vector<16xf32>
          %add3A_1554 = arith.constant 11 : i32
          %add3A_1555 = arith.addi %mul3A_126, %add3A_1554 : i32
          %swap3A_1556 = arith.index_cast %add3A_1555 : i32 to index
          %swap3A_1557 = arith.constant 80 : index
          %swap3A_1558 = tpu.vector_load %arg11[%swap3A_1556, %swap3A_1557] {strides = array<i32>} : memref<80x128xf32, #tpu.memory_space<vmem>>, vector<1x16xf32>,
          %swap3A_1559 = vector.shape_cast %swap3A_1558 : vector<1x16xf32> to vector<16xf32>
          %swap3A_1560 = vector.shape_cast %mul3A_1553 : vector<16xf32> to vector<1x16xf32>
          tpu.vector_store %arg11[%swap3A_1556, %swap3A_1557], %swap3A_1560 {strides = array<i32>} : memref<80x128xf32, #tpu.memory_space<vmem>>, vector<1x16xf32>,
          %add3A_1561 = arith.constant 11 : i32
          %add3A_1562 = arith.addi %mul3A_126, %add3A_1561 : i32
          %get3A_1563 = arith.index_cast %add3A_1562 : i32 to index
          %get3A_1564 = arith.constant 96 : index
          %get3A_1565 = tpu.vector_load %arg11[%get3A_1563, %get3A_1564] {strides = array<i32>} : memref<80x128xf32, #tpu.memory_space<vmem>>, vector<1x16xf32>,
          %get3A_1566 = vector.shape_cast %get3A_1565 : vector<1x16xf32> to vector<16xf32>
          %mul3A_1567 = vector.broadcast %squeeze3A_1470 : f32 to vector<16xf32>
          %mul3A_1568 = arith.mulf %get3A_1566, %mul3A_1567 : vector<16xf32>
          %add3A_1569 = arith.constant 11 : i32
          %add3A_1570 = arith.addi %mul3A_126, %add3A_1569 : i32
          %swap3A_1571 = arith.index_cast %add3A_1570 : i32 to index
          %swap3A_1572 = arith.constant 96 : index
          %swap3A_1573 = tpu.vector_load %arg11[%swap3A_1571, %swap3A_1572] {strides = array<i32>} : memref<80x128xf32, #tpu.memory_space<vmem>>, vector<1x16xf32>,
          %swap3A_1574 = vector.shape_cast %swap3A_1573 : vector<1x16xf32> to vector<16xf32>
          %swap3A_1575 = vector.shape_cast %mul3A_1568 : vector<16xf32> to vector<1x16xf32>
          tpu.vector_store %arg11[%swap3A_1571, %swap3A_1572], %swap3A_1575 {strides = array<i32>} : memref<80x128xf32, #tpu.memory_space<vmem>>, vector<1x16xf32>,
          %add3A_1576 = arith.constant 11 : i32
          %add3A_1577 = arith.addi %mul3A_126, %add3A_1576 : i32
          %get3A_1578 = arith.index_cast %add3A_1577 : i32 to index
          %get3A_1579 = arith.constant 112 : index
          %get3A_1580 = tpu.vector_load %arg11[%get3A_1578, %get3A_1579] {strides = array<i32>} : memref<80x128xf32, #tpu.memory_space<vmem>>, vector<1x16xf32>,
          %get3A_1581 = vector.shape_cast %get3A_1580 : vector<1x16xf32> to vector<16xf32>
          %mul3A_1582 = vector.broadcast %squeeze3A_1470 : f32 to vector<16xf32>
          %mul3A_1583 = arith.mulf %get3A_1581, %mul3A_1582 : vector<16xf32>
          %add3A_1584 = arith.constant 11 : i32
          %add3A_1585 = arith.addi %mul3A_126, %add3A_1584 : i32
          %swap3A_1586 = arith.index_cast %add3A_1585 : i32 to index
          %swap3A_1587 = arith.constant 112 : index
          %swap3A_1588 = tpu.vector_load %arg11[%swap3A_1586, %swap3A_1587] {strides = array<i32>} : memref<80x128xf32, #tpu.memory_space<vmem>>, vector<1x16xf32>,
          %swap3A_1589 = vector.shape_cast %swap3A_1588 : vector<1x16xf32> to vector<16xf32>
          %swap3A_1590 = vector.shape_cast %mul3A_1583 : vector<16xf32> to vector<1x16xf32>
          tpu.vector_store %arg11[%swap3A_1586, %swap3A_1587], %swap3A_1590 {strides = array<i32>} : memref<80x128xf32, #tpu.memory_space<vmem>>, vector<1x16xf32>,
          %slice3A_1591 = vector.extract_strided_slice %get3A_129 {offsets = [12], sizes = [1], strides = [1]} : vector<16xf32> to vector<1xf32>
          %squeeze3A_1592 = vector.extract %slice3A_1591[0] : f32 from vector<1xf32>
          %add3A_1593 = arith.constant 12 : i32
          %add3A_1594 = arith.addi %mul3A_126, %add3A_1593 : i32
          %get3A_1595 = arith.index_cast %add3A_1594 : i32 to index
          %get3A_1596 = arith.constant 0 : index
          %get3A_1597 = tpu.vector_load %arg11[%get3A_1595, %get3A_1596] {strides = array<i32>} : memref<80x128xf32, #tpu.memory_space<vmem>>, vector<1x16xf32>,
          %get3A_1598 = vector.shape_cast %get3A_1597 : vector<1x16xf32> to vector<16xf32>
          %mul3A_1599 = vector.broadcast %squeeze3A_1592 : f32 to vector<16xf32>
          %mul3A_1600 = arith.mulf %get3A_1598, %mul3A_1599 : vector<16xf32>
          %add3A_1601 = arith.constant 12 : i32
          %add3A_1602 = arith.addi %mul3A_126, %add3A_1601 : i32
          %swap3A_1603 = arith.index_cast %add3A_1602 : i32 to index
          %swap3A_1604 = arith.constant 0 : index
          %swap3A_1605 = tpu.vector_load %arg11[%swap3A_1603, %swap3A_1604] {strides = array<i32>} : memref<80x128xf32, #tpu.memory_space<vmem>>, vector<1x16xf32>,
          %swap3A_1606 = vector.shape_cast %swap3A_1605 : vector<1x16xf32> to vector<16xf32>
          %swap3A_1607 = vector.shape_cast %mul3A_1600 : vector<16xf32> to vector<1x16xf32>
          tpu.vector_store %arg11[%swap3A_1603, %swap3A_1604], %swap3A_1607 {strides = array<i32>} : memref<80x128xf32, #tpu.memory_space<vmem>>, vector<1x16xf32>,
          %add3A_1608 = arith.constant 12 : i32
          %add3A_1609 = arith.addi %mul3A_126, %add3A_1608 : i32
          %get3A_1610 = arith.index_cast %add3A_1609 : i32 to index
          %get3A_1611 = arith.constant 16 : index
          %get3A_1612 = tpu.vector_load %arg11[%get3A_1610, %get3A_1611] {strides = array<i32>} : memref<80x128xf32, #tpu.memory_space<vmem>>, vector<1x16xf32>,
          %get3A_1613 = vector.shape_cast %get3A_1612 : vector<1x16xf32> to vector<16xf32>
          %mul3A_1614 = vector.broadcast %squeeze3A_1592 : f32 to vector<16xf32>
          %mul3A_1615 = arith.mulf %get3A_1613, %mul3A_1614 : vector<16xf32>
          %add3A_1616 = arith.constant 12 : i32
          %add3A_1617 = arith.addi %mul3A_126, %add3A_1616 : i32
          %swap3A_1618 = arith.index_cast %add3A_1617 : i32 to index
          %swap3A_1619 = arith.constant 16 : index
          %swap3A_1620 = tpu.vector_load %arg11[%swap3A_1618, %swap3A_1619] {strides = array<i32>} : memref<80x128xf32, #tpu.memory_space<vmem>>, vector<1x16xf32>,
          %swap3A_1621 = vector.shape_cast %swap3A_1620 : vector<1x16xf32> to vector<16xf32>
          %swap3A_1622 = vector.shape_cast %mul3A_1615 : vector<16xf32> to vector<1x16xf32>
          tpu.vector_store %arg11[%swap3A_1618, %swap3A_1619], %swap3A_1622 {strides = array<i32>} : memref<80x128xf32, #tpu.memory_space<vmem>>, vector<1x16xf32>,
          %add3A_1623 = arith.constant 12 : i32
          %add3A_1624 = arith.addi %mul3A_126, %add3A_1623 : i32
          %get3A_1625 = arith.index_cast %add3A_1624 : i32 to index
          %get3A_1626 = arith.constant 32 : index
          %get3A_1627 = tpu.vector_load %arg11[%get3A_1625, %get3A_1626] {strides = array<i32>} : memref<80x128xf32, #tpu.memory_space<vmem>>, vector<1x16xf32>,
          %get3A_1628 = vector.shape_cast %get3A_1627 : vector<1x16xf32> to vector<16xf32>
          %mul3A_1629 = vector.broadcast %squeeze3A_1592 : f32 to vector<16xf32>
          %mul3A_1630 = arith.mulf %get3A_1628, %mul3A_1629 : vector<16xf32>
          %add3A_1631 = arith.constant 12 : i32
          %add3A_1632 = arith.addi %mul3A_126, %add3A_1631 : i32
          %swap3A_1633 = arith.index_cast %add3A_1632 : i32 to index
          %swap3A_1634 = arith.constant 32 : index
          %swap3A_1635 = tpu.vector_load %arg11[%swap3A_1633, %swap3A_1634] {strides = array<i32>} : memref<80x128xf32, #tpu.memory_space<vmem>>, vector<1x16xf32>,
          %swap3A_1636 = vector.shape_cast %swap3A_1635 : vector<1x16xf32> to vector<16xf32>
          %swap3A_1637 = vector.shape_cast %mul3A_1630 : vector<16xf32> to vector<1x16xf32>
          tpu.vector_store %arg11[%swap3A_1633, %swap3A_1634], %swap3A_1637 {strides = array<i32>} : memref<80x128xf32, #tpu.memory_space<vmem>>, vector<1x16xf32>,
          %add3A_1638 = arith.constant 12 : i32
          %add3A_1639 = arith.addi %mul3A_126, %add3A_1638 : i32
          %get3A_1640 = arith.index_cast %add3A_1639 : i32 to index
          %get3A_1641 = arith.constant 48 : index
          %get3A_1642 = tpu.vector_load %arg11[%get3A_1640, %get3A_1641] {strides = array<i32>} : memref<80x128xf32, #tpu.memory_space<vmem>>, vector<1x16xf32>,
          %get3A_1643 = vector.shape_cast %get3A_1642 : vector<1x16xf32> to vector<16xf32>
          %mul3A_1644 = vector.broadcast %squeeze3A_1592 : f32 to vector<16xf32>
          %mul3A_1645 = arith.mulf %get3A_1643, %mul3A_1644 : vector<16xf32>
          %add3A_1646 = arith.constant 12 : i32
          %add3A_1647 = arith.addi %mul3A_126, %add3A_1646 : i32
          %swap3A_1648 = arith.index_cast %add3A_1647 : i32 to index
          %swap3A_1649 = arith.constant 48 : index
          %swap3A_1650 = tpu.vector_load %arg11[%swap3A_1648, %swap3A_1649] {strides = array<i32>} : memref<80x128xf32, #tpu.memory_space<vmem>>, vector<1x16xf32>,
          %swap3A_1651 = vector.shape_cast %swap3A_1650 : vector<1x16xf32> to vector<16xf32>
          %swap3A_1652 = vector.shape_cast %mul3A_1645 : vector<16xf32> to vector<1x16xf32>
          tpu.vector_store %arg11[%swap3A_1648, %swap3A_1649], %swap3A_1652 {strides = array<i32>} : memref<80x128xf32, #tpu.memory_space<vmem>>, vector<1x16xf32>,
          %add3A_1653 = arith.constant 12 : i32
          %add3A_1654 = arith.addi %mul3A_126, %add3A_1653 : i32
          %get3A_1655 = arith.index_cast %add3A_1654 : i32 to index
          %get3A_1656 = arith.constant 64 : index
          %get3A_1657 = tpu.vector_load %arg11[%get3A_1655, %get3A_1656] {strides = array<i32>} : memref<80x128xf32, #tpu.memory_space<vmem>>, vector<1x16xf32>,
          %get3A_1658 = vector.shape_cast %get3A_1657 : vector<1x16xf32> to vector<16xf32>
          %mul3A_1659 = vector.broadcast %squeeze3A_1592 : f32 to vector<16xf32>
          %mul3A_1660 = arith.mulf %get3A_1658, %mul3A_1659 : vector<16xf32>
          %add3A_1661 = arith.constant 12 : i32
          %add3A_1662 = arith.addi %mul3A_126, %add3A_1661 : i32
          %swap3A_1663 = arith.index_cast %add3A_1662 : i32 to index
          %swap3A_1664 = arith.constant 64 : index
          %swap3A_1665 = tpu.vector_load %arg11[%swap3A_1663, %swap3A_1664] {strides = array<i32>} : memref<80x128xf32, #tpu.memory_space<vmem>>, vector<1x16xf32>,
          %swap3A_1666 = vector.shape_cast %swap3A_1665 : vector<1x16xf32> to vector<16xf32>
          %swap3A_1667 = vector.shape_cast %mul3A_1660 : vector<16xf32> to vector<1x16xf32>
          tpu.vector_store %arg11[%swap3A_1663, %swap3A_1664], %swap3A_1667 {strides = array<i32>} : memref<80x128xf32, #tpu.memory_space<vmem>>, vector<1x16xf32>,
          %add3A_1668 = arith.constant 12 : i32
          %add3A_1669 = arith.addi %mul3A_126, %add3A_1668 : i32
          %get3A_1670 = arith.index_cast %add3A_1669 : i32 to index
          %get3A_1671 = arith.constant 80 : index
          %get3A_1672 = tpu.vector_load %arg11[%get3A_1670, %get3A_1671] {strides = array<i32>} : memref<80x128xf32, #tpu.memory_space<vmem>>, vector<1x16xf32>,
          %get3A_1673 = vector.shape_cast %get3A_1672 : vector<1x16xf32> to vector<16xf32>
          %mul3A_1674 = vector.broadcast %squeeze3A_1592 : f32 to vector<16xf32>
          %mul3A_1675 = arith.mulf %get3A_1673, %mul3A_1674 : vector<16xf32>
          %add3A_1676 = arith.constant 12 : i32
          %add3A_1677 = arith.addi %mul3A_126, %add3A_1676 : i32
          %swap3A_1678 = arith.index_cast %add3A_1677 : i32 to index
          %swap3A_1679 = arith.constant 80 : index
          %swap3A_1680 = tpu.vector_load %arg11[%swap3A_1678, %swap3A_1679] {strides = array<i32>} : memref<80x128xf32, #tpu.memory_space<vmem>>, vector<1x16xf32>,
          %swap3A_1681 = vector.shape_cast %swap3A_1680 : vector<1x16xf32> to vector<16xf32>
          %swap3A_1682 = vector.shape_cast %mul3A_1675 : vector<16xf32> to vector<1x16xf32>
          tpu.vector_store %arg11[%swap3A_1678, %swap3A_1679], %swap3A_1682 {strides = array<i32>} : memref<80x128xf32, #tpu.memory_space<vmem>>, vector<1x16xf32>,
          %add3A_1683 = arith.constant 12 : i32
          %add3A_1684 = arith.addi %mul3A_126, %add3A_1683 : i32
          %get3A_1685 = arith.index_cast %add3A_1684 : i32 to index
          %get3A_1686 = arith.constant 96 : index
          %get3A_1687 = tpu.vector_load %arg11[%get3A_1685, %get3A_1686] {strides = array<i32>} : memref<80x128xf32, #tpu.memory_space<vmem>>, vector<1x16xf32>,
          %get3A_1688 = vector.shape_cast %get3A_1687 : vector<1x16xf32> to vector<16xf32>
          %mul3A_1689 = vector.broadcast %squeeze3A_1592 : f32 to vector<16xf32>
          %mul3A_1690 = arith.mulf %get3A_1688, %mul3A_1689 : vector<16xf32>
          %add3A_1691 = arith.constant 12 : i32
          %add3A_1692 = arith.addi %mul3A_126, %add3A_1691 : i32
          %swap3A_1693 = arith.index_cast %add3A_1692 : i32 to index
          %swap3A_1694 = arith.constant 96 : index
          %swap3A_1695 = tpu.vector_load %arg11[%swap3A_1693, %swap3A_1694] {strides = array<i32>} : memref<80x128xf32, #tpu.memory_space<vmem>>, vector<1x16xf32>,
          %swap3A_1696 = vector.shape_cast %swap3A_1695 : vector<1x16xf32> to vector<16xf32>
          %swap3A_1697 = vector.shape_cast %mul3A_1690 : vector<16xf32> to vector<1x16xf32>
          tpu.vector_store %arg11[%swap3A_1693, %swap3A_1694], %swap3A_1697 {strides = array<i32>} : memref<80x128xf32, #tpu.memory_space<vmem>>, vector<1x16xf32>,
          %add3A_1698 = arith.constant 12 : i32
          %add3A_1699 = arith.addi %mul3A_126, %add3A_1698 : i32
          %get3A_1700 = arith.index_cast %add3A_1699 : i32 to index
          %get3A_1701 = arith.constant 112 : index
          %get3A_1702 = tpu.vector_load %arg11[%get3A_1700, %get3A_1701] {strides = array<i32>} : memref<80x128xf32, #tpu.memory_space<vmem>>, vector<1x16xf32>,
          %get3A_1703 = vector.shape_cast %get3A_1702 : vector<1x16xf32> to vector<16xf32>
          %mul3A_1704 = vector.broadcast %squeeze3A_1592 : f32 to vector<16xf32>
          %mul3A_1705 = arith.mulf %get3A_1703, %mul3A_1704 : vector<16xf32>
          %add3A_1706 = arith.constant 12 : i32
          %add3A_1707 = arith.addi %mul3A_126, %add3A_1706 : i32
          %swap3A_1708 = arith.index_cast %add3A_1707 : i32 to index
          %swap3A_1709 = arith.constant 112 : index
          %swap3A_1710 = tpu.vector_load %arg11[%swap3A_1708, %swap3A_1709] {strides = array<i32>} : memref<80x128xf32, #tpu.memory_space<vmem>>, vector<1x16xf32>,
          %swap3A_1711 = vector.shape_cast %swap3A_1710 : vector<1x16xf32> to vector<16xf32>
          %swap3A_1712 = vector.shape_cast %mul3A_1705 : vector<16xf32> to vector<1x16xf32>
          tpu.vector_store %arg11[%swap3A_1708, %swap3A_1709], %swap3A_1712 {strides = array<i32>} : memref<80x128xf32, #tpu.memory_space<vmem>>, vector<1x16xf32>,
          %slice3A_1713 = vector.extract_strided_slice %get3A_129 {offsets = [13], sizes = [1], strides = [1]} : vector<16xf32> to vector<1xf32>
          %squeeze3A_1714 = vector.extract %slice3A_1713[0] : f32 from vector<1xf32>
          %add3A_1715 = arith.constant 13 : i32
          %add3A_1716 = arith.addi %mul3A_126, %add3A_1715 : i32
          %get3A_1717 = arith.index_cast %add3A_1716 : i32 to index
          %get3A_1718 = arith.constant 0 : index
          %get3A_1719 = tpu.vector_load %arg11[%get3A_1717, %get3A_1718] {strides = array<i32>} : memref<80x128xf32, #tpu.memory_space<vmem>>, vector<1x16xf32>,
          %get3A_1720 = vector.shape_cast %get3A_1719 : vector<1x16xf32> to vector<16xf32>
          %mul3A_1721 = vector.broadcast %squeeze3A_1714 : f32 to vector<16xf32>
          %mul3A_1722 = arith.mulf %get3A_1720, %mul3A_1721 : vector<16xf32>
          %add3A_1723 = arith.constant 13 : i32
          %add3A_1724 = arith.addi %mul3A_126, %add3A_1723 : i32
          %swap3A_1725 = arith.index_cast %add3A_1724 : i32 to index
          %swap3A_1726 = arith.constant 0 : index
          %swap3A_1727 = tpu.vector_load %arg11[%swap3A_1725, %swap3A_1726] {strides = array<i32>} : memref<80x128xf32, #tpu.memory_space<vmem>>, vector<1x16xf32>,
          %swap3A_1728 = vector.shape_cast %swap3A_1727 : vector<1x16xf32> to vector<16xf32>
          %swap3A_1729 = vector.shape_cast %mul3A_1722 : vector<16xf32> to vector<1x16xf32>
          tpu.vector_store %arg11[%swap3A_1725, %swap3A_1726], %swap3A_1729 {strides = array<i32>} : memref<80x128xf32, #tpu.memory_space<vmem>>, vector<1x16xf32>,
          %add3A_1730 = arith.constant 13 : i32
          %add3A_1731 = arith.addi %mul3A_126, %add3A_1730 : i32
          %get3A_1732 = arith.index_cast %add3A_1731 : i32 to index
          %get3A_1733 = arith.constant 16 : index
          %get3A_1734 = tpu.vector_load %arg11[%get3A_1732, %get3A_1733] {strides = array<i32>} : memref<80x128xf32, #tpu.memory_space<vmem>>, vector<1x16xf32>,
          %get3A_1735 = vector.shape_cast %get3A_1734 : vector<1x16xf32> to vector<16xf32>
          %mul3A_1736 = vector.broadcast %squeeze3A_1714 : f32 to vector<16xf32>
          %mul3A_1737 = arith.mulf %get3A_1735, %mul3A_1736 : vector<16xf32>
          %add3A_1738 = arith.constant 13 : i32
          %add3A_1739 = arith.addi %mul3A_126, %add3A_1738 : i32
          %swap3A_1740 = arith.index_cast %add3A_1739 : i32 to index
          %swap3A_1741 = arith.constant 16 : index
          %swap3A_1742 = tpu.vector_load %arg11[%swap3A_1740, %swap3A_1741] {strides = array<i32>} : memref<80x128xf32, #tpu.memory_space<vmem>>, vector<1x16xf32>,
          %swap3A_1743 = vector.shape_cast %swap3A_1742 : vector<1x16xf32> to vector<16xf32>
          %swap3A_1744 = vector.shape_cast %mul3A_1737 : vector<16xf32> to vector<1x16xf32>
          tpu.vector_store %arg11[%swap3A_1740, %swap3A_1741], %swap3A_1744 {strides = array<i32>} : memref<80x128xf32, #tpu.memory_space<vmem>>, vector<1x16xf32>,
          %add3A_1745 = arith.constant 13 : i32
          %add3A_1746 = arith.addi %mul3A_126, %add3A_1745 : i32
          %get3A_1747 = arith.index_cast %add3A_1746 : i32 to index
          %get3A_1748 = arith.constant 32 : index
          %get3A_1749 = tpu.vector_load %arg11[%get3A_1747, %get3A_1748] {strides = array<i32>} : memref<80x128xf32, #tpu.memory_space<vmem>>, vector<1x16xf32>,
          %get3A_1750 = vector.shape_cast %get3A_1749 : vector<1x16xf32> to vector<16xf32>
          %mul3A_1751 = vector.broadcast %squeeze3A_1714 : f32 to vector<16xf32>
          %mul3A_1752 = arith.mulf %get3A_1750, %mul3A_1751 : vector<16xf32>
          %add3A_1753 = arith.constant 13 : i32
          %add3A_1754 = arith.addi %mul3A_126, %add3A_1753 : i32
          %swap3A_1755 = arith.index_cast %add3A_1754 : i32 to index
          %swap3A_1756 = arith.constant 32 : index
          %swap3A_1757 = tpu.vector_load %arg11[%swap3A_1755, %swap3A_1756] {strides = array<i32>} : memref<80x128xf32, #tpu.memory_space<vmem>>, vector<1x16xf32>,
          %swap3A_1758 = vector.shape_cast %swap3A_1757 : vector<1x16xf32> to vector<16xf32>
          %swap3A_1759 = vector.shape_cast %mul3A_1752 : vector<16xf32> to vector<1x16xf32>
          tpu.vector_store %arg11[%swap3A_1755, %swap3A_1756], %swap3A_1759 {strides = array<i32>} : memref<80x128xf32, #tpu.memory_space<vmem>>, vector<1x16xf32>,
          %add3A_1760 = arith.constant 13 : i32
          %add3A_1761 = arith.addi %mul3A_126, %add3A_1760 : i32
          %get3A_1762 = arith.index_cast %add3A_1761 : i32 to index
          %get3A_1763 = arith.constant 48 : index
          %get3A_1764 = tpu.vector_load %arg11[%get3A_1762, %get3A_1763] {strides = array<i32>} : memref<80x128xf32, #tpu.memory_space<vmem>>, vector<1x16xf32>,
          %get3A_1765 = vector.shape_cast %get3A_1764 : vector<1x16xf32> to vector<16xf32>
          %mul3A_1766 = vector.broadcast %squeeze3A_1714 : f32 to vector<16xf32>
          %mul3A_1767 = arith.mulf %get3A_1765, %mul3A_1766 : vector<16xf32>
          %add3A_1768 = arith.constant 13 : i32
          %add3A_1769 = arith.addi %mul3A_126, %add3A_1768 : i32
          %swap3A_1770 = arith.index_cast %add3A_1769 : i32 to index
          %swap3A_1771 = arith.constant 48 : index
          %swap3A_1772 = tpu.vector_load %arg11[%swap3A_1770, %swap3A_1771] {strides = array<i32>} : memref<80x128xf32, #tpu.memory_space<vmem>>, vector<1x16xf32>,
          %swap3A_1773 = vector.shape_cast %swap3A_1772 : vector<1x16xf32> to vector<16xf32>
          %swap3A_1774 = vector.shape_cast %mul3A_1767 : vector<16xf32> to vector<1x16xf32>
          tpu.vector_store %arg11[%swap3A_1770, %swap3A_1771], %swap3A_1774 {strides = array<i32>} : memref<80x128xf32, #tpu.memory_space<vmem>>, vector<1x16xf32>,
          %add3A_1775 = arith.constant 13 : i32
          %add3A_1776 = arith.addi %mul3A_126, %add3A_1775 : i32
          %get3A_1777 = arith.index_cast %add3A_1776 : i32 to index
          %get3A_1778 = arith.constant 64 : index
          %get3A_1779 = tpu.vector_load %arg11[%get3A_1777, %get3A_1778] {strides = array<i32>} : memref<80x128xf32, #tpu.memory_space<vmem>>, vector<1x16xf32>,
          %get3A_1780 = vector.shape_cast %get3A_1779 : vector<1x16xf32> to vector<16xf32>
          %mul3A_1781 = vector.broadcast %squeeze3A_1714 : f32 to vector<16xf32>
          %mul3A_1782 = arith.mulf %get3A_1780, %mul3A_1781 : vector<16xf32>
          %add3A_1783 = arith.constant 13 : i32
          %add3A_1784 = arith.addi %mul3A_126, %add3A_1783 : i32
          %swap3A_1785 = arith.index_cast %add3A_1784 : i32 to index
          %swap3A_1786 = arith.constant 64 : index
          %swap3A_1787 = tpu.vector_load %arg11[%swap3A_1785, %swap3A_1786] {strides = array<i32>} : memref<80x128xf32, #tpu.memory_space<vmem>>, vector<1x16xf32>,
          %swap3A_1788 = vector.shape_cast %swap3A_1787 : vector<1x16xf32> to vector<16xf32>
          %swap3A_1789 = vector.shape_cast %mul3A_1782 : vector<16xf32> to vector<1x16xf32>
          tpu.vector_store %arg11[%swap3A_1785, %swap3A_1786], %swap3A_1789 {strides = array<i32>} : memref<80x128xf32, #tpu.memory_space<vmem>>, vector<1x16xf32>,
          %add3A_1790 = arith.constant 13 : i32
          %add3A_1791 = arith.addi %mul3A_126, %add3A_1790 : i32
          %get3A_1792 = arith.index_cast %add3A_1791 : i32 to index
          %get3A_1793 = arith.constant 80 : index
          %get3A_1794 = tpu.vector_load %arg11[%get3A_1792, %get3A_1793] {strides = array<i32>} : memref<80x128xf32, #tpu.memory_space<vmem>>, vector<1x16xf32>,
          %get3A_1795 = vector.shape_cast %get3A_1794 : vector<1x16xf32> to vector<16xf32>
          %mul3A_1796 = vector.broadcast %squeeze3A_1714 : f32 to vector<16xf32>
          %mul3A_1797 = arith.mulf %get3A_1795, %mul3A_1796 : vector<16xf32>
          %add3A_1798 = arith.constant 13 : i32
          %add3A_1799 = arith.addi %mul3A_126, %add3A_1798 : i32
          %swap3A_1800 = arith.index_cast %add3A_1799 : i32 to index
          %swap3A_1801 = arith.constant 80 : index
          %swap3A_1802 = tpu.vector_load %arg11[%swap3A_1800, %swap3A_1801] {strides = array<i32>} : memref<80x128xf32, #tpu.memory_space<vmem>>, vector<1x16xf32>,
          %swap3A_1803 = vector.shape_cast %swap3A_1802 : vector<1x16xf32> to vector<16xf32>
          %swap3A_1804 = vector.shape_cast %mul3A_1797 : vector<16xf32> to vector<1x16xf32>
          tpu.vector_store %arg11[%swap3A_1800, %swap3A_1801], %swap3A_1804 {strides = array<i32>} : memref<80x128xf32, #tpu.memory_space<vmem>>, vector<1x16xf32>,
          %add3A_1805 = arith.constant 13 : i32
          %add3A_1806 = arith.addi %mul3A_126, %add3A_1805 : i32
          %get3A_1807 = arith.index_cast %add3A_1806 : i32 to index
          %get3A_1808 = arith.constant 96 : index
          %get3A_1809 = tpu.vector_load %arg11[%get3A_1807, %get3A_1808] {strides = array<i32>} : memref<80x128xf32, #tpu.memory_space<vmem>>, vector<1x16xf32>,
          %get3A_1810 = vector.shape_cast %get3A_1809 : vector<1x16xf32> to vector<16xf32>
          %mul3A_1811 = vector.broadcast %squeeze3A_1714 : f32 to vector<16xf32>
          %mul3A_1812 = arith.mulf %get3A_1810, %mul3A_1811 : vector<16xf32>
          %add3A_1813 = arith.constant 13 : i32
          %add3A_1814 = arith.addi %mul3A_126, %add3A_1813 : i32
          %swap3A_1815 = arith.index_cast %add3A_1814 : i32 to index
          %swap3A_1816 = arith.constant 96 : index
          %swap3A_1817 = tpu.vector_load %arg11[%swap3A_1815, %swap3A_1816] {strides = array<i32>} : memref<80x128xf32, #tpu.memory_space<vmem>>, vector<1x16xf32>,
          %swap3A_1818 = vector.shape_cast %swap3A_1817 : vector<1x16xf32> to vector<16xf32>
          %swap3A_1819 = vector.shape_cast %mul3A_1812 : vector<16xf32> to vector<1x16xf32>
          tpu.vector_store %arg11[%swap3A_1815, %swap3A_1816], %swap3A_1819 {strides = array<i32>} : memref<80x128xf32, #tpu.memory_space<vmem>>, vector<1x16xf32>,
          %add3A_1820 = arith.constant 13 : i32
          %add3A_1821 = arith.addi %mul3A_126, %add3A_1820 : i32
          %get3A_1822 = arith.index_cast %add3A_1821 : i32 to index
          %get3A_1823 = arith.constant 112 : index
          %get3A_1824 = tpu.vector_load %arg11[%get3A_1822, %get3A_1823] {strides = array<i32>} : memref<80x128xf32, #tpu.memory_space<vmem>>, vector<1x16xf32>,
          %get3A_1825 = vector.shape_cast %get3A_1824 : vector<1x16xf32> to vector<16xf32>
          %mul3A_1826 = vector.broadcast %squeeze3A_1714 : f32 to vector<16xf32>
          %mul3A_1827 = arith.mulf %get3A_1825, %mul3A_1826 : vector<16xf32>
          %add3A_1828 = arith.constant 13 : i32
          %add3A_1829 = arith.addi %mul3A_126, %add3A_1828 : i32
          %swap3A_1830 = arith.index_cast %add3A_1829 : i32 to index
          %swap3A_1831 = arith.constant 112 : index
          %swap3A_1832 = tpu.vector_load %arg11[%swap3A_1830, %swap3A_1831] {strides = array<i32>} : memref<80x128xf32, #tpu.memory_space<vmem>>, vector<1x16xf32>,
          %swap3A_1833 = vector.shape_cast %swap3A_1832 : vector<1x16xf32> to vector<16xf32>
          %swap3A_1834 = vector.shape_cast %mul3A_1827 : vector<16xf32> to vector<1x16xf32>
          tpu.vector_store %arg11[%swap3A_1830, %swap3A_1831], %swap3A_1834 {strides = array<i32>} : memref<80x128xf32, #tpu.memory_space<vmem>>, vector<1x16xf32>,
          %slice3A_1835 = vector.extract_strided_slice %get3A_129 {offsets = [14], sizes = [1], strides = [1]} : vector<16xf32> to vector<1xf32>
          %squeeze3A_1836 = vector.extract %slice3A_1835[0] : f32 from vector<1xf32>
          %add3A_1837 = arith.constant 14 : i32
          %add3A_1838 = arith.addi %mul3A_126, %add3A_1837 : i32
          %get3A_1839 = arith.index_cast %add3A_1838 : i32 to index
          %get3A_1840 = arith.constant 0 : index
          %get3A_1841 = tpu.vector_load %arg11[%get3A_1839, %get3A_1840] {strides = array<i32>} : memref<80x128xf32, #tpu.memory_space<vmem>>, vector<1x16xf32>,
          %get3A_1842 = vector.shape_cast %get3A_1841 : vector<1x16xf32> to vector<16xf32>
          %mul3A_1843 = vector.broadcast %squeeze3A_1836 : f32 to vector<16xf32>
          %mul3A_1844 = arith.mulf %get3A_1842, %mul3A_1843 : vector<16xf32>
          %add3A_1845 = arith.constant 14 : i32
          %add3A_1846 = arith.addi %mul3A_126, %add3A_1845 : i32
          %swap3A_1847 = arith.index_cast %add3A_1846 : i32 to index
          %swap3A_1848 = arith.constant 0 : index
          %swap3A_1849 = tpu.vector_load %arg11[%swap3A_1847, %swap3A_1848] {strides = array<i32>} : memref<80x128xf32, #tpu.memory_space<vmem>>, vector<1x16xf32>,
          %swap3A_1850 = vector.shape_cast %swap3A_1849 : vector<1x16xf32> to vector<16xf32>
          %swap3A_1851 = vector.shape_cast %mul3A_1844 : vector<16xf32> to vector<1x16xf32>
          tpu.vector_store %arg11[%swap3A_1847, %swap3A_1848], %swap3A_1851 {strides = array<i32>} : memref<80x128xf32, #tpu.memory_space<vmem>>, vector<1x16xf32>,
          %add3A_1852 = arith.constant 14 : i32
          %add3A_1853 = arith.addi %mul3A_126, %add3A_1852 : i32
          %get3A_1854 = arith.index_cast %add3A_1853 : i32 to index
          %get3A_1855 = arith.constant 16 : index
          %get3A_1856 = tpu.vector_load %arg11[%get3A_1854, %get3A_1855] {strides = array<i32>} : memref<80x128xf32, #tpu.memory_space<vmem>>, vector<1x16xf32>,
          %get3A_1857 = vector.shape_cast %get3A_1856 : vector<1x16xf32> to vector<16xf32>
          %mul3A_1858 = vector.broadcast %squeeze3A_1836 : f32 to vector<16xf32>
          %mul3A_1859 = arith.mulf %get3A_1857, %mul3A_1858 : vector<16xf32>
          %add3A_1860 = arith.constant 14 : i32
          %add3A_1861 = arith.addi %mul3A_126, %add3A_1860 : i32
          %swap3A_1862 = arith.index_cast %add3A_1861 : i32 to index
          %swap3A_1863 = arith.constant 16 : index
          %swap3A_1864 = tpu.vector_load %arg11[%swap3A_1862, %swap3A_1863] {strides = array<i32>} : memref<80x128xf32, #tpu.memory_space<vmem>>, vector<1x16xf32>,
          %swap3A_1865 = vector.shape_cast %swap3A_1864 : vector<1x16xf32> to vector<16xf32>
          %swap3A_1866 = vector.shape_cast %mul3A_1859 : vector<16xf32> to vector<1x16xf32>
          tpu.vector_store %arg11[%swap3A_1862, %swap3A_1863], %swap3A_1866 {strides = array<i32>} : memref<80x128xf32, #tpu.memory_space<vmem>>, vector<1x16xf32>,
          %add3A_1867 = arith.constant 14 : i32
          %add3A_1868 = arith.addi %mul3A_126, %add3A_1867 : i32
          %get3A_1869 = arith.index_cast %add3A_1868 : i32 to index
          %get3A_1870 = arith.constant 32 : index
          %get3A_1871 = tpu.vector_load %arg11[%get3A_1869, %get3A_1870] {strides = array<i32>} : memref<80x128xf32, #tpu.memory_space<vmem>>, vector<1x16xf32>,
          %get3A_1872 = vector.shape_cast %get3A_1871 : vector<1x16xf32> to vector<16xf32>
          %mul3A_1873 = vector.broadcast %squeeze3A_1836 : f32 to vector<16xf32>
          %mul3A_1874 = arith.mulf %get3A_1872, %mul3A_1873 : vector<16xf32>
          %add3A_1875 = arith.constant 14 : i32
          %add3A_1876 = arith.addi %mul3A_126, %add3A_1875 : i32
          %swap3A_1877 = arith.index_cast %add3A_1876 : i32 to index
          %swap3A_1878 = arith.constant 32 : index
          %swap3A_1879 = tpu.vector_load %arg11[%swap3A_1877, %swap3A_1878] {strides = array<i32>} : memref<80x128xf32, #tpu.memory_space<vmem>>, vector<1x16xf32>,
          %swap3A_1880 = vector.shape_cast %swap3A_1879 : vector<1x16xf32> to vector<16xf32>
          %swap3A_1881 = vector.shape_cast %mul3A_1874 : vector<16xf32> to vector<1x16xf32>
          tpu.vector_store %arg11[%swap3A_1877, %swap3A_1878], %swap3A_1881 {strides = array<i32>} : memref<80x128xf32, #tpu.memory_space<vmem>>, vector<1x16xf32>,
          %add3A_1882 = arith.constant 14 : i32
          %add3A_1883 = arith.addi %mul3A_126, %add3A_1882 : i32
          %get3A_1884 = arith.index_cast %add3A_1883 : i32 to index
          %get3A_1885 = arith.constant 48 : index
          %get3A_1886 = tpu.vector_load %arg11[%get3A_1884, %get3A_1885] {strides = array<i32>} : memref<80x128xf32, #tpu.memory_space<vmem>>, vector<1x16xf32>,
          %get3A_1887 = vector.shape_cast %get3A_1886 : vector<1x16xf32> to vector<16xf32>
          %mul3A_1888 = vector.broadcast %squeeze3A_1836 : f32 to vector<16xf32>
          %mul3A_1889 = arith.mulf %get3A_1887, %mul3A_1888 : vector<16xf32>
          %add3A_1890 = arith.constant 14 : i32
          %add3A_1891 = arith.addi %mul3A_126, %add3A_1890 : i32
          %swap3A_1892 = arith.index_cast %add3A_1891 : i32 to index
          %swap3A_1893 = arith.constant 48 : index
          %swap3A_1894 = tpu.vector_load %arg11[%swap3A_1892, %swap3A_1893] {strides = array<i32>} : memref<80x128xf32, #tpu.memory_space<vmem>>, vector<1x16xf32>,
          %swap3A_1895 = vector.shape_cast %swap3A_1894 : vector<1x16xf32> to vector<16xf32>
          %swap3A_1896 = vector.shape_cast %mul3A_1889 : vector<16xf32> to vector<1x16xf32>
          tpu.vector_store %arg11[%swap3A_1892, %swap3A_1893], %swap3A_1896 {strides = array<i32>} : memref<80x128xf32, #tpu.memory_space<vmem>>, vector<1x16xf32>,
          %add3A_1897 = arith.constant 14 : i32
          %add3A_1898 = arith.addi %mul3A_126, %add3A_1897 : i32
          %get3A_1899 = arith.index_cast %add3A_1898 : i32 to index
          %get3A_1900 = arith.constant 64 : index
          %get3A_1901 = tpu.vector_load %arg11[%get3A_1899, %get3A_1900] {strides = array<i32>} : memref<80x128xf32, #tpu.memory_space<vmem>>, vector<1x16xf32>,
          %get3A_1902 = vector.shape_cast %get3A_1901 : vector<1x16xf32> to vector<16xf32>
          %mul3A_1903 = vector.broadcast %squeeze3A_1836 : f32 to vector<16xf32>
          %mul3A_1904 = arith.mulf %get3A_1902, %mul3A_1903 : vector<16xf32>
          %add3A_1905 = arith.constant 14 : i32
          %add3A_1906 = arith.addi %mul3A_126, %add3A_1905 : i32
          %swap3A_1907 = arith.index_cast %add3A_1906 : i32 to index
          %swap3A_1908 = arith.constant 64 : index
          %swap3A_1909 = tpu.vector_load %arg11[%swap3A_1907, %swap3A_1908] {strides = array<i32>} : memref<80x128xf32, #tpu.memory_space<vmem>>, vector<1x16xf32>,
          %swap3A_1910 = vector.shape_cast %swap3A_1909 : vector<1x16xf32> to vector<16xf32>
          %swap3A_1911 = vector.shape_cast %mul3A_1904 : vector<16xf32> to vector<1x16xf32>
          tpu.vector_store %arg11[%swap3A_1907, %swap3A_1908], %swap3A_1911 {strides = array<i32>} : memref<80x128xf32, #tpu.memory_space<vmem>>, vector<1x16xf32>,
          %add3A_1912 = arith.constant 14 : i32
          %add3A_1913 = arith.addi %mul3A_126, %add3A_1912 : i32
          %get3A_1914 = arith.index_cast %add3A_1913 : i32 to index
          %get3A_1915 = arith.constant 80 : index
          %get3A_1916 = tpu.vector_load %arg11[%get3A_1914, %get3A_1915] {strides = array<i32>} : memref<80x128xf32, #tpu.memory_space<vmem>>, vector<1x16xf32>,
          %get3A_1917 = vector.shape_cast %get3A_1916 : vector<1x16xf32> to vector<16xf32>
          %mul3A_1918 = vector.broadcast %squeeze3A_1836 : f32 to vector<16xf32>
          %mul3A_1919 = arith.mulf %get3A_1917, %mul3A_1918 : vector<16xf32>
          %add3A_1920 = arith.constant 14 : i32
          %add3A_1921 = arith.addi %mul3A_126, %add3A_1920 : i32
          %swap3A_1922 = arith.index_cast %add3A_1921 : i32 to index
          %swap3A_1923 = arith.constant 80 : index
          %swap3A_1924 = tpu.vector_load %arg11[%swap3A_1922, %swap3A_1923] {strides = array<i32>} : memref<80x128xf32, #tpu.memory_space<vmem>>, vector<1x16xf32>,
          %swap3A_1925 = vector.shape_cast %swap3A_1924 : vector<1x16xf32> to vector<16xf32>
          %swap3A_1926 = vector.shape_cast %mul3A_1919 : vector<16xf32> to vector<1x16xf32>
          tpu.vector_store %arg11[%swap3A_1922, %swap3A_1923], %swap3A_1926 {strides = array<i32>} : memref<80x128xf32, #tpu.memory_space<vmem>>, vector<1x16xf32>,
          %add3A_1927 = arith.constant 14 : i32
          %add3A_1928 = arith.addi %mul3A_126, %add3A_1927 : i32
          %get3A_1929 = arith.index_cast %add3A_1928 : i32 to index
          %get3A_1930 = arith.constant 96 : index
          %get3A_1931 = tpu.vector_load %arg11[%get3A_1929, %get3A_1930] {strides = array<i32>} : memref<80x128xf32, #tpu.memory_space<vmem>>, vector<1x16xf32>,
          %get3A_1932 = vector.shape_cast %get3A_1931 : vector<1x16xf32> to vector<16xf32>
          %mul3A_1933 = vector.broadcast %squeeze3A_1836 : f32 to vector<16xf32>
          %mul3A_1934 = arith.mulf %get3A_1932, %mul3A_1933 : vector<16xf32>
          %add3A_1935 = arith.constant 14 : i32
          %add3A_1936 = arith.addi %mul3A_126, %add3A_1935 : i32
          %swap3A_1937 = arith.index_cast %add3A_1936 : i32 to index
          %swap3A_1938 = arith.constant 96 : index
          %swap3A_1939 = tpu.vector_load %arg11[%swap3A_1937, %swap3A_1938] {strides = array<i32>} : memref<80x128xf32, #tpu.memory_space<vmem>>, vector<1x16xf32>,
          %swap3A_1940 = vector.shape_cast %swap3A_1939 : vector<1x16xf32> to vector<16xf32>
          %swap3A_1941 = vector.shape_cast %mul3A_1934 : vector<16xf32> to vector<1x16xf32>
          tpu.vector_store %arg11[%swap3A_1937, %swap3A_1938], %swap3A_1941 {strides = array<i32>} : memref<80x128xf32, #tpu.memory_space<vmem>>, vector<1x16xf32>,
          %add3A_1942 = arith.constant 14 : i32
          %add3A_1943 = arith.addi %mul3A_126, %add3A_1942 : i32
          %get3A_1944 = arith.index_cast %add3A_1943 : i32 to index
          %get3A_1945 = arith.constant 112 : index
          %get3A_1946 = tpu.vector_load %arg11[%get3A_1944, %get3A_1945] {strides = array<i32>} : memref<80x128xf32, #tpu.memory_space<vmem>>, vector<1x16xf32>,
          %get3A_1947 = vector.shape_cast %get3A_1946 : vector<1x16xf32> to vector<16xf32>
          %mul3A_1948 = vector.broadcast %squeeze3A_1836 : f32 to vector<16xf32>
          %mul3A_1949 = arith.mulf %get3A_1947, %mul3A_1948 : vector<16xf32>
          %add3A_1950 = arith.constant 14 : i32
          %add3A_1951 = arith.addi %mul3A_126, %add3A_1950 : i32
          %swap3A_1952 = arith.index_cast %add3A_1951 : i32 to index
          %swap3A_1953 = arith.constant 112 : index
          %swap3A_1954 = tpu.vector_load %arg11[%swap3A_1952, %swap3A_1953] {strides = array<i32>} : memref<80x128xf32, #tpu.memory_space<vmem>>, vector<1x16xf32>,
          %swap3A_1955 = vector.shape_cast %swap3A_1954 : vector<1x16xf32> to vector<16xf32>
          %swap3A_1956 = vector.shape_cast %mul3A_1949 : vector<16xf32> to vector<1x16xf32>
          tpu.vector_store %arg11[%swap3A_1952, %swap3A_1953], %swap3A_1956 {strides = array<i32>} : memref<80x128xf32, #tpu.memory_space<vmem>>, vector<1x16xf32>,
          %slice3A_1957 = vector.extract_strided_slice %get3A_129 {offsets = [15], sizes = [1], strides = [1]} : vector<16xf32> to vector<1xf32>
          %squeeze3A_1958 = vector.extract %slice3A_1957[0] : f32 from vector<1xf32>
          %add3A_1959 = arith.constant 15 : i32
          %add3A_1960 = arith.addi %mul3A_126, %add3A_1959 : i32
          %get3A_1961 = arith.index_cast %add3A_1960 : i32 to index
          %get3A_1962 = arith.constant 0 : index
          %get3A_1963 = tpu.vector_load %arg11[%get3A_1961, %get3A_1962] {strides = array<i32>} : memref<80x128xf32, #tpu.memory_space<vmem>>, vector<1x16xf32>,
          %get3A_1964 = vector.shape_cast %get3A_1963 : vector<1x16xf32> to vector<16xf32>
          %mul3A_1965 = vector.broadcast %squeeze3A_1958 : f32 to vector<16xf32>
          %mul3A_1966 = arith.mulf %get3A_1964, %mul3A_1965 : vector<16xf32>
          %add3A_1967 = arith.constant 15 : i32
          %add3A_1968 = arith.addi %mul3A_126, %add3A_1967 : i32
          %swap3A_1969 = arith.index_cast %add3A_1968 : i32 to index
          %swap3A_1970 = arith.constant 0 : index
          %swap3A_1971 = tpu.vector_load %arg11[%swap3A_1969, %swap3A_1970] {strides = array<i32>} : memref<80x128xf32, #tpu.memory_space<vmem>>, vector<1x16xf32>,
          %swap3A_1972 = vector.shape_cast %swap3A_1971 : vector<1x16xf32> to vector<16xf32>
          %swap3A_1973 = vector.shape_cast %mul3A_1966 : vector<16xf32> to vector<1x16xf32>
          tpu.vector_store %arg11[%swap3A_1969, %swap3A_1970], %swap3A_1973 {strides = array<i32>} : memref<80x128xf32, #tpu.memory_space<vmem>>, vector<1x16xf32>,
          %add3A_1974 = arith.constant 15 : i32
          %add3A_1975 = arith.addi %mul3A_126, %add3A_1974 : i32
          %get3A_1976 = arith.index_cast %add3A_1975 : i32 to index
          %get3A_1977 = arith.constant 16 : index
          %get3A_1978 = tpu.vector_load %arg11[%get3A_1976, %get3A_1977] {strides = array<i32>} : memref<80x128xf32, #tpu.memory_space<vmem>>, vector<1x16xf32>,
          %get3A_1979 = vector.shape_cast %get3A_1978 : vector<1x16xf32> to vector<16xf32>
          %mul3A_1980 = vector.broadcast %squeeze3A_1958 : f32 to vector<16xf32>
          %mul3A_1981 = arith.mulf %get3A_1979, %mul3A_1980 : vector<16xf32>
          %add3A_1982 = arith.constant 15 : i32
          %add3A_1983 = arith.addi %mul3A_126, %add3A_1982 : i32
          %swap3A_1984 = arith.index_cast %add3A_1983 : i32 to index
          %swap3A_1985 = arith.constant 16 : index
          %swap3A_1986 = tpu.vector_load %arg11[%swap3A_1984, %swap3A_1985] {strides = array<i32>} : memref<80x128xf32, #tpu.memory_space<vmem>>, vector<1x16xf32>,
          %swap3A_1987 = vector.shape_cast %swap3A_1986 : vector<1x16xf32> to vector<16xf32>
          %swap3A_1988 = vector.shape_cast %mul3A_1981 : vector<16xf32> to vector<1x16xf32>
          tpu.vector_store %arg11[%swap3A_1984, %swap3A_1985], %swap3A_1988 {strides = array<i32>} : memref<80x128xf32, #tpu.memory_space<vmem>>, vector<1x16xf32>,
          %add3A_1989 = arith.constant 15 : i32
          %add3A_1990 = arith.addi %mul3A_126, %add3A_1989 : i32
          %get3A_1991 = arith.index_cast %add3A_1990 : i32 to index
          %get3A_1992 = arith.constant 32 : index
          %get3A_1993 = tpu.vector_load %arg11[%get3A_1991, %get3A_1992] {strides = array<i32>} : memref<80x128xf32, #tpu.memory_space<vmem>>, vector<1x16xf32>,
          %get3A_1994 = vector.shape_cast %get3A_1993 : vector<1x16xf32> to vector<16xf32>
          %mul3A_1995 = vector.broadcast %squeeze3A_1958 : f32 to vector<16xf32>
          %mul3A_1996 = arith.mulf %get3A_1994, %mul3A_1995 : vector<16xf32>
          %add3A_1997 = arith.constant 15 : i32
          %add3A_1998 = arith.addi %mul3A_126, %add3A_1997 : i32
          %swap3A_1999 = arith.index_cast %add3A_1998 : i32 to index
          %swap3A_2000 = arith.constant 32 : index
          %swap3A_2001 = tpu.vector_load %arg11[%swap3A_1999, %swap3A_2000] {strides = array<i32>} : memref<80x128xf32, #tpu.memory_space<vmem>>, vector<1x16xf32>,
          %swap3A_2002 = vector.shape_cast %swap3A_2001 : vector<1x16xf32> to vector<16xf32>
          %swap3A_2003 = vector.shape_cast %mul3A_1996 : vector<16xf32> to vector<1x16xf32>
          tpu.vector_store %arg11[%swap3A_1999, %swap3A_2000], %swap3A_2003 {strides = array<i32>} : memref<80x128xf32, #tpu.memory_space<vmem>>, vector<1x16xf32>,
          %add3A_2004 = arith.constant 15 : i32
          %add3A_2005 = arith.addi %mul3A_126, %add3A_2004 : i32
          %get3A_2006 = arith.index_cast %add3A_2005 : i32 to index
          %get3A_2007 = arith.constant 48 : index
          %get3A_2008 = tpu.vector_load %arg11[%get3A_2006, %get3A_2007] {strides = array<i32>} : memref<80x128xf32, #tpu.memory_space<vmem>>, vector<1x16xf32>,
          %get3A_2009 = vector.shape_cast %get3A_2008 : vector<1x16xf32> to vector<16xf32>
          %mul3A_2010 = vector.broadcast %squeeze3A_1958 : f32 to vector<16xf32>
          %mul3A_2011 = arith.mulf %get3A_2009, %mul3A_2010 : vector<16xf32>
          %add3A_2012 = arith.constant 15 : i32
          %add3A_2013 = arith.addi %mul3A_126, %add3A_2012 : i32
          %swap3A_2014 = arith.index_cast %add3A_2013 : i32 to index
          %swap3A_2015 = arith.constant 48 : index
          %swap3A_2016 = tpu.vector_load %arg11[%swap3A_2014, %swap3A_2015] {strides = array<i32>} : memref<80x128xf32, #tpu.memory_space<vmem>>, vector<1x16xf32>,
          %swap3A_2017 = vector.shape_cast %swap3A_2016 : vector<1x16xf32> to vector<16xf32>
          %swap3A_2018 = vector.shape_cast %mul3A_2011 : vector<16xf32> to vector<1x16xf32>
          tpu.vector_store %arg11[%swap3A_2014, %swap3A_2015], %swap3A_2018 {strides = array<i32>} : memref<80x128xf32, #tpu.memory_space<vmem>>, vector<1x16xf32>,
          %add3A_2019 = arith.constant 15 : i32
          %add3A_2020 = arith.addi %mul3A_126, %add3A_2019 : i32
          %get3A_2021 = arith.index_cast %add3A_2020 : i32 to index
          %get3A_2022 = arith.constant 64 : index
          %get3A_2023 = tpu.vector_load %arg11[%get3A_2021, %get3A_2022] {strides = array<i32>} : memref<80x128xf32, #tpu.memory_space<vmem>>, vector<1x16xf32>,
          %get3A_2024 = vector.shape_cast %get3A_2023 : vector<1x16xf32> to vector<16xf32>
          %mul3A_2025 = vector.broadcast %squeeze3A_1958 : f32 to vector<16xf32>
          %mul3A_2026 = arith.mulf %get3A_2024, %mul3A_2025 : vector<16xf32>
          %add3A_2027 = arith.constant 15 : i32
          %add3A_2028 = arith.addi %mul3A_126, %add3A_2027 : i32
          %swap3A_2029 = arith.index_cast %add3A_2028 : i32 to index
          %swap3A_2030 = arith.constant 64 : index
          %swap3A_2031 = tpu.vector_load %arg11[%swap3A_2029, %swap3A_2030] {strides = array<i32>} : memref<80x128xf32, #tpu.memory_space<vmem>>, vector<1x16xf32>,
          %swap3A_2032 = vector.shape_cast %swap3A_2031 : vector<1x16xf32> to vector<16xf32>
          %swap3A_2033 = vector.shape_cast %mul3A_2026 : vector<16xf32> to vector<1x16xf32>
          tpu.vector_store %arg11[%swap3A_2029, %swap3A_2030], %swap3A_2033 {strides = array<i32>} : memref<80x128xf32, #tpu.memory_space<vmem>>, vector<1x16xf32>,
          %add3A_2034 = arith.constant 15 : i32
          %add3A_2035 = arith.addi %mul3A_126, %add3A_2034 : i32
          %get3A_2036 = arith.index_cast %add3A_2035 : i32 to index
          %get3A_2037 = arith.constant 80 : index
          %get3A_2038 = tpu.vector_load %arg11[%get3A_2036, %get3A_2037] {strides = array<i32>} : memref<80x128xf32, #tpu.memory_space<vmem>>, vector<1x16xf32>,
          %get3A_2039 = vector.shape_cast %get3A_2038 : vector<1x16xf32> to vector<16xf32>
          %mul3A_2040 = vector.broadcast %squeeze3A_1958 : f32 to vector<16xf32>
          %mul3A_2041 = arith.mulf %get3A_2039, %mul3A_2040 : vector<16xf32>
          %add3A_2042 = arith.constant 15 : i32
          %add3A_2043 = arith.addi %mul3A_126, %add3A_2042 : i32
          %swap3A_2044 = arith.index_cast %add3A_2043 : i32 to index
          %swap3A_2045 = arith.constant 80 : index
          %swap3A_2046 = tpu.vector_load %arg11[%swap3A_2044, %swap3A_2045] {strides = array<i32>} : memref<80x128xf32, #tpu.memory_space<vmem>>, vector<1x16xf32>,
          %swap3A_2047 = vector.shape_cast %swap3A_2046 : vector<1x16xf32> to vector<16xf32>
          %swap3A_2048 = vector.shape_cast %mul3A_2041 : vector<16xf32> to vector<1x16xf32>
          tpu.vector_store %arg11[%swap3A_2044, %swap3A_2045], %swap3A_2048 {strides = array<i32>} : memref<80x128xf32, #tpu.memory_space<vmem>>, vector<1x16xf32>,
          %add3A_2049 = arith.constant 15 : i32
          %add3A_2050 = arith.addi %mul3A_126, %add3A_2049 : i32
          %get3A_2051 = arith.index_cast %add3A_2050 : i32 to index
          %get3A_2052 = arith.constant 96 : index
          %get3A_2053 = tpu.vector_load %arg11[%get3A_2051, %get3A_2052] {strides = array<i32>} : memref<80x128xf32, #tpu.memory_space<vmem>>, vector<1x16xf32>,
          %get3A_2054 = vector.shape_cast %get3A_2053 : vector<1x16xf32> to vector<16xf32>
          %mul3A_2055 = vector.broadcast %squeeze3A_1958 : f32 to vector<16xf32>
          %mul3A_2056 = arith.mulf %get3A_2054, %mul3A_2055 : vector<16xf32>
          %add3A_2057 = arith.constant 15 : i32
          %add3A_2058 = arith.addi %mul3A_126, %add3A_2057 : i32
          %swap3A_2059 = arith.index_cast %add3A_2058 : i32 to index
          %swap3A_2060 = arith.constant 96 : index
          %swap3A_2061 = tpu.vector_load %arg11[%swap3A_2059, %swap3A_2060] {strides = array<i32>} : memref<80x128xf32, #tpu.memory_space<vmem>>, vector<1x16xf32>,
          %swap3A_2062 = vector.shape_cast %swap3A_2061 : vector<1x16xf32> to vector<16xf32>
          %swap3A_2063 = vector.shape_cast %mul3A_2056 : vector<16xf32> to vector<1x16xf32>
          tpu.vector_store %arg11[%swap3A_2059, %swap3A_2060], %swap3A_2063 {strides = array<i32>} : memref<80x128xf32, #tpu.memory_space<vmem>>, vector<1x16xf32>,
          %add3A_2064 = arith.constant 15 : i32
          %add3A_2065 = arith.addi %mul3A_126, %add3A_2064 : i32
          %get3A_2066 = arith.index_cast %add3A_2065 : i32 to index
          %get3A_2067 = arith.constant 112 : index
          %get3A_2068 = tpu.vector_load %arg11[%get3A_2066, %get3A_2067] {strides = array<i32>} : memref<80x128xf32, #tpu.memory_space<vmem>>, vector<1x16xf32>,
          %get3A_2069 = vector.shape_cast %get3A_2068 : vector<1x16xf32> to vector<16xf32>
          %mul3A_2070 = vector.broadcast %squeeze3A_1958 : f32 to vector<16xf32>
          %mul3A_2071 = arith.mulf %get3A_2069, %mul3A_2070 : vector<16xf32>
          %add3A_2072 = arith.constant 15 : i32
          %add3A_2073 = arith.addi %mul3A_126, %add3A_2072 : i32
          %swap3A_2074 = arith.index_cast %add3A_2073 : i32 to index
          %swap3A_2075 = arith.constant 112 : index
          %swap3A_2076 = tpu.vector_load %arg11[%swap3A_2074, %swap3A_2075] {strides = array<i32>} : memref<80x128xf32, #tpu.memory_space<vmem>>, vector<1x16xf32>,
          %swap3A_2077 = vector.shape_cast %swap3A_2076 : vector<1x16xf32> to vector<16xf32>
          %swap3A_2078 = vector.shape_cast %mul3A_2071 : vector<16xf32> to vector<1x16xf32>
          tpu.vector_store %arg11[%swap3A_2074, %swap3A_2075], %swap3A_2078 {strides = array<i32>} : memref<80x128xf32, #tpu.memory_space<vmem>>, vector<1x16xf32>,
        }
        %scan3A_107 = arith.constant 5 : i32
        %dma_wait3A_108 = arith.constant 0 : i32
        %dma_wait3A_109 = tpu.memref_slice %arg8[%mul3A_65, %dma_wait3A_108] : memref<16x80xi32, #tpu.memory_space<vmem>> -> memref<1x80xi32, #tpu.memory_space<vmem>>
        %dma_wait3A_110 = tpu.memref_squeeze %dma_wait3A_109 : memref<1x80xi32, #tpu.memory_space<vmem>> -> memref<80xi32, #tpu.memory_space<vmem>>
        %dma_wait3A_111 = arith.constant 0 : i32
        %dma_wait3A_112 = arith.constant 0 : i32
        %dma_wait3A_113 = tpu.memref_slice %arg16[%dma_wait3A_111, %dma_wait3A_112] : memref<10000x128xf32, #tpu.memory_space<vmem_shared>> -> memref<10000x128xf32, #tpu.memory_space<vmem_shared>>
        tpu.wait_indirect_dma semaphore(%arg14 : memref<!tpu.dma_semaphore, #tpu.memory_space<semaphore_mem>>) src(%arg10 : memref<80x128xf32, #tpu.memory_space<vmem>>) dst(%dma_wait3A_113 : memref<10000x128xf32, #tpu.memory_space<vmem_shared>>)
        %lt3A = arith.constant 7 : i32
        %lt3A_114 = arith.cmpi slt, %scan3A_63, %lt3A : i32
        %convert_element_type3A_115 = arith.extui %lt3A_114 : i1 to i32
        %cond3A_116 = arith.constant 0 : i32
        %cond3A_117 = arith.cmpi ne, %convert_element_type3A_115, %cond3A_116 : i32
        scf.if %cond3A_117 {
          %add3A_124 = arith.constant 2 : i32
          %add3A_125 = arith.addi %mul3A_65, %add3A_124 : i32
          %dma_start3A_126 = arith.constant 0 : i32
          %dma_start3A_127 = tpu.memref_slice %arg7[%add3A_125, %dma_start3A_126] : memref<16x80xi32, #tpu.memory_space<vmem>> -> memref<1x80xi32, #tpu.memory_space<vmem>>
          %dma_start3A_128 = tpu.memref_squeeze %dma_start3A_127 : memref<1x80xi32, #tpu.memory_space<vmem>> -> memref<80xi32, #tpu.memory_space<vmem>>
          %dma_start3A_129 = arith.constant 0 : i32
          %dma_start3A_130 = arith.constant 0 : i32
          %dma_start3A_131 = tpu.memref_slice %arg2[%dma_start3A_129, %dma_start3A_130] : memref<20000x128xf32, #tpu.memory_space<hbm>> -> memref<20000x128xf32, #tpu.memory_space<hbm>>
          tpu.enqueue_indirect_dma source(%dma_start3A_131 : memref<20000x128xf32, #tpu.memory_space<hbm>>) target(%arg10 : memref<80x128xf32, #tpu.memory_space<vmem>>) offsets(%dma_start3A_128 : memref<80xi32, #tpu.memory_space<vmem>>) semaphore(%arg12 : memref<!tpu.dma_semaphore, #tpu.memory_space<semaphore_mem>>)
        } else {
        }
        %dma_start3A_118 = arith.constant 0 : i32
        %dma_start3A_119 = tpu.memref_slice %arg8[%add3A_69, %dma_start3A_118] : memref<16x80xi32, #tpu.memory_space<vmem>> -> memref<1x80xi32, #tpu.memory_space<vmem>>
        %dma_start3A_120 = tpu.memref_squeeze %dma_start3A_119 : memref<1x80xi32, #tpu.memory_space<vmem>> -> memref<80xi32, #tpu.memory_space<vmem>>
        %dma_start3A_121 = arith.constant 0 : i32
        %dma_start3A_122 = arith.constant 0 : i32
        %dma_start3A_123 = tpu.memref_slice %arg16[%dma_start3A_121, %dma_start3A_122] : memref<10000x128xf32, #tpu.memory_space<vmem_shared>> -> memref<10000x128xf32, #tpu.memory_space<vmem_shared>>
        tpu.enqueue_indirect_dma source(%arg11 : memref<80x128xf32, #tpu.memory_space<vmem>>) target(%dma_start3A_123 : memref<10000x128xf32, #tpu.memory_space<vmem_shared>>) offsets(%dma_start3A_120 : memref<80xi32, #tpu.memory_space<vmem>>) semaphore(%arg15 : memref<!tpu.dma_semaphore, #tpu.memory_space<semaphore_mem>>) {add = true}
      }
      %scan3A_56 = arith.constant 8 : i32
      %dma_wait3A = arith.constant 15 : i32
      %dma_wait3A_57 = arith.constant 0 : i32
      %dma_wait3A_58 = tpu.memref_slice %arg8[%dma_wait3A, %dma_wait3A_57] : memref<16x80xi32, #tpu.memory_space<vmem>> -> memref<1x80xi32, #tpu.memory_space<vmem>>
      %dma_wait3A_59 = tpu.memref_squeeze %dma_wait3A_58 : memref<1x80xi32, #tpu.memory_space<vmem>> -> memref<80xi32, #tpu.memory_space<vmem>>
      %dma_wait3A_60 = arith.constant 0 : i32
      %dma_wait3A_61 = arith.constant 0 : i32
      %dma_wait3A_62 = tpu.memref_slice %arg16[%dma_wait3A_60, %dma_wait3A_61] : memref<10000x128xf32, #tpu.memory_space<vmem_shared>> -> memref<10000x128xf32, #tpu.memory_space<vmem_shared>>
      tpu.wait_indirect_dma semaphore(%arg15 : memref<!tpu.dma_semaphore, #tpu.memory_space<semaphore_mem>>) src(%arg11 : memref<80x128xf32, #tpu.memory_space<vmem>>) dst(%dma_wait3A_62 : memref<10000x128xf32, #tpu.memory_space<vmem_shared>>)
    }
    %scan3A_24 = arith.constant 8 : i32
    %barrier3A_25 = arith.constant 0 : index
    tpu.barrier barrier_id(%barrier3A_25)
    %while3A_26 = arith.constant 0 : i32
    %while3A_27 = arith.constant 0 : i32
    %while3A_28 = arith.subi %select_n3A, %while3A_27 : i32
    %while3A_29 = arith.addi %while3A_27, %while3A_28 : i32
    %while3A_30 = arith.constant 1 : i32
    %while3A_31 = arith.divsi %while3A_28, %while3A_30 : i32
    %while3A_32 = arith.muli %while3A_31, %while3A_30 : i32
    %while3A_33 = arith.addi %while3A_27, %while3A_32 : i32
    %while3A_34 = arith.constant 1 : i32
    scf.for %while3A_36 = %while3A_27 to %while3A_33 step %while3A_34  : i32 {
      %mul3A_37 = arith.constant 80 : i32
      %mul3A_38 = arith.muli %while3A_36, %mul3A_37 : i32
      %add3A = arith.addi %mul3A_2, %mul3A_38 : i32
      "tpu.region"() ({
        %run_scoped3A = tpu.sem_alloc : memref<!tpu.dma_semaphore, #tpu.memory_space<semaphore_mem>>
        %dma_start3A = arith.constant 0 : i32
        %dma_start3A_39 = tpu.memref_slice %arg16[%add3A, %dma_start3A] : memref<10000x128xf32, #tpu.memory_space<vmem_shared>> -> memref<80x128xf32, #tpu.memory_space<vmem_shared>>
        %dma_start3A_40 = arith.constant 0 : i32
        %dma_start3A_41 = tpu.memref_slice %arg16[%add3A, %dma_start3A_40] : memref<10000x128xf32, #tpu.memory_space<vmem_shared>> -> memref<80x128xf32, #tpu.memory_space<vmem_shared>>
        tpu.enqueue_dma source(%dma_start3A_41 : memref<80x128xf32, #tpu.memory_space<vmem_shared>>) target(%arg10 : memref<80x128xf32, #tpu.memory_space<vmem>>) target_semaphore(%run_scoped3A : memref<!tpu.dma_semaphore, #tpu.memory_space<semaphore_mem>>)
        %dma_wait3A = arith.constant 0 : i32
        %dma_wait3A_42 = tpu.memref_slice %arg16[%add3A, %dma_wait3A] : memref<10000x128xf32, #tpu.memory_space<vmem_shared>> -> memref<80x128xf32, #tpu.memory_space<vmem_shared>>
        %dma_wait3A_43 = arith.constant 0 : i32
        %dma_wait3A_44 = tpu.memref_slice %arg16[%add3A, %dma_wait3A_43] : memref<10000x128xf32, #tpu.memory_space<vmem_shared>> -> memref<80x128xf32, #tpu.memory_space<vmem_shared>>
        tpu.wait_dma2 semaphore(%run_scoped3A : memref<!tpu.dma_semaphore, #tpu.memory_space<semaphore_mem>>) src(%dma_wait3A_44 : memref<80x128xf32, #tpu.memory_space<vmem_shared>>) dst(%arg10 : memref<80x128xf32, #tpu.memory_space<vmem>>)
        tpu.yield
      }) : () -> ()
      "tpu.region"() ({
        %run_scoped3A = tpu.sem_alloc : memref<!tpu.dma_semaphore, #tpu.memory_space<semaphore_mem>>
        %dma_start3A = arith.constant 0 : i32
        %dma_start3A_39 = tpu.memref_slice %arg6[%arg0, %add3A, %dma_start3A] : memref<2x10000x128xf32, #tpu.memory_space<hbm>> -> memref<1x80x128xf32, #tpu.memory_space<hbm>>
        %dma_start3A_40 = tpu.memref_squeeze %dma_start3A_39 : memref<1x80x128xf32, #tpu.memory_space<hbm>> -> memref<80x128xf32, #tpu.memory_space<hbm>>
        %dma_start3A_41 = arith.constant 0 : i32
        %dma_start3A_42 = tpu.memref_slice %arg6[%arg0, %add3A, %dma_start3A_41] : memref<2x10000x128xf32, #tpu.memory_space<hbm>> -> memref<1x80x128xf32, #tpu.memory_space<hbm>>
        %dma_start3A_43 = tpu.memref_squeeze %dma_start3A_42 : memref<1x80x128xf32, #tpu.memory_space<hbm>> -> memref<80x128xf32, #tpu.memory_space<hbm>>
        tpu.enqueue_dma source(%arg10 : memref<80x128xf32, #tpu.memory_space<vmem>>) target(%dma_start3A_43 : memref<80x128xf32, #tpu.memory_space<hbm>>) target_semaphore(%run_scoped3A : memref<!tpu.dma_semaphore, #tpu.memory_space<semaphore_mem>>)
        %dma_wait3A = arith.constant 0 : i32
        %dma_wait3A_44 = tpu.memref_slice %arg6[%arg0, %add3A, %dma_wait3A] : memref<2x10000x128xf32, #tpu.memory_space<hbm>> -> memref<1x80x128xf32, #tpu.memory_space<hbm>>
        %dma_wait3A_45 = tpu.memref_squeeze %dma_wait3A_44 : memref<1x80x128xf32, #tpu.memory_space<hbm>> -> memref<80x128xf32, #tpu.memory_space<hbm>>
        %dma_wait3A_46 = arith.constant 0 : i32
        %dma_wait3A_47 = tpu.memref_slice %arg6[%arg0, %add3A, %dma_wait3A_46] : memref<2x10000x128xf32, #tpu.memory_space<hbm>> -> memref<1x80x128xf32, #tpu.memory_space<hbm>>
        %dma_wait3A_48 = tpu.memref_squeeze %dma_wait3A_47 : memref<1x80x128xf32, #tpu.memory_space<hbm>> -> memref<80x128xf32, #tpu.memory_space<hbm>>
        tpu.wait_dma2 semaphore(%run_scoped3A : memref<!tpu.dma_semaphore, #tpu.memory_space<semaphore_mem>>) src(%arg10 : memref<80x128xf32, #tpu.memory_space<vmem>>) dst(%dma_wait3A_48 : memref<80x128xf32, #tpu.memory_space<hbm>>)
        tpu.yield
      }) : () -> ()
    }
    %while3A_35 = arith.constant 1 : i32
    scf.for %while3A_36 = %while3A_33 to %while3A_29 step %while3A_35  : i32 {
      %mul3A_37 = arith.constant 80 : i32
      %mul3A_38 = arith.muli %while3A_36, %mul3A_37 : i32
      %add3A = arith.addi %mul3A_2, %mul3A_38 : i32
      "tpu.region"() ({
        %run_scoped3A = tpu.sem_alloc : memref<!tpu.dma_semaphore, #tpu.memory_space<semaphore_mem>>
        %dma_start3A = arith.constant 0 : i32
        %dma_start3A_39 = tpu.memref_slice %arg16[%add3A, %dma_start3A] : memref<10000x128xf32, #tpu.memory_space<vmem_shared>> -> memref<80x128xf32, #tpu.memory_space<vmem_shared>>
        %dma_start3A_40 = arith.constant 0 : i32
        %dma_start3A_41 = tpu.memref_slice %arg16[%add3A, %dma_start3A_40] : memref<10000x128xf32, #tpu.memory_space<vmem_shared>> -> memref<80x128xf32, #tpu.memory_space<vmem_shared>>
        tpu.enqueue_dma source(%dma_start3A_41 : memref<80x128xf32, #tpu.memory_space<vmem_shared>>) target(%arg10 : memref<80x128xf32, #tpu.memory_space<vmem>>) target_semaphore(%run_scoped3A : memref<!tpu.dma_semaphore, #tpu.memory_space<semaphore_mem>>)
        %dma_wait3A = arith.constant 0 : i32
        %dma_wait3A_42 = tpu.memref_slice %arg16[%add3A, %dma_wait3A] : memref<10000x128xf32, #tpu.memory_space<vmem_shared>> -> memref<80x128xf32, #tpu.memory_space<vmem_shared>>
        %dma_wait3A_43 = arith.constant 0 : i32
        %dma_wait3A_44 = tpu.memref_slice %arg16[%add3A, %dma_wait3A_43] : memref<10000x128xf32, #tpu.memory_space<vmem_shared>> -> memref<80x128xf32, #tpu.memory_space<vmem_shared>>
        tpu.wait_dma2 semaphore(%run_scoped3A : memref<!tpu.dma_semaphore, #tpu.memory_space<semaphore_mem>>) src(%dma_wait3A_44 : memref<80x128xf32, #tpu.memory_space<vmem_shared>>) dst(%arg10 : memref<80x128xf32, #tpu.memory_space<vmem>>)
        tpu.yield
      }) : () -> ()
      "tpu.region"() ({
        %run_scoped3A = tpu.sem_alloc : memref<!tpu.dma_semaphore, #tpu.memory_space<semaphore_mem>>
        %dma_start3A = arith.constant 0 : i32
        %dma_start3A_39 = tpu.memref_slice %arg6[%arg0, %add3A, %dma_start3A] : memref<2x10000x128xf32, #tpu.memory_space<hbm>> -> memref<1x80x128xf32, #tpu.memory_space<hbm>>
        %dma_start3A_40 = tpu.memref_squeeze %dma_start3A_39 : memref<1x80x128xf32, #tpu.memory_space<hbm>> -> memref<80x128xf32, #tpu.memory_space<hbm>>
        %dma_start3A_41 = arith.constant 0 : i32
        %dma_start3A_42 = tpu.memref_slice %arg6[%arg0, %add3A, %dma_start3A_41] : memref<2x10000x128xf32, #tpu.memory_space<hbm>> -> memref<1x80x128xf32, #tpu.memory_space<hbm>>
        %dma_start3A_43 = tpu.memref_squeeze %dma_start3A_42 : memref<1x80x128xf32, #tpu.memory_space<hbm>> -> memref<80x128xf32, #tpu.memory_space<hbm>>
        tpu.enqueue_dma source(%arg10 : memref<80x128xf32, #tpu.memory_space<vmem>>) target(%dma_start3A_43 : memref<80x128xf32, #tpu.memory_space<hbm>>) target_semaphore(%run_scoped3A : memref<!tpu.dma_semaphore, #tpu.memory_space<semaphore_mem>>)
        %dma_wait3A = arith.constant 0 : i32
        %dma_wait3A_44 = tpu.memref_slice %arg6[%arg0, %add3A, %dma_wait3A] : memref<2x10000x128xf32, #tpu.memory_space<hbm>> -> memref<1x80x128xf32, #tpu.memory_space<hbm>>
        %dma_wait3A_45 = tpu.memref_squeeze %dma_wait3A_44 : memref<1x80x128xf32, #tpu.memory_space<hbm>> -> memref<80x128xf32, #tpu.memory_space<hbm>>
        %dma_wait3A_46 = arith.constant 0 : i32
        %dma_wait3A_47 = tpu.memref_slice %arg6[%arg0, %add3A, %dma_wait3A_46] : memref<2x10000x128xf32, #tpu.memory_space<hbm>> -> memref<1x80x128xf32, #tpu.memory_space<hbm>>
        %dma_wait3A_48 = tpu.memref_squeeze %dma_wait3A_47 : memref<1x80x128xf32, #tpu.memory_space<hbm>> -> memref<80x128xf32, #tpu.memory_space<hbm>>
        tpu.wait_dma2 semaphore(%run_scoped3A : memref<!tpu.dma_semaphore, #tpu.memory_space<semaphore_mem>>) src(%arg10 : memref<80x128xf32, #tpu.memory_space<vmem>>) dst(%dma_wait3A_48 : memref<80x128xf32, #tpu.memory_space<hbm>>)
        tpu.yield
      }) : () -> ()
    }
    return
  }
}

module attributes {stable_mosaic.version = 14 : i64} {
  func.func @body(%arg0: i32, %arg1: memref<1x1xf32, #tpu.memory_space<vmem>>, %arg2: memref<2x1000x128xf32, #tpu.memory_space<vmem>>, %arg3: memref<1000x256xf32, #tpu.memory_space<vmem>>, %arg4: memref<2x128x256xf32, #tpu.memory_space<vmem>>, %arg5: memref<256x256xf32, #tpu.memory_space<vmem>>, %arg6: memref<1000x256xf32, #tpu.memory_space<vmem>>) attributes {dimension_semantics = [#tpu.dimension_semantics<arbitrary>], iteration_bounds = array<i64: 10>, scalar_prefetch = 0 : i64, scratch_operands = 0 : i64, tpu.core_type = #tpu.core_type<tc>, window_params = [{pipeline_mode = #tpu.pipeline_mode<synchronous>, transform_indices = @transform_0, window_bounds = array<i64: 1, 1>}, {transform_indices = @transform_1, window_bounds = array<i64: 2, 1000, 128>}, {transform_indices = @transform_2, window_bounds = array<i64: 1000, 256>}, {pipeline_mode = #tpu.pipeline_mode<synchronous>, transform_indices = @transform_3, window_bounds = array<i64: 2, 128, 256>}, {pipeline_mode = #tpu.pipeline_mode<synchronous>, transform_indices = @transform_4, window_bounds = array<i64: 256, 256>}, {transform_indices = @transform_5, window_bounds = array<i64: 1000, 256>}]} {
    %get3A = arith.constant 0 : index
    %get3A_0 = arith.constant 0 : index
    %get3A_1 = arith.constant 0 : index
    %get3A_2 = vector.load %arg2[%get3A, %get3A_0, %get3A_1] : memref<2x1000x128xf32, #tpu.memory_space<vmem>>, vector<1x1000x128xf32>
    %get3A_3 = vector.shape_cast %get3A_2 : vector<1x1000x128xf32> to vector<1000x128xf32>
    %get3A_4 = arith.constant 0 : index
    %get3A_5 = arith.constant 0 : index
    %get3A_6 = arith.constant 0 : index
    %get3A_7 = vector.load %arg4[%get3A_4, %get3A_5, %get3A_6] : memref<2x128x256xf32, #tpu.memory_space<vmem>>, vector<1x128x256xf32>
    %get3A_8 = vector.shape_cast %get3A_7 : vector<1x128x256xf32> to vector<128x256xf32>
    %dot_general3A = arith.constant dense<0.000000e+00> : vector<1000x256xf32>
    %dot_general3A_9 = tpu.matmul %get3A_3, %get3A_8, %dot_general3A {dimension_numbers = #tpu.dot_dimension_numbers<[1], [0], [0], [1], [0, 0, 1, 1], [], []>, transpose_lhs_hint = false} : vector<1000x128xf32>, vector<128x256xf32>, vector<1000x256xf32> -> vector<1000x256xf32>
    %get3A_10 = arith.constant 1 : index
    %get3A_11 = arith.constant 0 : index
    %get3A_12 = arith.constant 0 : index
    %get3A_13 = vector.load %arg2[%get3A_10, %get3A_11, %get3A_12] : memref<2x1000x128xf32, #tpu.memory_space<vmem>>, vector<1x1000x128xf32>
    %get3A_14 = vector.shape_cast %get3A_13 : vector<1x1000x128xf32> to vector<1000x128xf32>
    %get3A_15 = arith.constant 1 : index
    %get3A_16 = arith.constant 0 : index
    %get3A_17 = arith.constant 0 : index
    %get3A_18 = vector.load %arg4[%get3A_15, %get3A_16, %get3A_17] : memref<2x128x256xf32, #tpu.memory_space<vmem>>, vector<1x128x256xf32>
    %get3A_19 = vector.shape_cast %get3A_18 : vector<1x128x256xf32> to vector<128x256xf32>
    %dot_general3A_20 = arith.constant dense<0.000000e+00> : vector<1000x256xf32>
    %dot_general3A_21 = tpu.matmul %get3A_14, %get3A_19, %dot_general3A_20 {dimension_numbers = #tpu.dot_dimension_numbers<[1], [0], [0], [1], [0, 0, 1, 1], [], []>, transpose_lhs_hint = false} : vector<1000x128xf32>, vector<128x256xf32>, vector<1000x256xf32> -> vector<1000x256xf32>
    %add3A = arith.addf %dot_general3A_9, %dot_general3A_21 : vector<1000x256xf32>
    %get3A_22 = arith.constant 0 : index
    %get3A_23 = arith.constant 0 : index
    %get3A_24 = vector.load %arg3[%get3A_22, %get3A_23] : memref<1000x256xf32, #tpu.memory_space<vmem>>, vector<1000x256xf32>
    %get3A_25 = arith.constant 0 : index
    %get3A_26 = arith.constant 0 : index
    %get3A_27 = vector.load %arg5[%get3A_25, %get3A_26] : memref<256x256xf32, #tpu.memory_space<vmem>>, vector<256x256xf32>
    %dot_general3A_28 = arith.constant dense<0.000000e+00> : vector<1000x256xf32>
    %dot_general3A_29 = tpu.matmul %get3A_24, %get3A_27, %dot_general3A_28 {dimension_numbers = #tpu.dot_dimension_numbers<[1], [0], [0], [1], [0, 0, 1, 1], [], []>, transpose_lhs_hint = false} : vector<1000x256xf32>, vector<256x256xf32>, vector<1000x256xf32> -> vector<1000x256xf32>
    %get3A_30 = arith.constant 0 : index
    %get3A_31 = arith.constant 0 : index
    %get3A_32 = vector.load %arg1[%get3A_30, %get3A_31] : memref<1x1xf32, #tpu.memory_space<vmem>>, vector<1x1xf32>
    %logistic3A = arith.negf %get3A_32 : vector<1x1xf32>
    %logistic3A_33 = math.exp %logistic3A : vector<1x1xf32>
    %logistic3A_34 = arith.constant 1.000000e+00 : f32
    %logistic3A_35 = vector.broadcast %logistic3A_34 : f32 to vector<1x1xf32>
    %logistic3A_36 = arith.addf %logistic3A_35, %logistic3A_33 : vector<1x1xf32>
    %logistic3A_37 = arith.divf %logistic3A_35, %logistic3A_36 : vector<1x1xf32>
    %sub3A = arith.subf %add3A, %dot_general3A_29 : vector<1000x256xf32>
    %mul3A = vector.broadcast %logistic3A_37 : vector<1x1xf32> to vector<1000x256xf32>
    %mul3A_38 = arith.mulf %mul3A, %sub3A : vector<1000x256xf32>
    %add3A_39 = arith.addf %dot_general3A_29, %mul3A_38 : vector<1000x256xf32>
    %max3A = arith.constant 0.000000e+00 : f32
    %max3A_40 = vector.broadcast %max3A : f32 to vector<1000x256xf32>
    %max3A_41 = arith.maximumf %add3A_39, %max3A_40 : vector<1000x256xf32>
    %swap3A = arith.constant 0 : index
    %swap3A_42 = arith.constant 0 : index
    %swap3A_43 = vector.load %arg6[%swap3A, %swap3A_42] : memref<1000x256xf32, #tpu.memory_space<vmem>>, vector<1000x256xf32>
    tpu.vector_store %arg6[%swap3A, %swap3A_42], %max3A_41 {strides = array<i32>} : memref<1000x256xf32, #tpu.memory_space<vmem>>, vector<1000x256xf32>,
    return
  }
  func.func @transform_0(%arg0: i32) -> (i32, i32) {
    %c0_i32 = arith.constant 0 : i32
    %c0_i32_0 = arith.constant 0 : i32
    %c0_i32_1 = arith.constant 0 : i32
    return %c0_i32, %c0_i32_0 : i32, i32
  }
  func.func @transform_1(%arg0: i32) -> (i32, i32, i32) {
    %c0_i32 = arith.constant 0 : i32
    %c0_i32_0 = arith.constant 0 : i32
    %c0_i32_1 = arith.constant 0 : i32
    return %c0_i32, %arg0, %c0_i32_0 : i32, i32, i32
  }
  func.func @transform_2(%arg0: i32) -> (i32, i32) {
    %c0_i32 = arith.constant 0 : i32
    %c0_i32_0 = arith.constant 0 : i32
    return %arg0, %c0_i32 : i32, i32
  }
  func.func @transform_3(%arg0: i32) -> (i32, i32, i32) {
    %c0_i32 = arith.constant 0 : i32
    %c0_i32_0 = arith.constant 0 : i32
    %c0_i32_1 = arith.constant 0 : i32
    %c0_i32_2 = arith.constant 0 : i32
    return %c0_i32, %c0_i32_0, %c0_i32_1 : i32, i32, i32
  }
  func.func @transform_4(%arg0: i32) -> (i32, i32) {
    %c0_i32 = arith.constant 0 : i32
    %c0_i32_0 = arith.constant 0 : i32
    %c0_i32_1 = arith.constant 0 : i32
    return %c0_i32, %c0_i32_0 : i32, i32
  }
  func.func @transform_5(%arg0: i32) -> (i32, i32) {
    %c0_i32 = arith.constant 0 : i32
    %c0_i32_0 = arith.constant 0 : i32
    return %arg0, %c0_i32 : i32, i32
  }
}

</mosaic_0001>

<sc_bundles>
// kernel: kernel.4.cloned.1.call-start
scs
__scs_entry_jumppad:
0x0: {  	(pc) =	sbr.rel $0x88, $3  }
0x1: {  	(tag) =	ssettag $0x0;
	lr =	simm.s32 $0x1  }
0x2: {  	[smem:$0x3F9A] =	sst lr;
	_ =	strace $0xD0000000  }
0x3: {  	_ = 	snop  }
0x4: {  	_ = 	snop  }
0x5: {  	_ = 	snop  }
0x6: {  	_ = 	snop  }
0x7: {  	_ = 	snop  }
__scs_overlays_trampoline_lowered:
0x8: {  	[smem:$0x3FA9] =	sst s0  }
0x9: {  	[smem:$0x3FAA] =	sst s1  }
0xa: {  	[smem:$0x3FAB] =	sst s2  }
0xb: {  	[smem:$0x3FAC] =	sst s3  }
0xc: {  	[smem:$0x3FAD] =	sst s4  }
0xd: {  	[smem:$0x3FAE] =	sst s5  }
0xe: {  	[smem:$0x3FAF] =	sst s6  }
0xf: {  	[smem:$0x3FB0] =	sst s7  }
0x10: {  	[smem:$0x3FB1] =	sst s8  }
0x11: {  	[smem:$0x3FB2] =	sst s9;
	s0 =	simm.s32 @!p0 $0x0  }
0x12: {  	s1 =	sld [smem:$0x3F98];
	s0 =	simm.s32 @p0 $0x1  }
0x13: {  	[smem:$0x3FB3] =	sst s0;
	s0 =	simm.s32 @!p1 $0x0  }
0x14: {  	s2 =	sld [smem:$0x3F97];
	s0 =	simm.s32 @p1 $0x1  }
0x15: {  	[smem:$0x3FB4] =	sst s0;
	s0 =	simm.s32 @!p2 $0x0  }
0x16: {  	s3 =	sld [smem:$0x3FDB];
	s0 =	simm.s32 @p2 $0x1  }
0x17: {  	s4 =	simm.s32 $0x1BF5;
	[smem:$0x3FB6] =	sst s0  }
0x18: {  	s0 =	sld [smem:$0x3F99];
	_ =	swait.ge [sflag:s4], $0x0  }
0x19: {  	s7 =	sld [smem:$0x3F9A]  }
0x1a: {  	s8 =	sadd.s32 $0xFFFFE003, lr  }
0x1b: {  	s9 =	sadd.s32 $0xFFFFFEF7, lr;
	s5 =	simm.s32 $0xFFFFFFFF;
	p2 =	slt.u32 s8, $0xFFFFF086  }
0x1c: {  	p1 =	slt.u32 s9, $0xF7A;
	s5 =	simm.s32 @!p2 $0x0  }
0x1d: {  	s5 =	simm.s32 @p1 $0x1;
	p0 =	seq.s32 s7, s2  }
0x1e: {  	s7 =	smul.u32 @!p0 $0xF7A, s2;
	p2 =	seq.s32 @!p0 s5, $0x0  }
0x1f: {  	s9 =	smul.u32 $0xF7A, s1;
	s8 =	simm.s32 @!p0 $0x1BF5;
	p2 =	por !p2, p0  }
0x20: {  	[sflag:s8] =	ssyncset.s32 @!p0 $0xFFFFF086;
	s6 =	sadd.s32 @!p0 s3, s7;
	s7 =	simm.s32 @!p0 $0x108  }
0x21: {  	s3 =	sadd.s32 s3, s9;
	s6 =	sadd.s32 @!p0 $0x88, s6;
	s7 =	simm.s32 @p2 $0x1082  }
0x22: {  	[simem:s7], [sflag:s8] =	dma.local @!p0 [hbm:s6], $0xF7A  }
0x23: {  	s9 =	sor.u32 $0xD0000000, s2;
	s6 =	simm.s32 $0x108;
	_ =	swait.ge @!p0 [sflag:s8], $0x0  }
0x24: {  	s3 =	sadd.s32 $0x88, s3;
	s6 =	simm.s32 @!p1 $0x1082;
	[sflag:s4] =	ssyncset.s32 $0xFFFFF086  }
0x25: {  	[simem:s6], [sflag:s4] =	dma.local [hbm:s3], $0xF7A  }
0x26: {  	[smem:$0x3F9A] =	sst s1;
	(tag) =	ssettag s2;
	_ =	strace s9  }
0x27: {  	s1 =	sld [smem:$0x3FAA]  }
0x28: {  	s2 =	sld [smem:$0x3FAB]  }
0x29: {  	s4 =	sld [smem:$0x3FAD]  }
0x2a: {  	p0 =	seq.s32 s5, $0x0;
	s5 =	sld [smem:$0x3FAE]  }
0x2b: {  	s6 =	sld [smem:$0x3FAF]  }
0x2c: {  	s7 =	sld [smem:$0x3FB0]  }
0x2d: {  	s3 =	simm.s32 $0x108;
	s8 =	sld [smem:$0x3FB1]  }
0x2e: {  	s3 =	simm.s32 @!p0 $0x1082;
	s9 =	sld [smem:$0x3FB2]  }
0x2f: {  	lr =	sadd.s32 s0, s3;
	s0 =	sld [smem:$0x3FA9]  }
0x30: {  	s3 =	sld [smem:$0x3FAC]  }
0x31: {  	[smem:$0x3FB5] =	sst s10  }
0x32: {  	s10 =	sld [smem:$0x3FB3];
	_ =	sdelay $0x3  }
0x33: {  	p0 =	seq.s32 s10, $0x1;
	s10 =	sld [smem:$0x3FB5];
	_ =	sdelay $0x3  }
0x34: {  	[smem:$0x3FB5] =	sst s10  }
0x35: {  	s10 =	sld [smem:$0x3FB4];
	_ =	sdelay $0x3  }
0x36: {  	p1 =	seq.s32 s10, $0x1;
	s10 =	sld [smem:$0x3FB5];
	_ =	sdelay $0x3  }
0x37: {  	[smem:$0x3FB5] =	sst s10  }
0x38: {  	s10 =	sld [smem:$0x3FB6]  }
0x39: {  	_ = 	snop;
	(pc) =	sbr.ind lr, $3  }
0x3a: {  	_ = 	snop  }
0x3b: {  	_ = 	snop  }
0x3c: {  	p2 =	seq.s32 s10, $0x1;
	s10 =	sld [smem:$0x3FB5]  }
0x3d: {  	_ =	shalt  }
0x3e: {  	_ =	shalt  }
0x3f: {  	_ =	shalt  }
0x40: {  	_ =	shalt  }
0x41: {  	_ =	shalt  }
0x42: {  	_ =	shalt  }
0x43: {  	_ =	shalt  }
0x44: {  	_ =	shalt  }
0x45: {  	_ =	shalt  }
0x46: {  	_ =	shalt  }
0x47: {  	_ =	shalt  }
0x48: {  	_ =	shalt  }
0x49: {  	_ =	shalt  }
0x4a: {  	_ =	shalt  }
0x4b: {  	_ =	shalt  }
0x4c: {  	_ =	shalt  }
0x4d: {  	_ =	shalt  }
0x4e: {  	_ =	shalt  }
0x4f: {  	_ =	shalt  }
0x50: {  	_ =	shalt  }
0x51: {  	_ =	shalt  }
0x52: {  	_ =	shalt  }
0x53: {  	_ =	shalt  }
0x54: {  	_ =	shalt  }
0x55: {  	_ =	shalt  }
0x56: {  	_ =	shalt  }
0x57: {  	_ =	shalt  }
0x58: {  	_ =	shalt  }
0x59: {  	_ =	shalt  }
0x5a: {  	_ =	shalt  }
0x5b: {  	_ =	shalt  }
0x5c: {  	_ =	shalt  }
0x5d: {  	_ =	shalt  }
0x5e: {  	_ =	shalt  }
0x5f: {  	_ =	shalt  }
0x60: {  	_ =	shalt  }
0x61: {  	_ =	shalt  }
0x62: {  	_ =	shalt  }
0x63: {  	_ =	shalt  }
0x64: {  	_ =	shalt  }
0x65: {  	_ =	shalt  }
0x66: {  	_ =	shalt  }
0x67: {  	_ =	shalt  }
0x68: {  	_ =	shalt  }
0x69: {  	_ =	shalt  }
0x6a: {  	_ =	shalt  }
0x6b: {  	_ =	shalt  }
0x6c: {  	_ =	shalt  }
0x6d: {  	_ =	shalt  }
0x6e: {  	_ =	shalt  }
0x6f: {  	_ =	shalt  }
0x70: {  	_ =	shalt  }
0x71: {  	_ =	shalt  }
0x72: {  	_ =	shalt  }
0x73: {  	_ =	shalt  }
0x74: {  	_ =	shalt  }
0x75: {  	_ =	shalt  }
0x76: {  	_ =	shalt  }
0x77: {  	_ =	shalt  }
0x78: {  	_ =	shalt  }
0x79: {  	_ =	shalt  }
0x7a: {  	_ =	shalt  }
0x7b: {  	_ =	shalt  }
0x7c: {  	_ =	shalt  }
0x7d: {  	_ =	shalt  }
0x7e: {  	_ =	shalt  }
0x7f: {  	_ =	shalt  }
0x80: {  	_ =	shalt  }
0x81: {  	_ =	shalt  }
0x82: {  	_ =	shalt  }
0x83: {  	_ =	shalt  }
0x84: {  	_ =	shalt  }
0x85: {  	_ =	shalt  }
0x86: {  	_ =	shalt  }
0x87: {  	_ =	shalt  }
.Lfunc_end0:
.L_simem_size_0:
called_computation_lowered:
.L_overlay_start_0:
0x88: {  	s2 =	sld [smem:$0x3FD9]  }
0x89: {  	s3 =	sld [smem:$0x3FFE];
	_ =	sdelay $0x1  }
0x8a: {  	s1 =	srdreg.scid  }
0x8b: {  	s0 =	sand.u32 $0x1, s1  }
0x8c: {  	s17 =	sshll.u32 s0, $0xA;
	s2 =	sadd.s32 s3, s2  }
0x8d: {  	s2 =	sadd.s32 s2, s17  }
0x8e: {  	[smem:$0x3FC1] =	sst s2  }
0x8f: {  	_ = 	snop  }
0x90: {  	s2 =	sld [smem:$0x3FD0];
	(tm) =	ssettm $0x1  }
0x91: {  	s18 =	sld [smem:$0x3FFB];
	_ =	sdelay $0x3  }
0x92: {  	_ =	strace s18  }
0x93: {  	s3 =	sld [smem:$0x3FFC];
	_ =	sdelay $0x3  }
0x94: {  	_ =	strace s3  }
0x95: {  	s3 =	sld [smem:$0x3FFD];
	_ =	sdelay $0x3  }
0x96: {  	_ =	strace s3  }
0x97: {  	_ =	strace $0x8FFFFFFF  }
0x98: {  	s19 =	sld [smem:$0x3FDB];
	_ =	sdelay $0x1  }
0x99: {  	s4 =	simm.s32 $_scs_section_size  }
0x9a: {  	s5 =	simm.s32 $_size__tile_overlayer_lowered;
	s6 =	simm.s32 $_tile_overlayer_lowered  }
0x9b: {  	s22 =	simm.s32 $0x1BFF;
	s21 =	sshll.u32 s6, $0x1;
	s3 =	sadd.s32 s4, s19  }
0x9c: {  	s7 =	simm.s32 $0x0;
	s20 =	sshll.u32 s5, $0x1;
	s5 =	sadd.s32 s21, s3  }
0x9d: {  	[timem:s7], [sflag:s22] =	dma.local [hbm:s5], s20  }
0x9e: {  	_ =	swait.ge [sflag:s22], s20  }
0x9f: {  	s4 =	ssub.s32 $0x0, s20;
	[sflag:s22] =	ssyncset.done $0x0  }
0xa0: {  	[sflag:s22] =	ssyncadd.s32 s4;
	_ =	sdelay $0x1  }
0xa1: {  	s23 =	simm.s32 $0x1B8B  }
0xa2: {  	_ =	swait.ge [sflag:s23], $0x1  }
0xa3: {  	[sflag:s23] =	ssyncset.done $0x0  }
0xa4: {  	s25 =	simm.s32 $0x1B8E;
	s24 =	sld [smem:$0x3FFE];
	[sflag:s23] =	ssyncadd.s32 $0xFFFFFFFF  }
0xa5: {  	s26 =	simm.s32 $execute0_lowered;
	[smem:$0x3FD2] =	sst s25  }
0xa6: {  	s5 =	sshll.u32 s26, $0x1;
	_ =	strace $0x80000046;
	[dreg:$0x1] =	wrdreg $0xFFFFFFFF  }
0xa7: {  	s28 =	simm.s32 $_size_execute0_lowered;
	s3 =	sadd.s32 s3, s5;
	[dreg:$0x0] =	wrdreg $0x0  }
0xa8: {  	s5 =	sshll.u32 s28, $0x1;
	[dreg:$0x2] =	wrdreg s3  }
0xa9: {  	[dreg:$0x3] =	wrdreg s5  }
0xaa: {  	[dreg:$0x4] =	wrdreg $0xC0  }
0xab: {  	_ =	task [dreg:s7], $0x5FFFF  }
0xac: {  	[dreg:$0x1] =	wrdreg $0xFFFFFFFF  }
0xad: {  	[dreg:$0x0] =	wrdreg $0x60  }
0xae: {  	[dreg:$0x2] =	wrdreg s2  }
0xaf: {  	[dreg:$0x3] =	wrdreg s24  }
0xb0: {  	[dreg:$0x4] =	wrdreg $0x68000  }
0xb1: {  	[dreg:$0x5] =	wrdreg $0x9  }
0xb2: {  	_ =	task.clear_ibuf [dreg:s7], $0x6FFFF;
	_ =	strace $0x90000046  }
0xb3: {  	s29 =	simm.s32 $0x9;
	_ =	strace $0x80000048  }
0xb4: {  	_ =	swait.ge [sflag:s29], $0x1  }
0xb5: {  	[sflag:s29] =	ssyncadd.s32 $0xFFFFFFFF  }
0xb6: {  	_ =	strace $0x90000048  }
0xb7: {  	_ =	sfence  }
0xb8: {  	s30 =	sld [smem:$0x0];
	_ =	sdelay $0x2  }
0xb9: {  	s31 =	sshll.u32 s1, $0xD;
	s1 =	sshrl.u32 s1, $0x2  }
0xba: {  	s3 =	sand.u32 $0x4000, s31;
	s1 =	sadd.s32 s1, s30  }
0xbb: {  	s0 =	sor.u32 s3, s0;
	s1 =	sshll.u32 s1, $0x11  }
0xbc: {  	s0 =	sor.u32 s1, s0  }
0xbd: {  	s0 =	sadd.s32 $0x8F2B, s0  }
0xbe: {  	[sflag:s0] =	ssyncadd.remote.s32 $0x1  }
0xbf: {  	_ =	sfence.sel $0xFFFF  }
0xc0: {  	[dreg:$0x0] =	wrdreg $0xFFFFFFFF;
	(pc) =	sbr.abs _section_cstart, $3  }
0xc1: {  	[dreg:$0x1] =	wrdreg $0xFFFFFFFF  }
0xc2: {  	_ =	task.clear_ibuf [dreg:s7], $0x2FFFF;
	_ =	strace $0x9FFFFFFF  }
0xc3: {  	(tm) =	ssettm $0x7FFFFFFF  }
tec
execute0_lowered:
.L_overlay_start_1:
0x0: {  	(tag) =	ssettag $0x1  }
0x1: {  	s1 =	rddreg [dreg:$0x0]  }
0x2: {  	s0 =	rddreg [dreg:$0x1]  }
0x3: {  	s2 =	rddreg [dreg:$0x2]  }
0x4: {  	s3 =	simm.s32 $0x0;
	s5 =	srdreg.scid;
	s7 =	stileid.u32  }
0x5: {  	s16 =	simm.s32 $0x800;
	s17 =	simm.s32 $0x1000;
	s18 =	simm.s32 $0x50  }
0x6: {  	s19 =	simm.s32 $0x1;
	s20 =	simm.s32 $0x4000;
	s21 =	simm.s32 $0x2  }
0x7: {  	s23 =	simm.s32 $0x4;
	s24 =	simm.s32 $0x0;
	[smem:$0x7FF] =	sst s3  }
0x8: {  	s4 =	sadd.s32 $0x9400, s0;
	s9 =	sand.u32 $0x1, s5;
	s5 =	sadd.s32 $0x1400, s0  }
0x9: {  	s6 =	sadd.s32 $0x11400, s0;
	s8 =	sadd.s32 $0x19400, s0;
	s13 =	smul.u32 $0x50000, s7  }
0xa: {  	p0 =	seq.s32 s7, $0xF;
	s15 =	smul.u32 $0x14000, s7;
	s11 =	sshll.u32 s7, $0xB  }
0xb: {  	_ =	strace $0x80000047;
	s10 =	ssub.s32 $0x2, s9;
	s22 =	smul.u32 $0x2710, s9  }
0xc: {  	s14 =	smul.u32 $0x138800, s9;
	s9 =	simm.s32 $0x5;
	s30 =	sshrl.u32 s10, $0x1  }
0xd: {  	s9 =	simm.s32 @!p0 $0x8;
	s31 =	sshrl.u32 s13, $0x2;
	s0 =	ssub.s32 s10, s30  }
0xe: {  	s10 =	simm.s32 $0x5;
	s13 =	sadd.s32 s31, s2;
	s14 =	sadd.s32 s15, s14  }
0xf: {  	v1 =	vimm.f32 $0.0e+00;
	s15 =	simm.s32 $0x1800;
	v0 =	vmov s22;
	s22 =	simm.s32 $0x3;
	s12 =	smax.u32 s0, $0x1  }
.LBB2_1:
0x10: {  	s0 =	simm.s32 $0x0;
	s25 =	simm.s32 $0x200  }
.LBB2_2:
0x11: {  	p0 =	sne.s32 s25, $0x9E00;
	[tilespmem:s0+$0x1870] =	vst v1  }
0x12: {  	[tilespmem:s0+$0x1800] =	vst v1  }
0x13: {  	[tilespmem:s0+$0x1810] =	vst v1  }
.Ltmp0:
0x14: {  	[tilespmem:s0+$0x1820] =	vst v1;
	(pc) =	sbr.rel @p0 .LBB2_2-.Ltmp0, $4  }
0x15: {  	[tilespmem:s0+$0x1830] =	vst v1  }
0x16: {  	[tilespmem:s0+$0x1840] =	vst v1  }
0x17: {  	[tilespmem:s0+$0x1850] =	vst v1  }
0x18: {  	[tilespmem:s0+$0x1860] =	vst v1;
	s0 =	sshra.s32 s25, $0x2;
	s25 =	sadd.s32 $0x200, s25  }
0x19: {  	[tilespmem:s0+$0x1870] =	vst v1  }
0x1a: {  	[tilespmem:s0+$0x1800] =	vst v1  }
0x1b: {  	[tilespmem:s0+$0x1810] =	vst v1  }
0x1c: {  	[tilespmem:s0+$0x1820] =	vst v1  }
0x1d: {  	[tilespmem:s0+$0x1830] =	vst v1  }
0x1e: {  	[tilespmem:s0+$0x1840] =	vst v1;
	p0 =	sne.s32 s9, $0x1  }
.Ltmp1:
0x1f: {  	[tilespmem:s0+$0x1850] =	vst v1;
	(pc) =	sbr.rel @!p0 .LBB2_5-.Ltmp1, $4  }
0x20: {  	[tilespmem:s0+$0x1860] =	vst v1  }
0x21: {  	[spmem:s13] =	stream.linear.scatter [tilespmem:s15], [sflag:$0x5], $0x2800, $0x38;
	[tilespmem:$0x1A080] =	vst v63  }
0x22: {  	_ =	swait.ge [sflag:s10], $0x2800  }
0x23: {  	s0 =	sadd.s32 $0xFFFFFFFF, s9;
	s25 =	smov.u32 s13;
	[sflag:s10] =	ssyncset.done $0x0  }
.LBB2_4:
0x24: {  	p1 =	sne.s32 s0, $0x1;
	[sflag:s10] =	ssyncadd.s32 $0xFFFFD800;
	s25 =	sadd.s32 $0x2800, s25  }
.Ltmp2:
0x25: {  	s0 =	sadd.s32 $0xFFFFFFFF, s0;
	(pc) =	sbr.rel @p1 .LBB2_4-.Ltmp2, $4  }
0x26: {  	_ = 	snop  }
0x27: {  	[spmem:s25] =	stream.linear.scatter [tilespmem:s15], [sflag:$0x5], $0x2800, $0x38;
	[tilespmem:$0x1A080] =	vst v63  }
0x28: {  	_ =	swait.ge [sflag:s10], $0x2800  }
0x29: {  	[sflag:s10] =	ssyncset.done $0x0  }
.LBB2_5:
.Ltmp3:
0x2a: {  	(pc) =	sbr.rel .LBB2_6-.Ltmp3, $4  }
0x2b: {  	_ = 	snop  }
0x2c: {  	[sflag:s10] =	ssyncadd.s32 $0xFFFFD800  }
0x2d: {  	[bflag:$0x0] =	sbarrier.arrive $0xFFFF  }
0x2e: {  	s25 =	simm.s32 $0x0;
	s26 =	simm.s32 $0x0  }
.LBB2_15:
0x2f: {  	s26 =	sadd.s32 $0x1, s26  }
0x30: {  	p1 =	sne.s32 s26, $0x8  }
.Ltmp4:
0x31: {  	_ = 	snop;
	(pc) =	sbr.rel @!p1 .LBB2_16-.Ltmp4, $4  }
0x32: {  	[spmem:s2] =	stream.indirect.scatter.add.f32 [tilespmem:s20], [sflag:$0x4], $0x80, s0, s18, $0xb8;
	[tilespmem:$0x1A080] =	vst v63  }
0x33: {  	_ =	swait.ge [sflag:s23], $0x2800  }
0x34: {  	[sflag:s23] =	ssyncset.done $0x0  }
0x35: {  	[sflag:s23] =	ssyncadd.s32 $0xFFFFD800  }
.LBB2_6:
0x36: {  	s0 =	sshll.u32 s26, $0x8  }
0x37: {  	s0 =	sadd.s32 s11, s0  }
0x38: {  	s28 =	sadd.s32 s4, s0  }
0x39: {  	[tilespmem:s25], [sflag:$0x5] =	stream.linear.gather [hbm4b:s28+s25], $0x800, $0x38;
	[tilespmem:$0x1A080] =	vst v63  }
0x3a: {  	_ =	swait.ge [sflag:s10], $0x800  }
0x3b: {  	[sflag:s10] =	ssyncset.done $0x0  }
0x3c: {  	s28 =	sadd.s32 s5, s0;
	[sflag:s10] =	ssyncadd.s32 $0xFFFFF800  }
0x3d: {  	[tilespmem:s16], [sflag:$0x5] =	stream.linear.gather [hbm4b:s28+s25], $0x800, $0x38;
	[tilespmem:$0x1A080] =	vst v63  }
0x3e: {  	_ =	swait.ge [sflag:s10], $0x800  }
0x3f: {  	[sflag:s10] =	ssyncset.done $0x0  }
0x40: {  	s0 =	sadd.s32 s6, s0;
	[sflag:s10] =	ssyncadd.s32 $0xFFFFF800  }
0x41: {  	[tilespmem:s17], [sflag:$0x5] =	stream.linear.gather [hbm4b:s0+s25], $0x800, $0x38;
	[tilespmem:$0x1A080] =	vst v63  }
0x42: {  	_ =	swait.ge [sflag:s10], $0x800  }
0x43: {  	[sflag:s10] =	ssyncset.done $0x0  }
0x44: {  	s0 =	simm.s32 $0x0;
	[sflag:s10] =	ssyncadd.s32 $0xFFFFF800  }
0x45: {  	v5 =	vld [tilespmem:s0+$0x0]  }
0x46: {  	v4 =	vld [tilespmem:s0+$0x10]  }
0x47: {  	v3 =	vld [tilespmem:s0+$0x20]  }
0x48: {  	s28 =	simm.s32 $0x200;
	v2 =	vld [tilespmem:s0+$0x30]  }
.LBB2_7:
0x49: {  	p1 =	sne.s32 s28, $0x1E00;
	v6 =	vld [tilespmem:s0+$0x40]  }
0x4a: {  	v5 =	vadd.s32 v0, v5  }
.Ltmp5:
0x4b: {  	s29 =	sshra.s32 s28, $0x2;
	[tilespmem:s0+$0x0] =	vst v5;
	v4 =	vadd.s32 v0, v4;
	(pc) =	sbr.rel @p1 .LBB2_7-.Ltmp5, $4  }
0x4c: {  	v5 =	vld [tilespmem:s29+$0x0];
	[tilespmem:s0+$0x10] =	vst v4;
	v3 =	vadd.s32 v0, v3  }
0x4d: {  	v4 =	vld [tilespmem:s29+$0x10];
	[tilespmem:s0+$0x20] =	vst v3;
	v2 =	vadd.s32 v0, v2  }
0x4e: {  	v3 =	vld [tilespmem:s29+$0x20];
	[tilespmem:s0+$0x30] =	vst v2;
	v6 =	vadd.s32 v0, v6  }
0x4f: {  	s28 =	sadd.s32 $0x200, s28;
	v2 =	vld [tilespmem:s29+$0x30];
	[tilespmem:s0+$0x40] =	vst v6;
	s0 =	smov.u32 s29  }
0x50: {  	v6 =	vld [tilespmem:s0+$0x40]  }
0x51: {  	v5 =	vadd.s32 v0, v5  }
0x52: {  	[tilespmem:s0+$0x0] =	vst v5;
	v4 =	vadd.s32 v0, v4  }
0x53: {  	[tilespmem:s0+$0x10] =	vst v4;
	v3 =	vadd.s32 v0, v3  }
0x54: {  	[tilespmem:s0+$0x20] =	vst v3;
	v2 =	vadd.s32 v0, v2  }
0x55: {  	[tilespmem:s0+$0x30] =	vst v2;
	v2 =	vadd.s32 v0, v6  }
0x56: {  	s28 =	simm.s32 $0x0;
	[tilespmem:s0+$0x40] =	vst v2  }
0x57: {  	[tilespmem:s15], [sflag:$0x1] =	stream.indirect.gather [hbm4b:s1+s18], $0x80, s28, s18, $0xb8;
	[tilespmem:$0x1A080] =	vst v63  }
.LBB2_9:
0x58: {  	_ =	swait.ge [sflag:s19], $0x2800  }
0x59: {  	p1 =	seq.s32 s28, $0x0;
	[sflag:s19] =	ssyncset.done $0x0  }
0x5a: {  	s0 =	sshll.u32 s28, $0xA;
	s30 =	simm.s32 @!p1 $0x4;
	[sflag:s19] =	ssyncadd.s32 $0xFFFFD800  }
0x5b: {  	s29 =	sshrl.u32 s0, $0x2;
	_ =	swait.ge @!p1 [sflag:s30], $0x2800  }
0x5c: {  	s31 =	sshll.u32 s28, $0x8;
	s0 =	sadd.s32 $0x1000, s29;
	[sflag:s30] =	ssyncset.done @!p1 $0x0  }
0x5d: {  	v2 =	vmov s0;
	[sflag:s30] =	ssyncadd.s32 @!p1 $0xFFFFD800;
	s30 =	sor.u32 $0x80, s31;
	s31 =	simm.s32 $0x0  }
0x5e: {  	[tilespmem:s20], [sflag:$0x2] =	stream.indirect.gather [hbm4b:s1+s18], $0x80, s30, s18, $0xb8;
	[tilespmem:$0x1A080] =	vst v63  }
0x5f: {  	s31 =	sand.u32 $0x3FFFF800, s31  }
0x60: {  	s7 =	simm.s32 $0x0;
	v9 =	vld [tilespmem:s31+$0x18C0]  }
0x61: {  	s0 =	sand.u32 $0x3FFFFFF0, s7;
	v10 =	vld [tilespmem:s31+$0x18D0]  }
0x62: {  	v3 =	vld.idx.msk [tilespmem:v2+s0+$0x0 ss:$0x1], $0xffff  }
0x63: {  	v11 =	vld [tilespmem:s31+$0x18B0]  }
0x64: {  	v5 =	vld [tilespmem:s31+$0x1820]  }
0x65: {  	v6 =	vld [tilespmem:s31+$0x1830]  }
0x66: {  	v12 =	vld [tilespmem:s31+$0x1860]  }
0x67: {  	v13 =	vld [tilespmem:s31+$0x1870];
	v4 =	vbroadcast v3, $0x0  }
0x68: {  	v14 =	vld [tilespmem:s31+$0x1880]  }
0x69: {  	v15 =	vld [tilespmem:s31+$0x1890];
	v5 =	vmul.f32 v5, v4  }
0x6a: {  	v16 =	vld [tilespmem:s31+$0x18A0];
	v6 =	vmul.f32 v6, v4  }
0x6b: {  	v8 =	vld [tilespmem:s31+$0x1D70];
	v27 =	vbroadcast v3, $0x1;
	v26 =	vmul.f32 v12, v4;
	[tilespmem:s31+$0x1820] =	vst v5  }
0x6c: {  	v28 =	vld [tilespmem:s31+$0x18E0];
	v13 =	vmul.f32 v13, v4;
	[tilespmem:s31+$0x1830] =	vst v6  }
0x6d: {  	v29 =	vld [tilespmem:s31+$0x18F0];
	v14 =	vmul.f32 v14, v27;
	[tilespmem:s31+$0x1860] =	vst v26  }
0x6e: {  	v30 =	vld [tilespmem:s31+$0x1900];
	v15 =	vmul.f32 v15, v27;
	[tilespmem:s31+$0x1870] =	vst v13  }
0x6f: {  	v31 =	vld [tilespmem:s31+$0x1910];
	v16 =	vmul.f32 v16, v27;
	[tilespmem:s31+$0x1880] =	vst v14  }
0x70: {  	v32 =	vld [tilespmem:s31+$0x1920];
	v11 =	vmul.f32 v11, v27;
	[tilespmem:s31+$0x1890] =	vst v15  }
0x71: {  	v33 =	vld [tilespmem:s31+$0x1930];
	v9 =	vmul.f32 v9, v27;
	[tilespmem:s31+$0x18A0] =	vst v16  }
0x72: {  	v34 =	vld [tilespmem:s31+$0x1940];
	v17 =	vbroadcast v3, $0x2;
	v10 =	vmul.f32 v10, v27;
	[tilespmem:s31+$0x18B0] =	vst v11  }
0x73: {  	v35 =	vld [tilespmem:s31+$0x1950];
	v12 =	vmul.f32 v29, v27;
	[tilespmem:s31+$0x18C0] =	vst v9  }
0x74: {  	v37 =	vld [tilespmem:s31+$0x1960];
	v7 =	vbroadcast v3, $0xA;
	v36 =	vmul.f32 v30, v17;
	[tilespmem:s31+$0x18D0] =	vst v10  }
0x75: {  	v39 =	vld [tilespmem:s31+$0x1970];
	v38 =	vmul.f32 v31, v17;
	[tilespmem:s31+$0x18F0] =	vst v12  }
0x76: {  	v40 =	vld [tilespmem:s31+$0x1980];
	v5 =	vmul.f32 v8, v7;
	[tilespmem:s31+$0x1900] =	vst v36  }
0x77: {  	v41 =	vld [tilespmem:s31+$0x1990];
	v13 =	vmul.f32 v28, v27;
	[tilespmem:s31+$0x1910] =	vst v38  }
0x78: {  	v42 =	vld [tilespmem:s31+$0x19A0];
	v11 =	vmul.f32 v32, v17;
	[tilespmem:s31+$0x1D70] =	vst v5  }
0x79: {  	v43 =	vld [tilespmem:s31+$0x19B0];
	v9 =	vmul.f32 v33, v17;
	[tilespmem:s31+$0x18E0] =	vst v13  }
0x7a: {  	v44 =	vld [tilespmem:s31+$0x19C0];
	v10 =	vmul.f32 v34, v17;
	[tilespmem:s31+$0x1920] =	vst v11  }
0x7b: {  	v46 =	vld [tilespmem:s31+$0x19D0];
	v45 =	vbroadcast v3, $0x3;
	v12 =	vmul.f32 v37, v17;
	[tilespmem:s31+$0x1930] =	vst v9  }
0x7c: {  	v47 =	vld [tilespmem:s31+$0x19E0];
	v14 =	vmul.f32 v39, v17;
	[tilespmem:s31+$0x1940] =	vst v10  }
0x7d: {  	v48 =	vld [tilespmem:s31+$0x19F0];
	v15 =	vmul.f32 v40, v45;
	[tilespmem:s31+$0x1960] =	vst v12  }
0x7e: {  	v49 =	vld [tilespmem:s31+$0x1A00];
	v13 =	vmul.f32 v35, v17;
	[tilespmem:s31+$0x1970] =	vst v14  }
0x7f: {  	v50 =	vld [tilespmem:s31+$0x1A10];
	v11 =	vmul.f32 v41, v45;
	[tilespmem:s31+$0x1980] =	vst v15  }
0x80: {  	v51 =	vld [tilespmem:s31+$0x1A20];
	v9 =	vmul.f32 v42, v45;
	[tilespmem:s31+$0x1950] =	vst v13  }
0x81: {  	v52 =	vld [tilespmem:s31+$0x1A30];
	v10 =	vmul.f32 v43, v45;
	[tilespmem:s31+$0x1990] =	vst v11  }
0x82: {  	v53 =	vld [tilespmem:s31+$0x1A40];
	v12 =	vmul.f32 v46, v45;
	[tilespmem:s31+$0x19A0] =	vst v9  }
0x83: {  	v55 =	vld [tilespmem:s31+$0x1A50];
	v14 =	vmul.f32 v47, v45;
	[tilespmem:s31+$0x19B0] =	vst v10  }
0x84: {  	v56 =	vld [tilespmem:s31+$0x1A60];
	v54 =	vbroadcast v3, $0x4;
	v15 =	vmul.f32 v48, v45;
	[tilespmem:s31+$0x19D0] =	vst v12  }
0x85: {  	v57 =	vld [tilespmem:s31+$0x1A70];
	v13 =	vmul.f32 v44, v45;
	[tilespmem:s31+$0x19E0] =	vst v14  }
0x86: {  	v58 =	vld [tilespmem:s31+$0x1A80];
	v11 =	vmul.f32 v49, v54;
	[tilespmem:s31+$0x19F0] =	vst v15  }
0x87: {  	v59 =	vld [tilespmem:s31+$0x1A90];
	v9 =	vmul.f32 v50, v54;
	[tilespmem:s31+$0x19C0] =	vst v13  }
0x88: {  	v60 =	vld [tilespmem:s31+$0x1AA0];
	v10 =	vmul.f32 v51, v54;
	[tilespmem:s31+$0x1A00] =	vst v11  }
0x89: {  	v61 =	vld [tilespmem:s31+$0x1AB0];
	v12 =	vmul.f32 v53, v54;
	[tilespmem:s31+$0x1A10] =	vst v9  }
0x8a: {  	v62 =	vld [tilespmem:s31+$0x1AC0];
	v14 =	vmul.f32 v55, v54;
	[tilespmem:s31+$0x1A20] =	vst v10  }
0x8b: {  	v20 =	vld [tilespmem:s31+$0x1AD0];
	v15 =	vmul.f32 v56, v54;
	[tilespmem:s31+$0x1A40] =	vst v12  }
0x8c: {  	v21 =	vld [tilespmem:s31+$0x1AE0];
	v63 =	vbroadcast v3, $0x5;
	v13 =	vmul.f32 v52, v54;
	[tilespmem:s31+$0x1A50] =	vst v14  }
0x8d: {  	v22 =	vld [tilespmem:s31+$0x1AF0];
	v11 =	vmul.f32 v57, v54;
	[tilespmem:s31+$0x1A60] =	vst v15  }
0x8e: {  	v23 =	vld [tilespmem:s31+$0x1B00];
	v9 =	vmul.f32 v58, v63;
	[tilespmem:s31+$0x1A30] =	vst v13  }
0x8f: {  	v24 =	vld [tilespmem:s31+$0x1B10];
	v10 =	vmul.f32 v59, v63;
	[tilespmem:s31+$0x1A70] =	vst v11  }
0x90: {  	v25 =	vld [tilespmem:s31+$0x1B20];
	v12 =	vmul.f32 v61, v63;
	[tilespmem:s31+$0x1A80] =	vst v9  }
0x91: {  	v29 =	vld [tilespmem:s31+$0x1B50];
	v14 =	vmul.f32 v62, v63;
	[tilespmem:s31+$0x1A90] =	vst v10  }
0x92: {  	v30 =	vld [tilespmem:s31+$0x1B60];
	v15 =	vmul.f32 v20, v63;
	[tilespmem:s31+$0x1AB0] =	vst v12  }
0x93: {  	v26 =	vld [tilespmem:s31+$0x1B30];
	v13 =	vmul.f32 v60, v63;
	[tilespmem:s31+$0x1AC0] =	vst v14  }
0x94: {  	v27 =	vld [tilespmem:s31+$0x1B40];
	v28 =	vbroadcast v3, $0x6;
	v11 =	vmul.f32 v21, v63;
	[tilespmem:s31+$0x1AD0] =	vst v15  }
0x95: {  	v31 =	vld [tilespmem:s31+$0x1B70];
	v9 =	vmul.f32 v22, v63;
	[tilespmem:s31+$0x1AA0] =	vst v13  }
0x96: {  	v6 =	vld [tilespmem:s31+$0x1D80];
	v10 =	vmul.f32 v23, v28;
	[tilespmem:s31+$0x1AE0] =	vst v11  }
0x97: {  	v8 =	vld [tilespmem:s31+$0x1D90];
	v12 =	vmul.f32 v25, v28;
	[tilespmem:s31+$0x1AF0] =	vst v9  }
0x98: {  	v32 =	vld [tilespmem:s31+$0x1B80];
	v14 =	vmul.f32 v26, v28;
	[tilespmem:s31+$0x1B00] =	vst v10  }
0x99: {  	v33 =	vld [tilespmem:s31+$0x1B90];
	v15 =	vmul.f32 v27, v28;
	[tilespmem:s31+$0x1B20] =	vst v12  }
0x9a: {  	v34 =	vld [tilespmem:s31+$0x1BA0];
	v13 =	vmul.f32 v24, v28;
	[tilespmem:s31+$0x1B30] =	vst v14  }
0x9b: {  	v35 =	vld [tilespmem:s31+$0x1BB0];
	v11 =	vmul.f32 v29, v28;
	[tilespmem:s31+$0x1B40] =	vst v15  }
0x9c: {  	v37 =	vbroadcast v3, $0x7;
	v59 =	vld [tilespmem:s31+$0x1D00];
	v9 =	vmul.f32 v30, v28;
	[tilespmem:s31+$0x1B10] =	vst v13  }
0x9d: {  	v20 =	vld [tilespmem:s31+$0x1D50];
	v10 =	vmul.f32 v31, v28;
	[tilespmem:s31+$0x1B50] =	vst v11  }
0x9e: {  	v36 =	vld [tilespmem:s31+$0x1BC0];
	v12 =	vmul.f32 v33, v37;
	[tilespmem:s31+$0x1B60] =	vst v9  }
0x9f: {  	v38 =	vld [tilespmem:s31+$0x1BD0];
	v14 =	vmul.f32 v34, v37;
	[tilespmem:s31+$0x1B70] =	vst v10  }
0xa0: {  	v39 =	vld [tilespmem:s31+$0x1BE0];
	v15 =	vmul.f32 v35, v37;
	[tilespmem:s31+$0x1B90] =	vst v12  }
0xa1: {  	v40 =	vld [tilespmem:s31+$0x1BF0];
	v21 =	vmul.f32 v59, v7;
	[tilespmem:s31+$0x1BA0] =	vst v14  }
0xa2: {  	v41 =	vld [tilespmem:s31+$0x1C00];
	v28 =	vmul.f32 v20, v7;
	[tilespmem:s31+$0x1BB0] =	vst v15  }
0xa3: {  	v42 =	vld [tilespmem:s31+$0x1C10];
	v13 =	vmul.f32 v32, v37;
	[tilespmem:s31+$0x1D00] =	vst v21  }
0xa4: {  	v43 =	vld [tilespmem:s31+$0x1C20];
	v11 =	vmul.f32 v36, v37;
	[tilespmem:s31+$0x1D50] =	vst v28  }
0xa5: {  	v5 =	vld [tilespmem:s31+$0x1FD0];
	v46 =	vbroadcast v3, $0x8;
	v9 =	vmul.f32 v38, v37;
	[tilespmem:s31+$0x1B80] =	vst v13  }
0xa6: {  	v47 =	vld [tilespmem:s31+$0x1C50];
	v10 =	vmul.f32 v39, v37;
	[tilespmem:s31+$0x1BC0] =	vst v11  }
0xa7: {  	v63 =	vld [tilespmem:s31+$0x1D40];
	v12 =	vmul.f32 v41, v46;
	[tilespmem:s31+$0x1BD0] =	vst v9  }
0xa8: {  	v23 =	vld [tilespmem:s31+$0x1800];
	v31 =	vbroadcast v3, $0xB;
	v14 =	vmul.f32 v42, v46;
	[tilespmem:s31+$0x1BE0] =	vst v10  }
0xa9: {  	v48 =	vld [tilespmem:s31+$0x1C60];
	v15 =	vmul.f32 v43, v46;
	[tilespmem:s31+$0x1C00] =	vst v12  }
0xaa: {  	v44 =	vld [tilespmem:s31+$0x1C30];
	v6 =	vmul.f32 v6, v31;
	[tilespmem:s31+$0x1C10] =	vst v14  }
0xab: {  	v45 =	vld [tilespmem:s31+$0x1C40];
	v8 =	vmul.f32 v8, v31;
	[tilespmem:s31+$0x1C20] =	vst v15  }
0xac: {  	v49 =	vld [tilespmem:s31+$0x1C70];
	v26 =	vmul.f32 v63, v7;
	[tilespmem:s31+$0x1D80] =	vst v6  }
0xad: {  	v50 =	vld [tilespmem:s31+$0x1C80];
	v32 =	vmul.f32 v4, v23;
	[tilespmem:s31+$0x1D90] =	vst v8  }
0xae: {  	v51 =	vld [tilespmem:s31+$0x1C90];
	v13 =	vmul.f32 v40, v37;
	[tilespmem:s31+$0x1D40] =	vst v26  }
0xaf: {  	v53 =	vld [tilespmem:s31+$0x1CB0];
	v11 =	vmul.f32 v44, v46;
	[tilespmem:s31+$0x1800] =	vst v32  }
0xb0: {  	v33 =	vld [tilespmem:s31+$0x1DD0];
	v9 =	vmul.f32 v45, v46;
	[tilespmem:s31+$0x1BF0] =	vst v13  }
0xb1: {  	v55 =	vbroadcast v3, $0x9;
	v34 =	vld [tilespmem:s31+$0x1DE0];
	v10 =	vmul.f32 v47, v46;
	[tilespmem:s31+$0x1C30] =	vst v11  }
0xb2: {  	v35 =	vld [tilespmem:s31+$0x1DF0];
	v12 =	vmul.f32 v49, v46;
	[tilespmem:s31+$0x1C40] =	vst v9  }
0xb3: {  	v52 =	vld [tilespmem:s31+$0x1CA0];
	v14 =	vmul.f32 v50, v55;
	[tilespmem:s31+$0x1C50] =	vst v10  }
0xb4: {  	v54 =	vld [tilespmem:s31+$0x1CC0];
	v15 =	vmul.f32 v51, v55;
	[tilespmem:s31+$0x1C70] =	vst v12  }
0xb5: {  	v57 =	vld [tilespmem:s31+$0x1CE0];
	v38 =	vmul.f32 v33, v31;
	[tilespmem:s31+$0x1C80] =	vst v14  }
0xb6: {  	v58 =	vld [tilespmem:s31+$0x1CF0];
	v45 =	vmul.f32 v34, v31;
	[tilespmem:s31+$0x1C90] =	vst v15  }
0xb7: {  	v61 =	vld [tilespmem:s31+$0x1D20];
	v8 =	vmul.f32 v35, v31;
	[tilespmem:s31+$0x1DD0] =	vst v38  }
0xb8: {  	v62 =	vld [tilespmem:s31+$0x1D30];
	v13 =	vmul.f32 v48, v46;
	[tilespmem:s31+$0x1DE0] =	vst v45  }
0xb9: {  	v36 =	vld [tilespmem:s31+$0x1E00];
	v11 =	vmul.f32 v52, v55;
	[tilespmem:s31+$0x1DF0] =	vst v8  }
0xba: {  	v60 =	vld [tilespmem:s31+$0x1D10];
	v9 =	vmul.f32 v53, v55;
	[tilespmem:s31+$0x1C60] =	vst v13  }
0xbb: {  	v22 =	vld [tilespmem:s31+$0x1D60];
	v41 =	vbroadcast v3, $0xC;
	v10 =	vmul.f32 v54, v55;
	[tilespmem:s31+$0x1CA0] =	vst v11  }
0xbc: {  	v56 =	vld [tilespmem:s31+$0x1CD0];
	v6 =	vbroadcast v3, $0xF;
	v12 =	vmul.f32 v57, v55;
	[tilespmem:s31+$0x1CB0] =	vst v9  }
0xbd: {  	v14 =	vmul.f32 v58, v55;
	[tilespmem:s31+$0x1CC0] =	vst v10  }
0xbe: {  	v5 =	vmul.f32 v5, v6;
	v17 =	vmul.f32 v36, v41;
	[tilespmem:s31+$0x1CE0] =	vst v12  }
0xbf: {  	[tilespmem:s31+$0x1CF0] =	vst v14;
	v11 =	vmul.f32 v60, v7;
	v9 =	vmul.f32 v61, v7  }
0xc0: {  	v24 =	vld [tilespmem:s31+$0x1810];
	v10 =	vmul.f32 v62, v7;
	v7 =	vmul.f32 v22, v7;
	[tilespmem:s31+$0x1FD0] =	vst v5  }
0xc1: {  	v25 =	vld [tilespmem:s31+$0x1840];
	v13 =	vmul.f32 v56, v55;
	[tilespmem:s31+$0x1E00] =	vst v17  }
0xc2: {  	[tilespmem:s31+$0x1D60] =	vst v7;
	v7 =	vld [tilespmem:s31+$0x1DC0]  }
0xc3: {  	v27 =	vld [tilespmem:s31+$0x1850];
	[tilespmem:s31+$0x1CD0] =	vst v13  }
0xc4: {  	v43 =	vld [tilespmem:s31+$0x1E70];
	[tilespmem:s31+$0x1D10] =	vst v11  }
0xc5: {  	v50 =	vld [tilespmem:s31+$0x1EE0];
	v14 =	vmul.f32 v24, v4;
	[tilespmem:s31+$0x1D20] =	vst v9  }
0xc6: {  	v29 =	vld [tilespmem:s31+$0x1DA0];
	v5 =	vmul.f32 v25, v4;
	[tilespmem:s31+$0x1D30] =	vst v10  }
0xc7: {  	v30 =	vld [tilespmem:s31+$0x1DB0];
	[tilespmem:s31+$0x1810] =	vst v14;
	v7 =	vmul.f32 v7, v31  }
0xc8: {  	v37 =	vld [tilespmem:s31+$0x1E10];
	v49 =	vbroadcast v3, $0xD;
	v4 =	vmul.f32 v27, v4;
	[tilespmem:s31+$0x1840] =	vst v5  }
0xc9: {  	v17 =	vmul.f32 v43, v41;
	[tilespmem:s31+$0x1DC0] =	vst v7;
	v7 =	vld [tilespmem:s31+$0x1E60]  }
0xca: {  	v40 =	vld [tilespmem:s31+$0x1E40];
	v55 =	vmul.f32 v50, v49;
	[tilespmem:s31+$0x1850] =	vst v4  }
0xcb: {  	v46 =	vld [tilespmem:s31+$0x1EA0];
	v9 =	vmul.f32 v29, v31;
	[tilespmem:s31+$0x1E70] =	vst v17  }
0xcc: {  	v10 =	vmul.f32 v30, v31;
	v4 =	vld [tilespmem:s31+$0x1E90];
	[tilespmem:s31+$0x1EE0] =	vst v55  }
0xcd: {  	v53 =	vld [tilespmem:s31+$0x1F20];
	v11 =	vmul.f32 v37, v41;
	[tilespmem:s31+$0x1DA0] =	vst v9  }
0xce: {  	v54 =	vld [tilespmem:s31+$0x1F30];
	[tilespmem:s31+$0x1DB0] =	vst v10;
	v7 =	vmul.f32 v7, v41  }
0xcf: {  	v42 =	vld [tilespmem:s31+$0x1E50];
	v14 =	vmul.f32 v40, v41;
	[tilespmem:s31+$0x1E10] =	vst v11  }
0xd0: {  	v3 =	vbroadcast v3, $0xE;
	v13 =	vmul.f32 v46, v49;
	[tilespmem:s31+$0x1E60] =	vst v7;
	v7 =	vld [tilespmem:s31+$0x1ED0]  }
0xd1: {  	v44 =	vld [tilespmem:s31+$0x1E80];
	[tilespmem:s31+$0x1E40] =	vst v14;
	v4 =	vmul.f32 v4, v49  }
0xd2: {  	v47 =	vld [tilespmem:s31+$0x1EB0];
	v12 =	vmul.f32 v53, v3;
	[tilespmem:s31+$0x1EA0] =	vst v13  }
0xd3: {  	v8 =	vmul.f32 v54, v3;
	[tilespmem:s31+$0x1E90] =	vst v4;
	v4 =	vld [tilespmem:s31+$0x1F00]  }
0xd4: {  	v52 =	vld [tilespmem:s31+$0x1F10];
	v10 =	vmul.f32 v42, v41;
	[tilespmem:s31+$0x1F20] =	vst v12  }
0xd5: {  	v60 =	vld [tilespmem:s31+$0x1FA0];
	[tilespmem:s31+$0x1F30] =	vst v8;
	v7 =	vmul.f32 v7, v49  }
0xd6: {  	v51 =	vld [tilespmem:s31+$0x1EF0];
	v11 =	vmul.f32 v44, v49;
	[tilespmem:s31+$0x1E50] =	vst v10  }
0xd7: {  	v14 =	vmul.f32 v47, v49;
	[tilespmem:s31+$0x1ED0] =	vst v7;
	v7 =	vld [tilespmem:s31+$0x1F40]  }
0xd8: {  	v48 =	vld [tilespmem:s31+$0x1EC0];
	[tilespmem:s31+$0x1E80] =	vst v11;
	v4 =	vmul.f32 v4, v3  }
0xd9: {  	v58 =	vld [tilespmem:s31+$0x1F80];
	v13 =	vmul.f32 v52, v3;
	[tilespmem:s31+$0x1EB0] =	vst v14  }
0xda: {  	v8 =	vmul.f32 v60, v6;
	[tilespmem:s31+$0x1F00] =	vst v4;
	v4 =	vld [tilespmem:s31+$0x1F70]  }
0xdb: {  	v57 =	vld [tilespmem:s31+$0x1F60];
	v11 =	vmul.f32 v51, v49;
	[tilespmem:s31+$0x1F10] =	vst v13  }
0xdc: {  	v59 =	vld [tilespmem:s31+$0x1F90];
	[tilespmem:s31+$0x1FA0] =	vst v8;
	v7 =	vmul.f32 v7, v3  }
0xdd: {  	v56 =	vld [tilespmem:s31+$0x1F50];
	v10 =	vmul.f32 v48, v49;
	[tilespmem:s31+$0x1EF0] =	vst v11  }
0xde: {  	v13 =	vmul.f32 v58, v6;
	[tilespmem:s31+$0x1F40] =	vst v7;
	v7 =	vld [tilespmem:s31+$0x1FB0]  }
0xdf: {  	v39 =	vld [tilespmem:s31+$0x1E30];
	[tilespmem:s31+$0x1EC0] =	vst v10;
	v4 =	vmul.f32 v4, v3  }
0xe0: {  	v61 =	vld [tilespmem:s31+$0x1FC0];
	v11 =	vmul.f32 v57, v3;
	[tilespmem:s31+$0x1F80] =	vst v13  }
0xe1: {  	v63 =	vld [tilespmem:s31+$0x1FF0];
	[tilespmem:s31+$0x1F70] =	vst v4;
	v4 =	vmul.f32 v59, v6  }
0xe2: {  	v62 =	vld [tilespmem:s31+$0x1FE0];
	[tilespmem:s31+$0x1F60] =	vst v11;
	v3 =	vmul.f32 v56, v3  }
0xe3: {  	[tilespmem:s31+$0x1F90] =	vst v4;
	v4 =	vmul.f32 v7, v6  }
0xe4: {  	v5 =	vld [tilespmem:s31+$0x1E20];
	[tilespmem:s31+$0x1F50] =	vst v3;
	v7 =	vmul.f32 v39, v41  }
0xe5: {  	[tilespmem:s31+$0x1FB0] =	vst v4;
	v4 =	vmul.f32 v61, v6  }
0xe6: {  	[tilespmem:s31+$0x1E30] =	vst v7;
	v7 =	vmul.f32 v63, v6  }
0xe7: {  	v6 =	vmul.f32 v62, v6;
	[tilespmem:s31+$0x1FC0] =	vst v4  }
0xe8: {  	[tilespmem:s31+$0x1FF0] =	vst v7  }
0xe9: {  	s0 =	simm.s32 $0x1;
	v4 =	vmul.f32 v5, v41;
	[tilespmem:s31+$0x1FE0] =	vst v6  }
.LBB2_10:
0xea: {  	s7 =	sshll.u32 s0, $0x4  }
0xeb: {  	p1 =	sne.s32 s0, $0x4;
	[tilespmem:s31+$0x1E20] =	vst v4;
	s31 =	smov.u32 s0;
	s0 =	sadd.s32 $0x1, s0  }
0xec: {  	s7 =	sand.u32 $0x3FFFFFF0, s7  }
0xed: {  	v3 =	vld.idx.msk [tilespmem:v2+s7+$0x0 ss:$0x1], $0xffff  }
0xee: {  	s7 =	sshll.u32 s31, $0xB  }
0xef: {  	s31 =	sand.u32 $0x3FFFF800, s7  }
0xf0: {  	v10 =	vld [tilespmem:s31+$0x18C0]  }
0xf1: {  	v11 =	vld [tilespmem:s31+$0x18D0]  }
0xf2: {  	v12 =	vld [tilespmem:s31+$0x18B0]  }
0xf3: {  	v4 =	vbroadcast v3, $0x0;
	v9 =	vbroadcast v3, $0x4;
	v5 =	vld [tilespmem:s31+$0x1820]  }
0xf4: {  	v7 =	vld [tilespmem:s31+$0x1830]  }
0xf5: {  	v8 =	vld [tilespmem:s31+$0x1D70]  }
0xf6: {  	v13 =	vld [tilespmem:s31+$0x1860]  }
0xf7: {  	v14 =	vld [tilespmem:s31+$0x1870]  }
0xf8: {  	v6 =	vbroadcast v3, $0xA;
	v5 =	vmul.f32 v5, v4;
	v15 =	vld [tilespmem:s31+$0x1880]  }
0xf9: {  	v7 =	vmul.f32 v7, v4;
	v16 =	vld [tilespmem:s31+$0x1890]  }
0xfa: {  	[tilespmem:s31+$0x1820] =	vst v5;
	v17 =	vld [tilespmem:s31+$0x18A0];
	v5 =	vmul.f32 v8, v6  }
0xfb: {  	[tilespmem:s31+$0x1830] =	vst v7;
	v8 =	vmul.f32 v13, v4;
	v13 =	vbroadcast v3, $0x1;
	v7 =	vld [tilespmem:s31+$0x1D80]  }
0xfc: {  	v14 =	vmul.f32 v14, v4;
	[tilespmem:s31+$0x1D70] =	vst v5;
	v5 =	vld [tilespmem:s31+$0x1FD0]  }
0xfd: {  	[tilespmem:s31+$0x1860] =	vst v8;
	v15 =	vmul.f32 v15, v13;
	v8 =	vld [tilespmem:s31+$0x1D90]  }
0xfe: {  	[tilespmem:s31+$0x1870] =	vst v14;
	v14 =	vmul.f32 v16, v13;
	v16 =	vld [tilespmem:s31+$0x18E0]  }
0xff: {  	[tilespmem:s31+$0x1880] =	vst v15;
	v15 =	vmul.f32 v17, v13;
	v17 =	vld [tilespmem:s31+$0x18F0]  }
0x100: {  	v12 =	vmul.f32 v12, v13;
	[tilespmem:s31+$0x1890] =	vst v14;
	v14 =	vld [tilespmem:s31+$0x1900]  }
0x101: {  	v10 =	vmul.f32 v10, v13;
	[tilespmem:s31+$0x18A0] =	vst v15;
	v15 =	vld [tilespmem:s31+$0x1910]  }
0x102: {  	v11 =	vmul.f32 v11, v13;
	[tilespmem:s31+$0x18B0] =	vst v12;
	v12 =	vld [tilespmem:s31+$0x1920]  }
0x103: {  	[tilespmem:s31+$0x18C0] =	vst v10;
	v10 =	vmul.f32 v16, v13;
	v16 =	vbroadcast v3, $0x2;
	v18 =	vld [tilespmem:s31+$0x1930]  }
0x104: {  	[tilespmem:s31+$0x18D0] =	vst v11;
	v11 =	vmul.f32 v17, v13;
	v13 =	vld [tilespmem:s31+$0x1940]  }
0x105: {  	[tilespmem:s31+$0x18E0] =	vst v10;
	v10 =	vmul.f32 v14, v16;
	v14 =	vld [tilespmem:s31+$0x1950]  }
0x106: {  	[tilespmem:s31+$0x18F0] =	vst v11;
	v11 =	vmul.f32 v15, v16;
	v15 =	vld [tilespmem:s31+$0x1960]  }
0x107: {  	[tilespmem:s31+$0x1900] =	vst v10;
	v10 =	vmul.f32 v12, v16;
	v12 =	vld [tilespmem:s31+$0x1970]  }
0x108: {  	[tilespmem:s31+$0x1910] =	vst v11;
	v11 =	vmul.f32 v18, v16;
	v17 =	vld [tilespmem:s31+$0x1980]  }
0x109: {  	[tilespmem:s31+$0x1920] =	vst v10;
	v10 =	vmul.f32 v13, v16;
	v13 =	vld [tilespmem:s31+$0x1990]  }
0x10a: {  	[tilespmem:s31+$0x1930] =	vst v11;
	v11 =	vmul.f32 v14, v16;
	v14 =	vld [tilespmem:s31+$0x19A0]  }
0x10b: {  	[tilespmem:s31+$0x1940] =	vst v10;
	v10 =	vmul.f32 v15, v16;
	v15 =	vbroadcast v3, $0x3;
	v18 =	vld [tilespmem:s31+$0x19B0]  }
0x10c: {  	[tilespmem:s31+$0x1950] =	vst v11;
	v11 =	vmul.f32 v12, v16;
	v12 =	vld [tilespmem:s31+$0x19C0]  }
0x10d: {  	[tilespmem:s31+$0x1960] =	vst v10;
	v10 =	vmul.f32 v17, v15;
	v16 =	vld [tilespmem:s31+$0x19D0]  }
0x10e: {  	[tilespmem:s31+$0x1970] =	vst v11;
	v11 =	vmul.f32 v13, v15;
	v13 =	vld [tilespmem:s31+$0x19E0]  }
0x10f: {  	[tilespmem:s31+$0x1980] =	vst v10;
	v10 =	vmul.f32 v14, v15;
	v14 =	vld [tilespmem:s31+$0x19F0]  }
0x110: {  	[tilespmem:s31+$0x1990] =	vst v11;
	v11 =	vmul.f32 v18, v15;
	v17 =	vld [tilespmem:s31+$0x1A00]  }
0x111: {  	[tilespmem:s31+$0x19A0] =	vst v10;
	v10 =	vmul.f32 v12, v15;
	v12 =	vld [tilespmem:s31+$0x1A10]  }
0x112: {  	[tilespmem:s31+$0x19B0] =	vst v11;
	v11 =	vmul.f32 v16, v15;
	v16 =	vld [tilespmem:s31+$0x1A20]  }
0x113: {  	[tilespmem:s31+$0x19C0] =	vst v10;
	v10 =	vmul.f32 v13, v15;
	v13 =	vld [tilespmem:s31+$0x1A30]  }
0x114: {  	[tilespmem:s31+$0x19D0] =	vst v11;
	v11 =	vmul.f32 v14, v15;
	v14 =	vld [tilespmem:s31+$0x1A40]  }
0x115: {  	[tilespmem:s31+$0x19E0] =	vst v10;
	v10 =	vmul.f32 v17, v9;
	v15 =	vld [tilespmem:s31+$0x1A50]  }
0x116: {  	[tilespmem:s31+$0x19F0] =	vst v11;
	v11 =	vmul.f32 v12, v9;
	v12 =	vld [tilespmem:s31+$0x1A60]  }
0x117: {  	[tilespmem:s31+$0x1A00] =	vst v10;
	v10 =	vmul.f32 v16, v9;
	v16 =	vld [tilespmem:s31+$0x1A70]  }
0x118: {  	[tilespmem:s31+$0x1A10] =	vst v11;
	v11 =	vmul.f32 v13, v9;
	v13 =	vld [tilespmem:s31+$0x1A80]  }
0x119: {  	[tilespmem:s31+$0x1A20] =	vst v10;
	v10 =	vmul.f32 v14, v9;
	v14 =	vld [tilespmem:s31+$0x1A90]  }
0x11a: {  	[tilespmem:s31+$0x1A30] =	vst v11;
	v11 =	vmul.f32 v15, v9;
	v15 =	vld [tilespmem:s31+$0x1AA0]  }
0x11b: {  	[tilespmem:s31+$0x1A40] =	vst v10;
	v10 =	vmul.f32 v12, v9;
	v12 =	vbroadcast v3, $0x5;
	v17 =	vld [tilespmem:s31+$0x1AB0]  }
0x11c: {  	[tilespmem:s31+$0x1A50] =	vst v11;
	v9 =	vmul.f32 v16, v9;
	v11 =	vld [tilespmem:s31+$0x1AC0]  }
0x11d: {  	[tilespmem:s31+$0x1A60] =	vst v10;
	v10 =	vmul.f32 v13, v12;
	v13 =	vld [tilespmem:s31+$0x1AD0]  }
0x11e: {  	[tilespmem:s31+$0x1A70] =	vst v9;
	v9 =	vmul.f32 v14, v12;
	v14 =	vld [tilespmem:s31+$0x1AE0]  }
0x11f: {  	[tilespmem:s31+$0x1A80] =	vst v10;
	v10 =	vmul.f32 v15, v12;
	v15 =	vld [tilespmem:s31+$0x1AF0]  }
0x120: {  	[tilespmem:s31+$0x1A90] =	vst v9;
	v9 =	vmul.f32 v17, v12;
	v16 =	vld [tilespmem:s31+$0x1B00]  }
0x121: {  	[tilespmem:s31+$0x1AA0] =	vst v10;
	v10 =	vmul.f32 v11, v12;
	v11 =	vld [tilespmem:s31+$0x1B10]  }
0x122: {  	[tilespmem:s31+$0x1AB0] =	vst v9;
	v9 =	vmul.f32 v13, v12;
	v13 =	vld [tilespmem:s31+$0x1B20]  }
0x123: {  	[tilespmem:s31+$0x1AC0] =	vst v10;
	v10 =	vmul.f32 v14, v12;
	v14 =	vbroadcast v3, $0x6;
	v17 =	vld [tilespmem:s31+$0x1B30]  }
0x124: {  	[tilespmem:s31+$0x1AD0] =	vst v9;
	v9 =	vmul.f32 v15, v12;
	v12 =	vld [tilespmem:s31+$0x1B40]  }
0x125: {  	[tilespmem:s31+$0x1AE0] =	vst v10;
	v10 =	vmul.f32 v16, v14;
	v15 =	vld [tilespmem:s31+$0x1B50]  }
0x126: {  	[tilespmem:s31+$0x1AF0] =	vst v9;
	v9 =	vmul.f32 v11, v14;
	v11 =	vld [tilespmem:s31+$0x1B60]  }
0x127: {  	[tilespmem:s31+$0x1B00] =	vst v10;
	v10 =	vmul.f32 v13, v14;
	v13 =	vld [tilespmem:s31+$0x1B70]  }
0x128: {  	[tilespmem:s31+$0x1B10] =	vst v9;
	v9 =	vmul.f32 v17, v14;
	v16 =	vld [tilespmem:s31+$0x1B80]  }
0x129: {  	[tilespmem:s31+$0x1B20] =	vst v10;
	v10 =	vmul.f32 v12, v14;
	v12 =	vld [tilespmem:s31+$0x1B90]  }
0x12a: {  	[tilespmem:s31+$0x1B30] =	vst v9;
	v9 =	vmul.f32 v15, v14;
	v15 =	vld [tilespmem:s31+$0x1BA0]  }
0x12b: {  	[tilespmem:s31+$0x1B40] =	vst v10;
	v10 =	vmul.f32 v11, v14;
	v11 =	vbroadcast v3, $0x7;
	v17 =	vld [tilespmem:s31+$0x1BB0]  }
0x12c: {  	[tilespmem:s31+$0x1B50] =	vst v9;
	v9 =	vmul.f32 v13, v14;
	v13 =	vld [tilespmem:s31+$0x1BC0]  }
0x12d: {  	[tilespmem:s31+$0x1B60] =	vst v10;
	v10 =	vmul.f32 v16, v11;
	v14 =	vld [tilespmem:s31+$0x1BD0]  }
0x12e: {  	[tilespmem:s31+$0x1B70] =	vst v9;
	v9 =	vmul.f32 v12, v11;
	v12 =	vld [tilespmem:s31+$0x1BE0]  }
0x12f: {  	[tilespmem:s31+$0x1B80] =	vst v10;
	v10 =	vmul.f32 v15, v11;
	v15 =	vld [tilespmem:s31+$0x1BF0]  }
0x130: {  	[tilespmem:s31+$0x1B90] =	vst v9;
	v9 =	vmul.f32 v17, v11;
	v16 =	vld [tilespmem:s31+$0x1C00]  }
0x131: {  	[tilespmem:s31+$0x1BA0] =	vst v10;
	v10 =	vmul.f32 v13, v11;
	v13 =	vld [tilespmem:s31+$0x1C10]  }
0x132: {  	[tilespmem:s31+$0x1BB0] =	vst v9;
	v9 =	vmul.f32 v14, v11;
	v14 =	vld [tilespmem:s31+$0x1C20]  }
0x133: {  	[tilespmem:s31+$0x1BC0] =	vst v10;
	v10 =	vmul.f32 v12, v11;
	v12 =	vbroadcast v3, $0x8;
	v17 =	vld [tilespmem:s31+$0x1C30]  }
0x134: {  	[tilespmem:s31+$0x1BD0] =	vst v9;
	v9 =	vmul.f32 v15, v11;
	v11 =	vld [tilespmem:s31+$0x1C40]  }
0x135: {  	[tilespmem:s31+$0x1BE0] =	vst v10;
	v10 =	vmul.f32 v16, v12;
	v15 =	vld [tilespmem:s31+$0x1C50]  }
0x136: {  	[tilespmem:s31+$0x1BF0] =	vst v9;
	v9 =	vmul.f32 v13, v12;
	v13 =	vld [tilespmem:s31+$0x1C60]  }
0x137: {  	[tilespmem:s31+$0x1C00] =	vst v10;
	v10 =	vmul.f32 v14, v12;
	v14 =	vld [tilespmem:s31+$0x1C70]  }
0x138: {  	[tilespmem:s31+$0x1C10] =	vst v9;
	v9 =	vmul.f32 v17, v12;
	v16 =	vld [tilespmem:s31+$0x1C80]  }
0x139: {  	[tilespmem:s31+$0x1C20] =	vst v10;
	v10 =	vmul.f32 v11, v12;
	v11 =	vld [tilespmem:s31+$0x1C90]  }
0x13a: {  	[tilespmem:s31+$0x1C30] =	vst v9;
	v9 =	vmul.f32 v15, v12;
	v15 =	vld [tilespmem:s31+$0x1CA0]  }
0x13b: {  	[tilespmem:s31+$0x1C40] =	vst v10;
	v10 =	vmul.f32 v13, v12;
	v13 =	vbroadcast v3, $0x9;
	v17 =	vld [tilespmem:s31+$0x1CB0]  }
0x13c: {  	[tilespmem:s31+$0x1C50] =	vst v9;
	v9 =	vmul.f32 v14, v12;
	v12 =	vld [tilespmem:s31+$0x1CC0]  }
0x13d: {  	[tilespmem:s31+$0x1C60] =	vst v10;
	v10 =	vmul.f32 v16, v13;
	v14 =	vld [tilespmem:s31+$0x1CD0]  }
0x13e: {  	[tilespmem:s31+$0x1C70] =	vst v9;
	v9 =	vmul.f32 v11, v13;
	v11 =	vld [tilespmem:s31+$0x1CE0]  }
0x13f: {  	[tilespmem:s31+$0x1C80] =	vst v10;
	v10 =	vmul.f32 v15, v13;
	v15 =	vld [tilespmem:s31+$0x1CF0]  }
0x140: {  	[tilespmem:s31+$0x1C90] =	vst v9;
	v9 =	vmul.f32 v17, v13;
	v16 =	vld [tilespmem:s31+$0x1D00]  }
0x141: {  	[tilespmem:s31+$0x1CA0] =	vst v10;
	v10 =	vmul.f32 v12, v13;
	v12 =	vld [tilespmem:s31+$0x1D10]  }
0x142: {  	[tilespmem:s31+$0x1CB0] =	vst v9;
	v9 =	vmul.f32 v14, v13;
	v14 =	vld [tilespmem:s31+$0x1D20]  }
0x143: {  	[tilespmem:s31+$0x1CC0] =	vst v10;
	v10 =	vmul.f32 v11, v13;
	v11 =	vld [tilespmem:s31+$0x1D30]  }
0x144: {  	[tilespmem:s31+$0x1CD0] =	vst v9;
	v9 =	vmul.f32 v15, v13;
	v13 =	vld [tilespmem:s31+$0x1D40]  }
0x145: {  	[tilespmem:s31+$0x1CE0] =	vst v10;
	v10 =	vmul.f32 v16, v6;
	v15 =	vld [tilespmem:s31+$0x1D50]  }
0x146: {  	[tilespmem:s31+$0x1CF0] =	vst v9;
	v9 =	vmul.f32 v12, v6;
	v12 =	vld [tilespmem:s31+$0x1D60]  }
0x147: {  	v16 =	vld [tilespmem:s31+$0x1800];
	[tilespmem:s31+$0x1D00] =	vst v10;
	v10 =	vmul.f32 v14, v6  }
0x148: {  	v14 =	vld [tilespmem:s31+$0x1810];
	[tilespmem:s31+$0x1D10] =	vst v9;
	v9 =	vmul.f32 v11, v6  }
0x149: {  	v11 =	vld [tilespmem:s31+$0x1840];
	[tilespmem:s31+$0x1D20] =	vst v10;
	v10 =	vmul.f32 v13, v6  }
0x14a: {  	v13 =	vld [tilespmem:s31+$0x1850];
	[tilespmem:s31+$0x1D30] =	vst v9;
	v9 =	vmul.f32 v15, v6  }
0x14b: {  	[tilespmem:s31+$0x1D40] =	vst v10;
	v10 =	vmul.f32 v12, v6;
	v12 =	vbroadcast v3, $0xB;
	v15 =	vld [tilespmem:s31+$0x1DA0]  }
0x14c: {  	v6 =	vbroadcast v3, $0xF;
	v16 =	vmul.f32 v4, v16;
	[tilespmem:s31+$0x1D50] =	vst v9;
	v9 =	vld [tilespmem:s31+$0x1DB0]  }
0x14d: {  	v14 =	vmul.f32 v14, v4;
	[tilespmem:s31+$0x1D60] =	vst v10;
	v7 =	vmul.f32 v7, v12;
	v10 =	vld [tilespmem:s31+$0x1DC0]  }
0x14e: {  	v8 =	vmul.f32 v8, v12;
	[tilespmem:s31+$0x1800] =	vst v16;
	v11 =	vmul.f32 v11, v4;
	v16 =	vld [tilespmem:s31+$0x1DD0]  }
0x14f: {  	v5 =	vmul.f32 v5, v6;
	v13 =	vmul.f32 v13, v4;
	[tilespmem:s31+$0x1D80] =	vst v7;
	v4 =	vld [tilespmem:s31+$0x1DE0]  }
0x150: {  	[tilespmem:s31+$0x1D90] =	vst v8;
	v7 =	vmul.f32 v15, v12;
	v8 =	vld [tilespmem:s31+$0x1DF0]  }
0x151: {  	v9 =	vmul.f32 v9, v12;
	v15 =	vld [tilespmem:s31+$0x1E00];
	[tilespmem:s31+$0x1FD0] =	vst v5  }
0x152: {  	[tilespmem:s31+$0x1810] =	vst v14;
	v5 =	vmul.f32 v10, v12;
	v10 =	vld [tilespmem:s31+$0x1E10]  }
0x153: {  	[tilespmem:s31+$0x1840] =	vst v11;
	v11 =	vmul.f32 v16, v12;
	v14 =	vld [tilespmem:s31+$0x1E20]  }
0x154: {  	v16 =	vbroadcast v3, $0xC;
	[tilespmem:s31+$0x1DA0] =	vst v7;
	v7 =	vmul.f32 v4, v12;
	v17 =	vld [tilespmem:s31+$0x1E30]  }
0x155: {  	[tilespmem:s31+$0x1DD0] =	vst v11;
	v8 =	vmul.f32 v8, v12;
	v11 =	vld [tilespmem:s31+$0x1E40]  }
0x156: {  	[tilespmem:s31+$0x1DB0] =	vst v9;
	v4 =	vmul.f32 v15, v16;
	v9 =	vld [tilespmem:s31+$0x1E50]  }
0x157: {  	[tilespmem:s31+$0x1DC0] =	vst v5;
	v5 =	vmul.f32 v10, v16;
	v10 =	vld [tilespmem:s31+$0x1E60]  }
0x158: {  	[tilespmem:s31+$0x1E00] =	vst v4;
	v4 =	vmul.f32 v14, v16;
	v12 =	vld [tilespmem:s31+$0x1E70]  }
0x159: {  	[tilespmem:s31+$0x1E10] =	vst v5;
	v5 =	vld [tilespmem:s31+$0x1E80]  }
0x15a: {  	[tilespmem:s31+$0x1850] =	vst v13;
	v11 =	vmul.f32 v11, v16;
	v13 =	vld [tilespmem:s31+$0x1E90]  }
0x15b: {  	[tilespmem:s31+$0x1DE0] =	vst v7;
	v7 =	vmul.f32 v9, v16;
	v9 =	vld [tilespmem:s31+$0x1EA0]  }
0x15c: {  	[tilespmem:s31+$0x1E40] =	vst v11;
	v10 =	vmul.f32 v10, v16;
	v11 =	vbroadcast v3, $0xD;
	v14 =	vld [tilespmem:s31+$0x1EB0]  }
0x15d: {  	[tilespmem:s31+$0x1E50] =	vst v7;
	v7 =	vmul.f32 v12, v16;
	v12 =	vld [tilespmem:s31+$0x1EC0]  }
0x15e: {  	[tilespmem:s31+$0x1E60] =	vst v10;
	v5 =	vmul.f32 v5, v11;
	v10 =	vld [tilespmem:s31+$0x1ED0]  }
0x15f: {  	[tilespmem:s31+$0x1E70] =	vst v7;
	v7 =	vmul.f32 v13, v11;
	v13 =	vld [tilespmem:s31+$0x1EE0]  }
0x160: {  	[tilespmem:s31+$0x1E80] =	vst v5;
	v5 =	vmul.f32 v9, v11;
	v9 =	vld [tilespmem:s31+$0x1EF0]  }
0x161: {  	[tilespmem:s31+$0x1E90] =	vst v7;
	v7 =	vmul.f32 v14, v11;
	v14 =	vld [tilespmem:s31+$0x1F00]  }
0x162: {  	[tilespmem:s31+$0x1EA0] =	vst v5;
	v5 =	vmul.f32 v12, v11;
	v12 =	vld [tilespmem:s31+$0x1F10]  }
0x163: {  	[tilespmem:s31+$0x1EB0] =	vst v7;
	v7 =	vmul.f32 v10, v11;
	v10 =	vld [tilespmem:s31+$0x1F20]  }
0x164: {  	v3 =	vbroadcast v3, $0xE;
	[tilespmem:s31+$0x1DF0] =	vst v8;
	v8 =	vmul.f32 v13, v11;
	v13 =	vld [tilespmem:s31+$0x1F30]  }
0x165: {  	[tilespmem:s31+$0x1ED0] =	vst v7;
	v7 =	vmul.f32 v9, v11;
	v9 =	vld [tilespmem:s31+$0x1F40]  }
0x166: {  	[tilespmem:s31+$0x1EE0] =	vst v8;
	v8 =	vmul.f32 v14, v3;
	v11 =	vld [tilespmem:s31+$0x1F50]  }
0x167: {  	[tilespmem:s31+$0x1EF0] =	vst v7;
	v7 =	vmul.f32 v12, v3;
	v12 =	vld [tilespmem:s31+$0x1F60]  }
0x168: {  	[tilespmem:s31+$0x1F00] =	vst v8;
	v8 =	vmul.f32 v10, v3;
	v10 =	vld [tilespmem:s31+$0x1F70]  }
0x169: {  	[tilespmem:s31+$0x1F10] =	vst v7;
	v7 =	vmul.f32 v13, v3;
	v13 =	vld [tilespmem:s31+$0x1F80]  }
0x16a: {  	[tilespmem:s31+$0x1F20] =	vst v8;
	v8 =	vmul.f32 v9, v3;
	v9 =	vld [tilespmem:s31+$0x1F90]  }
0x16b: {  	[tilespmem:s31+$0x1F30] =	vst v7;
	v7 =	vmul.f32 v11, v3;
	v11 =	vld [tilespmem:s31+$0x1FA0]  }
0x16c: {  	[tilespmem:s31+$0x1F40] =	vst v8;
	v8 =	vmul.f32 v12, v3;
	v12 =	vld [tilespmem:s31+$0x1FB0]  }
0x16d: {  	[tilespmem:s31+$0x1EC0] =	vst v5;
	v3 =	vmul.f32 v10, v3;
	v5 =	vld [tilespmem:s31+$0x1FC0]  }
0x16e: {  	[tilespmem:s31+$0x1F60] =	vst v8;
	v8 =	vmul.f32 v13, v6;
	v10 =	vld [tilespmem:s31+$0x1FE0]  }
0x16f: {  	[tilespmem:s31+$0x1F70] =	vst v3;
	v3 =	vmul.f32 v9, v6;
	v9 =	vld [tilespmem:s31+$0x1FF0]  }
0x170: {  	[tilespmem:s31+$0x1F80] =	vst v8;
	v8 =	vmul.f32 v11, v6  }
0x171: {  	[tilespmem:s31+$0x1F90] =	vst v3;
	v3 =	vmul.f32 v12, v6  }
0x172: {  	v11 =	vmul.f32 v17, v16;
	[tilespmem:s31+$0x1FA0] =	vst v8  }
0x173: {  	[tilespmem:s31+$0x1FB0] =	vst v3;
	v3 =	vmul.f32 v5, v6  }
.Ltmp6:
0x174: {  	[tilespmem:s31+$0x1E30] =	vst v11;
	v5 =	vmul.f32 v9, v6;
	(pc) =	sbr.rel @p1 .LBB2_10-.Ltmp6, $4  }
0x175: {  	[tilespmem:s31+$0x1FC0] =	vst v3  }
0x176: {  	v3 =	vmul.f32 v10, v6;
	[tilespmem:s31+$0x1FF0] =	vst v5  }
0x177: {  	[tilespmem:s31+$0x1F50] =	vst v7  }
0x178: {  	[tilespmem:s31+$0x1FE0] =	vst v3  }
0x179: {  	s0 =	sadd.s32 $0x1000, s30;
	[tilespmem:s31+$0x1E20] =	vst v4;
	s7 =	sadd.s32 $0x800, s29  }
0x17a: {  	[spmem:s2] =	stream.indirect.scatter.add.f32 [tilespmem:s15], [sflag:$0x3], $0x80, s7, s18, $0xb8;
	[tilespmem:$0x1A080] =	vst v63  }
0x17b: {  	v2 =	vmov s0;
	s7 =	simm.s32 $0x0;
	_ =	swait.ge [sflag:s21], $0x2800  }
0x17c: {  	s0 =	sand.u32 $0x3FFFFFF0, s7;
	s7 =	simm.s32 $0x0;
	[sflag:s21] =	ssyncset.done $0x0  }
0x17d: {  	s31 =	sand.u32 $0x3FFFF800, s7;
	[sflag:s21] =	ssyncadd.s32 $0xFFFFD800  }
0x17e: {  	v9 =	vld [tilespmem:s31+$0x40C0]  }
0x17f: {  	v10 =	vld [tilespmem:s31+$0x40D0]  }
0x180: {  	v3 =	vld.idx.msk [tilespmem:v2+s0+$0x0 ss:$0x1], $0xffff  }
0x181: {  	v11 =	vld [tilespmem:s31+$0x40B0]  }
0x182: {  	v5 =	vld [tilespmem:s31+$0x4020]  }
0x183: {  	v6 =	vld [tilespmem:s31+$0x4030]  }
0x184: {  	v12 =	vld [tilespmem:s31+$0x4060]  }
0x185: {  	v13 =	vld [tilespmem:s31+$0x4070];
	v4 =	vbroadcast v3, $0x0  }
0x186: {  	v14 =	vld [tilespmem:s31+$0x4080]  }
0x187: {  	v15 =	vld [tilespmem:s31+$0x4090];
	v5 =	vmul.f32 v5, v4  }
0x188: {  	v16 =	vld [tilespmem:s31+$0x40A0];
	v6 =	vmul.f32 v6, v4  }
0x189: {  	v8 =	vld [tilespmem:s31+$0x4570];
	v27 =	vbroadcast v3, $0x1;
	v26 =	vmul.f32 v12, v4;
	[tilespmem:s31+$0x4020] =	vst v5  }
0x18a: {  	v28 =	vld [tilespmem:s31+$0x40E0];
	v13 =	vmul.f32 v13, v4;
	[tilespmem:s31+$0x4030] =	vst v6  }
0x18b: {  	v29 =	vld [tilespmem:s31+$0x40F0];
	v14 =	vmul.f32 v14, v27;
	[tilespmem:s31+$0x4060] =	vst v26  }
0x18c: {  	v30 =	vld [tilespmem:s31+$0x4100];
	v15 =	vmul.f32 v15, v27;
	[tilespmem:s31+$0x4070] =	vst v13  }
0x18d: {  	v31 =	vld [tilespmem:s31+$0x4110];
	v16 =	vmul.f32 v16, v27;
	[tilespmem:s31+$0x4080] =	vst v14  }
0x18e: {  	v32 =	vld [tilespmem:s31+$0x4120];
	v11 =	vmul.f32 v11, v27;
	[tilespmem:s31+$0x4090] =	vst v15  }
0x18f: {  	v33 =	vld [tilespmem:s31+$0x4130];
	v9 =	vmul.f32 v9, v27;
	[tilespmem:s31+$0x40A0] =	vst v16  }
0x190: {  	v34 =	vld [tilespmem:s31+$0x4140];
	v17 =	vbroadcast v3, $0x2;
	v10 =	vmul.f32 v10, v27;
	[tilespmem:s31+$0x40B0] =	vst v11  }
0x191: {  	v35 =	vld [tilespmem:s31+$0x4150];
	v12 =	vmul.f32 v29, v27;
	[tilespmem:s31+$0x40C0] =	vst v9  }
0x192: {  	v37 =	vld [tilespmem:s31+$0x4160];
	v7 =	vbroadcast v3, $0xA;
	v36 =	vmul.f32 v30, v17;
	[tilespmem:s31+$0x40D0] =	vst v10  }
0x193: {  	v39 =	vld [tilespmem:s31+$0x4170];
	v38 =	vmul.f32 v31, v17;
	[tilespmem:s31+$0x40F0] =	vst v12  }
0x194: {  	v40 =	vld [tilespmem:s31+$0x4180];
	v5 =	vmul.f32 v8, v7;
	[tilespmem:s31+$0x4100] =	vst v36  }
0x195: {  	v41 =	vld [tilespmem:s31+$0x4190];
	v13 =	vmul.f32 v28, v27;
	[tilespmem:s31+$0x4110] =	vst v38  }
0x196: {  	v42 =	vld [tilespmem:s31+$0x41A0];
	v11 =	vmul.f32 v32, v17;
	[tilespmem:s31+$0x4570] =	vst v5  }
0x197: {  	v43 =	vld [tilespmem:s31+$0x41B0];
	v9 =	vmul.f32 v33, v17;
	[tilespmem:s31+$0x40E0] =	vst v13  }
0x198: {  	v44 =	vld [tilespmem:s31+$0x41C0];
	v10 =	vmul.f32 v34, v17;
	[tilespmem:s31+$0x4120] =	vst v11  }
0x199: {  	v46 =	vld [tilespmem:s31+$0x41D0];
	v45 =	vbroadcast v3, $0x3;
	v12 =	vmul.f32 v37, v17;
	[tilespmem:s31+$0x4130] =	vst v9  }
0x19a: {  	v47 =	vld [tilespmem:s31+$0x41E0];
	v14 =	vmul.f32 v39, v17;
	[tilespmem:s31+$0x4140] =	vst v10  }
0x19b: {  	v48 =	vld [tilespmem:s31+$0x41F0];
	v15 =	vmul.f32 v40, v45;
	[tilespmem:s31+$0x4160] =	vst v12  }
0x19c: {  	v49 =	vld [tilespmem:s31+$0x4200];
	v13 =	vmul.f32 v35, v17;
	[tilespmem:s31+$0x4170] =	vst v14  }
0x19d: {  	v50 =	vld [tilespmem:s31+$0x4210];
	v11 =	vmul.f32 v41, v45;
	[tilespmem:s31+$0x4180] =	vst v15  }
0x19e: {  	v51 =	vld [tilespmem:s31+$0x4220];
	v9 =	vmul.f32 v42, v45;
	[tilespmem:s31+$0x4150] =	vst v13  }
0x19f: {  	v52 =	vld [tilespmem:s31+$0x4230];
	v10 =	vmul.f32 v43, v45;
	[tilespmem:s31+$0x4190] =	vst v11  }
0x1a0: {  	v53 =	vld [tilespmem:s31+$0x4240];
	v12 =	vmul.f32 v46, v45;
	[tilespmem:s31+$0x41A0] =	vst v9  }
0x1a1: {  	v55 =	vld [tilespmem:s31+$0x4250];
	v14 =	vmul.f32 v47, v45;
	[tilespmem:s31+$0x41B0] =	vst v10  }
0x1a2: {  	v56 =	vld [tilespmem:s31+$0x4260];
	v54 =	vbroadcast v3, $0x4;
	v15 =	vmul.f32 v48, v45;
	[tilespmem:s31+$0x41D0] =	vst v12  }
0x1a3: {  	v57 =	vld [tilespmem:s31+$0x4270];
	v13 =	vmul.f32 v44, v45;
	[tilespmem:s31+$0x41E0] =	vst v14  }
0x1a4: {  	v58 =	vld [tilespmem:s31+$0x4280];
	v11 =	vmul.f32 v49, v54;
	[tilespmem:s31+$0x41F0] =	vst v15  }
0x1a5: {  	v59 =	vld [tilespmem:s31+$0x4290];
	v9 =	vmul.f32 v50, v54;
	[tilespmem:s31+$0x41C0] =	vst v13  }
0x1a6: {  	v60 =	vld [tilespmem:s31+$0x42A0];
	v10 =	vmul.f32 v51, v54;
	[tilespmem:s31+$0x4200] =	vst v11  }
0x1a7: {  	v61 =	vld [tilespmem:s31+$0x42B0];
	v12 =	vmul.f32 v53, v54;
	[tilespmem:s31+$0x4210] =	vst v9  }
0x1a8: {  	v62 =	vld [tilespmem:s31+$0x42C0];
	v14 =	vmul.f32 v55, v54;
	[tilespmem:s31+$0x4220] =	vst v10  }
0x1a9: {  	v20 =	vld [tilespmem:s31+$0x42D0];
	v15 =	vmul.f32 v56, v54;
	[tilespmem:s31+$0x4240] =	vst v12  }
0x1aa: {  	v21 =	vld [tilespmem:s31+$0x42E0];
	v63 =	vbroadcast v3, $0x5;
	v13 =	vmul.f32 v52, v54;
	[tilespmem:s31+$0x4250] =	vst v14  }
0x1ab: {  	v22 =	vld [tilespmem:s31+$0x42F0];
	v11 =	vmul.f32 v57, v54;
	[tilespmem:s31+$0x4260] =	vst v15  }
0x1ac: {  	v23 =	vld [tilespmem:s31+$0x4300];
	v9 =	vmul.f32 v58, v63;
	[tilespmem:s31+$0x4230] =	vst v13  }
0x1ad: {  	v24 =	vld [tilespmem:s31+$0x4310];
	v10 =	vmul.f32 v59, v63;
	[tilespmem:s31+$0x4270] =	vst v11  }
0x1ae: {  	v25 =	vld [tilespmem:s31+$0x4320];
	v12 =	vmul.f32 v61, v63;
	[tilespmem:s31+$0x4280] =	vst v9  }
0x1af: {  	v29 =	vld [tilespmem:s31+$0x4350];
	v14 =	vmul.f32 v62, v63;
	[tilespmem:s31+$0x4290] =	vst v10  }
0x1b0: {  	v30 =	vld [tilespmem:s31+$0x4360];
	v15 =	vmul.f32 v20, v63;
	[tilespmem:s31+$0x42B0] =	vst v12  }
0x1b1: {  	v26 =	vld [tilespmem:s31+$0x4330];
	v13 =	vmul.f32 v60, v63;
	[tilespmem:s31+$0x42C0] =	vst v14  }
0x1b2: {  	v27 =	vld [tilespmem:s31+$0x4340];
	v28 =	vbroadcast v3, $0x6;
	v11 =	vmul.f32 v21, v63;
	[tilespmem:s31+$0x42D0] =	vst v15  }
0x1b3: {  	v31 =	vld [tilespmem:s31+$0x4370];
	v9 =	vmul.f32 v22, v63;
	[tilespmem:s31+$0x42A0] =	vst v13  }
0x1b4: {  	v6 =	vld [tilespmem:s31+$0x4580];
	v10 =	vmul.f32 v23, v28;
	[tilespmem:s31+$0x42E0] =	vst v11  }
0x1b5: {  	v8 =	vld [tilespmem:s31+$0x4590];
	v12 =	vmul.f32 v25, v28;
	[tilespmem:s31+$0x42F0] =	vst v9  }
0x1b6: {  	v32 =	vld [tilespmem:s31+$0x4380];
	v14 =	vmul.f32 v26, v28;
	[tilespmem:s31+$0x4300] =	vst v10  }
0x1b7: {  	v33 =	vld [tilespmem:s31+$0x4390];
	v15 =	vmul.f32 v27, v28;
	[tilespmem:s31+$0x4320] =	vst v12  }
0x1b8: {  	v34 =	vld [tilespmem:s31+$0x43A0];
	v13 =	vmul.f32 v24, v28;
	[tilespmem:s31+$0x4330] =	vst v14  }
0x1b9: {  	v35 =	vld [tilespmem:s31+$0x43B0];
	v11 =	vmul.f32 v29, v28;
	[tilespmem:s31+$0x4340] =	vst v15  }
0x1ba: {  	v37 =	vbroadcast v3, $0x7;
	v59 =	vld [tilespmem:s31+$0x4500];
	v9 =	vmul.f32 v30, v28;
	[tilespmem:s31+$0x4310] =	vst v13  }
0x1bb: {  	v20 =	vld [tilespmem:s31+$0x4550];
	v10 =	vmul.f32 v31, v28;
	[tilespmem:s31+$0x4350] =	vst v11  }
0x1bc: {  	v36 =	vld [tilespmem:s31+$0x43C0];
	v12 =	vmul.f32 v33, v37;
	[tilespmem:s31+$0x4360] =	vst v9  }
0x1bd: {  	v38 =	vld [tilespmem:s31+$0x43D0];
	v14 =	vmul.f32 v34, v37;
	[tilespmem:s31+$0x4370] =	vst v10  }
0x1be: {  	v39 =	vld [tilespmem:s31+$0x43E0];
	v15 =	vmul.f32 v35, v37;
	[tilespmem:s31+$0x4390] =	vst v12  }
0x1bf: {  	v40 =	vld [tilespmem:s31+$0x43F0];
	v21 =	vmul.f32 v59, v7;
	[tilespmem:s31+$0x43A0] =	vst v14  }
0x1c0: {  	v41 =	vld [tilespmem:s31+$0x4400];
	v28 =	vmul.f32 v20, v7;
	[tilespmem:s31+$0x43B0] =	vst v15  }
0x1c1: {  	v42 =	vld [tilespmem:s31+$0x4410];
	v13 =	vmul.f32 v32, v37;
	[tilespmem:s31+$0x4500] =	vst v21  }
0x1c2: {  	v43 =	vld [tilespmem:s31+$0x4420];
	v11 =	vmul.f32 v36, v37;
	[tilespmem:s31+$0x4550] =	vst v28  }
0x1c3: {  	v5 =	vld [tilespmem:s31+$0x47D0];
	v46 =	vbroadcast v3, $0x8;
	v9 =	vmul.f32 v38, v37;
	[tilespmem:s31+$0x4380] =	vst v13  }
0x1c4: {  	v47 =	vld [tilespmem:s31+$0x4450];
	v10 =	vmul.f32 v39, v37;
	[tilespmem:s31+$0x43C0] =	vst v11  }
0x1c5: {  	v63 =	vld [tilespmem:s31+$0x4540];
	v12 =	vmul.f32 v41, v46;
	[tilespmem:s31+$0x43D0] =	vst v9  }
0x1c6: {  	v23 =	vld [tilespmem:s31+$0x4000];
	v31 =	vbroadcast v3, $0xB;
	v14 =	vmul.f32 v42, v46;
	[tilespmem:s31+$0x43E0] =	vst v10  }
0x1c7: {  	v48 =	vld [tilespmem:s31+$0x4460];
	v15 =	vmul.f32 v43, v46;
	[tilespmem:s31+$0x4400] =	vst v12  }
0x1c8: {  	v44 =	vld [tilespmem:s31+$0x4430];
	v6 =	vmul.f32 v6, v31;
	[tilespmem:s31+$0x4410] =	vst v14  }
0x1c9: {  	v45 =	vld [tilespmem:s31+$0x4440];
	v8 =	vmul.f32 v8, v31;
	[tilespmem:s31+$0x4420] =	vst v15  }
0x1ca: {  	v49 =	vld [tilespmem:s31+$0x4470];
	v26 =	vmul.f32 v63, v7;
	[tilespmem:s31+$0x4580] =	vst v6  }
0x1cb: {  	v50 =	vld [tilespmem:s31+$0x4480];
	v32 =	vmul.f32 v4, v23;
	[tilespmem:s31+$0x4590] =	vst v8  }
0x1cc: {  	v51 =	vld [tilespmem:s31+$0x4490];
	v13 =	vmul.f32 v40, v37;
	[tilespmem:s31+$0x4540] =	vst v26  }
0x1cd: {  	v53 =	vld [tilespmem:s31+$0x44B0];
	v11 =	vmul.f32 v44, v46;
	[tilespmem:s31+$0x4000] =	vst v32  }
0x1ce: {  	v33 =	vld [tilespmem:s31+$0x45D0];
	v9 =	vmul.f32 v45, v46;
	[tilespmem:s31+$0x43F0] =	vst v13  }
0x1cf: {  	v55 =	vbroadcast v3, $0x9;
	v34 =	vld [tilespmem:s31+$0x45E0];
	v10 =	vmul.f32 v47, v46;
	[tilespmem:s31+$0x4430] =	vst v11  }
0x1d0: {  	v35 =	vld [tilespmem:s31+$0x45F0];
	v12 =	vmul.f32 v49, v46;
	[tilespmem:s31+$0x4440] =	vst v9  }
0x1d1: {  	v52 =	vld [tilespmem:s31+$0x44A0];
	v14 =	vmul.f32 v50, v55;
	[tilespmem:s31+$0x4450] =	vst v10  }
0x1d2: {  	v54 =	vld [tilespmem:s31+$0x44C0];
	v15 =	vmul.f32 v51, v55;
	[tilespmem:s31+$0x4470] =	vst v12  }
0x1d3: {  	v57 =	vld [tilespmem:s31+$0x44E0];
	v38 =	vmul.f32 v33, v31;
	[tilespmem:s31+$0x4480] =	vst v14  }
0x1d4: {  	v58 =	vld [tilespmem:s31+$0x44F0];
	v45 =	vmul.f32 v34, v31;
	[tilespmem:s31+$0x4490] =	vst v15  }
0x1d5: {  	v61 =	vld [tilespmem:s31+$0x4520];
	v8 =	vmul.f32 v35, v31;
	[tilespmem:s31+$0x45D0] =	vst v38  }
0x1d6: {  	v62 =	vld [tilespmem:s31+$0x4530];
	v13 =	vmul.f32 v48, v46;
	[tilespmem:s31+$0x45E0] =	vst v45  }
0x1d7: {  	v36 =	vld [tilespmem:s31+$0x4600];
	v11 =	vmul.f32 v52, v55;
	[tilespmem:s31+$0x45F0] =	vst v8  }
0x1d8: {  	v60 =	vld [tilespmem:s31+$0x4510];
	v9 =	vmul.f32 v53, v55;
	[tilespmem:s31+$0x4460] =	vst v13  }
0x1d9: {  	v22 =	vld [tilespmem:s31+$0x4560];
	v41 =	vbroadcast v3, $0xC;
	v10 =	vmul.f32 v54, v55;
	[tilespmem:s31+$0x44A0] =	vst v11  }
0x1da: {  	v56 =	vld [tilespmem:s31+$0x44D0];
	v6 =	vbroadcast v3, $0xF;
	v12 =	vmul.f32 v57, v55;
	[tilespmem:s31+$0x44B0] =	vst v9  }
0x1db: {  	v14 =	vmul.f32 v58, v55;
	[tilespmem:s31+$0x44C0] =	vst v10  }
0x1dc: {  	v5 =	vmul.f32 v5, v6;
	v17 =	vmul.f32 v36, v41;
	[tilespmem:s31+$0x44E0] =	vst v12  }
0x1dd: {  	[tilespmem:s31+$0x44F0] =	vst v14;
	v11 =	vmul.f32 v60, v7;
	v9 =	vmul.f32 v61, v7  }
0x1de: {  	v24 =	vld [tilespmem:s31+$0x4010];
	v10 =	vmul.f32 v62, v7;
	v7 =	vmul.f32 v22, v7;
	[tilespmem:s31+$0x47D0] =	vst v5  }
0x1df: {  	v25 =	vld [tilespmem:s31+$0x4040];
	v13 =	vmul.f32 v56, v55;
	[tilespmem:s31+$0x4600] =	vst v17  }
0x1e0: {  	[tilespmem:s31+$0x4560] =	vst v7;
	v7 =	vld [tilespmem:s31+$0x45C0]  }
0x1e1: {  	v27 =	vld [tilespmem:s31+$0x4050];
	[tilespmem:s31+$0x44D0] =	vst v13  }
0x1e2: {  	v43 =	vld [tilespmem:s31+$0x4670];
	[tilespmem:s31+$0x4510] =	vst v11  }
0x1e3: {  	v50 =	vld [tilespmem:s31+$0x46E0];
	v14 =	vmul.f32 v24, v4;
	[tilespmem:s31+$0x4520] =	vst v9  }
0x1e4: {  	v29 =	vld [tilespmem:s31+$0x45A0];
	v5 =	vmul.f32 v25, v4;
	[tilespmem:s31+$0x4530] =	vst v10  }
0x1e5: {  	v30 =	vld [tilespmem:s31+$0x45B0];
	[tilespmem:s31+$0x4010] =	vst v14;
	v7 =	vmul.f32 v7, v31  }
0x1e6: {  	v37 =	vld [tilespmem:s31+$0x4610];
	v49 =	vbroadcast v3, $0xD;
	v4 =	vmul.f32 v27, v4;
	[tilespmem:s31+$0x4040] =	vst v5  }
0x1e7: {  	v17 =	vmul.f32 v43, v41;
	[tilespmem:s31+$0x45C0] =	vst v7;
	v7 =	vld [tilespmem:s31+$0x4660]  }
0x1e8: {  	v40 =	vld [tilespmem:s31+$0x4640];
	v55 =	vmul.f32 v50, v49;
	[tilespmem:s31+$0x4050] =	vst v4  }
0x1e9: {  	v46 =	vld [tilespmem:s31+$0x46A0];
	v9 =	vmul.f32 v29, v31;
	[tilespmem:s31+$0x4670] =	vst v17  }
0x1ea: {  	v10 =	vmul.f32 v30, v31;
	v4 =	vld [tilespmem:s31+$0x4690];
	[tilespmem:s31+$0x46E0] =	vst v55  }
0x1eb: {  	v53 =	vld [tilespmem:s31+$0x4720];
	v11 =	vmul.f32 v37, v41;
	[tilespmem:s31+$0x45A0] =	vst v9  }
0x1ec: {  	v54 =	vld [tilespmem:s31+$0x4730];
	[tilespmem:s31+$0x45B0] =	vst v10;
	v7 =	vmul.f32 v7, v41  }
0x1ed: {  	v42 =	vld [tilespmem:s31+$0x4650];
	v14 =	vmul.f32 v40, v41;
	[tilespmem:s31+$0x4610] =	vst v11  }
0x1ee: {  	v3 =	vbroadcast v3, $0xE;
	v13 =	vmul.f32 v46, v49;
	[tilespmem:s31+$0x4660] =	vst v7;
	v7 =	vld [tilespmem:s31+$0x46D0]  }
0x1ef: {  	v44 =	vld [tilespmem:s31+$0x4680];
	[tilespmem:s31+$0x4640] =	vst v14;
	v4 =	vmul.f32 v4, v49  }
0x1f0: {  	v47 =	vld [tilespmem:s31+$0x46B0];
	v12 =	vmul.f32 v53, v3;
	[tilespmem:s31+$0x46A0] =	vst v13  }
0x1f1: {  	v8 =	vmul.f32 v54, v3;
	[tilespmem:s31+$0x4690] =	vst v4;
	v4 =	vld [tilespmem:s31+$0x4700]  }
0x1f2: {  	v52 =	vld [tilespmem:s31+$0x4710];
	v10 =	vmul.f32 v42, v41;
	[tilespmem:s31+$0x4720] =	vst v12  }
0x1f3: {  	v60 =	vld [tilespmem:s31+$0x47A0];
	[tilespmem:s31+$0x4730] =	vst v8;
	v7 =	vmul.f32 v7, v49  }
0x1f4: {  	v51 =	vld [tilespmem:s31+$0x46F0];
	v11 =	vmul.f32 v44, v49;
	[tilespmem:s31+$0x4650] =	vst v10  }
0x1f5: {  	v14 =	vmul.f32 v47, v49;
	[tilespmem:s31+$0x46D0] =	vst v7;
	v7 =	vld [tilespmem:s31+$0x4740]  }
0x1f6: {  	v48 =	vld [tilespmem:s31+$0x46C0];
	[tilespmem:s31+$0x4680] =	vst v11;
	v4 =	vmul.f32 v4, v3  }
0x1f7: {  	v58 =	vld [tilespmem:s31+$0x4780];
	v13 =	vmul.f32 v52, v3;
	[tilespmem:s31+$0x46B0] =	vst v14  }
0x1f8: {  	v8 =	vmul.f32 v60, v6;
	[tilespmem:s31+$0x4700] =	vst v4;
	v4 =	vld [tilespmem:s31+$0x4770]  }
0x1f9: {  	v57 =	vld [tilespmem:s31+$0x4760];
	v11 =	vmul.f32 v51, v49;
	[tilespmem:s31+$0x4710] =	vst v13  }
0x1fa: {  	v59 =	vld [tilespmem:s31+$0x4790];
	[tilespmem:s31+$0x47A0] =	vst v8;
	v7 =	vmul.f32 v7, v3  }
0x1fb: {  	v56 =	vld [tilespmem:s31+$0x4750];
	v10 =	vmul.f32 v48, v49;
	[tilespmem:s31+$0x46F0] =	vst v11  }
0x1fc: {  	v13 =	vmul.f32 v58, v6;
	[tilespmem:s31+$0x4740] =	vst v7;
	v7 =	vld [tilespmem:s31+$0x47B0]  }
0x1fd: {  	v39 =	vld [tilespmem:s31+$0x4630];
	[tilespmem:s31+$0x46C0] =	vst v10;
	v4 =	vmul.f32 v4, v3  }
0x1fe: {  	v61 =	vld [tilespmem:s31+$0x47C0];
	v11 =	vmul.f32 v57, v3;
	[tilespmem:s31+$0x4780] =	vst v13  }
0x1ff: {  	v63 =	vld [tilespmem:s31+$0x47F0];
	[tilespmem:s31+$0x4770] =	vst v4;
	v4 =	vmul.f32 v59, v6  }
0x200: {  	v62 =	vld [tilespmem:s31+$0x47E0];
	[tilespmem:s31+$0x4760] =	vst v11;
	v3 =	vmul.f32 v56, v3  }
0x201: {  	[tilespmem:s31+$0x4790] =	vst v4;
	v4 =	vmul.f32 v7, v6  }
0x202: {  	v5 =	vld [tilespmem:s31+$0x4620];
	[tilespmem:s31+$0x4750] =	vst v3;
	v7 =	vmul.f32 v39, v41  }
0x203: {  	[tilespmem:s31+$0x47B0] =	vst v4;
	v4 =	vmul.f32 v61, v6  }
0x204: {  	[tilespmem:s31+$0x4630] =	vst v7;
	v7 =	vmul.f32 v63, v6  }
0x205: {  	v6 =	vmul.f32 v62, v6;
	[tilespmem:s31+$0x47C0] =	vst v4  }
0x206: {  	[tilespmem:s31+$0x47F0] =	vst v7  }
0x207: {  	s0 =	simm.s32 $0x1;
	v4 =	vmul.f32 v5, v41;
	[tilespmem:s31+$0x47E0] =	vst v6  }
.LBB2_12:
0x208: {  	s7 =	sshll.u32 s0, $0x4  }
0x209: {  	p1 =	sne.s32 s0, $0x4;
	[tilespmem:s31+$0x4620] =	vst v4;
	s31 =	smov.u32 s0;
	s0 =	sadd.s32 $0x1, s0  }
0x20a: {  	s7 =	sand.u32 $0x3FFFFFF0, s7  }
0x20b: {  	v3 =	vld.idx.msk [tilespmem:v2+s7+$0x0 ss:$0x1], $0xffff  }
0x20c: {  	s7 =	sshll.u32 s31, $0xB  }
0x20d: {  	s31 =	sand.u32 $0x3FFFF800, s7  }
0x20e: {  	v10 =	vld [tilespmem:s31+$0x40C0]  }
0x20f: {  	v11 =	vld [tilespmem:s31+$0x40D0]  }
0x210: {  	v12 =	vld [tilespmem:s31+$0x40B0]  }
0x211: {  	v4 =	vbroadcast v3, $0x0;
	v9 =	vbroadcast v3, $0x4;
	v5 =	vld [tilespmem:s31+$0x4020]  }
0x212: {  	v7 =	vld [tilespmem:s31+$0x4030]  }
0x213: {  	v8 =	vld [tilespmem:s31+$0x4570]  }
0x214: {  	v13 =	vld [tilespmem:s31+$0x4060]  }
0x215: {  	v14 =	vld [tilespmem:s31+$0x4070]  }
0x216: {  	v6 =	vbroadcast v3, $0xA;
	v5 =	vmul.f32 v5, v4;
	v15 =	vld [tilespmem:s31+$0x4080]  }
0x217: {  	v7 =	vmul.f32 v7, v4;
	v16 =	vld [tilespmem:s31+$0x4090]  }
0x218: {  	[tilespmem:s31+$0x4020] =	vst v5;
	v17 =	vld [tilespmem:s31+$0x40A0];
	v5 =	vmul.f32 v8, v6  }
0x219: {  	[tilespmem:s31+$0x4030] =	vst v7;
	v8 =	vmul.f32 v13, v4;
	v13 =	vbroadcast v3, $0x1;
	v7 =	vld [tilespmem:s31+$0x4580]  }
0x21a: {  	v14 =	vmul.f32 v14, v4;
	[tilespmem:s31+$0x4570] =	vst v5;
	v5 =	vld [tilespmem:s31+$0x47D0]  }
0x21b: {  	[tilespmem:s31+$0x4060] =	vst v8;
	v15 =	vmul.f32 v15, v13;
	v8 =	vld [tilespmem:s31+$0x4590]  }
0x21c: {  	[tilespmem:s31+$0x4070] =	vst v14;
	v14 =	vmul.f32 v16, v13;
	v16 =	vld [tilespmem:s31+$0x40E0]  }
0x21d: {  	[tilespmem:s31+$0x4080] =	vst v15;
	v15 =	vmul.f32 v17, v13;
	v17 =	vld [tilespmem:s31+$0x40F0]  }
0x21e: {  	v12 =	vmul.f32 v12, v13;
	[tilespmem:s31+$0x4090] =	vst v14;
	v14 =	vld [tilespmem:s31+$0x4100]  }
0x21f: {  	v10 =	vmul.f32 v10, v13;
	[tilespmem:s31+$0x40A0] =	vst v15;
	v15 =	vld [tilespmem:s31+$0x4110]  }
0x220: {  	v11 =	vmul.f32 v11, v13;
	[tilespmem:s31+$0x40B0] =	vst v12;
	v12 =	vld [tilespmem:s31+$0x4120]  }
0x221: {  	[tilespmem:s31+$0x40C0] =	vst v10;
	v10 =	vmul.f32 v16, v13;
	v16 =	vbroadcast v3, $0x2;
	v18 =	vld [tilespmem:s31+$0x4130]  }
0x222: {  	[tilespmem:s31+$0x40D0] =	vst v11;
	v11 =	vmul.f32 v17, v13;
	v13 =	vld [tilespmem:s31+$0x4140]  }
0x223: {  	[tilespmem:s31+$0x40E0] =	vst v10;
	v10 =	vmul.f32 v14, v16;
	v14 =	vld [tilespmem:s31+$0x4150]  }
0x224: {  	[tilespmem:s31+$0x40F0] =	vst v11;
	v11 =	vmul.f32 v15, v16;
	v15 =	vld [tilespmem:s31+$0x4160]  }
0x225: {  	[tilespmem:s31+$0x4100] =	vst v10;
	v10 =	vmul.f32 v12, v16;
	v12 =	vld [tilespmem:s31+$0x4170]  }
0x226: {  	[tilespmem:s31+$0x4110] =	vst v11;
	v11 =	vmul.f32 v18, v16;
	v17 =	vld [tilespmem:s31+$0x4180]  }
0x227: {  	[tilespmem:s31+$0x4120] =	vst v10;
	v10 =	vmul.f32 v13, v16;
	v13 =	vld [tilespmem:s31+$0x4190]  }
0x228: {  	[tilespmem:s31+$0x4130] =	vst v11;
	v11 =	vmul.f32 v14, v16;
	v14 =	vld [tilespmem:s31+$0x41A0]  }
0x229: {  	[tilespmem:s31+$0x4140] =	vst v10;
	v10 =	vmul.f32 v15, v16;
	v15 =	vbroadcast v3, $0x3;
	v18 =	vld [tilespmem:s31+$0x41B0]  }
0x22a: {  	[tilespmem:s31+$0x4150] =	vst v11;
	v11 =	vmul.f32 v12, v16;
	v12 =	vld [tilespmem:s31+$0x41C0]  }
0x22b: {  	[tilespmem:s31+$0x4160] =	vst v10;
	v10 =	vmul.f32 v17, v15;
	v16 =	vld [tilespmem:s31+$0x41D0]  }
0x22c: {  	[tilespmem:s31+$0x4170] =	vst v11;
	v11 =	vmul.f32 v13, v15;
	v13 =	vld [tilespmem:s31+$0x41E0]  }
0x22d: {  	[tilespmem:s31+$0x4180] =	vst v10;
	v10 =	vmul.f32 v14, v15;
	v14 =	vld [tilespmem:s31+$0x41F0]  }
0x22e: {  	[tilespmem:s31+$0x4190] =	vst v11;
	v11 =	vmul.f32 v18, v15;
	v17 =	vld [tilespmem:s31+$0x4200]  }
0x22f: {  	[tilespmem:s31+$0x41A0] =	vst v10;
	v10 =	vmul.f32 v12, v15;
	v12 =	vld [tilespmem:s31+$0x4210]  }
0x230: {  	[tilespmem:s31+$0x41B0] =	vst v11;
	v11 =	vmul.f32 v16, v15;
	v16 =	vld [tilespmem:s31+$0x4220]  }
0x231: {  	[tilespmem:s31+$0x41C0] =	vst v10;
	v10 =	vmul.f32 v13, v15;
	v13 =	vld [tilespmem:s31+$0x4230]  }
0x232: {  	[tilespmem:s31+$0x41D0] =	vst v11;
	v11 =	vmul.f32 v14, v15;
	v14 =	vld [tilespmem:s31+$0x4240]  }
0x233: {  	[tilespmem:s31+$0x41E0] =	vst v10;
	v10 =	vmul.f32 v17, v9;
	v15 =	vld [tilespmem:s31+$0x4250]  }
0x234: {  	[tilespmem:s31+$0x41F0] =	vst v11;
	v11 =	vmul.f32 v12, v9;
	v12 =	vld [tilespmem:s31+$0x4260]  }
0x235: {  	[tilespmem:s31+$0x4200] =	vst v10;
	v10 =	vmul.f32 v16, v9;
	v16 =	vld [tilespmem:s31+$0x4270]  }
0x236: {  	[tilespmem:s31+$0x4210] =	vst v11;
	v11 =	vmul.f32 v13, v9;
	v13 =	vld [tilespmem:s31+$0x4280]  }
0x237: {  	[tilespmem:s31+$0x4220] =	vst v10;
	v10 =	vmul.f32 v14, v9;
	v14 =	vld [tilespmem:s31+$0x4290]  }
0x238: {  	[tilespmem:s31+$0x4230] =	vst v11;
	v11 =	vmul.f32 v15, v9;
	v15 =	vld [tilespmem:s31+$0x42A0]  }
0x239: {  	[tilespmem:s31+$0x4240] =	vst v10;
	v10 =	vmul.f32 v12, v9;
	v12 =	vbroadcast v3, $0x5;
	v17 =	vld [tilespmem:s31+$0x42B0]  }
0x23a: {  	[tilespmem:s31+$0x4250] =	vst v11;
	v9 =	vmul.f32 v16, v9;
	v11 =	vld [tilespmem:s31+$0x42C0]  }
0x23b: {  	[tilespmem:s31+$0x4260] =	vst v10;
	v10 =	vmul.f32 v13, v12;
	v13 =	vld [tilespmem:s31+$0x42D0]  }
0x23c: {  	[tilespmem:s31+$0x4270] =	vst v9;
	v9 =	vmul.f32 v14, v12;
	v14 =	vld [tilespmem:s31+$0x42E0]  }
0x23d: {  	[tilespmem:s31+$0x4280] =	vst v10;
	v10 =	vmul.f32 v15, v12;
	v15 =	vld [tilespmem:s31+$0x42F0]  }
0x23e: {  	[tilespmem:s31+$0x4290] =	vst v9;
	v9 =	vmul.f32 v17, v12;
	v16 =	vld [tilespmem:s31+$0x4300]  }
0x23f: {  	[tilespmem:s31+$0x42A0] =	vst v10;
	v10 =	vmul.f32 v11, v12;
	v11 =	vld [tilespmem:s31+$0x4310]  }
0x240: {  	[tilespmem:s31+$0x42B0] =	vst v9;
	v9 =	vmul.f32 v13, v12;
	v13 =	vld [tilespmem:s31+$0x4320]  }
0x241: {  	[tilespmem:s31+$0x42C0] =	vst v10;
	v10 =	vmul.f32 v14, v12;
	v14 =	vbroadcast v3, $0x6;
	v17 =	vld [tilespmem:s31+$0x4330]  }
0x242: {  	[tilespmem:s31+$0x42D0] =	vst v9;
	v9 =	vmul.f32 v15, v12;
	v12 =	vld [tilespmem:s31+$0x4340]  }
0x243: {  	[tilespmem:s31+$0x42E0] =	vst v10;
	v10 =	vmul.f32 v16, v14;
	v15 =	vld [tilespmem:s31+$0x4350]  }
0x244: {  	[tilespmem:s31+$0x42F0] =	vst v9;
	v9 =	vmul.f32 v11, v14;
	v11 =	vld [tilespmem:s31+$0x4360]  }
0x245: {  	[tilespmem:s31+$0x4300] =	vst v10;
	v10 =	vmul.f32 v13, v14;
	v13 =	vld [tilespmem:s31+$0x4370]  }
0x246: {  	[tilespmem:s31+$0x4310] =	vst v9;
	v9 =	vmul.f32 v17, v14;
	v16 =	vld [tilespmem:s31+$0x4380]  }
0x247: {  	[tilespmem:s31+$0x4320] =	vst v10;
	v10 =	vmul.f32 v12, v14;
	v12 =	vld [tilespmem:s31+$0x4390]  }
0x248: {  	[tilespmem:s31+$0x4330] =	vst v9;
	v9 =	vmul.f32 v15, v14;
	v15 =	vld [tilespmem:s31+$0x43A0]  }
0x249: {  	[tilespmem:s31+$0x4340] =	vst v10;
	v10 =	vmul.f32 v11, v14;
	v11 =	vbroadcast v3, $0x7;
	v17 =	vld [tilespmem:s31+$0x43B0]  }
0x24a: {  	[tilespmem:s31+$0x4350] =	vst v9;
	v9 =	vmul.f32 v13, v14;
	v13 =	vld [tilespmem:s31+$0x43C0]  }
0x24b: {  	[tilespmem:s31+$0x4360] =	vst v10;
	v10 =	vmul.f32 v16, v11;
	v14 =	vld [tilespmem:s31+$0x43D0]  }
0x24c: {  	[tilespmem:s31+$0x4370] =	vst v9;
	v9 =	vmul.f32 v12, v11;
	v12 =	vld [tilespmem:s31+$0x43E0]  }
0x24d: {  	[tilespmem:s31+$0x4380] =	vst v10;
	v10 =	vmul.f32 v15, v11;
	v15 =	vld [tilespmem:s31+$0x43F0]  }
0x24e: {  	[tilespmem:s31+$0x4390] =	vst v9;
	v9 =	vmul.f32 v17, v11;
	v16 =	vld [tilespmem:s31+$0x4400]  }
0x24f: {  	[tilespmem:s31+$0x43A0] =	vst v10;
	v10 =	vmul.f32 v13, v11;
	v13 =	vld [tilespmem:s31+$0x4410]  }
0x250: {  	[tilespmem:s31+$0x43B0] =	vst v9;
	v9 =	vmul.f32 v14, v11;
	v14 =	vld [tilespmem:s31+$0x4420]  }
0x251: {  	[tilespmem:s31+$0x43C0] =	vst v10;
	v10 =	vmul.f32 v12, v11;
	v12 =	vbroadcast v3, $0x8;
	v17 =	vld [tilespmem:s31+$0x4430]  }
0x252: {  	[tilespmem:s31+$0x43D0] =	vst v9;
	v9 =	vmul.f32 v15, v11;
	v11 =	vld [tilespmem:s31+$0x4440]  }
0x253: {  	[tilespmem:s31+$0x43E0] =	vst v10;
	v10 =	vmul.f32 v16, v12;
	v15 =	vld [tilespmem:s31+$0x4450]  }
0x254: {  	[tilespmem:s31+$0x43F0] =	vst v9;
	v9 =	vmul.f32 v13, v12;
	v13 =	vld [tilespmem:s31+$0x4460]  }
0x255: {  	[tilespmem:s31+$0x4400] =	vst v10;
	v10 =	vmul.f32 v14, v12;
	v14 =	vld [tilespmem:s31+$0x4470]  }
0x256: {  	[tilespmem:s31+$0x4410] =	vst v9;
	v9 =	vmul.f32 v17, v12;
	v16 =	vld [tilespmem:s31+$0x4480]  }
0x257: {  	[tilespmem:s31+$0x4420] =	vst v10;
	v10 =	vmul.f32 v11, v12;
	v11 =	vld [tilespmem:s31+$0x4490]  }
0x258: {  	[tilespmem:s31+$0x4430] =	vst v9;
	v9 =	vmul.f32 v15, v12;
	v15 =	vld [tilespmem:s31+$0x44A0]  }
0x259: {  	[tilespmem:s31+$0x4440] =	vst v10;
	v10 =	vmul.f32 v13, v12;
	v13 =	vbroadcast v3, $0x9;
	v17 =	vld [tilespmem:s31+$0x44B0]  }
0x25a: {  	[tilespmem:s31+$0x4450] =	vst v9;
	v9 =	vmul.f32 v14, v12;
	v12 =	vld [tilespmem:s31+$0x44C0]  }
0x25b: {  	[tilespmem:s31+$0x4460] =	vst v10;
	v10 =	vmul.f32 v16, v13;
	v14 =	vld [tilespmem:s31+$0x44D0]  }
0x25c: {  	[tilespmem:s31+$0x4470] =	vst v9;
	v9 =	vmul.f32 v11, v13;
	v11 =	vld [tilespmem:s31+$0x44E0]  }
0x25d: {  	[tilespmem:s31+$0x4480] =	vst v10;
	v10 =	vmul.f32 v15, v13;
	v15 =	vld [tilespmem:s31+$0x44F0]  }
0x25e: {  	[tilespmem:s31+$0x4490] =	vst v9;
	v9 =	vmul.f32 v17, v13;
	v16 =	vld [tilespmem:s31+$0x4500]  }
0x25f: {  	[tilespmem:s31+$0x44A0] =	vst v10;
	v10 =	vmul.f32 v12, v13;
	v12 =	vld [tilespmem:s31+$0x4510]  }
0x260: {  	[tilespmem:s31+$0x44B0] =	vst v9;
	v9 =	vmul.f32 v14, v13;
	v14 =	vld [tilespmem:s31+$0x4520]  }
0x261: {  	[tilespmem:s31+$0x44C0] =	vst v10;
	v10 =	vmul.f32 v11, v13;
	v11 =	vld [tilespmem:s31+$0x4530]  }
0x262: {  	[tilespmem:s31+$0x44D0] =	vst v9;
	v9 =	vmul.f32 v15, v13;
	v13 =	vld [tilespmem:s31+$0x4540]  }
0x263: {  	[tilespmem:s31+$0x44E0] =	vst v10;
	v10 =	vmul.f32 v16, v6;
	v15 =	vld [tilespmem:s31+$0x4550]  }
0x264: {  	[tilespmem:s31+$0x44F0] =	vst v9;
	v9 =	vmul.f32 v12, v6;
	v12 =	vld [tilespmem:s31+$0x4560]  }
0x265: {  	v16 =	vld [tilespmem:s31+$0x4000];
	[tilespmem:s31+$0x4500] =	vst v10;
	v10 =	vmul.f32 v14, v6  }
0x266: {  	v14 =	vld [tilespmem:s31+$0x4010];
	[tilespmem:s31+$0x4510] =	vst v9;
	v9 =	vmul.f32 v11, v6  }
0x267: {  	v11 =	vld [tilespmem:s31+$0x4040];
	[tilespmem:s31+$0x4520] =	vst v10;
	v10 =	vmul.f32 v13, v6  }
0x268: {  	v13 =	vld [tilespmem:s31+$0x4050];
	[tilespmem:s31+$0x4530] =	vst v9;
	v9 =	vmul.f32 v15, v6  }
0x269: {  	[tilespmem:s31+$0x4540] =	vst v10;
	v10 =	vmul.f32 v12, v6;
	v12 =	vbroadcast v3, $0xB;
	v15 =	vld [tilespmem:s31+$0x45A0]  }
0x26a: {  	v6 =	vbroadcast v3, $0xF;
	v16 =	vmul.f32 v4, v16;
	[tilespmem:s31+$0x4550] =	vst v9;
	v9 =	vld [tilespmem:s31+$0x45B0]  }
0x26b: {  	v14 =	vmul.f32 v14, v4;
	[tilespmem:s31+$0x4560] =	vst v10;
	v7 =	vmul.f32 v7, v12;
	v10 =	vld [tilespmem:s31+$0x45C0]  }
0x26c: {  	v8 =	vmul.f32 v8, v12;
	[tilespmem:s31+$0x4000] =	vst v16;
	v11 =	vmul.f32 v11, v4;
	v16 =	vld [tilespmem:s31+$0x45D0]  }
0x26d: {  	v5 =	vmul.f32 v5, v6;
	v13 =	vmul.f32 v13, v4;
	[tilespmem:s31+$0x4580] =	vst v7;
	v4 =	vld [tilespmem:s31+$0x45E0]  }
0x26e: {  	[tilespmem:s31+$0x4590] =	vst v8;
	v7 =	vmul.f32 v15, v12;
	v8 =	vld [tilespmem:s31+$0x45F0]  }
0x26f: {  	v9 =	vmul.f32 v9, v12;
	v15 =	vld [tilespmem:s31+$0x4600];
	[tilespmem:s31+$0x47D0] =	vst v5  }
0x270: {  	[tilespmem:s31+$0x4010] =	vst v14;
	v5 =	vmul.f32 v10, v12;
	v10 =	vld [tilespmem:s31+$0x4610]  }
0x271: {  	[tilespmem:s31+$0x4040] =	vst v11;
	v11 =	vmul.f32 v16, v12;
	v14 =	vld [tilespmem:s31+$0x4620]  }
0x272: {  	v16 =	vbroadcast v3, $0xC;
	[tilespmem:s31+$0x45A0] =	vst v7;
	v7 =	vmul.f32 v4, v12;
	v17 =	vld [tilespmem:s31+$0x4630]  }
0x273: {  	[tilespmem:s31+$0x45D0] =	vst v11;
	v8 =	vmul.f32 v8, v12;
	v11 =	vld [tilespmem:s31+$0x4640]  }
0x274: {  	[tilespmem:s31+$0x45B0] =	vst v9;
	v4 =	vmul.f32 v15, v16;
	v9 =	vld [tilespmem:s31+$0x4650]  }
0x275: {  	[tilespmem:s31+$0x45C0] =	vst v5;
	v5 =	vmul.f32 v10, v16;
	v10 =	vld [tilespmem:s31+$0x4660]  }
0x276: {  	[tilespmem:s31+$0x4600] =	vst v4;
	v4 =	vmul.f32 v14, v16;
	v12 =	vld [tilespmem:s31+$0x4670]  }
0x277: {  	[tilespmem:s31+$0x4610] =	vst v5;
	v5 =	vld [tilespmem:s31+$0x4680]  }
0x278: {  	[tilespmem:s31+$0x4050] =	vst v13;
	v11 =	vmul.f32 v11, v16;
	v13 =	vld [tilespmem:s31+$0x4690]  }
0x279: {  	[tilespmem:s31+$0x45E0] =	vst v7;
	v7 =	vmul.f32 v9, v16;
	v9 =	vld [tilespmem:s31+$0x46A0]  }
0x27a: {  	[tilespmem:s31+$0x4640] =	vst v11;
	v10 =	vmul.f32 v10, v16;
	v11 =	vbroadcast v3, $0xD;
	v14 =	vld [tilespmem:s31+$0x46B0]  }
0x27b: {  	[tilespmem:s31+$0x4650] =	vst v7;
	v7 =	vmul.f32 v12, v16;
	v12 =	vld [tilespmem:s31+$0x46C0]  }
0x27c: {  	[tilespmem:s31+$0x4660] =	vst v10;
	v5 =	vmul.f32 v5, v11;
	v10 =	vld [tilespmem:s31+$0x46D0]  }
0x27d: {  	[tilespmem:s31+$0x4670] =	vst v7;
	v7 =	vmul.f32 v13, v11;
	v13 =	vld [tilespmem:s31+$0x46E0]  }
0x27e: {  	[tilespmem:s31+$0x4680] =	vst v5;
	v5 =	vmul.f32 v9, v11;
	v9 =	vld [tilespmem:s31+$0x46F0]  }
0x27f: {  	[tilespmem:s31+$0x4690] =	vst v7;
	v7 =	vmul.f32 v14, v11;
	v14 =	vld [tilespmem:s31+$0x4700]  }
0x280: {  	[tilespmem:s31+$0x46A0] =	vst v5;
	v5 =	vmul.f32 v12, v11;
	v12 =	vld [tilespmem:s31+$0x4710]  }
0x281: {  	[tilespmem:s31+$0x46B0] =	vst v7;
	v7 =	vmul.f32 v10, v11;
	v10 =	vld [tilespmem:s31+$0x4720]  }
0x282: {  	v3 =	vbroadcast v3, $0xE;
	[tilespmem:s31+$0x45F0] =	vst v8;
	v8 =	vmul.f32 v13, v11;
	v13 =	vld [tilespmem:s31+$0x4730]  }
0x283: {  	[tilespmem:s31+$0x46D0] =	vst v7;
	v7 =	vmul.f32 v9, v11;
	v9 =	vld [tilespmem:s31+$0x4740]  }
0x284: {  	[tilespmem:s31+$0x46E0] =	vst v8;
	v8 =	vmul.f32 v14, v3;
	v11 =	vld [tilespmem:s31+$0x4750]  }
0x285: {  	[tilespmem:s31+$0x46F0] =	vst v7;
	v7 =	vmul.f32 v12, v3;
	v12 =	vld [tilespmem:s31+$0x4760]  }
0x286: {  	[tilespmem:s31+$0x4700] =	vst v8;
	v8 =	vmul.f32 v10, v3;
	v10 =	vld [tilespmem:s31+$0x4770]  }
0x287: {  	[tilespmem:s31+$0x4710] =	vst v7;
	v7 =	vmul.f32 v13, v3;
	v13 =	vld [tilespmem:s31+$0x4780]  }
0x288: {  	[tilespmem:s31+$0x4720] =	vst v8;
	v8 =	vmul.f32 v9, v3;
	v9 =	vld [tilespmem:s31+$0x4790]  }
0x289: {  	[tilespmem:s31+$0x4730] =	vst v7;
	v7 =	vmul.f32 v11, v3;
	v11 =	vld [tilespmem:s31+$0x47A0]  }
0x28a: {  	[tilespmem:s31+$0x4740] =	vst v8;
	v8 =	vmul.f32 v12, v3;
	v12 =	vld [tilespmem:s31+$0x47B0]  }
0x28b: {  	[tilespmem:s31+$0x46C0] =	vst v5;
	v3 =	vmul.f32 v10, v3;
	v5 =	vld [tilespmem:s31+$0x47C0]  }
0x28c: {  	[tilespmem:s31+$0x4760] =	vst v8;
	v8 =	vmul.f32 v13, v6;
	v10 =	vld [tilespmem:s31+$0x47E0]  }
0x28d: {  	[tilespmem:s31+$0x4770] =	vst v3;
	v3 =	vmul.f32 v9, v6;
	v9 =	vld [tilespmem:s31+$0x47F0]  }
0x28e: {  	[tilespmem:s31+$0x4780] =	vst v8;
	v8 =	vmul.f32 v11, v6  }
0x28f: {  	[tilespmem:s31+$0x4790] =	vst v3;
	v3 =	vmul.f32 v12, v6  }
0x290: {  	v11 =	vmul.f32 v17, v16;
	[tilespmem:s31+$0x47A0] =	vst v8  }
0x291: {  	[tilespmem:s31+$0x47B0] =	vst v3;
	v3 =	vmul.f32 v5, v6  }
.Ltmp7:
0x292: {  	[tilespmem:s31+$0x4630] =	vst v11;
	v5 =	vmul.f32 v9, v6;
	(pc) =	sbr.rel @p1 .LBB2_12-.Ltmp7, $4  }
0x293: {  	[tilespmem:s31+$0x47C0] =	vst v3  }
0x294: {  	v3 =	vmul.f32 v10, v6;
	[tilespmem:s31+$0x47F0] =	vst v5  }
0x295: {  	[tilespmem:s31+$0x4750] =	vst v7  }
0x296: {  	[tilespmem:s31+$0x47E0] =	vst v3  }
0x297: {  	p1 =	seq.s32 s28, $0x7  }
.Ltmp8:
0x298: {  	_ = 	snop;
	(pc) =	sbr.rel @p1 .LBB2_15-.Ltmp8, $4  }
0x299: {  	[tilespmem:s31+$0x4620] =	vst v4  }
0x29a: {  	_ =	swait.ge [sflag:s22], $0x2800  }
0x29b: {  	[sflag:s22] =	ssyncset.done $0x0  }
0x29c: {  	s0 =	sadd.s32 $0x800, s30;
	[sflag:s22] =	ssyncadd.s32 $0xFFFFD800  }
.Ltmp9:
0x29d: {  	(pc) =	sbr.rel .LBB2_9-.Ltmp9, $4  }
0x29e: {  	s7 =	sadd.s32 $0x100, s29  }
0x29f: {  	[tilespmem:s15], [sflag:$0x1] =	stream.indirect.gather [hbm4b:s1+s18], $0x80, s7, s18, $0xb8;
	[tilespmem:$0x1A080] =	vst v63  }
0x2a0: {  	s28 =	sadd.s32 $0x1, s28  }
0x2a1: {  	[spmem:s2] =	stream.indirect.scatter.add.f32 [tilespmem:s20], [sflag:$0x4], $0x80, s0, s18, $0xb8;
	[tilespmem:$0x1A080] =	vst v63  }
.LBB2_16:
0x2a2: {  	[bflag:$0x0] =	sbarrier.arrive $0xFFFF  }
0x2a3: {  	[tilespmem:s15], [sflag:$0x5] =	stream.linear.gather [spmem:s13], $0x2800, $0x38;
	[tilespmem:$0x1A080] =	vst v63  }
0x2a4: {  	_ =	swait.ge [sflag:s10], $0x2800  }
.Ltmp10:
0x2a5: {  	s0 =	sshrl.u32 s14, $0x3;
	[sflag:s10] =	ssyncset.done $0x0;
	(pc) =	sbr.rel @!p0 .LBB2_18-.Ltmp10, $4  }
0x2a6: {  	s0 =	sadd.s32 s8, s0;
	[sflag:s10] =	ssyncadd.s32 $0xFFFFD800  }
0x2a7: {  	[hbm4b:s0+s3] =	stream.linear.scatter [tilespmem:s15], [sflag:$0x5], $0x2800, $0x38;
	[tilespmem:$0x1A080] =	vst v63  }
0x2a8: {  	s25 =	smov.u32 s14;
	_ =	swait.ge [sflag:s10], $0x2800  }
0x2a9: {  	s26 =	smov.u32 s13;
	s0 =	sadd.s32 $0xFFFFFFFF, s9;
	[sflag:s10] =	ssyncset.done $0x0  }
.LBB2_17:
0x2aa: {  	[sflag:s10] =	ssyncadd.s32 $0xFFFFD800;
	s25 =	sadd.s32 $0x2800, s25;
	s26 =	sadd.s32 $0x2800, s26  }
0x2ab: {  	[tilespmem:s15], [sflag:$0x5] =	stream.linear.gather [spmem:s26], $0x2800, $0x38;
	[tilespmem:$0x1A080] =	vst v63  }
0x2ac: {  	p0 =	sne.s32 s0, $0x1;
	s0 =	sadd.s32 $0xFFFFFFFF, s0;
	_ =	swait.ge [sflag:s10], $0x2800  }
.Ltmp11:
0x2ad: {  	s7 =	sshrl.u32 s25, $0x3;
	[sflag:s10] =	ssyncset.done $0x0;
	(pc) =	sbr.rel @p0 .LBB2_17-.Ltmp11, $4  }
0x2ae: {  	s7 =	sadd.s32 s8, s7;
	[sflag:s10] =	ssyncadd.s32 $0xFFFFD800  }
0x2af: {  	[hbm4b:s7+s3] =	stream.linear.scatter [tilespmem:s15], [sflag:$0x5], $0x2800, $0x38;
	[tilespmem:$0x1A080] =	vst v63  }
0x2b0: {  	_ =	swait.ge [sflag:s10], $0x2800  }
0x2b1: {  	[sflag:s10] =	ssyncset.done $0x0  }
.LBB2_18:
0x2b2: {  	s24 =	sadd.s32 $0x1, s24  }
0x2b3: {  	p0 =	sne.s32 s24, s12  }
.Ltmp12:
0x2b4: {  	_ = 	snop;
	(pc) =	sbr.rel @p0 .LBB2_1-.Ltmp12, $2  }
0x2b5: {  	_ =	sdelay $0x2  }
0x2b6: {  	[sflag:s10] =	ssyncadd.s32 $0xFFFFD800  }
0x2b7: {  	_ =	sfence.sel $0x180000  }
0x2b8: {  	[bflag:$0x0] =	sbarrier.arrive $0xFFFF  }
0x2b9: {  	_ =	strace $0x90000047  }
0x2ba: {  	s0 =	stileid.u32;
	[bflag:$0x2] =	sbarrier.arrive $0xFFFF  }
0x2bb: {  	p0 =	sne.s32 s0, $0x0;
	s0 =	rddreg [dreg:$0x3]  }
0x2bc: {  	s0 =	sadd.s32 @!p0 $0x100000, s0  }
0x2bd: {  	[sflag:s0] =	ssyncadd.tile.s32 @!p0 $0x1;
	_ =	shalt  }
.Lfunc_end2:
_tile_overlayer_lowered:
.L_overlay_start_2:
0x2be: {  	(tag) =	ssettag $0x2  }
0x2bf: {  	s0 =	rddreg [dreg:$0x0];
	s2 =	stileid.u32  }
0x2c0: {  	s1 =	rddreg [dreg:$0x1];
	p0 =	sne.s32 s2, $0x0  }
0x2c1: {  	s3 =	rddreg [dreg:$0x2];
	[bflag:$0x3] =	sbarrier.arrive $0xFFFF;
	s2 =	simm.s32 @!p0 $0x1C05  }
0x2c2: {  	[timem:s3], [sflag:s2] =	dma.local @!p0 [hbm:s0], s1  }
0x2c3: {  	s0 =	simm.s32 @!p0 $0x5  }
0x2c4: {  	_ =	swait.ge @!p0 [sflag:s0], s1  }
0x2c5: {  	s1 =	ssub.s32 @!p0 $0x0, s1;
	[sflag:s0] =	ssyncset.done @!p0 $0x0  }
0x2c6: {  	[sflag:s0] =	ssyncadd.s32 @!p0 s1  }
0x2c7: {  	[bflag:$0x3] =	sbarrier.arrive $0xFFFF  }
0x2c8: {  	_ =	shalt  }

</sc_bundles>
